<compile_context>
chip_gen: v7x
topology: tpu7x:2x2x1
jax: 0.10.2.dev20260603
libtpu: 0.0.44.dev20260713+nightly
codegen_flags: <defaults>
</compile_context>

<pallas_src>
import functools

import jax
import jax.numpy as jnp
from jax import lax
from jax.experimental import pallas as pl
from jax.experimental.pallas import tpu as pltpu
from jax.experimental.pallas import tpu_sc as plsc

N_NODES = 10000
D = 128
NUM_CORES = 2
NUM_SUBCORES = 16
NW = NUM_CORES * NUM_SUBCORES
CHUNK = 64
NBUF = 4
PHASE = 40
N_PAD = 10112
ROWS_PER_TILE = N_PAD // NUM_SUBCORES
MM_BLK = 1000


def _make_segment_sum(steps):
    assert steps % PHASE == 0
    mesh = plsc.VectorSubcoreMesh(core_axis_name="c", subcore_axis_name="s")

    @functools.partial(
        pl.kernel,
        mesh=mesh,
        out_type=jax.ShapeDtypeStruct((NUM_CORES, N_PAD, D), jnp.float32),
        scratch_types=[
            pltpu.VMEM((PHASE, CHUNK), jnp.int32),
            pltpu.VMEM((PHASE, CHUNK), jnp.int32),
            [pltpu.VMEM((CHUNK, D), jnp.float32) for _ in range(NBUF)],
            pltpu.VMEM_SHARED((N_PAD, D), jnp.float32),
            [pltpu.SemaphoreType.DMA for _ in range(NBUF)],
        ],
    )
    def seg_sum(src_hbm, dst_hbm, x_hbm, out_hbm,
                idx_s, idx_d, bufs, acc, sems):
        cid = lax.axis_index("c")
        sid = lax.axis_index("s")
        wid = sid * NUM_CORES + cid
        row0 = sid * ROWS_PER_TILE

        zero16 = jnp.zeros((16,), jnp.float32)
        buf0 = bufs[0]

        def zrow(i, carry):
            for j in range(D // 16):
                buf0[i, pl.ds(j * 16, 16)] = zero16
            return carry

        lax.fori_loop(0, CHUNK, zrow, 0)
        nfull = ROWS_PER_TILE // CHUNK
        rem = ROWS_PER_TILE % CHUNK
        for r in range(nfull):
            pltpu.sync_copy(buf0, acc.at[pl.ds(row0 + r * CHUNK, CHUNK)])
        if rem:
            pltpu.sync_copy(buf0.at[pl.ds(0, rem)],
                            acc.at[pl.ds(row0 + nfull * CHUNK, rem)])
        plsc.subcore_barrier()

        def gather_start(s, b):
            pltpu.async_copy(x_hbm.at[idx_s.at[s]], bufs[b], sems[b])

        def gather_wait(s, b):
            pltpu.make_async_copy(x_hbm.at[idx_s.at[s]], bufs[b], sems[b]).wait()

        def scatter(s, b):
            pltpu.sync_copy(bufs[b], acc.at[idx_d.at[s]], add=True)

        for phase in range(steps // PHASE):
            pltpu.sync_copy(src_hbm.at[wid, pl.ds(phase * PHASE, PHASE)], idx_s)
            pltpu.sync_copy(dst_hbm.at[wid, pl.ds(phase * PHASE, PHASE)], idx_d)
            for s in range(NBUF - 1):
                gather_start(s, s)

            def body(g, carry):
                for k in range(NBUF):
                    s = NBUF * g + k
                    gather_wait(s, k)
                    gather_start(s + NBUF - 1, (k + NBUF - 1) % NBUF)
                    scatter(s, k)
                return carry

            ngroups = (PHASE - NBUF) // NBUF
            lax.fori_loop(0, ngroups, body, 0)
            for s in range(PHASE - NBUF, PHASE):
                gather_wait(s, s % NBUF)
                if s + NBUF - 1 < PHASE:
                    gather_start(s + NBUF - 1, (s + NBUF - 1) % NBUF)
                scatter(s, s % NBUF)
        plsc.subcore_barrier()

        pltpu.sync_copy(acc.at[pl.ds(row0, ROWS_PER_TILE)],
                        out_hbm.at[cid, pl.ds(row0, ROWS_PER_TILE)])

    return seg_sum


def _mm_body(act, p_ref, x_ref, wm_ref, ws_ref, b_ref, o_ref):
    s = p_ref[0] + p_ref[1]
    y = jnp.dot(s, wm_ref[...], preferred_element_type=jnp.float32)
    y = y + jnp.dot(x_ref[...], ws_ref[...], preferred_element_type=jnp.float32)
    y = y + b_ref[...]
    if act:
        y = jnp.where(y >= 0, y, 0.1 * y)
    o_ref[...] = y


def _mm(act, p, x, wm, ws, b):
    grid = (N_NODES // MM_BLK,)
    return pl.pallas_call(
        functools.partial(_mm_body, act),
        grid=grid,
        in_specs=[
            pl.BlockSpec((NUM_CORES, MM_BLK, D), lambda i: (0, i, 0)),
            pl.BlockSpec((MM_BLK, D), lambda i: (i, 0)),
            pl.BlockSpec((D, D), lambda i: (0, 0)),
            pl.BlockSpec((D, D), lambda i: (0, 0)),
            pl.BlockSpec((1, D), lambda i: (0, 0)),
        ],
        out_specs=pl.BlockSpec((MM_BLK, D), lambda i: (i, 0)),
        out_shape=jax.ShapeDtypeStruct((N_NODES, D), jnp.float32),
    )(p, x, wm, ws, b)


def kernel(x, edge_index, w1_msg, b1_msg, w1_self, b1_self,
           w2_msg, b2_msg, w2_self, b2_self):
    E = edge_index.shape[1]
    steps = -(-E // (NW * CHUNK))
    steps = -(-steps // PHASE) * PHASE
    e_pad = steps * NW * CHUNK
    pad = e_pad - E

    ei = edge_index.astype(jnp.int32)
    srcs = ei[0]
    dsts = ei[1]

    assert E % NW == 0
    per_tile = E // NW
    pad_tile = pad // NW
    pad_src = jnp.zeros((NW, pad_tile), jnp.int32)
    pad_dst = jnp.broadcast_to(
        N_NODES + (jnp.arange(pad_tile, dtype=jnp.int32) % (N_PAD - N_NODES)),
        (NW, pad_tile))
    src_r = jnp.concatenate(
        [srcs.reshape(NW, per_tile), pad_src], axis=1).reshape(NW, steps, CHUNK)
    dst_r = jnp.concatenate(
        [dsts.reshape(NW, per_tile), pad_dst], axis=1).reshape(NW, steps, CHUNK)

    seg_sum = _make_segment_sum(steps)

    b1 = (b1_msg + b1_self).reshape(1, D)
    b2 = (b2_msg + b2_self).reshape(1, D)

    p1 = seg_sum(src_r, dst_r, x)
    h = _mm(True, p1[:, :N_NODES], x, w1_msg, w1_self, b1)
    p2 = seg_sum(src_r, dst_r, h)
    out = _mm(False, p2[:, :N_NODES], h, w2_msg, w2_self, b2)
    return out

# --- scband reference (transcript-rebuilt; emitter-appended) ---
"""Pipeline reference for scband-gnnencoder-14482629722141 (READ-ONLY COPY).

The authoritative reference and input builder live on the scoring server;
editing this copy changes nothing except your own understanding.
"""

import jax, jax.numpy as jnp
import numpy as np

N = 10000
E = 320000
D_IN = 128
D_HID = 128
D_OUT = 128


def setup_inputs(seed: int = 0):
    key = jax.random.key(seed)
    ks = jax.random.split(key, 8)
    x = jax.random.normal(ks[0], (N, D_IN), dtype=jnp.float32)
    edge_index = jax.random.randint(ks[1], (2, E), 0, N)
    w1_msg = jax.random.normal(ks[2], (D_IN, D_HID), dtype=jnp.float32) * (1.0 / np.sqrt(D_IN))
    b1_msg = jnp.zeros((D_HID,), dtype=jnp.float32)
    w1_self = jax.random.normal(ks[3], (D_IN, D_HID), dtype=jnp.float32) * (1.0 / np.sqrt(D_IN))
    b1_self = jnp.zeros((D_HID,), dtype=jnp.float32)
    w2_msg = jax.random.normal(ks[4], (D_HID, D_OUT), dtype=jnp.float32) * (1.0 / np.sqrt(D_HID))
    b2_msg = jnp.zeros((D_OUT,), dtype=jnp.float32)
    w2_self = jax.random.normal(ks[5], (D_HID, D_OUT), dtype=jnp.float32) * (1.0 / np.sqrt(D_HID))
    b2_self = jnp.zeros((D_OUT,), dtype=jnp.float32)
    return {"x": x, "edge_index": edge_index,
            "w1_msg": w1_msg, "b1_msg": b1_msg, "w1_self": w1_self, "b1_self": b1_self,
            "w2_msg": w2_msg, "b2_msg": b2_msg, "w2_self": w2_self, "b2_self": b2_self}


def _general_conv(x, src, dst, w_msg, b_msg, w_self, b_self):
    # PyG GeneralConv (heads=1, aggr='add', directed_msg=True, lazy in != out so lin_self is a Linear):
    # out[i] = sum_{(j->i) in edges} (x[j] @ W_msg + b_msg) + (x[i] @ W_self + b_self)
    msg = jnp.take(x, src, axis=0) @ w_msg + b_msg
    agg = jax.ops.segment_sum(msg, dst, num_segments=N)
    return agg + x @ w_self + b_self


def reference(x, edge_index, w1_msg, b1_msg, w1_self, b1_self, w2_msg, b2_msg, w2_self, b2_self):
    src = edge_index[0]
    dst = edge_index[1]
    h = _general_conv(x, src, dst, w1_msg, b1_msg, w1_self, b1_self)
    h = jnp.where(h >= 0, h, 0.1 * h)  # F.leaky_relu(negative_slope=0.1)
    out = _general_conv(h, src, dst, w2_msg, b2_msg, w2_self, b2_self)
    return out

if __name__ == "__main__":
    import jax
    _d = setup_inputs()
    print(jax.jit(kernel)(*tuple(_d.values())))

</pallas_src>

<mosaic_0001>
#map = affine_map<(d0, d1) -> (0, 0, 0)>
#map1 = affine_map<(d0, d1) -> (0, 0)>
module attributes {stable_mosaic.version = 14 : i64} {
  func.func @seg_sum(%arg0: i32, %arg1: i32, %arg2: memref<32x160x64xi32, #tpu.memory_space<hbm>>, %arg3: memref<32x160x64xi32, #tpu.memory_space<hbm>>, %arg4: memref<10000x128xf32, #tpu.memory_space<hbm>>, %arg5: memref<2x10112x128xf32, #tpu.memory_space<hbm>>, %arg6: memref<40x64xi32, #tpu.memory_space<vmem>>, %arg7: memref<40x64xi32, #tpu.memory_space<vmem>>, %arg8: memref<64x128xf32, #tpu.memory_space<vmem>>, %arg9: memref<64x128xf32, #tpu.memory_space<vmem>>, %arg10: memref<64x128xf32, #tpu.memory_space<vmem>>, %arg11: memref<64x128xf32, #tpu.memory_space<vmem>>, %arg12: memref<10112x128xf32, #tpu.memory_space<vmem_shared>>, %arg13: memref<!tpu.dma_semaphore, #tpu.memory_space<semaphore_mem>>, %arg14: memref<!tpu.dma_semaphore, #tpu.memory_space<semaphore_mem>>, %arg15: memref<!tpu.dma_semaphore, #tpu.memory_space<semaphore_mem>>, %arg16: memref<!tpu.dma_semaphore, #tpu.memory_space<semaphore_mem>>) attributes {dimension_semantics = [#tpu.dimension_semantics<core_parallel>, #tpu.dimension_semantics<subcore_parallel>], iteration_bounds = array<i64: 2, 16>, scalar_prefetch = 0 : i64, scratch_operands = 11 : i64, tpu.core_type = #tpu.core_type<sc_vector_subcore>, window_params = [{transform_indices = #map}, {transform_indices = #map}, {transform_indices = #map1}, {transform_indices = #map}]} {
    %mul3A = arith.constant 2 : i32
    %mul3A_0 = arith.muli %arg1, %mul3A : i32
    %add3A = arith.addi %mul3A_0, %arg0 : i32
    %mul3A_1 = arith.constant 632 : i32
    %mul3A_2 = arith.muli %arg1, %mul3A_1 : i32
    %broadcast_in_dim3A = arith.constant 0.000000e+00 : f32
    %broadcast_in_dim3A_3 = vector.broadcast %broadcast_in_dim3A : f32 to vector<16xf32>
    %scan3A = arith.constant 0 : i32
    %scan3A_4 = arith.constant 0 : i32
    %scan3A_5 = arith.constant 64 : i32
    %scan3A_6 = arith.addi %scan3A_4, %scan3A_5 : i32
    %scan3A_7 = arith.constant 1 : i32
    scf.for %scan3A_291 = %scan3A_4 to %scan3A_6 step %scan3A_7  : i32 {
      %swap3A = arith.index_cast %scan3A_291 : i32 to index
      %swap3A_292 = arith.constant 0 : index
      %swap3A_293 = tpu.vector_load %arg8[%swap3A, %swap3A_292] {strides = array<i32>} : memref<64x128xf32, #tpu.memory_space<vmem>>, vector<1x16xf32>,
      %swap3A_294 = vector.shape_cast %swap3A_293 : vector<1x16xf32> to vector<16xf32>
      %swap3A_295 = vector.shape_cast %broadcast_in_dim3A_3 : vector<16xf32> to vector<1x16xf32>
      tpu.vector_store %arg8[%swap3A, %swap3A_292], %swap3A_295 {strides = array<i32>} : memref<64x128xf32, #tpu.memory_space<vmem>>, vector<1x16xf32>,
      %swap3A_296 = arith.index_cast %scan3A_291 : i32 to index
      %swap3A_297 = arith.constant 16 : index
      %swap3A_298 = tpu.vector_load %arg8[%swap3A_296, %swap3A_297] {strides = array<i32>} : memref<64x128xf32, #tpu.memory_space<vmem>>, vector<1x16xf32>,
      %swap3A_299 = vector.shape_cast %swap3A_298 : vector<1x16xf32> to vector<16xf32>
      %swap3A_300 = vector.shape_cast %broadcast_in_dim3A_3 : vector<16xf32> to vector<1x16xf32>
      tpu.vector_store %arg8[%swap3A_296, %swap3A_297], %swap3A_300 {strides = array<i32>} : memref<64x128xf32, #tpu.memory_space<vmem>>, vector<1x16xf32>,
      %swap3A_301 = arith.index_cast %scan3A_291 : i32 to index
      %swap3A_302 = arith.constant 32 : index
      %swap3A_303 = tpu.vector_load %arg8[%swap3A_301, %swap3A_302] {strides = array<i32>} : memref<64x128xf32, #tpu.memory_space<vmem>>, vector<1x16xf32>,
      %swap3A_304 = vector.shape_cast %swap3A_303 : vector<1x16xf32> to vector<16xf32>
      %swap3A_305 = vector.shape_cast %broadcast_in_dim3A_3 : vector<16xf32> to vector<1x16xf32>
      tpu.vector_store %arg8[%swap3A_301, %swap3A_302], %swap3A_305 {strides = array<i32>} : memref<64x128xf32, #tpu.memory_space<vmem>>, vector<1x16xf32>,
      %swap3A_306 = arith.index_cast %scan3A_291 : i32 to index
      %swap3A_307 = arith.constant 48 : index
      %swap3A_308 = tpu.vector_load %arg8[%swap3A_306, %swap3A_307] {strides = array<i32>} : memref<64x128xf32, #tpu.memory_space<vmem>>, vector<1x16xf32>,
      %swap3A_309 = vector.shape_cast %swap3A_308 : vector<1x16xf32> to vector<16xf32>
      %swap3A_310 = vector.shape_cast %broadcast_in_dim3A_3 : vector<16xf32> to vector<1x16xf32>
      tpu.vector_store %arg8[%swap3A_306, %swap3A_307], %swap3A_310 {strides = array<i32>} : memref<64x128xf32, #tpu.memory_space<vmem>>, vector<1x16xf32>,
      %swap3A_311 = arith.index_cast %scan3A_291 : i32 to index
      %swap3A_312 = arith.constant 64 : index
      %swap3A_313 = tpu.vector_load %arg8[%swap3A_311, %swap3A_312] {strides = array<i32>} : memref<64x128xf32, #tpu.memory_space<vmem>>, vector<1x16xf32>,
      %swap3A_314 = vector.shape_cast %swap3A_313 : vector<1x16xf32> to vector<16xf32>
      %swap3A_315 = vector.shape_cast %broadcast_in_dim3A_3 : vector<16xf32> to vector<1x16xf32>
      tpu.vector_store %arg8[%swap3A_311, %swap3A_312], %swap3A_315 {strides = array<i32>} : memref<64x128xf32, #tpu.memory_space<vmem>>, vector<1x16xf32>,
      %swap3A_316 = arith.index_cast %scan3A_291 : i32 to index
      %swap3A_317 = arith.constant 80 : index
      %swap3A_318 = tpu.vector_load %arg8[%swap3A_316, %swap3A_317] {strides = array<i32>} : memref<64x128xf32, #tpu.memory_space<vmem>>, vector<1x16xf32>,
      %swap3A_319 = vector.shape_cast %swap3A_318 : vector<1x16xf32> to vector<16xf32>
      %swap3A_320 = vector.shape_cast %broadcast_in_dim3A_3 : vector<16xf32> to vector<1x16xf32>
      tpu.vector_store %arg8[%swap3A_316, %swap3A_317], %swap3A_320 {strides = array<i32>} : memref<64x128xf32, #tpu.memory_space<vmem>>, vector<1x16xf32>,
      %swap3A_321 = arith.index_cast %scan3A_291 : i32 to index
      %swap3A_322 = arith.constant 96 : index
      %swap3A_323 = tpu.vector_load %arg8[%swap3A_321, %swap3A_322] {strides = array<i32>} : memref<64x128xf32, #tpu.memory_space<vmem>>, vector<1x16xf32>,
      %swap3A_324 = vector.shape_cast %swap3A_323 : vector<1x16xf32> to vector<16xf32>
      %swap3A_325 = vector.shape_cast %broadcast_in_dim3A_3 : vector<16xf32> to vector<1x16xf32>
      tpu.vector_store %arg8[%swap3A_321, %swap3A_322], %swap3A_325 {strides = array<i32>} : memref<64x128xf32, #tpu.memory_space<vmem>>, vector<1x16xf32>,
      %swap3A_326 = arith.index_cast %scan3A_291 : i32 to index
      %swap3A_327 = arith.constant 112 : index
      %swap3A_328 = tpu.vector_load %arg8[%swap3A_326, %swap3A_327] {strides = array<i32>} : memref<64x128xf32, #tpu.memory_space<vmem>>, vector<1x16xf32>,
      %swap3A_329 = vector.shape_cast %swap3A_328 : vector<1x16xf32> to vector<16xf32>
      %swap3A_330 = vector.shape_cast %broadcast_in_dim3A_3 : vector<16xf32> to vector<1x16xf32>
      tpu.vector_store %arg8[%swap3A_326, %swap3A_327], %swap3A_330 {strides = array<i32>} : memref<64x128xf32, #tpu.memory_space<vmem>>, vector<1x16xf32>,
    }
    %scan3A_8 = arith.constant 64 : i32
    %add3A_9 = arith.constant 0 : i32
    %add3A_10 = arith.addi %mul3A_2, %add3A_9 : i32
    "tpu.region"() ({
      %run_scoped3A_291 = tpu.sem_alloc : memref<!tpu.dma_semaphore, #tpu.memory_space<semaphore_mem>>
      %dma_start3A_292 = arith.constant 0 : i32
      %dma_start3A_293 = tpu.memref_slice %arg12[%add3A_10, %dma_start3A_292] : memref<10112x128xf32, #tpu.memory_space<vmem_shared>> -> memref<64x128xf32, #tpu.memory_space<vmem_shared>>
      %dma_start3A_294 = arith.constant 0 : i32
      %dma_start3A_295 = tpu.memref_slice %arg12[%add3A_10, %dma_start3A_294] : memref<10112x128xf32, #tpu.memory_space<vmem_shared>> -> memref<64x128xf32, #tpu.memory_space<vmem_shared>>
      tpu.enqueue_dma source(%arg8 : memref<64x128xf32, #tpu.memory_space<vmem>>) target(%dma_start3A_295 : memref<64x128xf32, #tpu.memory_space<vmem_shared>>) target_semaphore(%run_scoped3A_291 : memref<!tpu.dma_semaphore, #tpu.memory_space<semaphore_mem>>)
      %dma_wait3A_296 = arith.constant 0 : i32
      %dma_wait3A_297 = tpu.memref_slice %arg12[%add3A_10, %dma_wait3A_296] : memref<10112x128xf32, #tpu.memory_space<vmem_shared>> -> memref<64x128xf32, #tpu.memory_space<vmem_shared>>
      %dma_wait3A_298 = arith.constant 0 : i32
      %dma_wait3A_299 = tpu.memref_slice %arg12[%add3A_10, %dma_wait3A_298] : memref<10112x128xf32, #tpu.memory_space<vmem_shared>> -> memref<64x128xf32, #tpu.memory_space<vmem_shared>>
      tpu.wait_dma2 semaphore(%run_scoped3A_291 : memref<!tpu.dma_semaphore, #tpu.memory_space<semaphore_mem>>) src(%arg8 : memref<64x128xf32, #tpu.memory_space<vmem>>) dst(%dma_wait3A_299 : memref<64x128xf32, #tpu.memory_space<vmem_shared>>)
      tpu.yield
    }) : () -> ()
    %add3A_11 = arith.constant 64 : i32
    %add3A_12 = arith.addi %mul3A_2, %add3A_11 : i32
    "tpu.region"() ({
      %run_scoped3A_291 = tpu.sem_alloc : memref<!tpu.dma_semaphore, #tpu.memory_space<semaphore_mem>>
      %dma_start3A_292 = arith.constant 0 : i32
      %dma_start3A_293 = tpu.memref_slice %arg12[%add3A_12, %dma_start3A_292] : memref<10112x128xf32, #tpu.memory_space<vmem_shared>> -> memref<64x128xf32, #tpu.memory_space<vmem_shared>>
      %dma_start3A_294 = arith.constant 0 : i32
      %dma_start3A_295 = tpu.memref_slice %arg12[%add3A_12, %dma_start3A_294] : memref<10112x128xf32, #tpu.memory_space<vmem_shared>> -> memref<64x128xf32, #tpu.memory_space<vmem_shared>>
      tpu.enqueue_dma source(%arg8 : memref<64x128xf32, #tpu.memory_space<vmem>>) target(%dma_start3A_295 : memref<64x128xf32, #tpu.memory_space<vmem_shared>>) target_semaphore(%run_scoped3A_291 : memref<!tpu.dma_semaphore, #tpu.memory_space<semaphore_mem>>)
      %dma_wait3A_296 = arith.constant 0 : i32
      %dma_wait3A_297 = tpu.memref_slice %arg12[%add3A_12, %dma_wait3A_296] : memref<10112x128xf32, #tpu.memory_space<vmem_shared>> -> memref<64x128xf32, #tpu.memory_space<vmem_shared>>
      %dma_wait3A_298 = arith.constant 0 : i32
      %dma_wait3A_299 = tpu.memref_slice %arg12[%add3A_12, %dma_wait3A_298] : memref<10112x128xf32, #tpu.memory_space<vmem_shared>> -> memref<64x128xf32, #tpu.memory_space<vmem_shared>>
      tpu.wait_dma2 semaphore(%run_scoped3A_291 : memref<!tpu.dma_semaphore, #tpu.memory_space<semaphore_mem>>) src(%arg8 : memref<64x128xf32, #tpu.memory_space<vmem>>) dst(%dma_wait3A_299 : memref<64x128xf32, #tpu.memory_space<vmem_shared>>)
      tpu.yield
    }) : () -> ()
    %add3A_13 = arith.constant 128 : i32
    %add3A_14 = arith.addi %mul3A_2, %add3A_13 : i32
    "tpu.region"() ({
      %run_scoped3A_291 = tpu.sem_alloc : memref<!tpu.dma_semaphore, #tpu.memory_space<semaphore_mem>>
      %dma_start3A_292 = arith.constant 0 : i32
      %dma_start3A_293 = tpu.memref_slice %arg12[%add3A_14, %dma_start3A_292] : memref<10112x128xf32, #tpu.memory_space<vmem_shared>> -> memref<64x128xf32, #tpu.memory_space<vmem_shared>>
      %dma_start3A_294 = arith.constant 0 : i32
      %dma_start3A_295 = tpu.memref_slice %arg12[%add3A_14, %dma_start3A_294] : memref<10112x128xf32, #tpu.memory_space<vmem_shared>> -> memref<64x128xf32, #tpu.memory_space<vmem_shared>>
      tpu.enqueue_dma source(%arg8 : memref<64x128xf32, #tpu.memory_space<vmem>>) target(%dma_start3A_295 : memref<64x128xf32, #tpu.memory_space<vmem_shared>>) target_semaphore(%run_scoped3A_291 : memref<!tpu.dma_semaphore, #tpu.memory_space<semaphore_mem>>)
      %dma_wait3A_296 = arith.constant 0 : i32
      %dma_wait3A_297 = tpu.memref_slice %arg12[%add3A_14, %dma_wait3A_296] : memref<10112x128xf32, #tpu.memory_space<vmem_shared>> -> memref<64x128xf32, #tpu.memory_space<vmem_shared>>
      %dma_wait3A_298 = arith.constant 0 : i32
      %dma_wait3A_299 = tpu.memref_slice %arg12[%add3A_14, %dma_wait3A_298] : memref<10112x128xf32, #tpu.memory_space<vmem_shared>> -> memref<64x128xf32, #tpu.memory_space<vmem_shared>>
      tpu.wait_dma2 semaphore(%run_scoped3A_291 : memref<!tpu.dma_semaphore, #tpu.memory_space<semaphore_mem>>) src(%arg8 : memref<64x128xf32, #tpu.memory_space<vmem>>) dst(%dma_wait3A_299 : memref<64x128xf32, #tpu.memory_space<vmem_shared>>)
      tpu.yield
    }) : () -> ()
    %add3A_15 = arith.constant 192 : i32
    %add3A_16 = arith.addi %mul3A_2, %add3A_15 : i32
    "tpu.region"() ({
      %run_scoped3A_291 = tpu.sem_alloc : memref<!tpu.dma_semaphore, #tpu.memory_space<semaphore_mem>>
      %dma_start3A_292 = arith.constant 0 : i32
      %dma_start3A_293 = tpu.memref_slice %arg12[%add3A_16, %dma_start3A_292] : memref<10112x128xf32, #tpu.memory_space<vmem_shared>> -> memref<64x128xf32, #tpu.memory_space<vmem_shared>>
      %dma_start3A_294 = arith.constant 0 : i32
      %dma_start3A_295 = tpu.memref_slice %arg12[%add3A_16, %dma_start3A_294] : memref<10112x128xf32, #tpu.memory_space<vmem_shared>> -> memref<64x128xf32, #tpu.memory_space<vmem_shared>>
      tpu.enqueue_dma source(%arg8 : memref<64x128xf32, #tpu.memory_space<vmem>>) target(%dma_start3A_295 : memref<64x128xf32, #tpu.memory_space<vmem_shared>>) target_semaphore(%run_scoped3A_291 : memref<!tpu.dma_semaphore, #tpu.memory_space<semaphore_mem>>)
      %dma_wait3A_296 = arith.constant 0 : i32
      %dma_wait3A_297 = tpu.memref_slice %arg12[%add3A_16, %dma_wait3A_296] : memref<10112x128xf32, #tpu.memory_space<vmem_shared>> -> memref<64x128xf32, #tpu.memory_space<vmem_shared>>
      %dma_wait3A_298 = arith.constant 0 : i32
      %dma_wait3A_299 = tpu.memref_slice %arg12[%add3A_16, %dma_wait3A_298] : memref<10112x128xf32, #tpu.memory_space<vmem_shared>> -> memref<64x128xf32, #tpu.memory_space<vmem_shared>>
      tpu.wait_dma2 semaphore(%run_scoped3A_291 : memref<!tpu.dma_semaphore, #tpu.memory_space<semaphore_mem>>) src(%arg8 : memref<64x128xf32, #tpu.memory_space<vmem>>) dst(%dma_wait3A_299 : memref<64x128xf32, #tpu.memory_space<vmem_shared>>)
      tpu.yield
    }) : () -> ()
    %add3A_17 = arith.constant 256 : i32
    %add3A_18 = arith.addi %mul3A_2, %add3A_17 : i32
    "tpu.region"() ({
      %run_scoped3A_291 = tpu.sem_alloc : memref<!tpu.dma_semaphore, #tpu.memory_space<semaphore_mem>>
      %dma_start3A_292 = arith.constant 0 : i32
      %dma_start3A_293 = tpu.memref_slice %arg12[%add3A_18, %dma_start3A_292] : memref<10112x128xf32, #tpu.memory_space<vmem_shared>> -> memref<64x128xf32, #tpu.memory_space<vmem_shared>>
      %dma_start3A_294 = arith.constant 0 : i32
      %dma_start3A_295 = tpu.memref_slice %arg12[%add3A_18, %dma_start3A_294] : memref<10112x128xf32, #tpu.memory_space<vmem_shared>> -> memref<64x128xf32, #tpu.memory_space<vmem_shared>>
      tpu.enqueue_dma source(%arg8 : memref<64x128xf32, #tpu.memory_space<vmem>>) target(%dma_start3A_295 : memref<64x128xf32, #tpu.memory_space<vmem_shared>>) target_semaphore(%run_scoped3A_291 : memref<!tpu.dma_semaphore, #tpu.memory_space<semaphore_mem>>)
      %dma_wait3A_296 = arith.constant 0 : i32
      %dma_wait3A_297 = tpu.memref_slice %arg12[%add3A_18, %dma_wait3A_296] : memref<10112x128xf32, #tpu.memory_space<vmem_shared>> -> memref<64x128xf32, #tpu.memory_space<vmem_shared>>
      %dma_wait3A_298 = arith.constant 0 : i32
      %dma_wait3A_299 = tpu.memref_slice %arg12[%add3A_18, %dma_wait3A_298] : memref<10112x128xf32, #tpu.memory_space<vmem_shared>> -> memref<64x128xf32, #tpu.memory_space<vmem_shared>>
      tpu.wait_dma2 semaphore(%run_scoped3A_291 : memref<!tpu.dma_semaphore, #tpu.memory_space<semaphore_mem>>) src(%arg8 : memref<64x128xf32, #tpu.memory_space<vmem>>) dst(%dma_wait3A_299 : memref<64x128xf32, #tpu.memory_space<vmem_shared>>)
      tpu.yield
    }) : () -> ()
    %add3A_19 = arith.constant 320 : i32
    %add3A_20 = arith.addi %mul3A_2, %add3A_19 : i32
    "tpu.region"() ({
      %run_scoped3A_291 = tpu.sem_alloc : memref<!tpu.dma_semaphore, #tpu.memory_space<semaphore_mem>>
      %dma_start3A_292 = arith.constant 0 : i32
      %dma_start3A_293 = tpu.memref_slice %arg12[%add3A_20, %dma_start3A_292] : memref<10112x128xf32, #tpu.memory_space<vmem_shared>> -> memref<64x128xf32, #tpu.memory_space<vmem_shared>>
      %dma_start3A_294 = arith.constant 0 : i32
      %dma_start3A_295 = tpu.memref_slice %arg12[%add3A_20, %dma_start3A_294] : memref<10112x128xf32, #tpu.memory_space<vmem_shared>> -> memref<64x128xf32, #tpu.memory_space<vmem_shared>>
      tpu.enqueue_dma source(%arg8 : memref<64x128xf32, #tpu.memory_space<vmem>>) target(%dma_start3A_295 : memref<64x128xf32, #tpu.memory_space<vmem_shared>>) target_semaphore(%run_scoped3A_291 : memref<!tpu.dma_semaphore, #tpu.memory_space<semaphore_mem>>)
      %dma_wait3A_296 = arith.constant 0 : i32
      %dma_wait3A_297 = tpu.memref_slice %arg12[%add3A_20, %dma_wait3A_296] : memref<10112x128xf32, #tpu.memory_space<vmem_shared>> -> memref<64x128xf32, #tpu.memory_space<vmem_shared>>
      %dma_wait3A_298 = arith.constant 0 : i32
      %dma_wait3A_299 = tpu.memref_slice %arg12[%add3A_20, %dma_wait3A_298] : memref<10112x128xf32, #tpu.memory_space<vmem_shared>> -> memref<64x128xf32, #tpu.memory_space<vmem_shared>>
      tpu.wait_dma2 semaphore(%run_scoped3A_291 : memref<!tpu.dma_semaphore, #tpu.memory_space<semaphore_mem>>) src(%arg8 : memref<64x128xf32, #tpu.memory_space<vmem>>) dst(%dma_wait3A_299 : memref<64x128xf32, #tpu.memory_space<vmem_shared>>)
      tpu.yield
    }) : () -> ()
    %add3A_21 = arith.constant 384 : i32
    %add3A_22 = arith.addi %mul3A_2, %add3A_21 : i32
    "tpu.region"() ({
      %run_scoped3A_291 = tpu.sem_alloc : memref<!tpu.dma_semaphore, #tpu.memory_space<semaphore_mem>>
      %dma_start3A_292 = arith.constant 0 : i32
      %dma_start3A_293 = tpu.memref_slice %arg12[%add3A_22, %dma_start3A_292] : memref<10112x128xf32, #tpu.memory_space<vmem_shared>> -> memref<64x128xf32, #tpu.memory_space<vmem_shared>>
      %dma_start3A_294 = arith.constant 0 : i32
      %dma_start3A_295 = tpu.memref_slice %arg12[%add3A_22, %dma_start3A_294] : memref<10112x128xf32, #tpu.memory_space<vmem_shared>> -> memref<64x128xf32, #tpu.memory_space<vmem_shared>>
      tpu.enqueue_dma source(%arg8 : memref<64x128xf32, #tpu.memory_space<vmem>>) target(%dma_start3A_295 : memref<64x128xf32, #tpu.memory_space<vmem_shared>>) target_semaphore(%run_scoped3A_291 : memref<!tpu.dma_semaphore, #tpu.memory_space<semaphore_mem>>)
      %dma_wait3A_296 = arith.constant 0 : i32
      %dma_wait3A_297 = tpu.memref_slice %arg12[%add3A_22, %dma_wait3A_296] : memref<10112x128xf32, #tpu.memory_space<vmem_shared>> -> memref<64x128xf32, #tpu.memory_space<vmem_shared>>
      %dma_wait3A_298 = arith.constant 0 : i32
      %dma_wait3A_299 = tpu.memref_slice %arg12[%add3A_22, %dma_wait3A_298] : memref<10112x128xf32, #tpu.memory_space<vmem_shared>> -> memref<64x128xf32, #tpu.memory_space<vmem_shared>>
      tpu.wait_dma2 semaphore(%run_scoped3A_291 : memref<!tpu.dma_semaphore, #tpu.memory_space<semaphore_mem>>) src(%arg8 : memref<64x128xf32, #tpu.memory_space<vmem>>) dst(%dma_wait3A_299 : memref<64x128xf32, #tpu.memory_space<vmem_shared>>)
      tpu.yield
    }) : () -> ()
    %add3A_23 = arith.constant 448 : i32
    %add3A_24 = arith.addi %mul3A_2, %add3A_23 : i32
    "tpu.region"() ({
      %run_scoped3A_291 = tpu.sem_alloc : memref<!tpu.dma_semaphore, #tpu.memory_space<semaphore_mem>>
      %dma_start3A_292 = arith.constant 0 : i32
      %dma_start3A_293 = tpu.memref_slice %arg12[%add3A_24, %dma_start3A_292] : memref<10112x128xf32, #tpu.memory_space<vmem_shared>> -> memref<64x128xf32, #tpu.memory_space<vmem_shared>>
      %dma_start3A_294 = arith.constant 0 : i32
      %dma_start3A_295 = tpu.memref_slice %arg12[%add3A_24, %dma_start3A_294] : memref<10112x128xf32, #tpu.memory_space<vmem_shared>> -> memref<64x128xf32, #tpu.memory_space<vmem_shared>>
      tpu.enqueue_dma source(%arg8 : memref<64x128xf32, #tpu.memory_space<vmem>>) target(%dma_start3A_295 : memref<64x128xf32, #tpu.memory_space<vmem_shared>>) target_semaphore(%run_scoped3A_291 : memref<!tpu.dma_semaphore, #tpu.memory_space<semaphore_mem>>)
      %dma_wait3A_296 = arith.constant 0 : i32
      %dma_wait3A_297 = tpu.memref_slice %arg12[%add3A_24, %dma_wait3A_296] : memref<10112x128xf32, #tpu.memory_space<vmem_shared>> -> memref<64x128xf32, #tpu.memory_space<vmem_shared>>
      %dma_wait3A_298 = arith.constant 0 : i32
      %dma_wait3A_299 = tpu.memref_slice %arg12[%add3A_24, %dma_wait3A_298] : memref<10112x128xf32, #tpu.memory_space<vmem_shared>> -> memref<64x128xf32, #tpu.memory_space<vmem_shared>>
      tpu.wait_dma2 semaphore(%run_scoped3A_291 : memref<!tpu.dma_semaphore, #tpu.memory_space<semaphore_mem>>) src(%arg8 : memref<64x128xf32, #tpu.memory_space<vmem>>) dst(%dma_wait3A_299 : memref<64x128xf32, #tpu.memory_space<vmem_shared>>)
      tpu.yield
    }) : () -> ()
    %add3A_25 = arith.constant 512 : i32
    %add3A_26 = arith.addi %mul3A_2, %add3A_25 : i32
    "tpu.region"() ({
      %run_scoped3A_291 = tpu.sem_alloc : memref<!tpu.dma_semaphore, #tpu.memory_space<semaphore_mem>>
      %dma_start3A_292 = arith.constant 0 : i32
      %dma_start3A_293 = tpu.memref_slice %arg12[%add3A_26, %dma_start3A_292] : memref<10112x128xf32, #tpu.memory_space<vmem_shared>> -> memref<64x128xf32, #tpu.memory_space<vmem_shared>>
      %dma_start3A_294 = arith.constant 0 : i32
      %dma_start3A_295 = tpu.memref_slice %arg12[%add3A_26, %dma_start3A_294] : memref<10112x128xf32, #tpu.memory_space<vmem_shared>> -> memref<64x128xf32, #tpu.memory_space<vmem_shared>>
      tpu.enqueue_dma source(%arg8 : memref<64x128xf32, #tpu.memory_space<vmem>>) target(%dma_start3A_295 : memref<64x128xf32, #tpu.memory_space<vmem_shared>>) target_semaphore(%run_scoped3A_291 : memref<!tpu.dma_semaphore, #tpu.memory_space<semaphore_mem>>)
      %dma_wait3A_296 = arith.constant 0 : i32
      %dma_wait3A_297 = tpu.memref_slice %arg12[%add3A_26, %dma_wait3A_296] : memref<10112x128xf32, #tpu.memory_space<vmem_shared>> -> memref<64x128xf32, #tpu.memory_space<vmem_shared>>
      %dma_wait3A_298 = arith.constant 0 : i32
      %dma_wait3A_299 = tpu.memref_slice %arg12[%add3A_26, %dma_wait3A_298] : memref<10112x128xf32, #tpu.memory_space<vmem_shared>> -> memref<64x128xf32, #tpu.memory_space<vmem_shared>>
      tpu.wait_dma2 semaphore(%run_scoped3A_291 : memref<!tpu.dma_semaphore, #tpu.memory_space<semaphore_mem>>) src(%arg8 : memref<64x128xf32, #tpu.memory_space<vmem>>) dst(%dma_wait3A_299 : memref<64x128xf32, #tpu.memory_space<vmem_shared>>)
      tpu.yield
    }) : () -> ()
    %add3A_27 = arith.constant 576 : i32
    %add3A_28 = arith.addi %mul3A_2, %add3A_27 : i32
    "tpu.region"() ({
      %run_scoped3A_291 = tpu.sem_alloc : memref<!tpu.dma_semaphore, #tpu.memory_space<semaphore_mem>>
      %dma_start3A_292 = arith.constant 0 : i32
      %dma_start3A_293 = arith.constant 0 : i32
      %dma_start3A_294 = tpu.memref_slice %arg8[%dma_start3A_292, %dma_start3A_293] : memref<64x128xf32, #tpu.memory_space<vmem>> -> memref<56x128xf32, #tpu.memory_space<vmem>>
      %dma_start3A_295 = arith.constant 0 : i32
      %dma_start3A_296 = tpu.memref_slice %arg12[%add3A_28, %dma_start3A_295] : memref<10112x128xf32, #tpu.memory_space<vmem_shared>> -> memref<56x128xf32, #tpu.memory_space<vmem_shared>>
      %dma_start3A_297 = arith.constant 0 : i32
      %dma_start3A_298 = tpu.memref_slice %arg12[%add3A_28, %dma_start3A_297] : memref<10112x128xf32, #tpu.memory_space<vmem_shared>> -> memref<56x128xf32, #tpu.memory_space<vmem_shared>>
      %dma_start3A_299 = arith.constant 0 : i32
      %dma_start3A_300 = arith.constant 0 : i32
      %dma_start3A_301 = tpu.memref_slice %arg8[%dma_start3A_299, %dma_start3A_300] : memref<64x128xf32, #tpu.memory_space<vmem>> -> memref<56x128xf32, #tpu.memory_space<vmem>>
      tpu.enqueue_dma source(%dma_start3A_301 : memref<56x128xf32, #tpu.memory_space<vmem>>) target(%dma_start3A_298 : memref<56x128xf32, #tpu.memory_space<vmem_shared>>) target_semaphore(%run_scoped3A_291 : memref<!tpu.dma_semaphore, #tpu.memory_space<semaphore_mem>>)
      %dma_wait3A_302 = arith.constant 0 : i32
      %dma_wait3A_303 = arith.constant 0 : i32
      %dma_wait3A_304 = tpu.memref_slice %arg8[%dma_wait3A_302, %dma_wait3A_303] : memref<64x128xf32, #tpu.memory_space<vmem>> -> memref<56x128xf32, #tpu.memory_space<vmem>>
      %dma_wait3A_305 = arith.constant 0 : i32
      %dma_wait3A_306 = tpu.memref_slice %arg12[%add3A_28, %dma_wait3A_305] : memref<10112x128xf32, #tpu.memory_space<vmem_shared>> -> memref<56x128xf32, #tpu.memory_space<vmem_shared>>
      %dma_wait3A_307 = arith.constant 0 : i32
      %dma_wait3A_308 = tpu.memref_slice %arg12[%add3A_28, %dma_wait3A_307] : memref<10112x128xf32, #tpu.memory_space<vmem_shared>> -> memref<56x128xf32, #tpu.memory_space<vmem_shared>>
      %dma_wait3A_309 = arith.constant 0 : i32
      %dma_wait3A_310 = arith.constant 0 : i32
      %dma_wait3A_311 = tpu.memref_slice %arg8[%dma_wait3A_309, %dma_wait3A_310] : memref<64x128xf32, #tpu.memory_space<vmem>> -> memref<56x128xf32, #tpu.memory_space<vmem>>
      tpu.wait_dma2 semaphore(%run_scoped3A_291 : memref<!tpu.dma_semaphore, #tpu.memory_space<semaphore_mem>>) src(%dma_wait3A_311 : memref<56x128xf32, #tpu.memory_space<vmem>>) dst(%dma_wait3A_308 : memref<56x128xf32, #tpu.memory_space<vmem_shared>>)
      tpu.yield
    }) : () -> ()
    %barrier3A = arith.constant 0 : index
    tpu.barrier barrier_id(%barrier3A)
    "tpu.region"() ({
      %run_scoped3A_291 = tpu.sem_alloc : memref<!tpu.dma_semaphore, #tpu.memory_space<semaphore_mem>>
      %dma_start3A_292 = arith.constant 0 : i32
      %dma_start3A_293 = arith.constant 0 : i32
      %dma_start3A_294 = tpu.memref_slice %arg2[%add3A, %dma_start3A_292, %dma_start3A_293] : memref<32x160x64xi32, #tpu.memory_space<hbm>> -> memref<1x40x64xi32, #tpu.memory_space<hbm>>
      %dma_start3A_295 = tpu.memref_squeeze %dma_start3A_294 : memref<1x40x64xi32, #tpu.memory_space<hbm>> -> memref<40x64xi32, #tpu.memory_space<hbm>>
      %dma_start3A_296 = arith.constant 0 : i32
      %dma_start3A_297 = arith.constant 0 : i32
      %dma_start3A_298 = tpu.memref_slice %arg2[%add3A, %dma_start3A_296, %dma_start3A_297] : memref<32x160x64xi32, #tpu.memory_space<hbm>> -> memref<1x40x64xi32, #tpu.memory_space<hbm>>
      %dma_start3A_299 = tpu.memref_squeeze %dma_start3A_298 : memref<1x40x64xi32, #tpu.memory_space<hbm>> -> memref<40x64xi32, #tpu.memory_space<hbm>>
      tpu.enqueue_dma source(%dma_start3A_299 : memref<40x64xi32, #tpu.memory_space<hbm>>) target(%arg6 : memref<40x64xi32, #tpu.memory_space<vmem>>) target_semaphore(%run_scoped3A_291 : memref<!tpu.dma_semaphore, #tpu.memory_space<semaphore_mem>>)
      %dma_wait3A_300 = arith.constant 0 : i32
      %dma_wait3A_301 = arith.constant 0 : i32
      %dma_wait3A_302 = tpu.memref_slice %arg2[%add3A, %dma_wait3A_300, %dma_wait3A_301] : memref<32x160x64xi32, #tpu.memory_space<hbm>> -> memref<1x40x64xi32, #tpu.memory_space<hbm>>
      %dma_wait3A_303 = tpu.memref_squeeze %dma_wait3A_302 : memref<1x40x64xi32, #tpu.memory_space<hbm>> -> memref<40x64xi32, #tpu.memory_space<hbm>>
      %dma_wait3A_304 = arith.constant 0 : i32
      %dma_wait3A_305 = arith.constant 0 : i32
      %dma_wait3A_306 = tpu.memref_slice %arg2[%add3A, %dma_wait3A_304, %dma_wait3A_305] : memref<32x160x64xi32, #tpu.memory_space<hbm>> -> memref<1x40x64xi32, #tpu.memory_space<hbm>>
      %dma_wait3A_307 = tpu.memref_squeeze %dma_wait3A_306 : memref<1x40x64xi32, #tpu.memory_space<hbm>> -> memref<40x64xi32, #tpu.memory_space<hbm>>
      tpu.wait_dma2 semaphore(%run_scoped3A_291 : memref<!tpu.dma_semaphore, #tpu.memory_space<semaphore_mem>>) src(%dma_wait3A_307 : memref<40x64xi32, #tpu.memory_space<hbm>>) dst(%arg6 : memref<40x64xi32, #tpu.memory_space<vmem>>)
      tpu.yield
    }) : () -> ()
    "tpu.region"() ({
      %run_scoped3A_291 = tpu.sem_alloc : memref<!tpu.dma_semaphore, #tpu.memory_space<semaphore_mem>>
      %dma_start3A_292 = arith.constant 0 : i32
      %dma_start3A_293 = arith.constant 0 : i32
      %dma_start3A_294 = tpu.memref_slice %arg3[%add3A, %dma_start3A_292, %dma_start3A_293] : memref<32x160x64xi32, #tpu.memory_space<hbm>> -> memref<1x40x64xi32, #tpu.memory_space<hbm>>
      %dma_start3A_295 = tpu.memref_squeeze %dma_start3A_294 : memref<1x40x64xi32, #tpu.memory_space<hbm>> -> memref<40x64xi32, #tpu.memory_space<hbm>>
      %dma_start3A_296 = arith.constant 0 : i32
      %dma_start3A_297 = arith.constant 0 : i32
      %dma_start3A_298 = tpu.memref_slice %arg3[%add3A, %dma_start3A_296, %dma_start3A_297] : memref<32x160x64xi32, #tpu.memory_space<hbm>> -> memref<1x40x64xi32, #tpu.memory_space<hbm>>
      %dma_start3A_299 = tpu.memref_squeeze %dma_start3A_298 : memref<1x40x64xi32, #tpu.memory_space<hbm>> -> memref<40x64xi32, #tpu.memory_space<hbm>>
      tpu.enqueue_dma source(%dma_start3A_299 : memref<40x64xi32, #tpu.memory_space<hbm>>) target(%arg7 : memref<40x64xi32, #tpu.memory_space<vmem>>) target_semaphore(%run_scoped3A_291 : memref<!tpu.dma_semaphore, #tpu.memory_space<semaphore_mem>>)
      %dma_wait3A_300 = arith.constant 0 : i32
      %dma_wait3A_301 = arith.constant 0 : i32
      %dma_wait3A_302 = tpu.memref_slice %arg3[%add3A, %dma_wait3A_300, %dma_wait3A_301] : memref<32x160x64xi32, #tpu.memory_space<hbm>> -> memref<1x40x64xi32, #tpu.memory_space<hbm>>
      %dma_wait3A_303 = tpu.memref_squeeze %dma_wait3A_302 : memref<1x40x64xi32, #tpu.memory_space<hbm>> -> memref<40x64xi32, #tpu.memory_space<hbm>>
      %dma_wait3A_304 = arith.constant 0 : i32
      %dma_wait3A_305 = arith.constant 0 : i32
      %dma_wait3A_306 = tpu.memref_slice %arg3[%add3A, %dma_wait3A_304, %dma_wait3A_305] : memref<32x160x64xi32, #tpu.memory_space<hbm>> -> memref<1x40x64xi32, #tpu.memory_space<hbm>>
      %dma_wait3A_307 = tpu.memref_squeeze %dma_wait3A_306 : memref<1x40x64xi32, #tpu.memory_space<hbm>> -> memref<40x64xi32, #tpu.memory_space<hbm>>
      tpu.wait_dma2 semaphore(%run_scoped3A_291 : memref<!tpu.dma_semaphore, #tpu.memory_space<semaphore_mem>>) src(%dma_wait3A_307 : memref<40x64xi32, #tpu.memory_space<hbm>>) dst(%arg7 : memref<40x64xi32, #tpu.memory_space<vmem>>)
      tpu.yield
    }) : () -> ()
    %dma_start3A = arith.constant 0 : i32
    %dma_start3A_29 = arith.constant 0 : i32
    %dma_start3A_30 = tpu.memref_slice %arg6[%dma_start3A, %dma_start3A_29] : memref<40x64xi32, #tpu.memory_space<vmem>> -> memref<1x64xi32, #tpu.memory_space<vmem>>
    %dma_start3A_31 = tpu.memref_squeeze %dma_start3A_30 : memref<1x64xi32, #tpu.memory_space<vmem>> -> memref<64xi32, #tpu.memory_space<vmem>>
    %dma_start3A_32 = arith.constant 0 : i32
    %dma_start3A_33 = arith.constant 0 : i32
    %dma_start3A_34 = tpu.memref_slice %arg4[%dma_start3A_32, %dma_start3A_33] : memref<10000x128xf32, #tpu.memory_space<hbm>> -> memref<10000x128xf32, #tpu.memory_space<hbm>>
    tpu.enqueue_indirect_dma source(%dma_start3A_34 : memref<10000x128xf32, #tpu.memory_space<hbm>>) target(%arg8 : memref<64x128xf32, #tpu.memory_space<vmem>>) offsets(%dma_start3A_31 : memref<64xi32, #tpu.memory_space<vmem>>) semaphore(%arg13 : memref<!tpu.dma_semaphore, #tpu.memory_space<semaphore_mem>>)
    %dma_start3A_35 = arith.constant 1 : i32
    %dma_start3A_36 = arith.constant 0 : i32
    %dma_start3A_37 = tpu.memref_slice %arg6[%dma_start3A_35, %dma_start3A_36] : memref<40x64xi32, #tpu.memory_space<vmem>> -> memref<1x64xi32, #tpu.memory_space<vmem>>
    %dma_start3A_38 = tpu.memref_squeeze %dma_start3A_37 : memref<1x64xi32, #tpu.memory_space<vmem>> -> memref<64xi32, #tpu.memory_space<vmem>>
    %dma_start3A_39 = arith.constant 0 : i32
    %dma_start3A_40 = arith.constant 0 : i32
    %dma_start3A_41 = tpu.memref_slice %arg4[%dma_start3A_39, %dma_start3A_40] : memref<10000x128xf32, #tpu.memory_space<hbm>> -> memref<10000x128xf32, #tpu.memory_space<hbm>>
    tpu.enqueue_indirect_dma source(%dma_start3A_41 : memref<10000x128xf32, #tpu.memory_space<hbm>>) target(%arg9 : memref<64x128xf32, #tpu.memory_space<vmem>>) offsets(%dma_start3A_38 : memref<64xi32, #tpu.memory_space<vmem>>) semaphore(%arg14 : memref<!tpu.dma_semaphore, #tpu.memory_space<semaphore_mem>>)
    %dma_start3A_42 = arith.constant 2 : i32
    %dma_start3A_43 = arith.constant 0 : i32
    %dma_start3A_44 = tpu.memref_slice %arg6[%dma_start3A_42, %dma_start3A_43] : memref<40x64xi32, #tpu.memory_space<vmem>> -> memref<1x64xi32, #tpu.memory_space<vmem>>
    %dma_start3A_45 = tpu.memref_squeeze %dma_start3A_44 : memref<1x64xi32, #tpu.memory_space<vmem>> -> memref<64xi32, #tpu.memory_space<vmem>>
    %dma_start3A_46 = arith.constant 0 : i32
    %dma_start3A_47 = arith.constant 0 : i32
    %dma_start3A_48 = tpu.memref_slice %arg4[%dma_start3A_46, %dma_start3A_47] : memref<10000x128xf32, #tpu.memory_space<hbm>> -> memref<10000x128xf32, #tpu.memory_space<hbm>>
    tpu.enqueue_indirect_dma source(%dma_start3A_48 : memref<10000x128xf32, #tpu.memory_space<hbm>>) target(%arg10 : memref<64x128xf32, #tpu.memory_space<vmem>>) offsets(%dma_start3A_45 : memref<64xi32, #tpu.memory_space<vmem>>) semaphore(%arg15 : memref<!tpu.dma_semaphore, #tpu.memory_space<semaphore_mem>>)
    %scan3A_49 = arith.constant 0 : i32
    %scan3A_50 = arith.constant 0 : i32
    %scan3A_51 = arith.constant 9 : i32
    %scan3A_52 = arith.addi %scan3A_50, %scan3A_51 : i32
    %scan3A_53 = arith.constant 1 : i32
    scf.for %scan3A_291 = %scan3A_50 to %scan3A_52 step %scan3A_53  : i32 {
      %mul3A_292 = arith.constant 4 : i32
      %mul3A_293 = arith.muli %mul3A_292, %scan3A_291 : i32
      %add3A_294 = arith.constant 0 : i32
      %add3A_295 = arith.addi %mul3A_293, %add3A_294 : i32
      %dma_wait3A_296 = arith.constant 0 : i32
      %dma_wait3A_297 = tpu.memref_slice %arg6[%add3A_295, %dma_wait3A_296] : memref<40x64xi32, #tpu.memory_space<vmem>> -> memref<1x64xi32, #tpu.memory_space<vmem>>
      %dma_wait3A_298 = tpu.memref_squeeze %dma_wait3A_297 : memref<1x64xi32, #tpu.memory_space<vmem>> -> memref<64xi32, #tpu.memory_space<vmem>>
      %dma_wait3A_299 = arith.constant 0 : i32
      %dma_wait3A_300 = arith.constant 0 : i32
      %dma_wait3A_301 = tpu.memref_slice %arg4[%dma_wait3A_299, %dma_wait3A_300] : memref<10000x128xf32, #tpu.memory_space<hbm>> -> memref<10000x128xf32, #tpu.memory_space<hbm>>
      tpu.wait_indirect_dma semaphore(%arg13 : memref<!tpu.dma_semaphore, #tpu.memory_space<semaphore_mem>>) src(%dma_wait3A_301 : memref<10000x128xf32, #tpu.memory_space<hbm>>) dst(%arg8 : memref<64x128xf32, #tpu.memory_space<vmem>>)
      %add3A_302 = arith.constant 4 : i32
      %add3A_303 = arith.addi %add3A_295, %add3A_302 : i32
      %sub3A = arith.constant 1 : i32
      %sub3A_304 = arith.subi %add3A_303, %sub3A : i32
      %dma_start3A_305 = arith.constant 0 : i32
      %dma_start3A_306 = tpu.memref_slice %arg6[%sub3A_304, %dma_start3A_305] : memref<40x64xi32, #tpu.memory_space<vmem>> -> memref<1x64xi32, #tpu.memory_space<vmem>>
      %dma_start3A_307 = tpu.memref_squeeze %dma_start3A_306 : memref<1x64xi32, #tpu.memory_space<vmem>> -> memref<64xi32, #tpu.memory_space<vmem>>
      %dma_start3A_308 = arith.constant 0 : i32
      %dma_start3A_309 = arith.constant 0 : i32
      %dma_start3A_310 = tpu.memref_slice %arg4[%dma_start3A_308, %dma_start3A_309] : memref<10000x128xf32, #tpu.memory_space<hbm>> -> memref<10000x128xf32, #tpu.memory_space<hbm>>
      tpu.enqueue_indirect_dma source(%dma_start3A_310 : memref<10000x128xf32, #tpu.memory_space<hbm>>) target(%arg11 : memref<64x128xf32, #tpu.memory_space<vmem>>) offsets(%dma_start3A_307 : memref<64xi32, #tpu.memory_space<vmem>>) semaphore(%arg16 : memref<!tpu.dma_semaphore, #tpu.memory_space<semaphore_mem>>)
      "tpu.region"() ({
        %run_scoped3A_371 = tpu.sem_alloc : memref<!tpu.dma_semaphore, #tpu.memory_space<semaphore_mem>>
        %dma_start3A_372 = arith.constant 0 : i32
        %dma_start3A_373 = tpu.memref_slice %arg7[%add3A_295, %dma_start3A_372] : memref<40x64xi32, #tpu.memory_space<vmem>> -> memref<1x64xi32, #tpu.memory_space<vmem>>
        %dma_start3A_374 = tpu.memref_squeeze %dma_start3A_373 : memref<1x64xi32, #tpu.memory_space<vmem>> -> memref<64xi32, #tpu.memory_space<vmem>>
        %dma_start3A_375 = arith.constant 0 : i32
        %dma_start3A_376 = arith.constant 0 : i32
        %dma_start3A_377 = tpu.memref_slice %arg12[%dma_start3A_375, %dma_start3A_376] : memref<10112x128xf32, #tpu.memory_space<vmem_shared>> -> memref<10112x128xf32, #tpu.memory_space<vmem_shared>>
        tpu.enqueue_indirect_dma source(%arg8 : memref<64x128xf32, #tpu.memory_space<vmem>>) target(%dma_start3A_377 : memref<10112x128xf32, #tpu.memory_space<vmem_shared>>) offsets(%dma_start3A_374 : memref<64xi32, #tpu.memory_space<vmem>>) semaphore(%run_scoped3A_371 : memref<!tpu.dma_semaphore, #tpu.memory_space<semaphore_mem>>) {add = true}
        %dma_wait3A_378 = arith.constant 0 : i32
        %dma_wait3A_379 = tpu.memref_slice %arg7[%add3A_295, %dma_wait3A_378] : memref<40x64xi32, #tpu.memory_space<vmem>> -> memref<1x64xi32, #tpu.memory_space<vmem>>
        %dma_wait3A_380 = tpu.memref_squeeze %dma_wait3A_379 : memref<1x64xi32, #tpu.memory_space<vmem>> -> memref<64xi32, #tpu.memory_space<vmem>>
        %dma_wait3A_381 = arith.constant 0 : i32
        %dma_wait3A_382 = arith.constant 0 : i32
        %dma_wait3A_383 = tpu.memref_slice %arg12[%dma_wait3A_381, %dma_wait3A_382] : memref<10112x128xf32, #tpu.memory_space<vmem_shared>> -> memref<10112x128xf32, #tpu.memory_space<vmem_shared>>
        tpu.wait_indirect_dma semaphore(%run_scoped3A_371 : memref<!tpu.dma_semaphore, #tpu.memory_space<semaphore_mem>>) src(%arg8 : memref<64x128xf32, #tpu.memory_space<vmem>>) dst(%dma_wait3A_383 : memref<10112x128xf32, #tpu.memory_space<vmem_shared>>)
        tpu.yield
      }) : () -> ()
      %mul3A_311 = arith.constant 4 : i32
      %mul3A_312 = arith.muli %mul3A_311, %scan3A_291 : i32
      %add3A_313 = arith.constant 1 : i32
      %add3A_314 = arith.addi %mul3A_312, %add3A_313 : i32
      %dma_wait3A_315 = arith.constant 0 : i32
      %dma_wait3A_316 = tpu.memref_slice %arg6[%add3A_314, %dma_wait3A_315] : memref<40x64xi32, #tpu.memory_space<vmem>> -> memref<1x64xi32, #tpu.memory_space<vmem>>
      %dma_wait3A_317 = tpu.memref_squeeze %dma_wait3A_316 : memref<1x64xi32, #tpu.memory_space<vmem>> -> memref<64xi32, #tpu.memory_space<vmem>>
      %dma_wait3A_318 = arith.constant 0 : i32
      %dma_wait3A_319 = arith.constant 0 : i32
      %dma_wait3A_320 = tpu.memref_slice %arg4[%dma_wait3A_318, %dma_wait3A_319] : memref<10000x128xf32, #tpu.memory_space<hbm>> -> memref<10000x128xf32, #tpu.memory_space<hbm>>
      tpu.wait_indirect_dma semaphore(%arg14 : memref<!tpu.dma_semaphore, #tpu.memory_space<semaphore_mem>>) src(%dma_wait3A_320 : memref<10000x128xf32, #tpu.memory_space<hbm>>) dst(%arg9 : memref<64x128xf32, #tpu.memory_space<vmem>>)
      %add3A_321 = arith.constant 4 : i32
      %add3A_322 = arith.addi %add3A_314, %add3A_321 : i32
      %sub3A_323 = arith.constant 1 : i32
      %sub3A_324 = arith.subi %add3A_322, %sub3A_323 : i32
      %dma_start3A_325 = arith.constant 0 : i32
      %dma_start3A_326 = tpu.memref_slice %arg6[%sub3A_324, %dma_start3A_325] : memref<40x64xi32, #tpu.memory_space<vmem>> -> memref<1x64xi32, #tpu.memory_space<vmem>>
      %dma_start3A_327 = tpu.memref_squeeze %dma_start3A_326 : memref<1x64xi32, #tpu.memory_space<vmem>> -> memref<64xi32, #tpu.memory_space<vmem>>
      %dma_start3A_328 = arith.constant 0 : i32
      %dma_start3A_329 = arith.constant 0 : i32
      %dma_start3A_330 = tpu.memref_slice %arg4[%dma_start3A_328, %dma_start3A_329] : memref<10000x128xf32, #tpu.memory_space<hbm>> -> memref<10000x128xf32, #tpu.memory_space<hbm>>
      tpu.enqueue_indirect_dma source(%dma_start3A_330 : memref<10000x128xf32, #tpu.memory_space<hbm>>) target(%arg8 : memref<64x128xf32, #tpu.memory_space<vmem>>) offsets(%dma_start3A_327 : memref<64xi32, #tpu.memory_space<vmem>>) semaphore(%arg13 : memref<!tpu.dma_semaphore, #tpu.memory_space<semaphore_mem>>)
      "tpu.region"() ({
        %run_scoped3A_371 = tpu.sem_alloc : memref<!tpu.dma_semaphore, #tpu.memory_space<semaphore_mem>>
        %dma_start3A_372 = arith.constant 0 : i32
        %dma_start3A_373 = tpu.memref_slice %arg7[%add3A_314, %dma_start3A_372] : memref<40x64xi32, #tpu.memory_space<vmem>> -> memref<1x64xi32, #tpu.memory_space<vmem>>
        %dma_start3A_374 = tpu.memref_squeeze %dma_start3A_373 : memref<1x64xi32, #tpu.memory_space<vmem>> -> memref<64xi32, #tpu.memory_space<vmem>>
        %dma_start3A_375 = arith.constant 0 : i32
        %dma_start3A_376 = arith.constant 0 : i32
        %dma_start3A_377 = tpu.memref_slice %arg12[%dma_start3A_375, %dma_start3A_376] : memref<10112x128xf32, #tpu.memory_space<vmem_shared>> -> memref<10112x128xf32, #tpu.memory_space<vmem_shared>>
        tpu.enqueue_indirect_dma source(%arg9 : memref<64x128xf32, #tpu.memory_space<vmem>>) target(%dma_start3A_377 : memref<10112x128xf32, #tpu.memory_space<vmem_shared>>) offsets(%dma_start3A_374 : memref<64xi32, #tpu.memory_space<vmem>>) semaphore(%run_scoped3A_371 : memref<!tpu.dma_semaphore, #tpu.memory_space<semaphore_mem>>) {add = true}
        %dma_wait3A_378 = arith.constant 0 : i32
        %dma_wait3A_379 = tpu.memref_slice %arg7[%add3A_314, %dma_wait3A_378] : memref<40x64xi32, #tpu.memory_space<vmem>> -> memref<1x64xi32, #tpu.memory_space<vmem>>
        %dma_wait3A_380 = tpu.memref_squeeze %dma_wait3A_379 : memref<1x64xi32, #tpu.memory_space<vmem>> -> memref<64xi32, #tpu.memory_space<vmem>>
        %dma_wait3A_381 = arith.constant 0 : i32
        %dma_wait3A_382 = arith.constant 0 : i32
        %dma_wait3A_383 = tpu.memref_slice %arg12[%dma_wait3A_381, %dma_wait3A_382] : memref<10112x128xf32, #tpu.memory_space<vmem_shared>> -> memref<10112x128xf32, #tpu.memory_space<vmem_shared>>
        tpu.wait_indirect_dma semaphore(%run_scoped3A_371 : memref<!tpu.dma_semaphore, #tpu.memory_space<semaphore_mem>>) src(%arg9 : memref<64x128xf32, #tpu.memory_space<vmem>>) dst(%dma_wait3A_383 : memref<10112x128xf32, #tpu.memory_space<vmem_shared>>)
        tpu.yield
      }) : () -> ()
      %mul3A_331 = arith.constant 4 : i32
      %mul3A_332 = arith.muli %mul3A_331, %scan3A_291 : i32
      %add3A_333 = arith.constant 2 : i32
      %add3A_334 = arith.addi %mul3A_332, %add3A_333 : i32
      %dma_wait3A_335 = arith.constant 0 : i32
      %dma_wait3A_336 = tpu.memref_slice %arg6[%add3A_334, %dma_wait3A_335] : memref<40x64xi32, #tpu.memory_space<vmem>> -> memref<1x64xi32, #tpu.memory_space<vmem>>
      %dma_wait3A_337 = tpu.memref_squeeze %dma_wait3A_336 : memref<1x64xi32, #tpu.memory_space<vmem>> -> memref<64xi32, #tpu.memory_space<vmem>>
      %dma_wait3A_338 = arith.constant 0 : i32
      %dma_wait3A_339 = arith.constant 0 : i32
      %dma_wait3A_340 = tpu.memref_slice %arg4[%dma_wait3A_338, %dma_wait3A_339] : memref<10000x128xf32, #tpu.memory_space<hbm>> -> memref<10000x128xf32, #tpu.memory_space<hbm>>
      tpu.wait_indirect_dma semaphore(%arg15 : memref<!tpu.dma_semaphore, #tpu.memory_space<semaphore_mem>>) src(%dma_wait3A_340 : memref<10000x128xf32, #tpu.memory_space<hbm>>) dst(%arg10 : memref<64x128xf32, #tpu.memory_space<vmem>>)
      %add3A_341 = arith.constant 4 : i32
      %add3A_342 = arith.addi %add3A_334, %add3A_341 : i32
      %sub3A_343 = arith.constant 1 : i32
      %sub3A_344 = arith.subi %add3A_342, %sub3A_343 : i32
      %dma_start3A_345 = arith.constant 0 : i32
      %dma_start3A_346 = tpu.memref_slice %arg6[%sub3A_344, %dma_start3A_345] : memref<40x64xi32, #tpu.memory_space<vmem>> -> memref<1x64xi32, #tpu.memory_space<vmem>>
      %dma_start3A_347 = tpu.memref_squeeze %dma_start3A_346 : memref<1x64xi32, #tpu.memory_space<vmem>> -> memref<64xi32, #tpu.memory_space<vmem>>
      %dma_start3A_348 = arith.constant 0 : i32
      %dma_start3A_349 = arith.constant 0 : i32
      %dma_start3A_350 = tpu.memref_slice %arg4[%dma_start3A_348, %dma_start3A_349] : memref<10000x128xf32, #tpu.memory_space<hbm>> -> memref<10000x128xf32, #tpu.memory_space<hbm>>
      tpu.enqueue_indirect_dma source(%dma_start3A_350 : memref<10000x128xf32, #tpu.memory_space<hbm>>) target(%arg9 : memref<64x128xf32, #tpu.memory_space<vmem>>) offsets(%dma_start3A_347 : memref<64xi32, #tpu.memory_space<vmem>>) semaphore(%arg14 : memref<!tpu.dma_semaphore, #tpu.memory_space<semaphore_mem>>)
      "tpu.region"() ({
        %run_scoped3A_371 = tpu.sem_alloc : memref<!tpu.dma_semaphore, #tpu.memory_space<semaphore_mem>>
        %dma_start3A_372 = arith.constant 0 : i32
        %dma_start3A_373 = tpu.memref_slice %arg7[%add3A_334, %dma_start3A_372] : memref<40x64xi32, #tpu.memory_space<vmem>> -> memref<1x64xi32, #tpu.memory_space<vmem>>
        %dma_start3A_374 = tpu.memref_squeeze %dma_start3A_373 : memref<1x64xi32, #tpu.memory_space<vmem>> -> memref<64xi32, #tpu.memory_space<vmem>>
        %dma_start3A_375 = arith.constant 0 : i32
        %dma_start3A_376 = arith.constant 0 : i32
        %dma_start3A_377 = tpu.memref_slice %arg12[%dma_start3A_375, %dma_start3A_376] : memref<10112x128xf32, #tpu.memory_space<vmem_shared>> -> memref<10112x128xf32, #tpu.memory_space<vmem_shared>>
        tpu.enqueue_indirect_dma source(%arg10 : memref<64x128xf32, #tpu.memory_space<vmem>>) target(%dma_start3A_377 : memref<10112x128xf32, #tpu.memory_space<vmem_shared>>) offsets(%dma_start3A_374 : memref<64xi32, #tpu.memory_space<vmem>>) semaphore(%run_scoped3A_371 : memref<!tpu.dma_semaphore, #tpu.memory_space<semaphore_mem>>) {add = true}
        %dma_wait3A_378 = arith.constant 0 : i32
        %dma_wait3A_379 = tpu.memref_slice %arg7[%add3A_334, %dma_wait3A_378] : memref<40x64xi32, #tpu.memory_space<vmem>> -> memref<1x64xi32, #tpu.memory_space<vmem>>
        %dma_wait3A_380 = tpu.memref_squeeze %dma_wait3A_379 : memref<1x64xi32, #tpu.memory_space<vmem>> -> memref<64xi32, #tpu.memory_space<vmem>>
        %dma_wait3A_381 = arith.constant 0 : i32
        %dma_wait3A_382 = arith.constant 0 : i32
        %dma_wait3A_383 = tpu.memref_slice %arg12[%dma_wait3A_381, %dma_wait3A_382] : memref<10112x128xf32, #tpu.memory_space<vmem_shared>> -> memref<10112x128xf32, #tpu.memory_space<vmem_shared>>
        tpu.wait_indirect_dma semaphore(%run_scoped3A_371 : memref<!tpu.dma_semaphore, #tpu.memory_space<semaphore_mem>>) src(%arg10 : memref<64x128xf32, #tpu.memory_space<vmem>>) dst(%dma_wait3A_383 : memref<10112x128xf32, #tpu.memory_space<vmem_shared>>)
        tpu.yield
      }) : () -> ()
      %mul3A_351 = arith.constant 4 : i32
      %mul3A_352 = arith.muli %mul3A_351, %scan3A_291 : i32
      %add3A_353 = arith.constant 3 : i32
      %add3A_354 = arith.addi %mul3A_352, %add3A_353 : i32
      %dma_wait3A_355 = arith.constant 0 : i32
      %dma_wait3A_356 = tpu.memref_slice %arg6[%add3A_354, %dma_wait3A_355] : memref<40x64xi32, #tpu.memory_space<vmem>> -> memref<1x64xi32, #tpu.memory_space<vmem>>
      %dma_wait3A_357 = tpu.memref_squeeze %dma_wait3A_356 : memref<1x64xi32, #tpu.memory_space<vmem>> -> memref<64xi32, #tpu.memory_space<vmem>>
      %dma_wait3A_358 = arith.constant 0 : i32
      %dma_wait3A_359 = arith.constant 0 : i32
      %dma_wait3A_360 = tpu.memref_slice %arg4[%dma_wait3A_358, %dma_wait3A_359] : memref<10000x128xf32, #tpu.memory_space<hbm>> -> memref<10000x128xf32, #tpu.memory_space<hbm>>
      tpu.wait_indirect_dma semaphore(%arg16 : memref<!tpu.dma_semaphore, #tpu.memory_space<semaphore_mem>>) src(%dma_wait3A_360 : memref<10000x128xf32, #tpu.memory_space<hbm>>) dst(%arg11 : memref<64x128xf32, #tpu.memory_space<vmem>>)
      %add3A_361 = arith.constant 4 : i32
      %add3A_362 = arith.addi %add3A_354, %add3A_361 : i32
      %sub3A_363 = arith.constant 1 : i32
      %sub3A_364 = arith.subi %add3A_362, %sub3A_363 : i32
      %dma_start3A_365 = arith.constant 0 : i32
      %dma_start3A_366 = tpu.memref_slice %arg6[%sub3A_364, %dma_start3A_365] : memref<40x64xi32, #tpu.memory_space<vmem>> -> memref<1x64xi32, #tpu.memory_space<vmem>>
      %dma_start3A_367 = tpu.memref_squeeze %dma_start3A_366 : memref<1x64xi32, #tpu.memory_space<vmem>> -> memref<64xi32, #tpu.memory_space<vmem>>
      %dma_start3A_368 = arith.constant 0 : i32
      %dma_start3A_369 = arith.constant 0 : i32
      %dma_start3A_370 = tpu.memref_slice %arg4[%dma_start3A_368, %dma_start3A_369] : memref<10000x128xf32, #tpu.memory_space<hbm>> -> memref<10000x128xf32, #tpu.memory_space<hbm>>
      tpu.enqueue_indirect_dma source(%dma_start3A_370 : memref<10000x128xf32, #tpu.memory_space<hbm>>) target(%arg10 : memref<64x128xf32, #tpu.memory_space<vmem>>) offsets(%dma_start3A_367 : memref<64xi32, #tpu.memory_space<vmem>>) semaphore(%arg15 : memref<!tpu.dma_semaphore, #tpu.memory_space<semaphore_mem>>)
      "tpu.region"() ({
        %run_scoped3A_371 = tpu.sem_alloc : memref<!tpu.dma_semaphore, #tpu.memory_space<semaphore_mem>>
        %dma_start3A_372 = arith.constant 0 : i32
        %dma_start3A_373 = tpu.memref_slice %arg7[%add3A_354, %dma_start3A_372] : memref<40x64xi32, #tpu.memory_space<vmem>> -> memref<1x64xi32, #tpu.memory_space<vmem>>
        %dma_start3A_374 = tpu.memref_squeeze %dma_start3A_373 : memref<1x64xi32, #tpu.memory_space<vmem>> -> memref<64xi32, #tpu.memory_space<vmem>>
        %dma_start3A_375 = arith.constant 0 : i32
        %dma_start3A_376 = arith.constant 0 : i32
        %dma_start3A_377 = tpu.memref_slice %arg12[%dma_start3A_375, %dma_start3A_376] : memref<10112x128xf32, #tpu.memory_space<vmem_shared>> -> memref<10112x128xf32, #tpu.memory_space<vmem_shared>>
        tpu.enqueue_indirect_dma source(%arg11 : memref<64x128xf32, #tpu.memory_space<vmem>>) target(%dma_start3A_377 : memref<10112x128xf32, #tpu.memory_space<vmem_shared>>) offsets(%dma_start3A_374 : memref<64xi32, #tpu.memory_space<vmem>>) semaphore(%run_scoped3A_371 : memref<!tpu.dma_semaphore, #tpu.memory_space<semaphore_mem>>) {add = true}
        %dma_wait3A_378 = arith.constant 0 : i32
        %dma_wait3A_379 = tpu.memref_slice %arg7[%add3A_354, %dma_wait3A_378] : memref<40x64xi32, #tpu.memory_space<vmem>> -> memref<1x64xi32, #tpu.memory_space<vmem>>
        %dma_wait3A_380 = tpu.memref_squeeze %dma_wait3A_379 : memref<1x64xi32, #tpu.memory_space<vmem>> -> memref<64xi32, #tpu.memory_space<vmem>>
        %dma_wait3A_381 = arith.constant 0 : i32
        %dma_wait3A_382 = arith.constant 0 : i32
        %dma_wait3A_383 = tpu.memref_slice %arg12[%dma_wait3A_381, %dma_wait3A_382] : memref<10112x128xf32, #tpu.memory_space<vmem_shared>> -> memref<10112x128xf32, #tpu.memory_space<vmem_shared>>
        tpu.wait_indirect_dma semaphore(%run_scoped3A_371 : memref<!tpu.dma_semaphore, #tpu.memory_space<semaphore_mem>>) src(%arg11 : memref<64x128xf32, #tpu.memory_space<vmem>>) dst(%dma_wait3A_383 : memref<10112x128xf32, #tpu.memory_space<vmem_shared>>)
        tpu.yield
      }) : () -> ()
    }
    %scan3A_54 = arith.constant 9 : i32
    %dma_wait3A = arith.constant 36 : i32
    %dma_wait3A_55 = arith.constant 0 : i32
    %dma_wait3A_56 = tpu.memref_slice %arg6[%dma_wait3A, %dma_wait3A_55] : memref<40x64xi32, #tpu.memory_space<vmem>> -> memref<1x64xi32, #tpu.memory_space<vmem>>
    %dma_wait3A_57 = tpu.memref_squeeze %dma_wait3A_56 : memref<1x64xi32, #tpu.memory_space<vmem>> -> memref<64xi32, #tpu.memory_space<vmem>>
    %dma_wait3A_58 = arith.constant 0 : i32
    %dma_wait3A_59 = arith.constant 0 : i32
    %dma_wait3A_60 = tpu.memref_slice %arg4[%dma_wait3A_58, %dma_wait3A_59] : memref<10000x128xf32, #tpu.memory_space<hbm>> -> memref<10000x128xf32, #tpu.memory_space<hbm>>
    tpu.wait_indirect_dma semaphore(%arg13 : memref<!tpu.dma_semaphore, #tpu.memory_space<semaphore_mem>>) src(%dma_wait3A_60 : memref<10000x128xf32, #tpu.memory_space<hbm>>) dst(%arg8 : memref<64x128xf32, #tpu.memory_space<vmem>>)
    %dma_start3A_61 = arith.constant 39 : i32
    %dma_start3A_62 = arith.constant 0 : i32
    %dma_start3A_63 = tpu.memref_slice %arg6[%dma_start3A_61, %dma_start3A_62] : memref<40x64xi32, #tpu.memory_space<vmem>> -> memref<1x64xi32, #tpu.memory_space<vmem>>
    %dma_start3A_64 = tpu.memref_squeeze %dma_start3A_63 : memref<1x64xi32, #tpu.memory_space<vmem>> -> memref<64xi32, #tpu.memory_space<vmem>>
    %dma_start3A_65 = arith.constant 0 : i32
    %dma_start3A_66 = arith.constant 0 : i32
    %dma_start3A_67 = tpu.memref_slice %arg4[%dma_start3A_65, %dma_start3A_66] : memref<10000x128xf32, #tpu.memory_space<hbm>> -> memref<10000x128xf32, #tpu.memory_space<hbm>>
    tpu.enqueue_indirect_dma source(%dma_start3A_67 : memref<10000x128xf32, #tpu.memory_space<hbm>>) target(%arg11 : memref<64x128xf32, #tpu.memory_space<vmem>>) offsets(%dma_start3A_64 : memref<64xi32, #tpu.memory_space<vmem>>) semaphore(%arg16 : memref<!tpu.dma_semaphore, #tpu.memory_space<semaphore_mem>>)
    %run_scoped3A = arith.constant 36 : i32
    "tpu.region"() ({
      %run_scoped3A_291 = tpu.sem_alloc : memref<!tpu.dma_semaphore, #tpu.memory_space<semaphore_mem>>
      %dma_start3A_292 = arith.constant 0 : i32
      %dma_start3A_293 = tpu.memref_slice %arg7[%run_scoped3A, %dma_start3A_292] : memref<40x64xi32, #tpu.memory_space<vmem>> -> memref<1x64xi32, #tpu.memory_space<vmem>>
      %dma_start3A_294 = tpu.memref_squeeze %dma_start3A_293 : memref<1x64xi32, #tpu.memory_space<vmem>> -> memref<64xi32, #tpu.memory_space<vmem>>
      %dma_start3A_295 = arith.constant 0 : i32
      %dma_start3A_296 = arith.constant 0 : i32
      %dma_start3A_297 = tpu.memref_slice %arg12[%dma_start3A_295, %dma_start3A_296] : memref<10112x128xf32, #tpu.memory_space<vmem_shared>> -> memref<10112x128xf32, #tpu.memory_space<vmem_shared>>
      tpu.enqueue_indirect_dma source(%arg8 : memref<64x128xf32, #tpu.memory_space<vmem>>) target(%dma_start3A_297 : memref<10112x128xf32, #tpu.memory_space<vmem_shared>>) offsets(%dma_start3A_294 : memref<64xi32, #tpu.memory_space<vmem>>) semaphore(%run_scoped3A_291 : memref<!tpu.dma_semaphore, #tpu.memory_space<semaphore_mem>>) {add = true}
      %dma_wait3A_298 = arith.constant 0 : i32
      %dma_wait3A_299 = tpu.memref_slice %arg7[%run_scoped3A, %dma_wait3A_298] : memref<40x64xi32, #tpu.memory_space<vmem>> -> memref<1x64xi32, #tpu.memory_space<vmem>>
      %dma_wait3A_300 = tpu.memref_squeeze %dma_wait3A_299 : memref<1x64xi32, #tpu.memory_space<vmem>> -> memref<64xi32, #tpu.memory_space<vmem>>
      %dma_wait3A_301 = arith.constant 0 : i32
      %dma_wait3A_302 = arith.constant 0 : i32
      %dma_wait3A_303 = tpu.memref_slice %arg12[%dma_wait3A_301, %dma_wait3A_302] : memref<10112x128xf32, #tpu.memory_space<vmem_shared>> -> memref<10112x128xf32, #tpu.memory_space<vmem_shared>>
      tpu.wait_indirect_dma semaphore(%run_scoped3A_291 : memref<!tpu.dma_semaphore, #tpu.memory_space<semaphore_mem>>) src(%arg8 : memref<64x128xf32, #tpu.memory_space<vmem>>) dst(%dma_wait3A_303 : memref<10112x128xf32, #tpu.memory_space<vmem_shared>>)
      tpu.yield
    }) : () -> ()
    %dma_wait3A_68 = arith.constant 37 : i32
    %dma_wait3A_69 = arith.constant 0 : i32
    %dma_wait3A_70 = tpu.memref_slice %arg6[%dma_wait3A_68, %dma_wait3A_69] : memref<40x64xi32, #tpu.memory_space<vmem>> -> memref<1x64xi32, #tpu.memory_space<vmem>>
    %dma_wait3A_71 = tpu.memref_squeeze %dma_wait3A_70 : memref<1x64xi32, #tpu.memory_space<vmem>> -> memref<64xi32, #tpu.memory_space<vmem>>
    %dma_wait3A_72 = arith.constant 0 : i32
    %dma_wait3A_73 = arith.constant 0 : i32
    %dma_wait3A_74 = tpu.memref_slice %arg4[%dma_wait3A_72, %dma_wait3A_73] : memref<10000x128xf32, #tpu.memory_space<hbm>> -> memref<10000x128xf32, #tpu.memory_space<hbm>>
    tpu.wait_indirect_dma semaphore(%arg14 : memref<!tpu.dma_semaphore, #tpu.memory_space<semaphore_mem>>) src(%dma_wait3A_74 : memref<10000x128xf32, #tpu.memory_space<hbm>>) dst(%arg9 : memref<64x128xf32, #tpu.memory_space<vmem>>)
    %run_scoped3A_75 = arith.constant 37 : i32
    "tpu.region"() ({
      %run_scoped3A_291 = tpu.sem_alloc : memref<!tpu.dma_semaphore, #tpu.memory_space<semaphore_mem>>
      %dma_start3A_292 = arith.constant 0 : i32
      %dma_start3A_293 = tpu.memref_slice %arg7[%run_scoped3A_75, %dma_start3A_292] : memref<40x64xi32, #tpu.memory_space<vmem>> -> memref<1x64xi32, #tpu.memory_space<vmem>>
      %dma_start3A_294 = tpu.memref_squeeze %dma_start3A_293 : memref<1x64xi32, #tpu.memory_space<vmem>> -> memref<64xi32, #tpu.memory_space<vmem>>
      %dma_start3A_295 = arith.constant 0 : i32
      %dma_start3A_296 = arith.constant 0 : i32
      %dma_start3A_297 = tpu.memref_slice %arg12[%dma_start3A_295, %dma_start3A_296] : memref<10112x128xf32, #tpu.memory_space<vmem_shared>> -> memref<10112x128xf32, #tpu.memory_space<vmem_shared>>
      tpu.enqueue_indirect_dma source(%arg9 : memref<64x128xf32, #tpu.memory_space<vmem>>) target(%dma_start3A_297 : memref<10112x128xf32, #tpu.memory_space<vmem_shared>>) offsets(%dma_start3A_294 : memref<64xi32, #tpu.memory_space<vmem>>) semaphore(%run_scoped3A_291 : memref<!tpu.dma_semaphore, #tpu.memory_space<semaphore_mem>>) {add = true}
      %dma_wait3A_298 = arith.constant 0 : i32
      %dma_wait3A_299 = tpu.memref_slice %arg7[%run_scoped3A_75, %dma_wait3A_298] : memref<40x64xi32, #tpu.memory_space<vmem>> -> memref<1x64xi32, #tpu.memory_space<vmem>>
      %dma_wait3A_300 = tpu.memref_squeeze %dma_wait3A_299 : memref<1x64xi32, #tpu.memory_space<vmem>> -> memref<64xi32, #tpu.memory_space<vmem>>
      %dma_wait3A_301 = arith.constant 0 : i32
      %dma_wait3A_302 = arith.constant 0 : i32
      %dma_wait3A_303 = tpu.memref_slice %arg12[%dma_wait3A_301, %dma_wait3A_302] : memref<10112x128xf32, #tpu.memory_space<vmem_shared>> -> memref<10112x128xf32, #tpu.memory_space<vmem_shared>>
      tpu.wait_indirect_dma semaphore(%run_scoped3A_291 : memref<!tpu.dma_semaphore, #tpu.memory_space<semaphore_mem>>) src(%arg9 : memref<64x128xf32, #tpu.memory_space<vmem>>) dst(%dma_wait3A_303 : memref<10112x128xf32, #tpu.memory_space<vmem_shared>>)
      tpu.yield
    }) : () -> ()
    %dma_wait3A_76 = arith.constant 38 : i32
    %dma_wait3A_77 = arith.constant 0 : i32
    %dma_wait3A_78 = tpu.memref_slice %arg6[%dma_wait3A_76, %dma_wait3A_77] : memref<40x64xi32, #tpu.memory_space<vmem>> -> memref<1x64xi32, #tpu.memory_space<vmem>>
    %dma_wait3A_79 = tpu.memref_squeeze %dma_wait3A_78 : memref<1x64xi32, #tpu.memory_space<vmem>> -> memref<64xi32, #tpu.memory_space<vmem>>
    %dma_wait3A_80 = arith.constant 0 : i32
    %dma_wait3A_81 = arith.constant 0 : i32
    %dma_wait3A_82 = tpu.memref_slice %arg4[%dma_wait3A_80, %dma_wait3A_81] : memref<10000x128xf32, #tpu.memory_space<hbm>> -> memref<10000x128xf32, #tpu.memory_space<hbm>>
    tpu.wait_indirect_dma semaphore(%arg15 : memref<!tpu.dma_semaphore, #tpu.memory_space<semaphore_mem>>) src(%dma_wait3A_82 : memref<10000x128xf32, #tpu.memory_space<hbm>>) dst(%arg10 : memref<64x128xf32, #tpu.memory_space<vmem>>)
    %run_scoped3A_83 = arith.constant 38 : i32
    "tpu.region"() ({
      %run_scoped3A_291 = tpu.sem_alloc : memref<!tpu.dma_semaphore, #tpu.memory_space<semaphore_mem>>
      %dma_start3A_292 = arith.constant 0 : i32
      %dma_start3A_293 = tpu.memref_slice %arg7[%run_scoped3A_83, %dma_start3A_292] : memref<40x64xi32, #tpu.memory_space<vmem>> -> memref<1x64xi32, #tpu.memory_space<vmem>>
      %dma_start3A_294 = tpu.memref_squeeze %dma_start3A_293 : memref<1x64xi32, #tpu.memory_space<vmem>> -> memref<64xi32, #tpu.memory_space<vmem>>
      %dma_start3A_295 = arith.constant 0 : i32
      %dma_start3A_296 = arith.constant 0 : i32
      %dma_start3A_297 = tpu.memref_slice %arg12[%dma_start3A_295, %dma_start3A_296] : memref<10112x128xf32, #tpu.memory_space<vmem_shared>> -> memref<10112x128xf32, #tpu.memory_space<vmem_shared>>
      tpu.enqueue_indirect_dma source(%arg10 : memref<64x128xf32, #tpu.memory_space<vmem>>) target(%dma_start3A_297 : memref<10112x128xf32, #tpu.memory_space<vmem_shared>>) offsets(%dma_start3A_294 : memref<64xi32, #tpu.memory_space<vmem>>) semaphore(%run_scoped3A_291 : memref<!tpu.dma_semaphore, #tpu.memory_space<semaphore_mem>>) {add = true}
      %dma_wait3A_298 = arith.constant 0 : i32
      %dma_wait3A_299 = tpu.memref_slice %arg7[%run_scoped3A_83, %dma_wait3A_298] : memref<40x64xi32, #tpu.memory_space<vmem>> -> memref<1x64xi32, #tpu.memory_space<vmem>>
      %dma_wait3A_300 = tpu.memref_squeeze %dma_wait3A_299 : memref<1x64xi32, #tpu.memory_space<vmem>> -> memref<64xi32, #tpu.memory_space<vmem>>
      %dma_wait3A_301 = arith.constant 0 : i32
      %dma_wait3A_302 = arith.constant 0 : i32
      %dma_wait3A_303 = tpu.memref_slice %arg12[%dma_wait3A_301, %dma_wait3A_302] : memref<10112x128xf32, #tpu.memory_space<vmem_shared>> -> memref<10112x128xf32, #tpu.memory_space<vmem_shared>>
      tpu.wait_indirect_dma semaphore(%run_scoped3A_291 : memref<!tpu.dma_semaphore, #tpu.memory_space<semaphore_mem>>) src(%arg10 : memref<64x128xf32, #tpu.memory_space<vmem>>) dst(%dma_wait3A_303 : memref<10112x128xf32, #tpu.memory_space<vmem_shared>>)
      tpu.yield
    }) : () -> ()
    %dma_wait3A_84 = arith.constant 39 : i32
    %dma_wait3A_85 = arith.constant 0 : i32
    %dma_wait3A_86 = tpu.memref_slice %arg6[%dma_wait3A_84, %dma_wait3A_85] : memref<40x64xi32, #tpu.memory_space<vmem>> -> memref<1x64xi32, #tpu.memory_space<vmem>>
    %dma_wait3A_87 = tpu.memref_squeeze %dma_wait3A_86 : memref<1x64xi32, #tpu.memory_space<vmem>> -> memref<64xi32, #tpu.memory_space<vmem>>
    %dma_wait3A_88 = arith.constant 0 : i32
    %dma_wait3A_89 = arith.constant 0 : i32
    %dma_wait3A_90 = tpu.memref_slice %arg4[%dma_wait3A_88, %dma_wait3A_89] : memref<10000x128xf32, #tpu.memory_space<hbm>> -> memref<10000x128xf32, #tpu.memory_space<hbm>>
    tpu.wait_indirect_dma semaphore(%arg16 : memref<!tpu.dma_semaphore, #tpu.memory_space<semaphore_mem>>) src(%dma_wait3A_90 : memref<10000x128xf32, #tpu.memory_space<hbm>>) dst(%arg11 : memref<64x128xf32, #tpu.memory_space<vmem>>)
    %run_scoped3A_91 = arith.constant 39 : i32
    "tpu.region"() ({
      %run_scoped3A_291 = tpu.sem_alloc : memref<!tpu.dma_semaphore, #tpu.memory_space<semaphore_mem>>
      %dma_start3A_292 = arith.constant 0 : i32
      %dma_start3A_293 = tpu.memref_slice %arg7[%run_scoped3A_91, %dma_start3A_292] : memref<40x64xi32, #tpu.memory_space<vmem>> -> memref<1x64xi32, #tpu.memory_space<vmem>>
      %dma_start3A_294 = tpu.memref_squeeze %dma_start3A_293 : memref<1x64xi32, #tpu.memory_space<vmem>> -> memref<64xi32, #tpu.memory_space<vmem>>
      %dma_start3A_295 = arith.constant 0 : i32
      %dma_start3A_296 = arith.constant 0 : i32
      %dma_start3A_297 = tpu.memref_slice %arg12[%dma_start3A_295, %dma_start3A_296] : memref<10112x128xf32, #tpu.memory_space<vmem_shared>> -> memref<10112x128xf32, #tpu.memory_space<vmem_shared>>
      tpu.enqueue_indirect_dma source(%arg11 : memref<64x128xf32, #tpu.memory_space<vmem>>) target(%dma_start3A_297 : memref<10112x128xf32, #tpu.memory_space<vmem_shared>>) offsets(%dma_start3A_294 : memref<64xi32, #tpu.memory_space<vmem>>) semaphore(%run_scoped3A_291 : memref<!tpu.dma_semaphore, #tpu.memory_space<semaphore_mem>>) {add = true}
      %dma_wait3A_298 = arith.constant 0 : i32
      %dma_wait3A_299 = tpu.memref_slice %arg7[%run_scoped3A_91, %dma_wait3A_298] : memref<40x64xi32, #tpu.memory_space<vmem>> -> memref<1x64xi32, #tpu.memory_space<vmem>>
      %dma_wait3A_300 = tpu.memref_squeeze %dma_wait3A_299 : memref<1x64xi32, #tpu.memory_space<vmem>> -> memref<64xi32, #tpu.memory_space<vmem>>
      %dma_wait3A_301 = arith.constant 0 : i32
      %dma_wait3A_302 = arith.constant 0 : i32
      %dma_wait3A_303 = tpu.memref_slice %arg12[%dma_wait3A_301, %dma_wait3A_302] : memref<10112x128xf32, #tpu.memory_space<vmem_shared>> -> memref<10112x128xf32, #tpu.memory_space<vmem_shared>>
      tpu.wait_indirect_dma semaphore(%run_scoped3A_291 : memref<!tpu.dma_semaphore, #tpu.memory_space<semaphore_mem>>) src(%arg11 : memref<64x128xf32, #tpu.memory_space<vmem>>) dst(%dma_wait3A_303 : memref<10112x128xf32, #tpu.memory_space<vmem_shared>>)
      tpu.yield
    }) : () -> ()
    "tpu.region"() ({
      %run_scoped3A_291 = tpu.sem_alloc : memref<!tpu.dma_semaphore, #tpu.memory_space<semaphore_mem>>
      %dma_start3A_292 = arith.constant 40 : i32
      %dma_start3A_293 = arith.constant 0 : i32
      %dma_start3A_294 = tpu.memref_slice %arg2[%add3A, %dma_start3A_292, %dma_start3A_293] : memref<32x160x64xi32, #tpu.memory_space<hbm>> -> memref<1x40x64xi32, #tpu.memory_space<hbm>>
      %dma_start3A_295 = tpu.memref_squeeze %dma_start3A_294 : memref<1x40x64xi32, #tpu.memory_space<hbm>> -> memref<40x64xi32, #tpu.memory_space<hbm>>
      %dma_start3A_296 = arith.constant 40 : i32
      %dma_start3A_297 = arith.constant 0 : i32
      %dma_start3A_298 = tpu.memref_slice %arg2[%add3A, %dma_start3A_296, %dma_start3A_297] : memref<32x160x64xi32, #tpu.memory_space<hbm>> -> memref<1x40x64xi32, #tpu.memory_space<hbm>>
      %dma_start3A_299 = tpu.memref_squeeze %dma_start3A_298 : memref<1x40x64xi32, #tpu.memory_space<hbm>> -> memref<40x64xi32, #tpu.memory_space<hbm>>
      tpu.enqueue_dma source(%dma_start3A_299 : memref<40x64xi32, #tpu.memory_space<hbm>>) target(%arg6 : memref<40x64xi32, #tpu.memory_space<vmem>>) target_semaphore(%run_scoped3A_291 : memref<!tpu.dma_semaphore, #tpu.memory_space<semaphore_mem>>)
      %dma_wait3A_300 = arith.constant 40 : i32
      %dma_wait3A_301 = arith.constant 0 : i32
      %dma_wait3A_302 = tpu.memref_slice %arg2[%add3A, %dma_wait3A_300, %dma_wait3A_301] : memref<32x160x64xi32, #tpu.memory_space<hbm>> -> memref<1x40x64xi32, #tpu.memory_space<hbm>>
      %dma_wait3A_303 = tpu.memref_squeeze %dma_wait3A_302 : memref<1x40x64xi32, #tpu.memory_space<hbm>> -> memref<40x64xi32, #tpu.memory_space<hbm>>
      %dma_wait3A_304 = arith.constant 40 : i32
      %dma_wait3A_305 = arith.constant 0 : i32
      %dma_wait3A_306 = tpu.memref_slice %arg2[%add3A, %dma_wait3A_304, %dma_wait3A_305] : memref<32x160x64xi32, #tpu.memory_space<hbm>> -> memref<1x40x64xi32, #tpu.memory_space<hbm>>
      %dma_wait3A_307 = tpu.memref_squeeze %dma_wait3A_306 : memref<1x40x64xi32, #tpu.memory_space<hbm>> -> memref<40x64xi32, #tpu.memory_space<hbm>>
      tpu.wait_dma2 semaphore(%run_scoped3A_291 : memref<!tpu.dma_semaphore, #tpu.memory_space<semaphore_mem>>) src(%dma_wait3A_307 : memref<40x64xi32, #tpu.memory_space<hbm>>) dst(%arg6 : memref<40x64xi32, #tpu.memory_space<vmem>>)
      tpu.yield
    }) : () -> ()
    "tpu.region"() ({
      %run_scoped3A_291 = tpu.sem_alloc : memref<!tpu.dma_semaphore, #tpu.memory_space<semaphore_mem>>
      %dma_start3A_292 = arith.constant 40 : i32
      %dma_start3A_293 = arith.constant 0 : i32
      %dma_start3A_294 = tpu.memref_slice %arg3[%add3A, %dma_start3A_292, %dma_start3A_293] : memref<32x160x64xi32, #tpu.memory_space<hbm>> -> memref<1x40x64xi32, #tpu.memory_space<hbm>>
      %dma_start3A_295 = tpu.memref_squeeze %dma_start3A_294 : memref<1x40x64xi32, #tpu.memory_space<hbm>> -> memref<40x64xi32, #tpu.memory_space<hbm>>
      %dma_start3A_296 = arith.constant 40 : i32
      %dma_start3A_297 = arith.constant 0 : i32
      %dma_start3A_298 = tpu.memref_slice %arg3[%add3A, %dma_start3A_296, %dma_start3A_297] : memref<32x160x64xi32, #tpu.memory_space<hbm>> -> memref<1x40x64xi32, #tpu.memory_space<hbm>>
      %dma_start3A_299 = tpu.memref_squeeze %dma_start3A_298 : memref<1x40x64xi32, #tpu.memory_space<hbm>> -> memref<40x64xi32, #tpu.memory_space<hbm>>
      tpu.enqueue_dma source(%dma_start3A_299 : memref<40x64xi32, #tpu.memory_space<hbm>>) target(%arg7 : memref<40x64xi32, #tpu.memory_space<vmem>>) target_semaphore(%run_scoped3A_291 : memref<!tpu.dma_semaphore, #tpu.memory_space<semaphore_mem>>)
      %dma_wait3A_300 = arith.constant 40 : i32
      %dma_wait3A_301 = arith.constant 0 : i32
      %dma_wait3A_302 = tpu.memref_slice %arg3[%add3A, %dma_wait3A_300, %dma_wait3A_301] : memref<32x160x64xi32, #tpu.memory_space<hbm>> -> memref<1x40x64xi32, #tpu.memory_space<hbm>>
      %dma_wait3A_303 = tpu.memref_squeeze %dma_wait3A_302 : memref<1x40x64xi32, #tpu.memory_space<hbm>> -> memref<40x64xi32, #tpu.memory_space<hbm>>
      %dma_wait3A_304 = arith.constant 40 : i32
      %dma_wait3A_305 = arith.constant 0 : i32
      %dma_wait3A_306 = tpu.memref_slice %arg3[%add3A, %dma_wait3A_304, %dma_wait3A_305] : memref<32x160x64xi32, #tpu.memory_space<hbm>> -> memref<1x40x64xi32, #tpu.memory_space<hbm>>
      %dma_wait3A_307 = tpu.memref_squeeze %dma_wait3A_306 : memref<1x40x64xi32, #tpu.memory_space<hbm>> -> memref<40x64xi32, #tpu.memory_space<hbm>>
      tpu.wait_dma2 semaphore(%run_scoped3A_291 : memref<!tpu.dma_semaphore, #tpu.memory_space<semaphore_mem>>) src(%dma_wait3A_307 : memref<40x64xi32, #tpu.memory_space<hbm>>) dst(%arg7 : memref<40x64xi32, #tpu.memory_space<vmem>>)
      tpu.yield
    }) : () -> ()
    %dma_start3A_92 = arith.constant 0 : i32
    %dma_start3A_93 = arith.constant 0 : i32
    %dma_start3A_94 = tpu.memref_slice %arg6[%dma_start3A_92, %dma_start3A_93] : memref<40x64xi32, #tpu.memory_space<vmem>> -> memref<1x64xi32, #tpu.memory_space<vmem>>
    %dma_start3A_95 = tpu.memref_squeeze %dma_start3A_94 : memref<1x64xi32, #tpu.memory_space<vmem>> -> memref<64xi32, #tpu.memory_space<vmem>>
    %dma_start3A_96 = arith.constant 0 : i32
    %dma_start3A_97 = arith.constant 0 : i32
    %dma_start3A_98 = tpu.memref_slice %arg4[%dma_start3A_96, %dma_start3A_97] : memref<10000x128xf32, #tpu.memory_space<hbm>> -> memref<10000x128xf32, #tpu.memory_space<hbm>>
    tpu.enqueue_indirect_dma source(%dma_start3A_98 : memref<10000x128xf32, #tpu.memory_space<hbm>>) target(%arg8 : memref<64x128xf32, #tpu.memory_space<vmem>>) offsets(%dma_start3A_95 : memref<64xi32, #tpu.memory_space<vmem>>) semaphore(%arg13 : memref<!tpu.dma_semaphore, #tpu.memory_space<semaphore_mem>>)
    %dma_start3A_99 = arith.constant 1 : i32
    %dma_start3A_100 = arith.constant 0 : i32
    %dma_start3A_101 = tpu.memref_slice %arg6[%dma_start3A_99, %dma_start3A_100] : memref<40x64xi32, #tpu.memory_space<vmem>> -> memref<1x64xi32, #tpu.memory_space<vmem>>
    %dma_start3A_102 = tpu.memref_squeeze %dma_start3A_101 : memref<1x64xi32, #tpu.memory_space<vmem>> -> memref<64xi32, #tpu.memory_space<vmem>>
    %dma_start3A_103 = arith.constant 0 : i32
    %dma_start3A_104 = arith.constant 0 : i32
    %dma_start3A_105 = tpu.memref_slice %arg4[%dma_start3A_103, %dma_start3A_104] : memref<10000x128xf32, #tpu.memory_space<hbm>> -> memref<10000x128xf32, #tpu.memory_space<hbm>>
    tpu.enqueue_indirect_dma source(%dma_start3A_105 : memref<10000x128xf32, #tpu.memory_space<hbm>>) target(%arg9 : memref<64x128xf32, #tpu.memory_space<vmem>>) offsets(%dma_start3A_102 : memref<64xi32, #tpu.memory_space<vmem>>) semaphore(%arg14 : memref<!tpu.dma_semaphore, #tpu.memory_space<semaphore_mem>>)
    %dma_start3A_106 = arith.constant 2 : i32
    %dma_start3A_107 = arith.constant 0 : i32
    %dma_start3A_108 = tpu.memref_slice %arg6[%dma_start3A_106, %dma_start3A_107] : memref<40x64xi32, #tpu.memory_space<vmem>> -> memref<1x64xi32, #tpu.memory_space<vmem>>
    %dma_start3A_109 = tpu.memref_squeeze %dma_start3A_108 : memref<1x64xi32, #tpu.memory_space<vmem>> -> memref<64xi32, #tpu.memory_space<vmem>>
    %dma_start3A_110 = arith.constant 0 : i32
    %dma_start3A_111 = arith.constant 0 : i32
    %dma_start3A_112 = tpu.memref_slice %arg4[%dma_start3A_110, %dma_start3A_111] : memref<10000x128xf32, #tpu.memory_space<hbm>> -> memref<10000x128xf32, #tpu.memory_space<hbm>>
    tpu.enqueue_indirect_dma source(%dma_start3A_112 : memref<10000x128xf32, #tpu.memory_space<hbm>>) target(%arg10 : memref<64x128xf32, #tpu.memory_space<vmem>>) offsets(%dma_start3A_109 : memref<64xi32, #tpu.memory_space<vmem>>) semaphore(%arg15 : memref<!tpu.dma_semaphore, #tpu.memory_space<semaphore_mem>>)
    %scan3A_113 = arith.constant 0 : i32
    %scan3A_114 = arith.constant 0 : i32
    %scan3A_115 = arith.constant 9 : i32
    %scan3A_116 = arith.addi %scan3A_114, %scan3A_115 : i32
    %scan3A_117 = arith.constant 1 : i32
    scf.for %scan3A_291 = %scan3A_114 to %scan3A_116 step %scan3A_117  : i32 {
      %mul3A_292 = arith.constant 4 : i32
      %mul3A_293 = arith.muli %mul3A_292, %scan3A_291 : i32
      %add3A_294 = arith.constant 0 : i32
      %add3A_295 = arith.addi %mul3A_293, %add3A_294 : i32
      %dma_wait3A_296 = arith.constant 0 : i32
      %dma_wait3A_297 = tpu.memref_slice %arg6[%add3A_295, %dma_wait3A_296] : memref<40x64xi32, #tpu.memory_space<vmem>> -> memref<1x64xi32, #tpu.memory_space<vmem>>
      %dma_wait3A_298 = tpu.memref_squeeze %dma_wait3A_297 : memref<1x64xi32, #tpu.memory_space<vmem>> -> memref<64xi32, #tpu.memory_space<vmem>>
      %dma_wait3A_299 = arith.constant 0 : i32
      %dma_wait3A_300 = arith.constant 0 : i32
      %dma_wait3A_301 = tpu.memref_slice %arg4[%dma_wait3A_299, %dma_wait3A_300] : memref<10000x128xf32, #tpu.memory_space<hbm>> -> memref<10000x128xf32, #tpu.memory_space<hbm>>
      tpu.wait_indirect_dma semaphore(%arg13 : memref<!tpu.dma_semaphore, #tpu.memory_space<semaphore_mem>>) src(%dma_wait3A_301 : memref<10000x128xf32, #tpu.memory_space<hbm>>) dst(%arg8 : memref<64x128xf32, #tpu.memory_space<vmem>>)
      %add3A_302 = arith.constant 4 : i32
      %add3A_303 = arith.addi %add3A_295, %add3A_302 : i32
      %sub3A = arith.constant 1 : i32
      %sub3A_304 = arith.subi %add3A_303, %sub3A : i32
      %dma_start3A_305 = arith.constant 0 : i32
      %dma_start3A_306 = tpu.memref_slice %arg6[%sub3A_304, %dma_start3A_305] : memref<40x64xi32, #tpu.memory_space<vmem>> -> memref<1x64xi32, #tpu.memory_space<vmem>>
      %dma_start3A_307 = tpu.memref_squeeze %dma_start3A_306 : memref<1x64xi32, #tpu.memory_space<vmem>> -> memref<64xi32, #tpu.memory_space<vmem>>
      %dma_start3A_308 = arith.constant 0 : i32
      %dma_start3A_309 = arith.constant 0 : i32
      %dma_start3A_310 = tpu.memref_slice %arg4[%dma_start3A_308, %dma_start3A_309] : memref<10000x128xf32, #tpu.memory_space<hbm>> -> memref<10000x128xf32, #tpu.memory_space<hbm>>
      tpu.enqueue_indirect_dma source(%dma_start3A_310 : memref<10000x128xf32, #tpu.memory_space<hbm>>) target(%arg11 : memref<64x128xf32, #tpu.memory_space<vmem>>) offsets(%dma_start3A_307 : memref<64xi32, #tpu.memory_space<vmem>>) semaphore(%arg16 : memref<!tpu.dma_semaphore, #tpu.memory_space<semaphore_mem>>)
      "tpu.region"() ({
        %run_scoped3A_371 = tpu.sem_alloc : memref<!tpu.dma_semaphore, #tpu.memory_space<semaphore_mem>>
        %dma_start3A_372 = arith.constant 0 : i32
        %dma_start3A_373 = tpu.memref_slice %arg7[%add3A_295, %dma_start3A_372] : memref<40x64xi32, #tpu.memory_space<vmem>> -> memref<1x64xi32, #tpu.memory_space<vmem>>
        %dma_start3A_374 = tpu.memref_squeeze %dma_start3A_373 : memref<1x64xi32, #tpu.memory_space<vmem>> -> memref<64xi32, #tpu.memory_space<vmem>>
        %dma_start3A_375 = arith.constant 0 : i32
        %dma_start3A_376 = arith.constant 0 : i32
        %dma_start3A_377 = tpu.memref_slice %arg12[%dma_start3A_375, %dma_start3A_376] : memref<10112x128xf32, #tpu.memory_space<vmem_shared>> -> memref<10112x128xf32, #tpu.memory_space<vmem_shared>>
        tpu.enqueue_indirect_dma source(%arg8 : memref<64x128xf32, #tpu.memory_space<vmem>>) target(%dma_start3A_377 : memref<10112x128xf32, #tpu.memory_space<vmem_shared>>) offsets(%dma_start3A_374 : memref<64xi32, #tpu.memory_space<vmem>>) semaphore(%run_scoped3A_371 : memref<!tpu.dma_semaphore, #tpu.memory_space<semaphore_mem>>) {add = true}
        %dma_wait3A_378 = arith.constant 0 : i32
        %dma_wait3A_379 = tpu.memref_slice %arg7[%add3A_295, %dma_wait3A_378] : memref<40x64xi32, #tpu.memory_space<vmem>> -> memref<1x64xi32, #tpu.memory_space<vmem>>
        %dma_wait3A_380 = tpu.memref_squeeze %dma_wait3A_379 : memref<1x64xi32, #tpu.memory_space<vmem>> -> memref<64xi32, #tpu.memory_space<vmem>>
        %dma_wait3A_381 = arith.constant 0 : i32
        %dma_wait3A_382 = arith.constant 0 : i32
        %dma_wait3A_383 = tpu.memref_slice %arg12[%dma_wait3A_381, %dma_wait3A_382] : memref<10112x128xf32, #tpu.memory_space<vmem_shared>> -> memref<10112x128xf32, #tpu.memory_space<vmem_shared>>
        tpu.wait_indirect_dma semaphore(%run_scoped3A_371 : memref<!tpu.dma_semaphore, #tpu.memory_space<semaphore_mem>>) src(%arg8 : memref<64x128xf32, #tpu.memory_space<vmem>>) dst(%dma_wait3A_383 : memref<10112x128xf32, #tpu.memory_space<vmem_shared>>)
        tpu.yield
      }) : () -> ()
      %mul3A_311 = arith.constant 4 : i32
      %mul3A_312 = arith.muli %mul3A_311, %scan3A_291 : i32
      %add3A_313 = arith.constant 1 : i32
      %add3A_314 = arith.addi %mul3A_312, %add3A_313 : i32
      %dma_wait3A_315 = arith.constant 0 : i32
      %dma_wait3A_316 = tpu.memref_slice %arg6[%add3A_314, %dma_wait3A_315] : memref<40x64xi32, #tpu.memory_space<vmem>> -> memref<1x64xi32, #tpu.memory_space<vmem>>
      %dma_wait3A_317 = tpu.memref_squeeze %dma_wait3A_316 : memref<1x64xi32, #tpu.memory_space<vmem>> -> memref<64xi32, #tpu.memory_space<vmem>>
      %dma_wait3A_318 = arith.constant 0 : i32
      %dma_wait3A_319 = arith.constant 0 : i32
      %dma_wait3A_320 = tpu.memref_slice %arg4[%dma_wait3A_318, %dma_wait3A_319] : memref<10000x128xf32, #tpu.memory_space<hbm>> -> memref<10000x128xf32, #tpu.memory_space<hbm>>
      tpu.wait_indirect_dma semaphore(%arg14 : memref<!tpu.dma_semaphore, #tpu.memory_space<semaphore_mem>>) src(%dma_wait3A_320 : memref<10000x128xf32, #tpu.memory_space<hbm>>) dst(%arg9 : memref<64x128xf32, #tpu.memory_space<vmem>>)
      %add3A_321 = arith.constant 4 : i32
      %add3A_322 = arith.addi %add3A_314, %add3A_321 : i32
      %sub3A_323 = arith.constant 1 : i32
      %sub3A_324 = arith.subi %add3A_322, %sub3A_323 : i32
      %dma_start3A_325 = arith.constant 0 : i32
      %dma_start3A_326 = tpu.memref_slice %arg6[%sub3A_324, %dma_start3A_325] : memref<40x64xi32, #tpu.memory_space<vmem>> -> memref<1x64xi32, #tpu.memory_space<vmem>>
      %dma_start3A_327 = tpu.memref_squeeze %dma_start3A_326 : memref<1x64xi32, #tpu.memory_space<vmem>> -> memref<64xi32, #tpu.memory_space<vmem>>
      %dma_start3A_328 = arith.constant 0 : i32
      %dma_start3A_329 = arith.constant 0 : i32
      %dma_start3A_330 = tpu.memref_slice %arg4[%dma_start3A_328, %dma_start3A_329] : memref<10000x128xf32, #tpu.memory_space<hbm>> -> memref<10000x128xf32, #tpu.memory_space<hbm>>
      tpu.enqueue_indirect_dma source(%dma_start3A_330 : memref<10000x128xf32, #tpu.memory_space<hbm>>) target(%arg8 : memref<64x128xf32, #tpu.memory_space<vmem>>) offsets(%dma_start3A_327 : memref<64xi32, #tpu.memory_space<vmem>>) semaphore(%arg13 : memref<!tpu.dma_semaphore, #tpu.memory_space<semaphore_mem>>)
      "tpu.region"() ({
        %run_scoped3A_371 = tpu.sem_alloc : memref<!tpu.dma_semaphore, #tpu.memory_space<semaphore_mem>>
        %dma_start3A_372 = arith.constant 0 : i32
        %dma_start3A_373 = tpu.memref_slice %arg7[%add3A_314, %dma_start3A_372] : memref<40x64xi32, #tpu.memory_space<vmem>> -> memref<1x64xi32, #tpu.memory_space<vmem>>
        %dma_start3A_374 = tpu.memref_squeeze %dma_start3A_373 : memref<1x64xi32, #tpu.memory_space<vmem>> -> memref<64xi32, #tpu.memory_space<vmem>>
        %dma_start3A_375 = arith.constant 0 : i32
        %dma_start3A_376 = arith.constant 0 : i32
        %dma_start3A_377 = tpu.memref_slice %arg12[%dma_start3A_375, %dma_start3A_376] : memref<10112x128xf32, #tpu.memory_space<vmem_shared>> -> memref<10112x128xf32, #tpu.memory_space<vmem_shared>>
        tpu.enqueue_indirect_dma source(%arg9 : memref<64x128xf32, #tpu.memory_space<vmem>>) target(%dma_start3A_377 : memref<10112x128xf32, #tpu.memory_space<vmem_shared>>) offsets(%dma_start3A_374 : memref<64xi32, #tpu.memory_space<vmem>>) semaphore(%run_scoped3A_371 : memref<!tpu.dma_semaphore, #tpu.memory_space<semaphore_mem>>) {add = true}
        %dma_wait3A_378 = arith.constant 0 : i32
        %dma_wait3A_379 = tpu.memref_slice %arg7[%add3A_314, %dma_wait3A_378] : memref<40x64xi32, #tpu.memory_space<vmem>> -> memref<1x64xi32, #tpu.memory_space<vmem>>
        %dma_wait3A_380 = tpu.memref_squeeze %dma_wait3A_379 : memref<1x64xi32, #tpu.memory_space<vmem>> -> memref<64xi32, #tpu.memory_space<vmem>>
        %dma_wait3A_381 = arith.constant 0 : i32
        %dma_wait3A_382 = arith.constant 0 : i32
        %dma_wait3A_383 = tpu.memref_slice %arg12[%dma_wait3A_381, %dma_wait3A_382] : memref<10112x128xf32, #tpu.memory_space<vmem_shared>> -> memref<10112x128xf32, #tpu.memory_space<vmem_shared>>
        tpu.wait_indirect_dma semaphore(%run_scoped3A_371 : memref<!tpu.dma_semaphore, #tpu.memory_space<semaphore_mem>>) src(%arg9 : memref<64x128xf32, #tpu.memory_space<vmem>>) dst(%dma_wait3A_383 : memref<10112x128xf32, #tpu.memory_space<vmem_shared>>)
        tpu.yield
      }) : () -> ()
      %mul3A_331 = arith.constant 4 : i32
      %mul3A_332 = arith.muli %mul3A_331, %scan3A_291 : i32
      %add3A_333 = arith.constant 2 : i32
      %add3A_334 = arith.addi %mul3A_332, %add3A_333 : i32
      %dma_wait3A_335 = arith.constant 0 : i32
      %dma_wait3A_336 = tpu.memref_slice %arg6[%add3A_334, %dma_wait3A_335] : memref<40x64xi32, #tpu.memory_space<vmem>> -> memref<1x64xi32, #tpu.memory_space<vmem>>
      %dma_wait3A_337 = tpu.memref_squeeze %dma_wait3A_336 : memref<1x64xi32, #tpu.memory_space<vmem>> -> memref<64xi32, #tpu.memory_space<vmem>>
      %dma_wait3A_338 = arith.constant 0 : i32
      %dma_wait3A_339 = arith.constant 0 : i32
      %dma_wait3A_340 = tpu.memref_slice %arg4[%dma_wait3A_338, %dma_wait3A_339] : memref<10000x128xf32, #tpu.memory_space<hbm>> -> memref<10000x128xf32, #tpu.memory_space<hbm>>
      tpu.wait_indirect_dma semaphore(%arg15 : memref<!tpu.dma_semaphore, #tpu.memory_space<semaphore_mem>>) src(%dma_wait3A_340 : memref<10000x128xf32, #tpu.memory_space<hbm>>) dst(%arg10 : memref<64x128xf32, #tpu.memory_space<vmem>>)
      %add3A_341 = arith.constant 4 : i32
      %add3A_342 = arith.addi %add3A_334, %add3A_341 : i32
      %sub3A_343 = arith.constant 1 : i32
      %sub3A_344 = arith.subi %add3A_342, %sub3A_343 : i32
      %dma_start3A_345 = arith.constant 0 : i32
      %dma_start3A_346 = tpu.memref_slice %arg6[%sub3A_344, %dma_start3A_345] : memref<40x64xi32, #tpu.memory_space<vmem>> -> memref<1x64xi32, #tpu.memory_space<vmem>>
      %dma_start3A_347 = tpu.memref_squeeze %dma_start3A_346 : memref<1x64xi32, #tpu.memory_space<vmem>> -> memref<64xi32, #tpu.memory_space<vmem>>
      %dma_start3A_348 = arith.constant 0 : i32
      %dma_start3A_349 = arith.constant 0 : i32
      %dma_start3A_350 = tpu.memref_slice %arg4[%dma_start3A_348, %dma_start3A_349] : memref<10000x128xf32, #tpu.memory_space<hbm>> -> memref<10000x128xf32, #tpu.memory_space<hbm>>
      tpu.enqueue_indirect_dma source(%dma_start3A_350 : memref<10000x128xf32, #tpu.memory_space<hbm>>) target(%arg9 : memref<64x128xf32, #tpu.memory_space<vmem>>) offsets(%dma_start3A_347 : memref<64xi32, #tpu.memory_space<vmem>>) semaphore(%arg14 : memref<!tpu.dma_semaphore, #tpu.memory_space<semaphore_mem>>)
      "tpu.region"() ({
        %run_scoped3A_371 = tpu.sem_alloc : memref<!tpu.dma_semaphore, #tpu.memory_space<semaphore_mem>>
        %dma_start3A_372 = arith.constant 0 : i32
        %dma_start3A_373 = tpu.memref_slice %arg7[%add3A_334, %dma_start3A_372] : memref<40x64xi32, #tpu.memory_space<vmem>> -> memref<1x64xi32, #tpu.memory_space<vmem>>
        %dma_start3A_374 = tpu.memref_squeeze %dma_start3A_373 : memref<1x64xi32, #tpu.memory_space<vmem>> -> memref<64xi32, #tpu.memory_space<vmem>>
        %dma_start3A_375 = arith.constant 0 : i32
        %dma_start3A_376 = arith.constant 0 : i32
        %dma_start3A_377 = tpu.memref_slice %arg12[%dma_start3A_375, %dma_start3A_376] : memref<10112x128xf32, #tpu.memory_space<vmem_shared>> -> memref<10112x128xf32, #tpu.memory_space<vmem_shared>>
        tpu.enqueue_indirect_dma source(%arg10 : memref<64x128xf32, #tpu.memory_space<vmem>>) target(%dma_start3A_377 : memref<10112x128xf32, #tpu.memory_space<vmem_shared>>) offsets(%dma_start3A_374 : memref<64xi32, #tpu.memory_space<vmem>>) semaphore(%run_scoped3A_371 : memref<!tpu.dma_semaphore, #tpu.memory_space<semaphore_mem>>) {add = true}
        %dma_wait3A_378 = arith.constant 0 : i32
        %dma_wait3A_379 = tpu.memref_slice %arg7[%add3A_334, %dma_wait3A_378] : memref<40x64xi32, #tpu.memory_space<vmem>> -> memref<1x64xi32, #tpu.memory_space<vmem>>
        %dma_wait3A_380 = tpu.memref_squeeze %dma_wait3A_379 : memref<1x64xi32, #tpu.memory_space<vmem>> -> memref<64xi32, #tpu.memory_space<vmem>>
        %dma_wait3A_381 = arith.constant 0 : i32
        %dma_wait3A_382 = arith.constant 0 : i32
        %dma_wait3A_383 = tpu.memref_slice %arg12[%dma_wait3A_381, %dma_wait3A_382] : memref<10112x128xf32, #tpu.memory_space<vmem_shared>> -> memref<10112x128xf32, #tpu.memory_space<vmem_shared>>
        tpu.wait_indirect_dma semaphore(%run_scoped3A_371 : memref<!tpu.dma_semaphore, #tpu.memory_space<semaphore_mem>>) src(%arg10 : memref<64x128xf32, #tpu.memory_space<vmem>>) dst(%dma_wait3A_383 : memref<10112x128xf32, #tpu.memory_space<vmem_shared>>)
        tpu.yield
      }) : () -> ()
      %mul3A_351 = arith.constant 4 : i32
      %mul3A_352 = arith.muli %mul3A_351, %scan3A_291 : i32
      %add3A_353 = arith.constant 3 : i32
      %add3A_354 = arith.addi %mul3A_352, %add3A_353 : i32
      %dma_wait3A_355 = arith.constant 0 : i32
      %dma_wait3A_356 = tpu.memref_slice %arg6[%add3A_354, %dma_wait3A_355] : memref<40x64xi32, #tpu.memory_space<vmem>> -> memref<1x64xi32, #tpu.memory_space<vmem>>
      %dma_wait3A_357 = tpu.memref_squeeze %dma_wait3A_356 : memref<1x64xi32, #tpu.memory_space<vmem>> -> memref<64xi32, #tpu.memory_space<vmem>>
      %dma_wait3A_358 = arith.constant 0 : i32
      %dma_wait3A_359 = arith.constant 0 : i32
      %dma_wait3A_360 = tpu.memref_slice %arg4[%dma_wait3A_358, %dma_wait3A_359] : memref<10000x128xf32, #tpu.memory_space<hbm>> -> memref<10000x128xf32, #tpu.memory_space<hbm>>
      tpu.wait_indirect_dma semaphore(%arg16 : memref<!tpu.dma_semaphore, #tpu.memory_space<semaphore_mem>>) src(%dma_wait3A_360 : memref<10000x128xf32, #tpu.memory_space<hbm>>) dst(%arg11 : memref<64x128xf32, #tpu.memory_space<vmem>>)
      %add3A_361 = arith.constant 4 : i32
      %add3A_362 = arith.addi %add3A_354, %add3A_361 : i32
      %sub3A_363 = arith.constant 1 : i32
      %sub3A_364 = arith.subi %add3A_362, %sub3A_363 : i32
      %dma_start3A_365 = arith.constant 0 : i32
      %dma_start3A_366 = tpu.memref_slice %arg6[%sub3A_364, %dma_start3A_365] : memref<40x64xi32, #tpu.memory_space<vmem>> -> memref<1x64xi32, #tpu.memory_space<vmem>>
      %dma_start3A_367 = tpu.memref_squeeze %dma_start3A_366 : memref<1x64xi32, #tpu.memory_space<vmem>> -> memref<64xi32, #tpu.memory_space<vmem>>
      %dma_start3A_368 = arith.constant 0 : i32
      %dma_start3A_369 = arith.constant 0 : i32
      %dma_start3A_370 = tpu.memref_slice %arg4[%dma_start3A_368, %dma_start3A_369] : memref<10000x128xf32, #tpu.memory_space<hbm>> -> memref<10000x128xf32, #tpu.memory_space<hbm>>
      tpu.enqueue_indirect_dma source(%dma_start3A_370 : memref<10000x128xf32, #tpu.memory_space<hbm>>) target(%arg10 : memref<64x128xf32, #tpu.memory_space<vmem>>) offsets(%dma_start3A_367 : memref<64xi32, #tpu.memory_space<vmem>>) semaphore(%arg15 : memref<!tpu.dma_semaphore, #tpu.memory_space<semaphore_mem>>)
      "tpu.region"() ({
        %run_scoped3A_371 = tpu.sem_alloc : memref<!tpu.dma_semaphore, #tpu.memory_space<semaphore_mem>>
        %dma_start3A_372 = arith.constant 0 : i32
        %dma_start3A_373 = tpu.memref_slice %arg7[%add3A_354, %dma_start3A_372] : memref<40x64xi32, #tpu.memory_space<vmem>> -> memref<1x64xi32, #tpu.memory_space<vmem>>
        %dma_start3A_374 = tpu.memref_squeeze %dma_start3A_373 : memref<1x64xi32, #tpu.memory_space<vmem>> -> memref<64xi32, #tpu.memory_space<vmem>>
        %dma_start3A_375 = arith.constant 0 : i32
        %dma_start3A_376 = arith.constant 0 : i32
        %dma_start3A_377 = tpu.memref_slice %arg12[%dma_start3A_375, %dma_start3A_376] : memref<10112x128xf32, #tpu.memory_space<vmem_shared>> -> memref<10112x128xf32, #tpu.memory_space<vmem_shared>>
        tpu.enqueue_indirect_dma source(%arg11 : memref<64x128xf32, #tpu.memory_space<vmem>>) target(%dma_start3A_377 : memref<10112x128xf32, #tpu.memory_space<vmem_shared>>) offsets(%dma_start3A_374 : memref<64xi32, #tpu.memory_space<vmem>>) semaphore(%run_scoped3A_371 : memref<!tpu.dma_semaphore, #tpu.memory_space<semaphore_mem>>) {add = true}
        %dma_wait3A_378 = arith.constant 0 : i32
        %dma_wait3A_379 = tpu.memref_slice %arg7[%add3A_354, %dma_wait3A_378] : memref<40x64xi32, #tpu.memory_space<vmem>> -> memref<1x64xi32, #tpu.memory_space<vmem>>
        %dma_wait3A_380 = tpu.memref_squeeze %dma_wait3A_379 : memref<1x64xi32, #tpu.memory_space<vmem>> -> memref<64xi32, #tpu.memory_space<vmem>>
        %dma_wait3A_381 = arith.constant 0 : i32
        %dma_wait3A_382 = arith.constant 0 : i32
        %dma_wait3A_383 = tpu.memref_slice %arg12[%dma_wait3A_381, %dma_wait3A_382] : memref<10112x128xf32, #tpu.memory_space<vmem_shared>> -> memref<10112x128xf32, #tpu.memory_space<vmem_shared>>
        tpu.wait_indirect_dma semaphore(%run_scoped3A_371 : memref<!tpu.dma_semaphore, #tpu.memory_space<semaphore_mem>>) src(%arg11 : memref<64x128xf32, #tpu.memory_space<vmem>>) dst(%dma_wait3A_383 : memref<10112x128xf32, #tpu.memory_space<vmem_shared>>)
        tpu.yield
      }) : () -> ()
    }
    %scan3A_118 = arith.constant 9 : i32
    %dma_wait3A_119 = arith.constant 36 : i32
    %dma_wait3A_120 = arith.constant 0 : i32
    %dma_wait3A_121 = tpu.memref_slice %arg6[%dma_wait3A_119, %dma_wait3A_120] : memref<40x64xi32, #tpu.memory_space<vmem>> -> memref<1x64xi32, #tpu.memory_space<vmem>>
    %dma_wait3A_122 = tpu.memref_squeeze %dma_wait3A_121 : memref<1x64xi32, #tpu.memory_space<vmem>> -> memref<64xi32, #tpu.memory_space<vmem>>
    %dma_wait3A_123 = arith.constant 0 : i32
    %dma_wait3A_124 = arith.constant 0 : i32
    %dma_wait3A_125 = tpu.memref_slice %arg4[%dma_wait3A_123, %dma_wait3A_124] : memref<10000x128xf32, #tpu.memory_space<hbm>> -> memref<10000x128xf32, #tpu.memory_space<hbm>>
    tpu.wait_indirect_dma semaphore(%arg13 : memref<!tpu.dma_semaphore, #tpu.memory_space<semaphore_mem>>) src(%dma_wait3A_125 : memref<10000x128xf32, #tpu.memory_space<hbm>>) dst(%arg8 : memref<64x128xf32, #tpu.memory_space<vmem>>)
    %dma_start3A_126 = arith.constant 39 : i32
    %dma_start3A_127 = arith.constant 0 : i32
    %dma_start3A_128 = tpu.memref_slice %arg6[%dma_start3A_126, %dma_start3A_127] : memref<40x64xi32, #tpu.memory_space<vmem>> -> memref<1x64xi32, #tpu.memory_space<vmem>>
    %dma_start3A_129 = tpu.memref_squeeze %dma_start3A_128 : memref<1x64xi32, #tpu.memory_space<vmem>> -> memref<64xi32, #tpu.memory_space<vmem>>
    %dma_start3A_130 = arith.constant 0 : i32
    %dma_start3A_131 = arith.constant 0 : i32
    %dma_start3A_132 = tpu.memref_slice %arg4[%dma_start3A_130, %dma_start3A_131] : memref<10000x128xf32, #tpu.memory_space<hbm>> -> memref<10000x128xf32, #tpu.memory_space<hbm>>
    tpu.enqueue_indirect_dma source(%dma_start3A_132 : memref<10000x128xf32, #tpu.memory_space<hbm>>) target(%arg11 : memref<64x128xf32, #tpu.memory_space<vmem>>) offsets(%dma_start3A_129 : memref<64xi32, #tpu.memory_space<vmem>>) semaphore(%arg16 : memref<!tpu.dma_semaphore, #tpu.memory_space<semaphore_mem>>)
    %run_scoped3A_133 = arith.constant 36 : i32
    "tpu.region"() ({
      %run_scoped3A_291 = tpu.sem_alloc : memref<!tpu.dma_semaphore, #tpu.memory_space<semaphore_mem>>
      %dma_start3A_292 = arith.constant 0 : i32
      %dma_start3A_293 = tpu.memref_slice %arg7[%run_scoped3A_133, %dma_start3A_292] : memref<40x64xi32, #tpu.memory_space<vmem>> -> memref<1x64xi32, #tpu.memory_space<vmem>>
      %dma_start3A_294 = tpu.memref_squeeze %dma_start3A_293 : memref<1x64xi32, #tpu.memory_space<vmem>> -> memref<64xi32, #tpu.memory_space<vmem>>
      %dma_start3A_295 = arith.constant 0 : i32
      %dma_start3A_296 = arith.constant 0 : i32
      %dma_start3A_297 = tpu.memref_slice %arg12[%dma_start3A_295, %dma_start3A_296] : memref<10112x128xf32, #tpu.memory_space<vmem_shared>> -> memref<10112x128xf32, #tpu.memory_space<vmem_shared>>
      tpu.enqueue_indirect_dma source(%arg8 : memref<64x128xf32, #tpu.memory_space<vmem>>) target(%dma_start3A_297 : memref<10112x128xf32, #tpu.memory_space<vmem_shared>>) offsets(%dma_start3A_294 : memref<64xi32, #tpu.memory_space<vmem>>) semaphore(%run_scoped3A_291 : memref<!tpu.dma_semaphore, #tpu.memory_space<semaphore_mem>>) {add = true}
      %dma_wait3A_298 = arith.constant 0 : i32
      %dma_wait3A_299 = tpu.memref_slice %arg7[%run_scoped3A_133, %dma_wait3A_298] : memref<40x64xi32, #tpu.memory_space<vmem>> -> memref<1x64xi32, #tpu.memory_space<vmem>>
      %dma_wait3A_300 = tpu.memref_squeeze %dma_wait3A_299 : memref<1x64xi32, #tpu.memory_space<vmem>> -> memref<64xi32, #tpu.memory_space<vmem>>
      %dma_wait3A_301 = arith.constant 0 : i32
      %dma_wait3A_302 = arith.constant 0 : i32
      %dma_wait3A_303 = tpu.memref_slice %arg12[%dma_wait3A_301, %dma_wait3A_302] : memref<10112x128xf32, #tpu.memory_space<vmem_shared>> -> memref<10112x128xf32, #tpu.memory_space<vmem_shared>>
      tpu.wait_indirect_dma semaphore(%run_scoped3A_291 : memref<!tpu.dma_semaphore, #tpu.memory_space<semaphore_mem>>) src(%arg8 : memref<64x128xf32, #tpu.memory_space<vmem>>) dst(%dma_wait3A_303 : memref<10112x128xf32, #tpu.memory_space<vmem_shared>>)
      tpu.yield
    }) : () -> ()
    %dma_wait3A_134 = arith.constant 37 : i32
    %dma_wait3A_135 = arith.constant 0 : i32
    %dma_wait3A_136 = tpu.memref_slice %arg6[%dma_wait3A_134, %dma_wait3A_135] : memref<40x64xi32, #tpu.memory_space<vmem>> -> memref<1x64xi32, #tpu.memory_space<vmem>>
    %dma_wait3A_137 = tpu.memref_squeeze %dma_wait3A_136 : memref<1x64xi32, #tpu.memory_space<vmem>> -> memref<64xi32, #tpu.memory_space<vmem>>
    %dma_wait3A_138 = arith.constant 0 : i32
    %dma_wait3A_139 = arith.constant 0 : i32
    %dma_wait3A_140 = tpu.memref_slice %arg4[%dma_wait3A_138, %dma_wait3A_139] : memref<10000x128xf32, #tpu.memory_space<hbm>> -> memref<10000x128xf32, #tpu.memory_space<hbm>>
    tpu.wait_indirect_dma semaphore(%arg14 : memref<!tpu.dma_semaphore, #tpu.memory_space<semaphore_mem>>) src(%dma_wait3A_140 : memref<10000x128xf32, #tpu.memory_space<hbm>>) dst(%arg9 : memref<64x128xf32, #tpu.memory_space<vmem>>)
    %run_scoped3A_141 = arith.constant 37 : i32
    "tpu.region"() ({
      %run_scoped3A_291 = tpu.sem_alloc : memref<!tpu.dma_semaphore, #tpu.memory_space<semaphore_mem>>
      %dma_start3A_292 = arith.constant 0 : i32
      %dma_start3A_293 = tpu.memref_slice %arg7[%run_scoped3A_141, %dma_start3A_292] : memref<40x64xi32, #tpu.memory_space<vmem>> -> memref<1x64xi32, #tpu.memory_space<vmem>>
      %dma_start3A_294 = tpu.memref_squeeze %dma_start3A_293 : memref<1x64xi32, #tpu.memory_space<vmem>> -> memref<64xi32, #tpu.memory_space<vmem>>
      %dma_start3A_295 = arith.constant 0 : i32
      %dma_start3A_296 = arith.constant 0 : i32
      %dma_start3A_297 = tpu.memref_slice %arg12[%dma_start3A_295, %dma_start3A_296] : memref<10112x128xf32, #tpu.memory_space<vmem_shared>> -> memref<10112x128xf32, #tpu.memory_space<vmem_shared>>
      tpu.enqueue_indirect_dma source(%arg9 : memref<64x128xf32, #tpu.memory_space<vmem>>) target(%dma_start3A_297 : memref<10112x128xf32, #tpu.memory_space<vmem_shared>>) offsets(%dma_start3A_294 : memref<64xi32, #tpu.memory_space<vmem>>) semaphore(%run_scoped3A_291 : memref<!tpu.dma_semaphore, #tpu.memory_space<semaphore_mem>>) {add = true}
      %dma_wait3A_298 = arith.constant 0 : i32
      %dma_wait3A_299 = tpu.memref_slice %arg7[%run_scoped3A_141, %dma_wait3A_298] : memref<40x64xi32, #tpu.memory_space<vmem>> -> memref<1x64xi32, #tpu.memory_space<vmem>>
      %dma_wait3A_300 = tpu.memref_squeeze %dma_wait3A_299 : memref<1x64xi32, #tpu.memory_space<vmem>> -> memref<64xi32, #tpu.memory_space<vmem>>
      %dma_wait3A_301 = arith.constant 0 : i32
      %dma_wait3A_302 = arith.constant 0 : i32
      %dma_wait3A_303 = tpu.memref_slice %arg12[%dma_wait3A_301, %dma_wait3A_302] : memref<10112x128xf32, #tpu.memory_space<vmem_shared>> -> memref<10112x128xf32, #tpu.memory_space<vmem_shared>>
      tpu.wait_indirect_dma semaphore(%run_scoped3A_291 : memref<!tpu.dma_semaphore, #tpu.memory_space<semaphore_mem>>) src(%arg9 : memref<64x128xf32, #tpu.memory_space<vmem>>) dst(%dma_wait3A_303 : memref<10112x128xf32, #tpu.memory_space<vmem_shared>>)
      tpu.yield
    }) : () -> ()
    %dma_wait3A_142 = arith.constant 38 : i32
    %dma_wait3A_143 = arith.constant 0 : i32
    %dma_wait3A_144 = tpu.memref_slice %arg6[%dma_wait3A_142, %dma_wait3A_143] : memref<40x64xi32, #tpu.memory_space<vmem>> -> memref<1x64xi32, #tpu.memory_space<vmem>>
    %dma_wait3A_145 = tpu.memref_squeeze %dma_wait3A_144 : memref<1x64xi32, #tpu.memory_space<vmem>> -> memref<64xi32, #tpu.memory_space<vmem>>
    %dma_wait3A_146 = arith.constant 0 : i32
    %dma_wait3A_147 = arith.constant 0 : i32
    %dma_wait3A_148 = tpu.memref_slice %arg4[%dma_wait3A_146, %dma_wait3A_147] : memref<10000x128xf32, #tpu.memory_space<hbm>> -> memref<10000x128xf32, #tpu.memory_space<hbm>>
    tpu.wait_indirect_dma semaphore(%arg15 : memref<!tpu.dma_semaphore, #tpu.memory_space<semaphore_mem>>) src(%dma_wait3A_148 : memref<10000x128xf32, #tpu.memory_space<hbm>>) dst(%arg10 : memref<64x128xf32, #tpu.memory_space<vmem>>)
    %run_scoped3A_149 = arith.constant 38 : i32
    "tpu.region"() ({
      %run_scoped3A_291 = tpu.sem_alloc : memref<!tpu.dma_semaphore, #tpu.memory_space<semaphore_mem>>
      %dma_start3A_292 = arith.constant 0 : i32
      %dma_start3A_293 = tpu.memref_slice %arg7[%run_scoped3A_149, %dma_start3A_292] : memref<40x64xi32, #tpu.memory_space<vmem>> -> memref<1x64xi32, #tpu.memory_space<vmem>>
      %dma_start3A_294 = tpu.memref_squeeze %dma_start3A_293 : memref<1x64xi32, #tpu.memory_space<vmem>> -> memref<64xi32, #tpu.memory_space<vmem>>
      %dma_start3A_295 = arith.constant 0 : i32
      %dma_start3A_296 = arith.constant 0 : i32
      %dma_start3A_297 = tpu.memref_slice %arg12[%dma_start3A_295, %dma_start3A_296] : memref<10112x128xf32, #tpu.memory_space<vmem_shared>> -> memref<10112x128xf32, #tpu.memory_space<vmem_shared>>
      tpu.enqueue_indirect_dma source(%arg10 : memref<64x128xf32, #tpu.memory_space<vmem>>) target(%dma_start3A_297 : memref<10112x128xf32, #tpu.memory_space<vmem_shared>>) offsets(%dma_start3A_294 : memref<64xi32, #tpu.memory_space<vmem>>) semaphore(%run_scoped3A_291 : memref<!tpu.dma_semaphore, #tpu.memory_space<semaphore_mem>>) {add = true}
      %dma_wait3A_298 = arith.constant 0 : i32
      %dma_wait3A_299 = tpu.memref_slice %arg7[%run_scoped3A_149, %dma_wait3A_298] : memref<40x64xi32, #tpu.memory_space<vmem>> -> memref<1x64xi32, #tpu.memory_space<vmem>>
      %dma_wait3A_300 = tpu.memref_squeeze %dma_wait3A_299 : memref<1x64xi32, #tpu.memory_space<vmem>> -> memref<64xi32, #tpu.memory_space<vmem>>
      %dma_wait3A_301 = arith.constant 0 : i32
      %dma_wait3A_302 = arith.constant 0 : i32
      %dma_wait3A_303 = tpu.memref_slice %arg12[%dma_wait3A_301, %dma_wait3A_302] : memref<10112x128xf32, #tpu.memory_space<vmem_shared>> -> memref<10112x128xf32, #tpu.memory_space<vmem_shared>>
      tpu.wait_indirect_dma semaphore(%run_scoped3A_291 : memref<!tpu.dma_semaphore, #tpu.memory_space<semaphore_mem>>) src(%arg10 : memref<64x128xf32, #tpu.memory_space<vmem>>) dst(%dma_wait3A_303 : memref<10112x128xf32, #tpu.memory_space<vmem_shared>>)
      tpu.yield
    }) : () -> ()
    %dma_wait3A_150 = arith.constant 39 : i32
    %dma_wait3A_151 = arith.constant 0 : i32
    %dma_wait3A_152 = tpu.memref_slice %arg6[%dma_wait3A_150, %dma_wait3A_151] : memref<40x64xi32, #tpu.memory_space<vmem>> -> memref<1x64xi32, #tpu.memory_space<vmem>>
    %dma_wait3A_153 = tpu.memref_squeeze %dma_wait3A_152 : memref<1x64xi32, #tpu.memory_space<vmem>> -> memref<64xi32, #tpu.memory_space<vmem>>
    %dma_wait3A_154 = arith.constant 0 : i32
    %dma_wait3A_155 = arith.constant 0 : i32
    %dma_wait3A_156 = tpu.memref_slice %arg4[%dma_wait3A_154, %dma_wait3A_155] : memref<10000x128xf32, #tpu.memory_space<hbm>> -> memref<10000x128xf32, #tpu.memory_space<hbm>>
    tpu.wait_indirect_dma semaphore(%arg16 : memref<!tpu.dma_semaphore, #tpu.memory_space<semaphore_mem>>) src(%dma_wait3A_156 : memref<10000x128xf32, #tpu.memory_space<hbm>>) dst(%arg11 : memref<64x128xf32, #tpu.memory_space<vmem>>)
    %run_scoped3A_157 = arith.constant 39 : i32
    "tpu.region"() ({
      %run_scoped3A_291 = tpu.sem_alloc : memref<!tpu.dma_semaphore, #tpu.memory_space<semaphore_mem>>
      %dma_start3A_292 = arith.constant 0 : i32
      %dma_start3A_293 = tpu.memref_slice %arg7[%run_scoped3A_157, %dma_start3A_292] : memref<40x64xi32, #tpu.memory_space<vmem>> -> memref<1x64xi32, #tpu.memory_space<vmem>>
      %dma_start3A_294 = tpu.memref_squeeze %dma_start3A_293 : memref<1x64xi32, #tpu.memory_space<vmem>> -> memref<64xi32, #tpu.memory_space<vmem>>
      %dma_start3A_295 = arith.constant 0 : i32
      %dma_start3A_296 = arith.constant 0 : i32
      %dma_start3A_297 = tpu.memref_slice %arg12[%dma_start3A_295, %dma_start3A_296] : memref<10112x128xf32, #tpu.memory_space<vmem_shared>> -> memref<10112x128xf32, #tpu.memory_space<vmem_shared>>
      tpu.enqueue_indirect_dma source(%arg11 : memref<64x128xf32, #tpu.memory_space<vmem>>) target(%dma_start3A_297 : memref<10112x128xf32, #tpu.memory_space<vmem_shared>>) offsets(%dma_start3A_294 : memref<64xi32, #tpu.memory_space<vmem>>) semaphore(%run_scoped3A_291 : memref<!tpu.dma_semaphore, #tpu.memory_space<semaphore_mem>>) {add = true}
      %dma_wait3A_298 = arith.constant 0 : i32
      %dma_wait3A_299 = tpu.memref_slice %arg7[%run_scoped3A_157, %dma_wait3A_298] : memref<40x64xi32, #tpu.memory_space<vmem>> -> memref<1x64xi32, #tpu.memory_space<vmem>>
      %dma_wait3A_300 = tpu.memref_squeeze %dma_wait3A_299 : memref<1x64xi32, #tpu.memory_space<vmem>> -> memref<64xi32, #tpu.memory_space<vmem>>
      %dma_wait3A_301 = arith.constant 0 : i32
      %dma_wait3A_302 = arith.constant 0 : i32
      %dma_wait3A_303 = tpu.memref_slice %arg12[%dma_wait3A_301, %dma_wait3A_302] : memref<10112x128xf32, #tpu.memory_space<vmem_shared>> -> memref<10112x128xf32, #tpu.memory_space<vmem_shared>>
      tpu.wait_indirect_dma semaphore(%run_scoped3A_291 : memref<!tpu.dma_semaphore, #tpu.memory_space<semaphore_mem>>) src(%arg11 : memref<64x128xf32, #tpu.memory_space<vmem>>) dst(%dma_wait3A_303 : memref<10112x128xf32, #tpu.memory_space<vmem_shared>>)
      tpu.yield
    }) : () -> ()
    "tpu.region"() ({
      %run_scoped3A_291 = tpu.sem_alloc : memref<!tpu.dma_semaphore, #tpu.memory_space<semaphore_mem>>
      %dma_start3A_292 = arith.constant 80 : i32
      %dma_start3A_293 = arith.constant 0 : i32
      %dma_start3A_294 = tpu.memref_slice %arg2[%add3A, %dma_start3A_292, %dma_start3A_293] : memref<32x160x64xi32, #tpu.memory_space<hbm>> -> memref<1x40x64xi32, #tpu.memory_space<hbm>>
      %dma_start3A_295 = tpu.memref_squeeze %dma_start3A_294 : memref<1x40x64xi32, #tpu.memory_space<hbm>> -> memref<40x64xi32, #tpu.memory_space<hbm>>
      %dma_start3A_296 = arith.constant 80 : i32
      %dma_start3A_297 = arith.constant 0 : i32
      %dma_start3A_298 = tpu.memref_slice %arg2[%add3A, %dma_start3A_296, %dma_start3A_297] : memref<32x160x64xi32, #tpu.memory_space<hbm>> -> memref<1x40x64xi32, #tpu.memory_space<hbm>>
      %dma_start3A_299 = tpu.memref_squeeze %dma_start3A_298 : memref<1x40x64xi32, #tpu.memory_space<hbm>> -> memref<40x64xi32, #tpu.memory_space<hbm>>
      tpu.enqueue_dma source(%dma_start3A_299 : memref<40x64xi32, #tpu.memory_space<hbm>>) target(%arg6 : memref<40x64xi32, #tpu.memory_space<vmem>>) target_semaphore(%run_scoped3A_291 : memref<!tpu.dma_semaphore, #tpu.memory_space<semaphore_mem>>)
      %dma_wait3A_300 = arith.constant 80 : i32
      %dma_wait3A_301 = arith.constant 0 : i32
      %dma_wait3A_302 = tpu.memref_slice %arg2[%add3A, %dma_wait3A_300, %dma_wait3A_301] : memref<32x160x64xi32, #tpu.memory_space<hbm>> -> memref<1x40x64xi32, #tpu.memory_space<hbm>>
      %dma_wait3A_303 = tpu.memref_squeeze %dma_wait3A_302 : memref<1x40x64xi32, #tpu.memory_space<hbm>> -> memref<40x64xi32, #tpu.memory_space<hbm>>
      %dma_wait3A_304 = arith.constant 80 : i32
      %dma_wait3A_305 = arith.constant 0 : i32
      %dma_wait3A_306 = tpu.memref_slice %arg2[%add3A, %dma_wait3A_304, %dma_wait3A_305] : memref<32x160x64xi32, #tpu.memory_space<hbm>> -> memref<1x40x64xi32, #tpu.memory_space<hbm>>
      %dma_wait3A_307 = tpu.memref_squeeze %dma_wait3A_306 : memref<1x40x64xi32, #tpu.memory_space<hbm>> -> memref<40x64xi32, #tpu.memory_space<hbm>>
      tpu.wait_dma2 semaphore(%run_scoped3A_291 : memref<!tpu.dma_semaphore, #tpu.memory_space<semaphore_mem>>) src(%dma_wait3A_307 : memref<40x64xi32, #tpu.memory_space<hbm>>) dst(%arg6 : memref<40x64xi32, #tpu.memory_space<vmem>>)
      tpu.yield
    }) : () -> ()
    "tpu.region"() ({
      %run_scoped3A_291 = tpu.sem_alloc : memref<!tpu.dma_semaphore, #tpu.memory_space<semaphore_mem>>
      %dma_start3A_292 = arith.constant 80 : i32
      %dma_start3A_293 = arith.constant 0 : i32
      %dma_start3A_294 = tpu.memref_slice %arg3[%add3A, %dma_start3A_292, %dma_start3A_293] : memref<32x160x64xi32, #tpu.memory_space<hbm>> -> memref<1x40x64xi32, #tpu.memory_space<hbm>>
      %dma_start3A_295 = tpu.memref_squeeze %dma_start3A_294 : memref<1x40x64xi32, #tpu.memory_space<hbm>> -> memref<40x64xi32, #tpu.memory_space<hbm>>
      %dma_start3A_296 = arith.constant 80 : i32
      %dma_start3A_297 = arith.constant 0 : i32
      %dma_start3A_298 = tpu.memref_slice %arg3[%add3A, %dma_start3A_296, %dma_start3A_297] : memref<32x160x64xi32, #tpu.memory_space<hbm>> -> memref<1x40x64xi32, #tpu.memory_space<hbm>>
      %dma_start3A_299 = tpu.memref_squeeze %dma_start3A_298 : memref<1x40x64xi32, #tpu.memory_space<hbm>> -> memref<40x64xi32, #tpu.memory_space<hbm>>
      tpu.enqueue_dma source(%dma_start3A_299 : memref<40x64xi32, #tpu.memory_space<hbm>>) target(%arg7 : memref<40x64xi32, #tpu.memory_space<vmem>>) target_semaphore(%run_scoped3A_291 : memref<!tpu.dma_semaphore, #tpu.memory_space<semaphore_mem>>)
      %dma_wait3A_300 = arith.constant 80 : i32
      %dma_wait3A_301 = arith.constant 0 : i32
      %dma_wait3A_302 = tpu.memref_slice %arg3[%add3A, %dma_wait3A_300, %dma_wait3A_301] : memref<32x160x64xi32, #tpu.memory_space<hbm>> -> memref<1x40x64xi32, #tpu.memory_space<hbm>>
      %dma_wait3A_303 = tpu.memref_squeeze %dma_wait3A_302 : memref<1x40x64xi32, #tpu.memory_space<hbm>> -> memref<40x64xi32, #tpu.memory_space<hbm>>
      %dma_wait3A_304 = arith.constant 80 : i32
      %dma_wait3A_305 = arith.constant 0 : i32
      %dma_wait3A_306 = tpu.memref_slice %arg3[%add3A, %dma_wait3A_304, %dma_wait3A_305] : memref<32x160x64xi32, #tpu.memory_space<hbm>> -> memref<1x40x64xi32, #tpu.memory_space<hbm>>
      %dma_wait3A_307 = tpu.memref_squeeze %dma_wait3A_306 : memref<1x40x64xi32, #tpu.memory_space<hbm>> -> memref<40x64xi32, #tpu.memory_space<hbm>>
      tpu.wait_dma2 semaphore(%run_scoped3A_291 : memref<!tpu.dma_semaphore, #tpu.memory_space<semaphore_mem>>) src(%dma_wait3A_307 : memref<40x64xi32, #tpu.memory_space<hbm>>) dst(%arg7 : memref<40x64xi32, #tpu.memory_space<vmem>>)
      tpu.yield
    }) : () -> ()
    %dma_start3A_158 = arith.constant 0 : i32
    %dma_start3A_159 = arith.constant 0 : i32
    %dma_start3A_160 = tpu.memref_slice %arg6[%dma_start3A_158, %dma_start3A_159] : memref<40x64xi32, #tpu.memory_space<vmem>> -> memref<1x64xi32, #tpu.memory_space<vmem>>
    %dma_start3A_161 = tpu.memref_squeeze %dma_start3A_160 : memref<1x64xi32, #tpu.memory_space<vmem>> -> memref<64xi32, #tpu.memory_space<vmem>>
    %dma_start3A_162 = arith.constant 0 : i32
    %dma_start3A_163 = arith.constant 0 : i32
    %dma_start3A_164 = tpu.memref_slice %arg4[%dma_start3A_162, %dma_start3A_163] : memref<10000x128xf32, #tpu.memory_space<hbm>> -> memref<10000x128xf32, #tpu.memory_space<hbm>>
    tpu.enqueue_indirect_dma source(%dma_start3A_164 : memref<10000x128xf32, #tpu.memory_space<hbm>>) target(%arg8 : memref<64x128xf32, #tpu.memory_space<vmem>>) offsets(%dma_start3A_161 : memref<64xi32, #tpu.memory_space<vmem>>) semaphore(%arg13 : memref<!tpu.dma_semaphore, #tpu.memory_space<semaphore_mem>>)
    %dma_start3A_165 = arith.constant 1 : i32
    %dma_start3A_166 = arith.constant 0 : i32
    %dma_start3A_167 = tpu.memref_slice %arg6[%dma_start3A_165, %dma_start3A_166] : memref<40x64xi32, #tpu.memory_space<vmem>> -> memref<1x64xi32, #tpu.memory_space<vmem>>
    %dma_start3A_168 = tpu.memref_squeeze %dma_start3A_167 : memref<1x64xi32, #tpu.memory_space<vmem>> -> memref<64xi32, #tpu.memory_space<vmem>>
    %dma_start3A_169 = arith.constant 0 : i32
    %dma_start3A_170 = arith.constant 0 : i32
    %dma_start3A_171 = tpu.memref_slice %arg4[%dma_start3A_169, %dma_start3A_170] : memref<10000x128xf32, #tpu.memory_space<hbm>> -> memref<10000x128xf32, #tpu.memory_space<hbm>>
    tpu.enqueue_indirect_dma source(%dma_start3A_171 : memref<10000x128xf32, #tpu.memory_space<hbm>>) target(%arg9 : memref<64x128xf32, #tpu.memory_space<vmem>>) offsets(%dma_start3A_168 : memref<64xi32, #tpu.memory_space<vmem>>) semaphore(%arg14 : memref<!tpu.dma_semaphore, #tpu.memory_space<semaphore_mem>>)
    %dma_start3A_172 = arith.constant 2 : i32
    %dma_start3A_173 = arith.constant 0 : i32
    %dma_start3A_174 = tpu.memref_slice %arg6[%dma_start3A_172, %dma_start3A_173] : memref<40x64xi32, #tpu.memory_space<vmem>> -> memref<1x64xi32, #tpu.memory_space<vmem>>
    %dma_start3A_175 = tpu.memref_squeeze %dma_start3A_174 : memref<1x64xi32, #tpu.memory_space<vmem>> -> memref<64xi32, #tpu.memory_space<vmem>>
    %dma_start3A_176 = arith.constant 0 : i32
    %dma_start3A_177 = arith.constant 0 : i32
    %dma_start3A_178 = tpu.memref_slice %arg4[%dma_start3A_176, %dma_start3A_177] : memref<10000x128xf32, #tpu.memory_space<hbm>> -> memref<10000x128xf32, #tpu.memory_space<hbm>>
    tpu.enqueue_indirect_dma source(%dma_start3A_178 : memref<10000x128xf32, #tpu.memory_space<hbm>>) target(%arg10 : memref<64x128xf32, #tpu.memory_space<vmem>>) offsets(%dma_start3A_175 : memref<64xi32, #tpu.memory_space<vmem>>) semaphore(%arg15 : memref<!tpu.dma_semaphore, #tpu.memory_space<semaphore_mem>>)
    %scan3A_179 = arith.constant 0 : i32
    %scan3A_180 = arith.constant 0 : i32
    %scan3A_181 = arith.constant 9 : i32
    %scan3A_182 = arith.addi %scan3A_180, %scan3A_181 : i32
    %scan3A_183 = arith.constant 1 : i32
    scf.for %scan3A_291 = %scan3A_180 to %scan3A_182 step %scan3A_183  : i32 {
      %mul3A_292 = arith.constant 4 : i32
      %mul3A_293 = arith.muli %mul3A_292, %scan3A_291 : i32
      %add3A_294 = arith.constant 0 : i32
      %add3A_295 = arith.addi %mul3A_293, %add3A_294 : i32
      %dma_wait3A_296 = arith.constant 0 : i32
      %dma_wait3A_297 = tpu.memref_slice %arg6[%add3A_295, %dma_wait3A_296] : memref<40x64xi32, #tpu.memory_space<vmem>> -> memref<1x64xi32, #tpu.memory_space<vmem>>
      %dma_wait3A_298 = tpu.memref_squeeze %dma_wait3A_297 : memref<1x64xi32, #tpu.memory_space<vmem>> -> memref<64xi32, #tpu.memory_space<vmem>>
      %dma_wait3A_299 = arith.constant 0 : i32
      %dma_wait3A_300 = arith.constant 0 : i32
      %dma_wait3A_301 = tpu.memref_slice %arg4[%dma_wait3A_299, %dma_wait3A_300] : memref<10000x128xf32, #tpu.memory_space<hbm>> -> memref<10000x128xf32, #tpu.memory_space<hbm>>
      tpu.wait_indirect_dma semaphore(%arg13 : memref<!tpu.dma_semaphore, #tpu.memory_space<semaphore_mem>>) src(%dma_wait3A_301 : memref<10000x128xf32, #tpu.memory_space<hbm>>) dst(%arg8 : memref<64x128xf32, #tpu.memory_space<vmem>>)
      %add3A_302 = arith.constant 4 : i32
      %add3A_303 = arith.addi %add3A_295, %add3A_302 : i32
      %sub3A = arith.constant 1 : i32
      %sub3A_304 = arith.subi %add3A_303, %sub3A : i32
      %dma_start3A_305 = arith.constant 0 : i32
      %dma_start3A_306 = tpu.memref_slice %arg6[%sub3A_304, %dma_start3A_305] : memref<40x64xi32, #tpu.memory_space<vmem>> -> memref<1x64xi32, #tpu.memory_space<vmem>>
      %dma_start3A_307 = tpu.memref_squeeze %dma_start3A_306 : memref<1x64xi32, #tpu.memory_space<vmem>> -> memref<64xi32, #tpu.memory_space<vmem>>
      %dma_start3A_308 = arith.constant 0 : i32
      %dma_start3A_309 = arith.constant 0 : i32
      %dma_start3A_310 = tpu.memref_slice %arg4[%dma_start3A_308, %dma_start3A_309] : memref<10000x128xf32, #tpu.memory_space<hbm>> -> memref<10000x128xf32, #tpu.memory_space<hbm>>
      tpu.enqueue_indirect_dma source(%dma_start3A_310 : memref<10000x128xf32, #tpu.memory_space<hbm>>) target(%arg11 : memref<64x128xf32, #tpu.memory_space<vmem>>) offsets(%dma_start3A_307 : memref<64xi32, #tpu.memory_space<vmem>>) semaphore(%arg16 : memref<!tpu.dma_semaphore, #tpu.memory_space<semaphore_mem>>)
      "tpu.region"() ({
        %run_scoped3A_371 = tpu.sem_alloc : memref<!tpu.dma_semaphore, #tpu.memory_space<semaphore_mem>>
        %dma_start3A_372 = arith.constant 0 : i32
        %dma_start3A_373 = tpu.memref_slice %arg7[%add3A_295, %dma_start3A_372] : memref<40x64xi32, #tpu.memory_space<vmem>> -> memref<1x64xi32, #tpu.memory_space<vmem>>
        %dma_start3A_374 = tpu.memref_squeeze %dma_start3A_373 : memref<1x64xi32, #tpu.memory_space<vmem>> -> memref<64xi32, #tpu.memory_space<vmem>>
        %dma_start3A_375 = arith.constant 0 : i32
        %dma_start3A_376 = arith.constant 0 : i32
        %dma_start3A_377 = tpu.memref_slice %arg12[%dma_start3A_375, %dma_start3A_376] : memref<10112x128xf32, #tpu.memory_space<vmem_shared>> -> memref<10112x128xf32, #tpu.memory_space<vmem_shared>>
        tpu.enqueue_indirect_dma source(%arg8 : memref<64x128xf32, #tpu.memory_space<vmem>>) target(%dma_start3A_377 : memref<10112x128xf32, #tpu.memory_space<vmem_shared>>) offsets(%dma_start3A_374 : memref<64xi32, #tpu.memory_space<vmem>>) semaphore(%run_scoped3A_371 : memref<!tpu.dma_semaphore, #tpu.memory_space<semaphore_mem>>) {add = true}
        %dma_wait3A_378 = arith.constant 0 : i32
        %dma_wait3A_379 = tpu.memref_slice %arg7[%add3A_295, %dma_wait3A_378] : memref<40x64xi32, #tpu.memory_space<vmem>> -> memref<1x64xi32, #tpu.memory_space<vmem>>
        %dma_wait3A_380 = tpu.memref_squeeze %dma_wait3A_379 : memref<1x64xi32, #tpu.memory_space<vmem>> -> memref<64xi32, #tpu.memory_space<vmem>>
        %dma_wait3A_381 = arith.constant 0 : i32
        %dma_wait3A_382 = arith.constant 0 : i32
        %dma_wait3A_383 = tpu.memref_slice %arg12[%dma_wait3A_381, %dma_wait3A_382] : memref<10112x128xf32, #tpu.memory_space<vmem_shared>> -> memref<10112x128xf32, #tpu.memory_space<vmem_shared>>
        tpu.wait_indirect_dma semaphore(%run_scoped3A_371 : memref<!tpu.dma_semaphore, #tpu.memory_space<semaphore_mem>>) src(%arg8 : memref<64x128xf32, #tpu.memory_space<vmem>>) dst(%dma_wait3A_383 : memref<10112x128xf32, #tpu.memory_space<vmem_shared>>)
        tpu.yield
      }) : () -> ()
      %mul3A_311 = arith.constant 4 : i32
      %mul3A_312 = arith.muli %mul3A_311, %scan3A_291 : i32
      %add3A_313 = arith.constant 1 : i32
      %add3A_314 = arith.addi %mul3A_312, %add3A_313 : i32
      %dma_wait3A_315 = arith.constant 0 : i32
      %dma_wait3A_316 = tpu.memref_slice %arg6[%add3A_314, %dma_wait3A_315] : memref<40x64xi32, #tpu.memory_space<vmem>> -> memref<1x64xi32, #tpu.memory_space<vmem>>
      %dma_wait3A_317 = tpu.memref_squeeze %dma_wait3A_316 : memref<1x64xi32, #tpu.memory_space<vmem>> -> memref<64xi32, #tpu.memory_space<vmem>>
      %dma_wait3A_318 = arith.constant 0 : i32
      %dma_wait3A_319 = arith.constant 0 : i32
      %dma_wait3A_320 = tpu.memref_slice %arg4[%dma_wait3A_318, %dma_wait3A_319] : memref<10000x128xf32, #tpu.memory_space<hbm>> -> memref<10000x128xf32, #tpu.memory_space<hbm>>
      tpu.wait_indirect_dma semaphore(%arg14 : memref<!tpu.dma_semaphore, #tpu.memory_space<semaphore_mem>>) src(%dma_wait3A_320 : memref<10000x128xf32, #tpu.memory_space<hbm>>) dst(%arg9 : memref<64x128xf32, #tpu.memory_space<vmem>>)
      %add3A_321 = arith.constant 4 : i32
      %add3A_322 = arith.addi %add3A_314, %add3A_321 : i32
      %sub3A_323 = arith.constant 1 : i32
      %sub3A_324 = arith.subi %add3A_322, %sub3A_323 : i32
      %dma_start3A_325 = arith.constant 0 : i32
      %dma_start3A_326 = tpu.memref_slice %arg6[%sub3A_324, %dma_start3A_325] : memref<40x64xi32, #tpu.memory_space<vmem>> -> memref<1x64xi32, #tpu.memory_space<vmem>>
      %dma_start3A_327 = tpu.memref_squeeze %dma_start3A_326 : memref<1x64xi32, #tpu.memory_space<vmem>> -> memref<64xi32, #tpu.memory_space<vmem>>
      %dma_start3A_328 = arith.constant 0 : i32
      %dma_start3A_329 = arith.constant 0 : i32
      %dma_start3A_330 = tpu.memref_slice %arg4[%dma_start3A_328, %dma_start3A_329] : memref<10000x128xf32, #tpu.memory_space<hbm>> -> memref<10000x128xf32, #tpu.memory_space<hbm>>
      tpu.enqueue_indirect_dma source(%dma_start3A_330 : memref<10000x128xf32, #tpu.memory_space<hbm>>) target(%arg8 : memref<64x128xf32, #tpu.memory_space<vmem>>) offsets(%dma_start3A_327 : memref<64xi32, #tpu.memory_space<vmem>>) semaphore(%arg13 : memref<!tpu.dma_semaphore, #tpu.memory_space<semaphore_mem>>)
      "tpu.region"() ({
        %run_scoped3A_371 = tpu.sem_alloc : memref<!tpu.dma_semaphore, #tpu.memory_space<semaphore_mem>>
        %dma_start3A_372 = arith.constant 0 : i32
        %dma_start3A_373 = tpu.memref_slice %arg7[%add3A_314, %dma_start3A_372] : memref<40x64xi32, #tpu.memory_space<vmem>> -> memref<1x64xi32, #tpu.memory_space<vmem>>
        %dma_start3A_374 = tpu.memref_squeeze %dma_start3A_373 : memref<1x64xi32, #tpu.memory_space<vmem>> -> memref<64xi32, #tpu.memory_space<vmem>>
        %dma_start3A_375 = arith.constant 0 : i32
        %dma_start3A_376 = arith.constant 0 : i32
        %dma_start3A_377 = tpu.memref_slice %arg12[%dma_start3A_375, %dma_start3A_376] : memref<10112x128xf32, #tpu.memory_space<vmem_shared>> -> memref<10112x128xf32, #tpu.memory_space<vmem_shared>>
        tpu.enqueue_indirect_dma source(%arg9 : memref<64x128xf32, #tpu.memory_space<vmem>>) target(%dma_start3A_377 : memref<10112x128xf32, #tpu.memory_space<vmem_shared>>) offsets(%dma_start3A_374 : memref<64xi32, #tpu.memory_space<vmem>>) semaphore(%run_scoped3A_371 : memref<!tpu.dma_semaphore, #tpu.memory_space<semaphore_mem>>) {add = true}
        %dma_wait3A_378 = arith.constant 0 : i32
        %dma_wait3A_379 = tpu.memref_slice %arg7[%add3A_314, %dma_wait3A_378] : memref<40x64xi32, #tpu.memory_space<vmem>> -> memref<1x64xi32, #tpu.memory_space<vmem>>
        %dma_wait3A_380 = tpu.memref_squeeze %dma_wait3A_379 : memref<1x64xi32, #tpu.memory_space<vmem>> -> memref<64xi32, #tpu.memory_space<vmem>>
        %dma_wait3A_381 = arith.constant 0 : i32
        %dma_wait3A_382 = arith.constant 0 : i32
        %dma_wait3A_383 = tpu.memref_slice %arg12[%dma_wait3A_381, %dma_wait3A_382] : memref<10112x128xf32, #tpu.memory_space<vmem_shared>> -> memref<10112x128xf32, #tpu.memory_space<vmem_shared>>
        tpu.wait_indirect_dma semaphore(%run_scoped3A_371 : memref<!tpu.dma_semaphore, #tpu.memory_space<semaphore_mem>>) src(%arg9 : memref<64x128xf32, #tpu.memory_space<vmem>>) dst(%dma_wait3A_383 : memref<10112x128xf32, #tpu.memory_space<vmem_shared>>)
        tpu.yield
      }) : () -> ()
      %mul3A_331 = arith.constant 4 : i32
      %mul3A_332 = arith.muli %mul3A_331, %scan3A_291 : i32
      %add3A_333 = arith.constant 2 : i32
      %add3A_334 = arith.addi %mul3A_332, %add3A_333 : i32
      %dma_wait3A_335 = arith.constant 0 : i32
      %dma_wait3A_336 = tpu.memref_slice %arg6[%add3A_334, %dma_wait3A_335] : memref<40x64xi32, #tpu.memory_space<vmem>> -> memref<1x64xi32, #tpu.memory_space<vmem>>
      %dma_wait3A_337 = tpu.memref_squeeze %dma_wait3A_336 : memref<1x64xi32, #tpu.memory_space<vmem>> -> memref<64xi32, #tpu.memory_space<vmem>>
      %dma_wait3A_338 = arith.constant 0 : i32
      %dma_wait3A_339 = arith.constant 0 : i32
      %dma_wait3A_340 = tpu.memref_slice %arg4[%dma_wait3A_338, %dma_wait3A_339] : memref<10000x128xf32, #tpu.memory_space<hbm>> -> memref<10000x128xf32, #tpu.memory_space<hbm>>
      tpu.wait_indirect_dma semaphore(%arg15 : memref<!tpu.dma_semaphore, #tpu.memory_space<semaphore_mem>>) src(%dma_wait3A_340 : memref<10000x128xf32, #tpu.memory_space<hbm>>) dst(%arg10 : memref<64x128xf32, #tpu.memory_space<vmem>>)
      %add3A_341 = arith.constant 4 : i32
      %add3A_342 = arith.addi %add3A_334, %add3A_341 : i32
      %sub3A_343 = arith.constant 1 : i32
      %sub3A_344 = arith.subi %add3A_342, %sub3A_343 : i32
      %dma_start3A_345 = arith.constant 0 : i32
      %dma_start3A_346 = tpu.memref_slice %arg6[%sub3A_344, %dma_start3A_345] : memref<40x64xi32, #tpu.memory_space<vmem>> -> memref<1x64xi32, #tpu.memory_space<vmem>>
      %dma_start3A_347 = tpu.memref_squeeze %dma_start3A_346 : memref<1x64xi32, #tpu.memory_space<vmem>> -> memref<64xi32, #tpu.memory_space<vmem>>
      %dma_start3A_348 = arith.constant 0 : i32
      %dma_start3A_349 = arith.constant 0 : i32
      %dma_start3A_350 = tpu.memref_slice %arg4[%dma_start3A_348, %dma_start3A_349] : memref<10000x128xf32, #tpu.memory_space<hbm>> -> memref<10000x128xf32, #tpu.memory_space<hbm>>
      tpu.enqueue_indirect_dma source(%dma_start3A_350 : memref<10000x128xf32, #tpu.memory_space<hbm>>) target(%arg9 : memref<64x128xf32, #tpu.memory_space<vmem>>) offsets(%dma_start3A_347 : memref<64xi32, #tpu.memory_space<vmem>>) semaphore(%arg14 : memref<!tpu.dma_semaphore, #tpu.memory_space<semaphore_mem>>)
      "tpu.region"() ({
        %run_scoped3A_371 = tpu.sem_alloc : memref<!tpu.dma_semaphore, #tpu.memory_space<semaphore_mem>>
        %dma_start3A_372 = arith.constant 0 : i32
        %dma_start3A_373 = tpu.memref_slice %arg7[%add3A_334, %dma_start3A_372] : memref<40x64xi32, #tpu.memory_space<vmem>> -> memref<1x64xi32, #tpu.memory_space<vmem>>
        %dma_start3A_374 = tpu.memref_squeeze %dma_start3A_373 : memref<1x64xi32, #tpu.memory_space<vmem>> -> memref<64xi32, #tpu.memory_space<vmem>>
        %dma_start3A_375 = arith.constant 0 : i32
        %dma_start3A_376 = arith.constant 0 : i32
        %dma_start3A_377 = tpu.memref_slice %arg12[%dma_start3A_375, %dma_start3A_376] : memref<10112x128xf32, #tpu.memory_space<vmem_shared>> -> memref<10112x128xf32, #tpu.memory_space<vmem_shared>>
        tpu.enqueue_indirect_dma source(%arg10 : memref<64x128xf32, #tpu.memory_space<vmem>>) target(%dma_start3A_377 : memref<10112x128xf32, #tpu.memory_space<vmem_shared>>) offsets(%dma_start3A_374 : memref<64xi32, #tpu.memory_space<vmem>>) semaphore(%run_scoped3A_371 : memref<!tpu.dma_semaphore, #tpu.memory_space<semaphore_mem>>) {add = true}
        %dma_wait3A_378 = arith.constant 0 : i32
        %dma_wait3A_379 = tpu.memref_slice %arg7[%add3A_334, %dma_wait3A_378] : memref<40x64xi32, #tpu.memory_space<vmem>> -> memref<1x64xi32, #tpu.memory_space<vmem>>
        %dma_wait3A_380 = tpu.memref_squeeze %dma_wait3A_379 : memref<1x64xi32, #tpu.memory_space<vmem>> -> memref<64xi32, #tpu.memory_space<vmem>>
        %dma_wait3A_381 = arith.constant 0 : i32
        %dma_wait3A_382 = arith.constant 0 : i32
        %dma_wait3A_383 = tpu.memref_slice %arg12[%dma_wait3A_381, %dma_wait3A_382] : memref<10112x128xf32, #tpu.memory_space<vmem_shared>> -> memref<10112x128xf32, #tpu.memory_space<vmem_shared>>
        tpu.wait_indirect_dma semaphore(%run_scoped3A_371 : memref<!tpu.dma_semaphore, #tpu.memory_space<semaphore_mem>>) src(%arg10 : memref<64x128xf32, #tpu.memory_space<vmem>>) dst(%dma_wait3A_383 : memref<10112x128xf32, #tpu.memory_space<vmem_shared>>)
        tpu.yield
      }) : () -> ()
      %mul3A_351 = arith.constant 4 : i32
      %mul3A_352 = arith.muli %mul3A_351, %scan3A_291 : i32
      %add3A_353 = arith.constant 3 : i32
      %add3A_354 = arith.addi %mul3A_352, %add3A_353 : i32
      %dma_wait3A_355 = arith.constant 0 : i32
      %dma_wait3A_356 = tpu.memref_slice %arg6[%add3A_354, %dma_wait3A_355] : memref<40x64xi32, #tpu.memory_space<vmem>> -> memref<1x64xi32, #tpu.memory_space<vmem>>
      %dma_wait3A_357 = tpu.memref_squeeze %dma_wait3A_356 : memref<1x64xi32, #tpu.memory_space<vmem>> -> memref<64xi32, #tpu.memory_space<vmem>>
      %dma_wait3A_358 = arith.constant 0 : i32
      %dma_wait3A_359 = arith.constant 0 : i32
      %dma_wait3A_360 = tpu.memref_slice %arg4[%dma_wait3A_358, %dma_wait3A_359] : memref<10000x128xf32, #tpu.memory_space<hbm>> -> memref<10000x128xf32, #tpu.memory_space<hbm>>
      tpu.wait_indirect_dma semaphore(%arg16 : memref<!tpu.dma_semaphore, #tpu.memory_space<semaphore_mem>>) src(%dma_wait3A_360 : memref<10000x128xf32, #tpu.memory_space<hbm>>) dst(%arg11 : memref<64x128xf32, #tpu.memory_space<vmem>>)
      %add3A_361 = arith.constant 4 : i32
      %add3A_362 = arith.addi %add3A_354, %add3A_361 : i32
      %sub3A_363 = arith.constant 1 : i32
      %sub3A_364 = arith.subi %add3A_362, %sub3A_363 : i32
      %dma_start3A_365 = arith.constant 0 : i32
      %dma_start3A_366 = tpu.memref_slice %arg6[%sub3A_364, %dma_start3A_365] : memref<40x64xi32, #tpu.memory_space<vmem>> -> memref<1x64xi32, #tpu.memory_space<vmem>>
      %dma_start3A_367 = tpu.memref_squeeze %dma_start3A_366 : memref<1x64xi32, #tpu.memory_space<vmem>> -> memref<64xi32, #tpu.memory_space<vmem>>
      %dma_start3A_368 = arith.constant 0 : i32
      %dma_start3A_369 = arith.constant 0 : i32
      %dma_start3A_370 = tpu.memref_slice %arg4[%dma_start3A_368, %dma_start3A_369] : memref<10000x128xf32, #tpu.memory_space<hbm>> -> memref<10000x128xf32, #tpu.memory_space<hbm>>
      tpu.enqueue_indirect_dma source(%dma_start3A_370 : memref<10000x128xf32, #tpu.memory_space<hbm>>) target(%arg10 : memref<64x128xf32, #tpu.memory_space<vmem>>) offsets(%dma_start3A_367 : memref<64xi32, #tpu.memory_space<vmem>>) semaphore(%arg15 : memref<!tpu.dma_semaphore, #tpu.memory_space<semaphore_mem>>)
      "tpu.region"() ({
        %run_scoped3A_371 = tpu.sem_alloc : memref<!tpu.dma_semaphore, #tpu.memory_space<semaphore_mem>>
        %dma_start3A_372 = arith.constant 0 : i32
        %dma_start3A_373 = tpu.memref_slice %arg7[%add3A_354, %dma_start3A_372] : memref<40x64xi32, #tpu.memory_space<vmem>> -> memref<1x64xi32, #tpu.memory_space<vmem>>
        %dma_start3A_374 = tpu.memref_squeeze %dma_start3A_373 : memref<1x64xi32, #tpu.memory_space<vmem>> -> memref<64xi32, #tpu.memory_space<vmem>>
        %dma_start3A_375 = arith.constant 0 : i32
        %dma_start3A_376 = arith.constant 0 : i32
        %dma_start3A_377 = tpu.memref_slice %arg12[%dma_start3A_375, %dma_start3A_376] : memref<10112x128xf32, #tpu.memory_space<vmem_shared>> -> memref<10112x128xf32, #tpu.memory_space<vmem_shared>>
        tpu.enqueue_indirect_dma source(%arg11 : memref<64x128xf32, #tpu.memory_space<vmem>>) target(%dma_start3A_377 : memref<10112x128xf32, #tpu.memory_space<vmem_shared>>) offsets(%dma_start3A_374 : memref<64xi32, #tpu.memory_space<vmem>>) semaphore(%run_scoped3A_371 : memref<!tpu.dma_semaphore, #tpu.memory_space<semaphore_mem>>) {add = true}
        %dma_wait3A_378 = arith.constant 0 : i32
        %dma_wait3A_379 = tpu.memref_slice %arg7[%add3A_354, %dma_wait3A_378] : memref<40x64xi32, #tpu.memory_space<vmem>> -> memref<1x64xi32, #tpu.memory_space<vmem>>
        %dma_wait3A_380 = tpu.memref_squeeze %dma_wait3A_379 : memref<1x64xi32, #tpu.memory_space<vmem>> -> memref<64xi32, #tpu.memory_space<vmem>>
        %dma_wait3A_381 = arith.constant 0 : i32
        %dma_wait3A_382 = arith.constant 0 : i32
        %dma_wait3A_383 = tpu.memref_slice %arg12[%dma_wait3A_381, %dma_wait3A_382] : memref<10112x128xf32, #tpu.memory_space<vmem_shared>> -> memref<10112x128xf32, #tpu.memory_space<vmem_shared>>
        tpu.wait_indirect_dma semaphore(%run_scoped3A_371 : memref<!tpu.dma_semaphore, #tpu.memory_space<semaphore_mem>>) src(%arg11 : memref<64x128xf32, #tpu.memory_space<vmem>>) dst(%dma_wait3A_383 : memref<10112x128xf32, #tpu.memory_space<vmem_shared>>)
        tpu.yield
      }) : () -> ()
    }
    %scan3A_184 = arith.constant 9 : i32
    %dma_wait3A_185 = arith.constant 36 : i32
    %dma_wait3A_186 = arith.constant 0 : i32
    %dma_wait3A_187 = tpu.memref_slice %arg6[%dma_wait3A_185, %dma_wait3A_186] : memref<40x64xi32, #tpu.memory_space<vmem>> -> memref<1x64xi32, #tpu.memory_space<vmem>>
    %dma_wait3A_188 = tpu.memref_squeeze %dma_wait3A_187 : memref<1x64xi32, #tpu.memory_space<vmem>> -> memref<64xi32, #tpu.memory_space<vmem>>
    %dma_wait3A_189 = arith.constant 0 : i32
    %dma_wait3A_190 = arith.constant 0 : i32
    %dma_wait3A_191 = tpu.memref_slice %arg4[%dma_wait3A_189, %dma_wait3A_190] : memref<10000x128xf32, #tpu.memory_space<hbm>> -> memref<10000x128xf32, #tpu.memory_space<hbm>>
    tpu.wait_indirect_dma semaphore(%arg13 : memref<!tpu.dma_semaphore, #tpu.memory_space<semaphore_mem>>) src(%dma_wait3A_191 : memref<10000x128xf32, #tpu.memory_space<hbm>>) dst(%arg8 : memref<64x128xf32, #tpu.memory_space<vmem>>)
    %dma_start3A_192 = arith.constant 39 : i32
    %dma_start3A_193 = arith.constant 0 : i32
    %dma_start3A_194 = tpu.memref_slice %arg6[%dma_start3A_192, %dma_start3A_193] : memref<40x64xi32, #tpu.memory_space<vmem>> -> memref<1x64xi32, #tpu.memory_space<vmem>>
    %dma_start3A_195 = tpu.memref_squeeze %dma_start3A_194 : memref<1x64xi32, #tpu.memory_space<vmem>> -> memref<64xi32, #tpu.memory_space<vmem>>
    %dma_start3A_196 = arith.constant 0 : i32
    %dma_start3A_197 = arith.constant 0 : i32
    %dma_start3A_198 = tpu.memref_slice %arg4[%dma_start3A_196, %dma_start3A_197] : memref<10000x128xf32, #tpu.memory_space<hbm>> -> memref<10000x128xf32, #tpu.memory_space<hbm>>
    tpu.enqueue_indirect_dma source(%dma_start3A_198 : memref<10000x128xf32, #tpu.memory_space<hbm>>) target(%arg11 : memref<64x128xf32, #tpu.memory_space<vmem>>) offsets(%dma_start3A_195 : memref<64xi32, #tpu.memory_space<vmem>>) semaphore(%arg16 : memref<!tpu.dma_semaphore, #tpu.memory_space<semaphore_mem>>)
    %run_scoped3A_199 = arith.constant 36 : i32
    "tpu.region"() ({
      %run_scoped3A_291 = tpu.sem_alloc : memref<!tpu.dma_semaphore, #tpu.memory_space<semaphore_mem>>
      %dma_start3A_292 = arith.constant 0 : i32
      %dma_start3A_293 = tpu.memref_slice %arg7[%run_scoped3A_199, %dma_start3A_292] : memref<40x64xi32, #tpu.memory_space<vmem>> -> memref<1x64xi32, #tpu.memory_space<vmem>>
      %dma_start3A_294 = tpu.memref_squeeze %dma_start3A_293 : memref<1x64xi32, #tpu.memory_space<vmem>> -> memref<64xi32, #tpu.memory_space<vmem>>
      %dma_start3A_295 = arith.constant 0 : i32
      %dma_start3A_296 = arith.constant 0 : i32
      %dma_start3A_297 = tpu.memref_slice %arg12[%dma_start3A_295, %dma_start3A_296] : memref<10112x128xf32, #tpu.memory_space<vmem_shared>> -> memref<10112x128xf32, #tpu.memory_space<vmem_shared>>
      tpu.enqueue_indirect_dma source(%arg8 : memref<64x128xf32, #tpu.memory_space<vmem>>) target(%dma_start3A_297 : memref<10112x128xf32, #tpu.memory_space<vmem_shared>>) offsets(%dma_start3A_294 : memref<64xi32, #tpu.memory_space<vmem>>) semaphore(%run_scoped3A_291 : memref<!tpu.dma_semaphore, #tpu.memory_space<semaphore_mem>>) {add = true}
      %dma_wait3A_298 = arith.constant 0 : i32
      %dma_wait3A_299 = tpu.memref_slice %arg7[%run_scoped3A_199, %dma_wait3A_298] : memref<40x64xi32, #tpu.memory_space<vmem>> -> memref<1x64xi32, #tpu.memory_space<vmem>>
      %dma_wait3A_300 = tpu.memref_squeeze %dma_wait3A_299 : memref<1x64xi32, #tpu.memory_space<vmem>> -> memref<64xi32, #tpu.memory_space<vmem>>
      %dma_wait3A_301 = arith.constant 0 : i32
      %dma_wait3A_302 = arith.constant 0 : i32
      %dma_wait3A_303 = tpu.memref_slice %arg12[%dma_wait3A_301, %dma_wait3A_302] : memref<10112x128xf32, #tpu.memory_space<vmem_shared>> -> memref<10112x128xf32, #tpu.memory_space<vmem_shared>>
      tpu.wait_indirect_dma semaphore(%run_scoped3A_291 : memref<!tpu.dma_semaphore, #tpu.memory_space<semaphore_mem>>) src(%arg8 : memref<64x128xf32, #tpu.memory_space<vmem>>) dst(%dma_wait3A_303 : memref<10112x128xf32, #tpu.memory_space<vmem_shared>>)
      tpu.yield
    }) : () -> ()
    %dma_wait3A_200 = arith.constant 37 : i32
    %dma_wait3A_201 = arith.constant 0 : i32
    %dma_wait3A_202 = tpu.memref_slice %arg6[%dma_wait3A_200, %dma_wait3A_201] : memref<40x64xi32, #tpu.memory_space<vmem>> -> memref<1x64xi32, #tpu.memory_space<vmem>>
    %dma_wait3A_203 = tpu.memref_squeeze %dma_wait3A_202 : memref<1x64xi32, #tpu.memory_space<vmem>> -> memref<64xi32, #tpu.memory_space<vmem>>
    %dma_wait3A_204 = arith.constant 0 : i32
    %dma_wait3A_205 = arith.constant 0 : i32
    %dma_wait3A_206 = tpu.memref_slice %arg4[%dma_wait3A_204, %dma_wait3A_205] : memref<10000x128xf32, #tpu.memory_space<hbm>> -> memref<10000x128xf32, #tpu.memory_space<hbm>>
    tpu.wait_indirect_dma semaphore(%arg14 : memref<!tpu.dma_semaphore, #tpu.memory_space<semaphore_mem>>) src(%dma_wait3A_206 : memref<10000x128xf32, #tpu.memory_space<hbm>>) dst(%arg9 : memref<64x128xf32, #tpu.memory_space<vmem>>)
    %run_scoped3A_207 = arith.constant 37 : i32
    "tpu.region"() ({
      %run_scoped3A_291 = tpu.sem_alloc : memref<!tpu.dma_semaphore, #tpu.memory_space<semaphore_mem>>
      %dma_start3A_292 = arith.constant 0 : i32
      %dma_start3A_293 = tpu.memref_slice %arg7[%run_scoped3A_207, %dma_start3A_292] : memref<40x64xi32, #tpu.memory_space<vmem>> -> memref<1x64xi32, #tpu.memory_space<vmem>>
      %dma_start3A_294 = tpu.memref_squeeze %dma_start3A_293 : memref<1x64xi32, #tpu.memory_space<vmem>> -> memref<64xi32, #tpu.memory_space<vmem>>
      %dma_start3A_295 = arith.constant 0 : i32
      %dma_start3A_296 = arith.constant 0 : i32
      %dma_start3A_297 = tpu.memref_slice %arg12[%dma_start3A_295, %dma_start3A_296] : memref<10112x128xf32, #tpu.memory_space<vmem_shared>> -> memref<10112x128xf32, #tpu.memory_space<vmem_shared>>
      tpu.enqueue_indirect_dma source(%arg9 : memref<64x128xf32, #tpu.memory_space<vmem>>) target(%dma_start3A_297 : memref<10112x128xf32, #tpu.memory_space<vmem_shared>>) offsets(%dma_start3A_294 : memref<64xi32, #tpu.memory_space<vmem>>) semaphore(%run_scoped3A_291 : memref<!tpu.dma_semaphore, #tpu.memory_space<semaphore_mem>>) {add = true}
      %dma_wait3A_298 = arith.constant 0 : i32
      %dma_wait3A_299 = tpu.memref_slice %arg7[%run_scoped3A_207, %dma_wait3A_298] : memref<40x64xi32, #tpu.memory_space<vmem>> -> memref<1x64xi32, #tpu.memory_space<vmem>>
      %dma_wait3A_300 = tpu.memref_squeeze %dma_wait3A_299 : memref<1x64xi32, #tpu.memory_space<vmem>> -> memref<64xi32, #tpu.memory_space<vmem>>
      %dma_wait3A_301 = arith.constant 0 : i32
      %dma_wait3A_302 = arith.constant 0 : i32
      %dma_wait3A_303 = tpu.memref_slice %arg12[%dma_wait3A_301, %dma_wait3A_302] : memref<10112x128xf32, #tpu.memory_space<vmem_shared>> -> memref<10112x128xf32, #tpu.memory_space<vmem_shared>>
      tpu.wait_indirect_dma semaphore(%run_scoped3A_291 : memref<!tpu.dma_semaphore, #tpu.memory_space<semaphore_mem>>) src(%arg9 : memref<64x128xf32, #tpu.memory_space<vmem>>) dst(%dma_wait3A_303 : memref<10112x128xf32, #tpu.memory_space<vmem_shared>>)
      tpu.yield
    }) : () -> ()
    %dma_wait3A_208 = arith.constant 38 : i32
    %dma_wait3A_209 = arith.constant 0 : i32
    %dma_wait3A_210 = tpu.memref_slice %arg6[%dma_wait3A_208, %dma_wait3A_209] : memref<40x64xi32, #tpu.memory_space<vmem>> -> memref<1x64xi32, #tpu.memory_space<vmem>>
    %dma_wait3A_211 = tpu.memref_squeeze %dma_wait3A_210 : memref<1x64xi32, #tpu.memory_space<vmem>> -> memref<64xi32, #tpu.memory_space<vmem>>
    %dma_wait3A_212 = arith.constant 0 : i32
    %dma_wait3A_213 = arith.constant 0 : i32
    %dma_wait3A_214 = tpu.memref_slice %arg4[%dma_wait3A_212, %dma_wait3A_213] : memref<10000x128xf32, #tpu.memory_space<hbm>> -> memref<10000x128xf32, #tpu.memory_space<hbm>>
    tpu.wait_indirect_dma semaphore(%arg15 : memref<!tpu.dma_semaphore, #tpu.memory_space<semaphore_mem>>) src(%dma_wait3A_214 : memref<10000x128xf32, #tpu.memory_space<hbm>>) dst(%arg10 : memref<64x128xf32, #tpu.memory_space<vmem>>)
    %run_scoped3A_215 = arith.constant 38 : i32
    "tpu.region"() ({
      %run_scoped3A_291 = tpu.sem_alloc : memref<!tpu.dma_semaphore, #tpu.memory_space<semaphore_mem>>
      %dma_start3A_292 = arith.constant 0 : i32
      %dma_start3A_293 = tpu.memref_slice %arg7[%run_scoped3A_215, %dma_start3A_292] : memref<40x64xi32, #tpu.memory_space<vmem>> -> memref<1x64xi32, #tpu.memory_space<vmem>>
      %dma_start3A_294 = tpu.memref_squeeze %dma_start3A_293 : memref<1x64xi32, #tpu.memory_space<vmem>> -> memref<64xi32, #tpu.memory_space<vmem>>
      %dma_start3A_295 = arith.constant 0 : i32
      %dma_start3A_296 = arith.constant 0 : i32
      %dma_start3A_297 = tpu.memref_slice %arg12[%dma_start3A_295, %dma_start3A_296] : memref<10112x128xf32, #tpu.memory_space<vmem_shared>> -> memref<10112x128xf32, #tpu.memory_space<vmem_shared>>
      tpu.enqueue_indirect_dma source(%arg10 : memref<64x128xf32, #tpu.memory_space<vmem>>) target(%dma_start3A_297 : memref<10112x128xf32, #tpu.memory_space<vmem_shared>>) offsets(%dma_start3A_294 : memref<64xi32, #tpu.memory_space<vmem>>) semaphore(%run_scoped3A_291 : memref<!tpu.dma_semaphore, #tpu.memory_space<semaphore_mem>>) {add = true}
      %dma_wait3A_298 = arith.constant 0 : i32
      %dma_wait3A_299 = tpu.memref_slice %arg7[%run_scoped3A_215, %dma_wait3A_298] : memref<40x64xi32, #tpu.memory_space<vmem>> -> memref<1x64xi32, #tpu.memory_space<vmem>>
      %dma_wait3A_300 = tpu.memref_squeeze %dma_wait3A_299 : memref<1x64xi32, #tpu.memory_space<vmem>> -> memref<64xi32, #tpu.memory_space<vmem>>
      %dma_wait3A_301 = arith.constant 0 : i32
      %dma_wait3A_302 = arith.constant 0 : i32
      %dma_wait3A_303 = tpu.memref_slice %arg12[%dma_wait3A_301, %dma_wait3A_302] : memref<10112x128xf32, #tpu.memory_space<vmem_shared>> -> memref<10112x128xf32, #tpu.memory_space<vmem_shared>>
      tpu.wait_indirect_dma semaphore(%run_scoped3A_291 : memref<!tpu.dma_semaphore, #tpu.memory_space<semaphore_mem>>) src(%arg10 : memref<64x128xf32, #tpu.memory_space<vmem>>) dst(%dma_wait3A_303 : memref<10112x128xf32, #tpu.memory_space<vmem_shared>>)
      tpu.yield
    }) : () -> ()
    %dma_wait3A_216 = arith.constant 39 : i32
    %dma_wait3A_217 = arith.constant 0 : i32
    %dma_wait3A_218 = tpu.memref_slice %arg6[%dma_wait3A_216, %dma_wait3A_217] : memref<40x64xi32, #tpu.memory_space<vmem>> -> memref<1x64xi32, #tpu.memory_space<vmem>>
    %dma_wait3A_219 = tpu.memref_squeeze %dma_wait3A_218 : memref<1x64xi32, #tpu.memory_space<vmem>> -> memref<64xi32, #tpu.memory_space<vmem>>
    %dma_wait3A_220 = arith.constant 0 : i32
    %dma_wait3A_221 = arith.constant 0 : i32
    %dma_wait3A_222 = tpu.memref_slice %arg4[%dma_wait3A_220, %dma_wait3A_221] : memref<10000x128xf32, #tpu.memory_space<hbm>> -> memref<10000x128xf32, #tpu.memory_space<hbm>>
    tpu.wait_indirect_dma semaphore(%arg16 : memref<!tpu.dma_semaphore, #tpu.memory_space<semaphore_mem>>) src(%dma_wait3A_222 : memref<10000x128xf32, #tpu.memory_space<hbm>>) dst(%arg11 : memref<64x128xf32, #tpu.memory_space<vmem>>)
    %run_scoped3A_223 = arith.constant 39 : i32
    "tpu.region"() ({
      %run_scoped3A_291 = tpu.sem_alloc : memref<!tpu.dma_semaphore, #tpu.memory_space<semaphore_mem>>
      %dma_start3A_292 = arith.constant 0 : i32
      %dma_start3A_293 = tpu.memref_slice %arg7[%run_scoped3A_223, %dma_start3A_292] : memref<40x64xi32, #tpu.memory_space<vmem>> -> memref<1x64xi32, #tpu.memory_space<vmem>>
      %dma_start3A_294 = tpu.memref_squeeze %dma_start3A_293 : memref<1x64xi32, #tpu.memory_space<vmem>> -> memref<64xi32, #tpu.memory_space<vmem>>
      %dma_start3A_295 = arith.constant 0 : i32
      %dma_start3A_296 = arith.constant 0 : i32
      %dma_start3A_297 = tpu.memref_slice %arg12[%dma_start3A_295, %dma_start3A_296] : memref<10112x128xf32, #tpu.memory_space<vmem_shared>> -> memref<10112x128xf32, #tpu.memory_space<vmem_shared>>
      tpu.enqueue_indirect_dma source(%arg11 : memref<64x128xf32, #tpu.memory_space<vmem>>) target(%dma_start3A_297 : memref<10112x128xf32, #tpu.memory_space<vmem_shared>>) offsets(%dma_start3A_294 : memref<64xi32, #tpu.memory_space<vmem>>) semaphore(%run_scoped3A_291 : memref<!tpu.dma_semaphore, #tpu.memory_space<semaphore_mem>>) {add = true}
      %dma_wait3A_298 = arith.constant 0 : i32
      %dma_wait3A_299 = tpu.memref_slice %arg7[%run_scoped3A_223, %dma_wait3A_298] : memref<40x64xi32, #tpu.memory_space<vmem>> -> memref<1x64xi32, #tpu.memory_space<vmem>>
      %dma_wait3A_300 = tpu.memref_squeeze %dma_wait3A_299 : memref<1x64xi32, #tpu.memory_space<vmem>> -> memref<64xi32, #tpu.memory_space<vmem>>
      %dma_wait3A_301 = arith.constant 0 : i32
      %dma_wait3A_302 = arith.constant 0 : i32
      %dma_wait3A_303 = tpu.memref_slice %arg12[%dma_wait3A_301, %dma_wait3A_302] : memref<10112x128xf32, #tpu.memory_space<vmem_shared>> -> memref<10112x128xf32, #tpu.memory_space<vmem_shared>>
      tpu.wait_indirect_dma semaphore(%run_scoped3A_291 : memref<!tpu.dma_semaphore, #tpu.memory_space<semaphore_mem>>) src(%arg11 : memref<64x128xf32, #tpu.memory_space<vmem>>) dst(%dma_wait3A_303 : memref<10112x128xf32, #tpu.memory_space<vmem_shared>>)
      tpu.yield
    }) : () -> ()
    "tpu.region"() ({
      %run_scoped3A_291 = tpu.sem_alloc : memref<!tpu.dma_semaphore, #tpu.memory_space<semaphore_mem>>
      %dma_start3A_292 = arith.constant 120 : i32
      %dma_start3A_293 = arith.constant 0 : i32
      %dma_start3A_294 = tpu.memref_slice %arg2[%add3A, %dma_start3A_292, %dma_start3A_293] : memref<32x160x64xi32, #tpu.memory_space<hbm>> -> memref<1x40x64xi32, #tpu.memory_space<hbm>>
      %dma_start3A_295 = tpu.memref_squeeze %dma_start3A_294 : memref<1x40x64xi32, #tpu.memory_space<hbm>> -> memref<40x64xi32, #tpu.memory_space<hbm>>
      %dma_start3A_296 = arith.constant 120 : i32
      %dma_start3A_297 = arith.constant 0 : i32
      %dma_start3A_298 = tpu.memref_slice %arg2[%add3A, %dma_start3A_296, %dma_start3A_297] : memref<32x160x64xi32, #tpu.memory_space<hbm>> -> memref<1x40x64xi32, #tpu.memory_space<hbm>>
      %dma_start3A_299 = tpu.memref_squeeze %dma_start3A_298 : memref<1x40x64xi32, #tpu.memory_space<hbm>> -> memref<40x64xi32, #tpu.memory_space<hbm>>
      tpu.enqueue_dma source(%dma_start3A_299 : memref<40x64xi32, #tpu.memory_space<hbm>>) target(%arg6 : memref<40x64xi32, #tpu.memory_space<vmem>>) target_semaphore(%run_scoped3A_291 : memref<!tpu.dma_semaphore, #tpu.memory_space<semaphore_mem>>)
      %dma_wait3A_300 = arith.constant 120 : i32
      %dma_wait3A_301 = arith.constant 0 : i32
      %dma_wait3A_302 = tpu.memref_slice %arg2[%add3A, %dma_wait3A_300, %dma_wait3A_301] : memref<32x160x64xi32, #tpu.memory_space<hbm>> -> memref<1x40x64xi32, #tpu.memory_space<hbm>>
      %dma_wait3A_303 = tpu.memref_squeeze %dma_wait3A_302 : memref<1x40x64xi32, #tpu.memory_space<hbm>> -> memref<40x64xi32, #tpu.memory_space<hbm>>
      %dma_wait3A_304 = arith.constant 120 : i32
      %dma_wait3A_305 = arith.constant 0 : i32
      %dma_wait3A_306 = tpu.memref_slice %arg2[%add3A, %dma_wait3A_304, %dma_wait3A_305] : memref<32x160x64xi32, #tpu.memory_space<hbm>> -> memref<1x40x64xi32, #tpu.memory_space<hbm>>
      %dma_wait3A_307 = tpu.memref_squeeze %dma_wait3A_306 : memref<1x40x64xi32, #tpu.memory_space<hbm>> -> memref<40x64xi32, #tpu.memory_space<hbm>>
      tpu.wait_dma2 semaphore(%run_scoped3A_291 : memref<!tpu.dma_semaphore, #tpu.memory_space<semaphore_mem>>) src(%dma_wait3A_307 : memref<40x64xi32, #tpu.memory_space<hbm>>) dst(%arg6 : memref<40x64xi32, #tpu.memory_space<vmem>>)
      tpu.yield
    }) : () -> ()
    "tpu.region"() ({
      %run_scoped3A_291 = tpu.sem_alloc : memref<!tpu.dma_semaphore, #tpu.memory_space<semaphore_mem>>
      %dma_start3A_292 = arith.constant 120 : i32
      %dma_start3A_293 = arith.constant 0 : i32
      %dma_start3A_294 = tpu.memref_slice %arg3[%add3A, %dma_start3A_292, %dma_start3A_293] : memref<32x160x64xi32, #tpu.memory_space<hbm>> -> memref<1x40x64xi32, #tpu.memory_space<hbm>>
      %dma_start3A_295 = tpu.memref_squeeze %dma_start3A_294 : memref<1x40x64xi32, #tpu.memory_space<hbm>> -> memref<40x64xi32, #tpu.memory_space<hbm>>
      %dma_start3A_296 = arith.constant 120 : i32
      %dma_start3A_297 = arith.constant 0 : i32
      %dma_start3A_298 = tpu.memref_slice %arg3[%add3A, %dma_start3A_296, %dma_start3A_297] : memref<32x160x64xi32, #tpu.memory_space<hbm>> -> memref<1x40x64xi32, #tpu.memory_space<hbm>>
      %dma_start3A_299 = tpu.memref_squeeze %dma_start3A_298 : memref<1x40x64xi32, #tpu.memory_space<hbm>> -> memref<40x64xi32, #tpu.memory_space<hbm>>
      tpu.enqueue_dma source(%dma_start3A_299 : memref<40x64xi32, #tpu.memory_space<hbm>>) target(%arg7 : memref<40x64xi32, #tpu.memory_space<vmem>>) target_semaphore(%run_scoped3A_291 : memref<!tpu.dma_semaphore, #tpu.memory_space<semaphore_mem>>)
      %dma_wait3A_300 = arith.constant 120 : i32
      %dma_wait3A_301 = arith.constant 0 : i32
      %dma_wait3A_302 = tpu.memref_slice %arg3[%add3A, %dma_wait3A_300, %dma_wait3A_301] : memref<32x160x64xi32, #tpu.memory_space<hbm>> -> memref<1x40x64xi32, #tpu.memory_space<hbm>>
      %dma_wait3A_303 = tpu.memref_squeeze %dma_wait3A_302 : memref<1x40x64xi32, #tpu.memory_space<hbm>> -> memref<40x64xi32, #tpu.memory_space<hbm>>
      %dma_wait3A_304 = arith.constant 120 : i32
      %dma_wait3A_305 = arith.constant 0 : i32
      %dma_wait3A_306 = tpu.memref_slice %arg3[%add3A, %dma_wait3A_304, %dma_wait3A_305] : memref<32x160x64xi32, #tpu.memory_space<hbm>> -> memref<1x40x64xi32, #tpu.memory_space<hbm>>
      %dma_wait3A_307 = tpu.memref_squeeze %dma_wait3A_306 : memref<1x40x64xi32, #tpu.memory_space<hbm>> -> memref<40x64xi32, #tpu.memory_space<hbm>>
      tpu.wait_dma2 semaphore(%run_scoped3A_291 : memref<!tpu.dma_semaphore, #tpu.memory_space<semaphore_mem>>) src(%dma_wait3A_307 : memref<40x64xi32, #tpu.memory_space<hbm>>) dst(%arg7 : memref<40x64xi32, #tpu.memory_space<vmem>>)
      tpu.yield
    }) : () -> ()
    %dma_start3A_224 = arith.constant 0 : i32
    %dma_start3A_225 = arith.constant 0 : i32
    %dma_start3A_226 = tpu.memref_slice %arg6[%dma_start3A_224, %dma_start3A_225] : memref<40x64xi32, #tpu.memory_space<vmem>> -> memref<1x64xi32, #tpu.memory_space<vmem>>
    %dma_start3A_227 = tpu.memref_squeeze %dma_start3A_226 : memref<1x64xi32, #tpu.memory_space<vmem>> -> memref<64xi32, #tpu.memory_space<vmem>>
    %dma_start3A_228 = arith.constant 0 : i32
    %dma_start3A_229 = arith.constant 0 : i32
    %dma_start3A_230 = tpu.memref_slice %arg4[%dma_start3A_228, %dma_start3A_229] : memref<10000x128xf32, #tpu.memory_space<hbm>> -> memref<10000x128xf32, #tpu.memory_space<hbm>>
    tpu.enqueue_indirect_dma source(%dma_start3A_230 : memref<10000x128xf32, #tpu.memory_space<hbm>>) target(%arg8 : memref<64x128xf32, #tpu.memory_space<vmem>>) offsets(%dma_start3A_227 : memref<64xi32, #tpu.memory_space<vmem>>) semaphore(%arg13 : memref<!tpu.dma_semaphore, #tpu.memory_space<semaphore_mem>>)
    %dma_start3A_231 = arith.constant 1 : i32
    %dma_start3A_232 = arith.constant 0 : i32
    %dma_start3A_233 = tpu.memref_slice %arg6[%dma_start3A_231, %dma_start3A_232] : memref<40x64xi32, #tpu.memory_space<vmem>> -> memref<1x64xi32, #tpu.memory_space<vmem>>
    %dma_start3A_234 = tpu.memref_squeeze %dma_start3A_233 : memref<1x64xi32, #tpu.memory_space<vmem>> -> memref<64xi32, #tpu.memory_space<vmem>>
    %dma_start3A_235 = arith.constant 0 : i32
    %dma_start3A_236 = arith.constant 0 : i32
    %dma_start3A_237 = tpu.memref_slice %arg4[%dma_start3A_235, %dma_start3A_236] : memref<10000x128xf32, #tpu.memory_space<hbm>> -> memref<10000x128xf32, #tpu.memory_space<hbm>>
    tpu.enqueue_indirect_dma source(%dma_start3A_237 : memref<10000x128xf32, #tpu.memory_space<hbm>>) target(%arg9 : memref<64x128xf32, #tpu.memory_space<vmem>>) offsets(%dma_start3A_234 : memref<64xi32, #tpu.memory_space<vmem>>) semaphore(%arg14 : memref<!tpu.dma_semaphore, #tpu.memory_space<semaphore_mem>>)
    %dma_start3A_238 = arith.constant 2 : i32
    %dma_start3A_239 = arith.constant 0 : i32
    %dma_start3A_240 = tpu.memref_slice %arg6[%dma_start3A_238, %dma_start3A_239] : memref<40x64xi32, #tpu.memory_space<vmem>> -> memref<1x64xi32, #tpu.memory_space<vmem>>
    %dma_start3A_241 = tpu.memref_squeeze %dma_start3A_240 : memref<1x64xi32, #tpu.memory_space<vmem>> -> memref<64xi32, #tpu.memory_space<vmem>>
    %dma_start3A_242 = arith.constant 0 : i32
    %dma_start3A_243 = arith.constant 0 : i32
    %dma_start3A_244 = tpu.memref_slice %arg4[%dma_start3A_242, %dma_start3A_243] : memref<10000x128xf32, #tpu.memory_space<hbm>> -> memref<10000x128xf32, #tpu.memory_space<hbm>>
    tpu.enqueue_indirect_dma source(%dma_start3A_244 : memref<10000x128xf32, #tpu.memory_space<hbm>>) target(%arg10 : memref<64x128xf32, #tpu.memory_space<vmem>>) offsets(%dma_start3A_241 : memref<64xi32, #tpu.memory_space<vmem>>) semaphore(%arg15 : memref<!tpu.dma_semaphore, #tpu.memory_space<semaphore_mem>>)
    %scan3A_245 = arith.constant 0 : i32
    %scan3A_246 = arith.constant 0 : i32
    %scan3A_247 = arith.constant 9 : i32
    %scan3A_248 = arith.addi %scan3A_246, %scan3A_247 : i32
    %scan3A_249 = arith.constant 1 : i32
    scf.for %scan3A_291 = %scan3A_246 to %scan3A_248 step %scan3A_249  : i32 {
      %mul3A_292 = arith.constant 4 : i32
      %mul3A_293 = arith.muli %mul3A_292, %scan3A_291 : i32
      %add3A_294 = arith.constant 0 : i32
      %add3A_295 = arith.addi %mul3A_293, %add3A_294 : i32
      %dma_wait3A_296 = arith.constant 0 : i32
      %dma_wait3A_297 = tpu.memref_slice %arg6[%add3A_295, %dma_wait3A_296] : memref<40x64xi32, #tpu.memory_space<vmem>> -> memref<1x64xi32, #tpu.memory_space<vmem>>
      %dma_wait3A_298 = tpu.memref_squeeze %dma_wait3A_297 : memref<1x64xi32, #tpu.memory_space<vmem>> -> memref<64xi32, #tpu.memory_space<vmem>>
      %dma_wait3A_299 = arith.constant 0 : i32
      %dma_wait3A_300 = arith.constant 0 : i32
      %dma_wait3A_301 = tpu.memref_slice %arg4[%dma_wait3A_299, %dma_wait3A_300] : memref<10000x128xf32, #tpu.memory_space<hbm>> -> memref<10000x128xf32, #tpu.memory_space<hbm>>
      tpu.wait_indirect_dma semaphore(%arg13 : memref<!tpu.dma_semaphore, #tpu.memory_space<semaphore_mem>>) src(%dma_wait3A_301 : memref<10000x128xf32, #tpu.memory_space<hbm>>) dst(%arg8 : memref<64x128xf32, #tpu.memory_space<vmem>>)
      %add3A_302 = arith.constant 4 : i32
      %add3A_303 = arith.addi %add3A_295, %add3A_302 : i32
      %sub3A = arith.constant 1 : i32
      %sub3A_304 = arith.subi %add3A_303, %sub3A : i32
      %dma_start3A_305 = arith.constant 0 : i32
      %dma_start3A_306 = tpu.memref_slice %arg6[%sub3A_304, %dma_start3A_305] : memref<40x64xi32, #tpu.memory_space<vmem>> -> memref<1x64xi32, #tpu.memory_space<vmem>>
      %dma_start3A_307 = tpu.memref_squeeze %dma_start3A_306 : memref<1x64xi32, #tpu.memory_space<vmem>> -> memref<64xi32, #tpu.memory_space<vmem>>
      %dma_start3A_308 = arith.constant 0 : i32
      %dma_start3A_309 = arith.constant 0 : i32
      %dma_start3A_310 = tpu.memref_slice %arg4[%dma_start3A_308, %dma_start3A_309] : memref<10000x128xf32, #tpu.memory_space<hbm>> -> memref<10000x128xf32, #tpu.memory_space<hbm>>
      tpu.enqueue_indirect_dma source(%dma_start3A_310 : memref<10000x128xf32, #tpu.memory_space<hbm>>) target(%arg11 : memref<64x128xf32, #tpu.memory_space<vmem>>) offsets(%dma_start3A_307 : memref<64xi32, #tpu.memory_space<vmem>>) semaphore(%arg16 : memref<!tpu.dma_semaphore, #tpu.memory_space<semaphore_mem>>)
      "tpu.region"() ({
        %run_scoped3A_371 = tpu.sem_alloc : memref<!tpu.dma_semaphore, #tpu.memory_space<semaphore_mem>>
        %dma_start3A_372 = arith.constant 0 : i32
        %dma_start3A_373 = tpu.memref_slice %arg7[%add3A_295, %dma_start3A_372] : memref<40x64xi32, #tpu.memory_space<vmem>> -> memref<1x64xi32, #tpu.memory_space<vmem>>
        %dma_start3A_374 = tpu.memref_squeeze %dma_start3A_373 : memref<1x64xi32, #tpu.memory_space<vmem>> -> memref<64xi32, #tpu.memory_space<vmem>>
        %dma_start3A_375 = arith.constant 0 : i32
        %dma_start3A_376 = arith.constant 0 : i32
        %dma_start3A_377 = tpu.memref_slice %arg12[%dma_start3A_375, %dma_start3A_376] : memref<10112x128xf32, #tpu.memory_space<vmem_shared>> -> memref<10112x128xf32, #tpu.memory_space<vmem_shared>>
        tpu.enqueue_indirect_dma source(%arg8 : memref<64x128xf32, #tpu.memory_space<vmem>>) target(%dma_start3A_377 : memref<10112x128xf32, #tpu.memory_space<vmem_shared>>) offsets(%dma_start3A_374 : memref<64xi32, #tpu.memory_space<vmem>>) semaphore(%run_scoped3A_371 : memref<!tpu.dma_semaphore, #tpu.memory_space<semaphore_mem>>) {add = true}
        %dma_wait3A_378 = arith.constant 0 : i32
        %dma_wait3A_379 = tpu.memref_slice %arg7[%add3A_295, %dma_wait3A_378] : memref<40x64xi32, #tpu.memory_space<vmem>> -> memref<1x64xi32, #tpu.memory_space<vmem>>
        %dma_wait3A_380 = tpu.memref_squeeze %dma_wait3A_379 : memref<1x64xi32, #tpu.memory_space<vmem>> -> memref<64xi32, #tpu.memory_space<vmem>>
        %dma_wait3A_381 = arith.constant 0 : i32
        %dma_wait3A_382 = arith.constant 0 : i32
        %dma_wait3A_383 = tpu.memref_slice %arg12[%dma_wait3A_381, %dma_wait3A_382] : memref<10112x128xf32, #tpu.memory_space<vmem_shared>> -> memref<10112x128xf32, #tpu.memory_space<vmem_shared>>
        tpu.wait_indirect_dma semaphore(%run_scoped3A_371 : memref<!tpu.dma_semaphore, #tpu.memory_space<semaphore_mem>>) src(%arg8 : memref<64x128xf32, #tpu.memory_space<vmem>>) dst(%dma_wait3A_383 : memref<10112x128xf32, #tpu.memory_space<vmem_shared>>)
        tpu.yield
      }) : () -> ()
      %mul3A_311 = arith.constant 4 : i32
      %mul3A_312 = arith.muli %mul3A_311, %scan3A_291 : i32
      %add3A_313 = arith.constant 1 : i32
      %add3A_314 = arith.addi %mul3A_312, %add3A_313 : i32
      %dma_wait3A_315 = arith.constant 0 : i32
      %dma_wait3A_316 = tpu.memref_slice %arg6[%add3A_314, %dma_wait3A_315] : memref<40x64xi32, #tpu.memory_space<vmem>> -> memref<1x64xi32, #tpu.memory_space<vmem>>
      %dma_wait3A_317 = tpu.memref_squeeze %dma_wait3A_316 : memref<1x64xi32, #tpu.memory_space<vmem>> -> memref<64xi32, #tpu.memory_space<vmem>>
      %dma_wait3A_318 = arith.constant 0 : i32
      %dma_wait3A_319 = arith.constant 0 : i32
      %dma_wait3A_320 = tpu.memref_slice %arg4[%dma_wait3A_318, %dma_wait3A_319] : memref<10000x128xf32, #tpu.memory_space<hbm>> -> memref<10000x128xf32, #tpu.memory_space<hbm>>
      tpu.wait_indirect_dma semaphore(%arg14 : memref<!tpu.dma_semaphore, #tpu.memory_space<semaphore_mem>>) src(%dma_wait3A_320 : memref<10000x128xf32, #tpu.memory_space<hbm>>) dst(%arg9 : memref<64x128xf32, #tpu.memory_space<vmem>>)
      %add3A_321 = arith.constant 4 : i32
      %add3A_322 = arith.addi %add3A_314, %add3A_321 : i32
      %sub3A_323 = arith.constant 1 : i32
      %sub3A_324 = arith.subi %add3A_322, %sub3A_323 : i32
      %dma_start3A_325 = arith.constant 0 : i32
      %dma_start3A_326 = tpu.memref_slice %arg6[%sub3A_324, %dma_start3A_325] : memref<40x64xi32, #tpu.memory_space<vmem>> -> memref<1x64xi32, #tpu.memory_space<vmem>>
      %dma_start3A_327 = tpu.memref_squeeze %dma_start3A_326 : memref<1x64xi32, #tpu.memory_space<vmem>> -> memref<64xi32, #tpu.memory_space<vmem>>
      %dma_start3A_328 = arith.constant 0 : i32
      %dma_start3A_329 = arith.constant 0 : i32
      %dma_start3A_330 = tpu.memref_slice %arg4[%dma_start3A_328, %dma_start3A_329] : memref<10000x128xf32, #tpu.memory_space<hbm>> -> memref<10000x128xf32, #tpu.memory_space<hbm>>
      tpu.enqueue_indirect_dma source(%dma_start3A_330 : memref<10000x128xf32, #tpu.memory_space<hbm>>) target(%arg8 : memref<64x128xf32, #tpu.memory_space<vmem>>) offsets(%dma_start3A_327 : memref<64xi32, #tpu.memory_space<vmem>>) semaphore(%arg13 : memref<!tpu.dma_semaphore, #tpu.memory_space<semaphore_mem>>)
      "tpu.region"() ({
        %run_scoped3A_371 = tpu.sem_alloc : memref<!tpu.dma_semaphore, #tpu.memory_space<semaphore_mem>>
        %dma_start3A_372 = arith.constant 0 : i32
        %dma_start3A_373 = tpu.memref_slice %arg7[%add3A_314, %dma_start3A_372] : memref<40x64xi32, #tpu.memory_space<vmem>> -> memref<1x64xi32, #tpu.memory_space<vmem>>
        %dma_start3A_374 = tpu.memref_squeeze %dma_start3A_373 : memref<1x64xi32, #tpu.memory_space<vmem>> -> memref<64xi32, #tpu.memory_space<vmem>>
        %dma_start3A_375 = arith.constant 0 : i32
        %dma_start3A_376 = arith.constant 0 : i32
        %dma_start3A_377 = tpu.memref_slice %arg12[%dma_start3A_375, %dma_start3A_376] : memref<10112x128xf32, #tpu.memory_space<vmem_shared>> -> memref<10112x128xf32, #tpu.memory_space<vmem_shared>>
        tpu.enqueue_indirect_dma source(%arg9 : memref<64x128xf32, #tpu.memory_space<vmem>>) target(%dma_start3A_377 : memref<10112x128xf32, #tpu.memory_space<vmem_shared>>) offsets(%dma_start3A_374 : memref<64xi32, #tpu.memory_space<vmem>>) semaphore(%run_scoped3A_371 : memref<!tpu.dma_semaphore, #tpu.memory_space<semaphore_mem>>) {add = true}
        %dma_wait3A_378 = arith.constant 0 : i32
        %dma_wait3A_379 = tpu.memref_slice %arg7[%add3A_314, %dma_wait3A_378] : memref<40x64xi32, #tpu.memory_space<vmem>> -> memref<1x64xi32, #tpu.memory_space<vmem>>
        %dma_wait3A_380 = tpu.memref_squeeze %dma_wait3A_379 : memref<1x64xi32, #tpu.memory_space<vmem>> -> memref<64xi32, #tpu.memory_space<vmem>>
        %dma_wait3A_381 = arith.constant 0 : i32
        %dma_wait3A_382 = arith.constant 0 : i32
        %dma_wait3A_383 = tpu.memref_slice %arg12[%dma_wait3A_381, %dma_wait3A_382] : memref<10112x128xf32, #tpu.memory_space<vmem_shared>> -> memref<10112x128xf32, #tpu.memory_space<vmem_shared>>
        tpu.wait_indirect_dma semaphore(%run_scoped3A_371 : memref<!tpu.dma_semaphore, #tpu.memory_space<semaphore_mem>>) src(%arg9 : memref<64x128xf32, #tpu.memory_space<vmem>>) dst(%dma_wait3A_383 : memref<10112x128xf32, #tpu.memory_space<vmem_shared>>)
        tpu.yield
      }) : () -> ()
      %mul3A_331 = arith.constant 4 : i32
      %mul3A_332 = arith.muli %mul3A_331, %scan3A_291 : i32
      %add3A_333 = arith.constant 2 : i32
      %add3A_334 = arith.addi %mul3A_332, %add3A_333 : i32
      %dma_wait3A_335 = arith.constant 0 : i32
      %dma_wait3A_336 = tpu.memref_slice %arg6[%add3A_334, %dma_wait3A_335] : memref<40x64xi32, #tpu.memory_space<vmem>> -> memref<1x64xi32, #tpu.memory_space<vmem>>
      %dma_wait3A_337 = tpu.memref_squeeze %dma_wait3A_336 : memref<1x64xi32, #tpu.memory_space<vmem>> -> memref<64xi32, #tpu.memory_space<vmem>>
      %dma_wait3A_338 = arith.constant 0 : i32
      %dma_wait3A_339 = arith.constant 0 : i32
      %dma_wait3A_340 = tpu.memref_slice %arg4[%dma_wait3A_338, %dma_wait3A_339] : memref<10000x128xf32, #tpu.memory_space<hbm>> -> memref<10000x128xf32, #tpu.memory_space<hbm>>
      tpu.wait_indirect_dma semaphore(%arg15 : memref<!tpu.dma_semaphore, #tpu.memory_space<semaphore_mem>>) src(%dma_wait3A_340 : memref<10000x128xf32, #tpu.memory_space<hbm>>) dst(%arg10 : memref<64x128xf32, #tpu.memory_space<vmem>>)
      %add3A_341 = arith.constant 4 : i32
      %add3A_342 = arith.addi %add3A_334, %add3A_341 : i32
      %sub3A_343 = arith.constant 1 : i32
      %sub3A_344 = arith.subi %add3A_342, %sub3A_343 : i32
      %dma_start3A_345 = arith.constant 0 : i32
      %dma_start3A_346 = tpu.memref_slice %arg6[%sub3A_344, %dma_start3A_345] : memref<40x64xi32, #tpu.memory_space<vmem>> -> memref<1x64xi32, #tpu.memory_space<vmem>>
      %dma_start3A_347 = tpu.memref_squeeze %dma_start3A_346 : memref<1x64xi32, #tpu.memory_space<vmem>> -> memref<64xi32, #tpu.memory_space<vmem>>
      %dma_start3A_348 = arith.constant 0 : i32
      %dma_start3A_349 = arith.constant 0 : i32
      %dma_start3A_350 = tpu.memref_slice %arg4[%dma_start3A_348, %dma_start3A_349] : memref<10000x128xf32, #tpu.memory_space<hbm>> -> memref<10000x128xf32, #tpu.memory_space<hbm>>
      tpu.enqueue_indirect_dma source(%dma_start3A_350 : memref<10000x128xf32, #tpu.memory_space<hbm>>) target(%arg9 : memref<64x128xf32, #tpu.memory_space<vmem>>) offsets(%dma_start3A_347 : memref<64xi32, #tpu.memory_space<vmem>>) semaphore(%arg14 : memref<!tpu.dma_semaphore, #tpu.memory_space<semaphore_mem>>)
      "tpu.region"() ({
        %run_scoped3A_371 = tpu.sem_alloc : memref<!tpu.dma_semaphore, #tpu.memory_space<semaphore_mem>>
        %dma_start3A_372 = arith.constant 0 : i32
        %dma_start3A_373 = tpu.memref_slice %arg7[%add3A_334, %dma_start3A_372] : memref<40x64xi32, #tpu.memory_space<vmem>> -> memref<1x64xi32, #tpu.memory_space<vmem>>
        %dma_start3A_374 = tpu.memref_squeeze %dma_start3A_373 : memref<1x64xi32, #tpu.memory_space<vmem>> -> memref<64xi32, #tpu.memory_space<vmem>>
        %dma_start3A_375 = arith.constant 0 : i32
        %dma_start3A_376 = arith.constant 0 : i32
        %dma_start3A_377 = tpu.memref_slice %arg12[%dma_start3A_375, %dma_start3A_376] : memref<10112x128xf32, #tpu.memory_space<vmem_shared>> -> memref<10112x128xf32, #tpu.memory_space<vmem_shared>>
        tpu.enqueue_indirect_dma source(%arg10 : memref<64x128xf32, #tpu.memory_space<vmem>>) target(%dma_start3A_377 : memref<10112x128xf32, #tpu.memory_space<vmem_shared>>) offsets(%dma_start3A_374 : memref<64xi32, #tpu.memory_space<vmem>>) semaphore(%run_scoped3A_371 : memref<!tpu.dma_semaphore, #tpu.memory_space<semaphore_mem>>) {add = true}
        %dma_wait3A_378 = arith.constant 0 : i32
        %dma_wait3A_379 = tpu.memref_slice %arg7[%add3A_334, %dma_wait3A_378] : memref<40x64xi32, #tpu.memory_space<vmem>> -> memref<1x64xi32, #tpu.memory_space<vmem>>
        %dma_wait3A_380 = tpu.memref_squeeze %dma_wait3A_379 : memref<1x64xi32, #tpu.memory_space<vmem>> -> memref<64xi32, #tpu.memory_space<vmem>>
        %dma_wait3A_381 = arith.constant 0 : i32
        %dma_wait3A_382 = arith.constant 0 : i32
        %dma_wait3A_383 = tpu.memref_slice %arg12[%dma_wait3A_381, %dma_wait3A_382] : memref<10112x128xf32, #tpu.memory_space<vmem_shared>> -> memref<10112x128xf32, #tpu.memory_space<vmem_shared>>
        tpu.wait_indirect_dma semaphore(%run_scoped3A_371 : memref<!tpu.dma_semaphore, #tpu.memory_space<semaphore_mem>>) src(%arg10 : memref<64x128xf32, #tpu.memory_space<vmem>>) dst(%dma_wait3A_383 : memref<10112x128xf32, #tpu.memory_space<vmem_shared>>)
        tpu.yield
      }) : () -> ()
      %mul3A_351 = arith.constant 4 : i32
      %mul3A_352 = arith.muli %mul3A_351, %scan3A_291 : i32
      %add3A_353 = arith.constant 3 : i32
      %add3A_354 = arith.addi %mul3A_352, %add3A_353 : i32
      %dma_wait3A_355 = arith.constant 0 : i32
      %dma_wait3A_356 = tpu.memref_slice %arg6[%add3A_354, %dma_wait3A_355] : memref<40x64xi32, #tpu.memory_space<vmem>> -> memref<1x64xi32, #tpu.memory_space<vmem>>
      %dma_wait3A_357 = tpu.memref_squeeze %dma_wait3A_356 : memref<1x64xi32, #tpu.memory_space<vmem>> -> memref<64xi32, #tpu.memory_space<vmem>>
      %dma_wait3A_358 = arith.constant 0 : i32
      %dma_wait3A_359 = arith.constant 0 : i32
      %dma_wait3A_360 = tpu.memref_slice %arg4[%dma_wait3A_358, %dma_wait3A_359] : memref<10000x128xf32, #tpu.memory_space<hbm>> -> memref<10000x128xf32, #tpu.memory_space<hbm>>
      tpu.wait_indirect_dma semaphore(%arg16 : memref<!tpu.dma_semaphore, #tpu.memory_space<semaphore_mem>>) src(%dma_wait3A_360 : memref<10000x128xf32, #tpu.memory_space<hbm>>) dst(%arg11 : memref<64x128xf32, #tpu.memory_space<vmem>>)
      %add3A_361 = arith.constant 4 : i32
      %add3A_362 = arith.addi %add3A_354, %add3A_361 : i32
      %sub3A_363 = arith.constant 1 : i32
      %sub3A_364 = arith.subi %add3A_362, %sub3A_363 : i32
      %dma_start3A_365 = arith.constant 0 : i32
      %dma_start3A_366 = tpu.memref_slice %arg6[%sub3A_364, %dma_start3A_365] : memref<40x64xi32, #tpu.memory_space<vmem>> -> memref<1x64xi32, #tpu.memory_space<vmem>>
      %dma_start3A_367 = tpu.memref_squeeze %dma_start3A_366 : memref<1x64xi32, #tpu.memory_space<vmem>> -> memref<64xi32, #tpu.memory_space<vmem>>
      %dma_start3A_368 = arith.constant 0 : i32
      %dma_start3A_369 = arith.constant 0 : i32
      %dma_start3A_370 = tpu.memref_slice %arg4[%dma_start3A_368, %dma_start3A_369] : memref<10000x128xf32, #tpu.memory_space<hbm>> -> memref<10000x128xf32, #tpu.memory_space<hbm>>
      tpu.enqueue_indirect_dma source(%dma_start3A_370 : memref<10000x128xf32, #tpu.memory_space<hbm>>) target(%arg10 : memref<64x128xf32, #tpu.memory_space<vmem>>) offsets(%dma_start3A_367 : memref<64xi32, #tpu.memory_space<vmem>>) semaphore(%arg15 : memref<!tpu.dma_semaphore, #tpu.memory_space<semaphore_mem>>)
      "tpu.region"() ({
        %run_scoped3A_371 = tpu.sem_alloc : memref<!tpu.dma_semaphore, #tpu.memory_space<semaphore_mem>>
        %dma_start3A_372 = arith.constant 0 : i32
        %dma_start3A_373 = tpu.memref_slice %arg7[%add3A_354, %dma_start3A_372] : memref<40x64xi32, #tpu.memory_space<vmem>> -> memref<1x64xi32, #tpu.memory_space<vmem>>
        %dma_start3A_374 = tpu.memref_squeeze %dma_start3A_373 : memref<1x64xi32, #tpu.memory_space<vmem>> -> memref<64xi32, #tpu.memory_space<vmem>>
        %dma_start3A_375 = arith.constant 0 : i32
        %dma_start3A_376 = arith.constant 0 : i32
        %dma_start3A_377 = tpu.memref_slice %arg12[%dma_start3A_375, %dma_start3A_376] : memref<10112x128xf32, #tpu.memory_space<vmem_shared>> -> memref<10112x128xf32, #tpu.memory_space<vmem_shared>>
        tpu.enqueue_indirect_dma source(%arg11 : memref<64x128xf32, #tpu.memory_space<vmem>>) target(%dma_start3A_377 : memref<10112x128xf32, #tpu.memory_space<vmem_shared>>) offsets(%dma_start3A_374 : memref<64xi32, #tpu.memory_space<vmem>>) semaphore(%run_scoped3A_371 : memref<!tpu.dma_semaphore, #tpu.memory_space<semaphore_mem>>) {add = true}
        %dma_wait3A_378 = arith.constant 0 : i32
        %dma_wait3A_379 = tpu.memref_slice %arg7[%add3A_354, %dma_wait3A_378] : memref<40x64xi32, #tpu.memory_space<vmem>> -> memref<1x64xi32, #tpu.memory_space<vmem>>
        %dma_wait3A_380 = tpu.memref_squeeze %dma_wait3A_379 : memref<1x64xi32, #tpu.memory_space<vmem>> -> memref<64xi32, #tpu.memory_space<vmem>>
        %dma_wait3A_381 = arith.constant 0 : i32
        %dma_wait3A_382 = arith.constant 0 : i32
        %dma_wait3A_383 = tpu.memref_slice %arg12[%dma_wait3A_381, %dma_wait3A_382] : memref<10112x128xf32, #tpu.memory_space<vmem_shared>> -> memref<10112x128xf32, #tpu.memory_space<vmem_shared>>
        tpu.wait_indirect_dma semaphore(%run_scoped3A_371 : memref<!tpu.dma_semaphore, #tpu.memory_space<semaphore_mem>>) src(%arg11 : memref<64x128xf32, #tpu.memory_space<vmem>>) dst(%dma_wait3A_383 : memref<10112x128xf32, #tpu.memory_space<vmem_shared>>)
        tpu.yield
      }) : () -> ()
    }
    %scan3A_250 = arith.constant 9 : i32
    %dma_wait3A_251 = arith.constant 36 : i32
    %dma_wait3A_252 = arith.constant 0 : i32
    %dma_wait3A_253 = tpu.memref_slice %arg6[%dma_wait3A_251, %dma_wait3A_252] : memref<40x64xi32, #tpu.memory_space<vmem>> -> memref<1x64xi32, #tpu.memory_space<vmem>>
    %dma_wait3A_254 = tpu.memref_squeeze %dma_wait3A_253 : memref<1x64xi32, #tpu.memory_space<vmem>> -> memref<64xi32, #tpu.memory_space<vmem>>
    %dma_wait3A_255 = arith.constant 0 : i32
    %dma_wait3A_256 = arith.constant 0 : i32
    %dma_wait3A_257 = tpu.memref_slice %arg4[%dma_wait3A_255, %dma_wait3A_256] : memref<10000x128xf32, #tpu.memory_space<hbm>> -> memref<10000x128xf32, #tpu.memory_space<hbm>>
    tpu.wait_indirect_dma semaphore(%arg13 : memref<!tpu.dma_semaphore, #tpu.memory_space<semaphore_mem>>) src(%dma_wait3A_257 : memref<10000x128xf32, #tpu.memory_space<hbm>>) dst(%arg8 : memref<64x128xf32, #tpu.memory_space<vmem>>)
    %dma_start3A_258 = arith.constant 39 : i32
    %dma_start3A_259 = arith.constant 0 : i32
    %dma_start3A_260 = tpu.memref_slice %arg6[%dma_start3A_258, %dma_start3A_259] : memref<40x64xi32, #tpu.memory_space<vmem>> -> memref<1x64xi32, #tpu.memory_space<vmem>>
    %dma_start3A_261 = tpu.memref_squeeze %dma_start3A_260 : memref<1x64xi32, #tpu.memory_space<vmem>> -> memref<64xi32, #tpu.memory_space<vmem>>
    %dma_start3A_262 = arith.constant 0 : i32
    %dma_start3A_263 = arith.constant 0 : i32
    %dma_start3A_264 = tpu.memref_slice %arg4[%dma_start3A_262, %dma_start3A_263] : memref<10000x128xf32, #tpu.memory_space<hbm>> -> memref<10000x128xf32, #tpu.memory_space<hbm>>
    tpu.enqueue_indirect_dma source(%dma_start3A_264 : memref<10000x128xf32, #tpu.memory_space<hbm>>) target(%arg11 : memref<64x128xf32, #tpu.memory_space<vmem>>) offsets(%dma_start3A_261 : memref<64xi32, #tpu.memory_space<vmem>>) semaphore(%arg16 : memref<!tpu.dma_semaphore, #tpu.memory_space<semaphore_mem>>)
    %run_scoped3A_265 = arith.constant 36 : i32
    "tpu.region"() ({
      %run_scoped3A_291 = tpu.sem_alloc : memref<!tpu.dma_semaphore, #tpu.memory_space<semaphore_mem>>
      %dma_start3A_292 = arith.constant 0 : i32
      %dma_start3A_293 = tpu.memref_slice %arg7[%run_scoped3A_265, %dma_start3A_292] : memref<40x64xi32, #tpu.memory_space<vmem>> -> memref<1x64xi32, #tpu.memory_space<vmem>>
      %dma_start3A_294 = tpu.memref_squeeze %dma_start3A_293 : memref<1x64xi32, #tpu.memory_space<vmem>> -> memref<64xi32, #tpu.memory_space<vmem>>
      %dma_start3A_295 = arith.constant 0 : i32
      %dma_start3A_296 = arith.constant 0 : i32
      %dma_start3A_297 = tpu.memref_slice %arg12[%dma_start3A_295, %dma_start3A_296] : memref<10112x128xf32, #tpu.memory_space<vmem_shared>> -> memref<10112x128xf32, #tpu.memory_space<vmem_shared>>
      tpu.enqueue_indirect_dma source(%arg8 : memref<64x128xf32, #tpu.memory_space<vmem>>) target(%dma_start3A_297 : memref<10112x128xf32, #tpu.memory_space<vmem_shared>>) offsets(%dma_start3A_294 : memref<64xi32, #tpu.memory_space<vmem>>) semaphore(%run_scoped3A_291 : memref<!tpu.dma_semaphore, #tpu.memory_space<semaphore_mem>>) {add = true}
      %dma_wait3A_298 = arith.constant 0 : i32
      %dma_wait3A_299 = tpu.memref_slice %arg7[%run_scoped3A_265, %dma_wait3A_298] : memref<40x64xi32, #tpu.memory_space<vmem>> -> memref<1x64xi32, #tpu.memory_space<vmem>>
      %dma_wait3A_300 = tpu.memref_squeeze %dma_wait3A_299 : memref<1x64xi32, #tpu.memory_space<vmem>> -> memref<64xi32, #tpu.memory_space<vmem>>
      %dma_wait3A_301 = arith.constant 0 : i32
      %dma_wait3A_302 = arith.constant 0 : i32
      %dma_wait3A_303 = tpu.memref_slice %arg12[%dma_wait3A_301, %dma_wait3A_302] : memref<10112x128xf32, #tpu.memory_space<vmem_shared>> -> memref<10112x128xf32, #tpu.memory_space<vmem_shared>>
      tpu.wait_indirect_dma semaphore(%run_scoped3A_291 : memref<!tpu.dma_semaphore, #tpu.memory_space<semaphore_mem>>) src(%arg8 : memref<64x128xf32, #tpu.memory_space<vmem>>) dst(%dma_wait3A_303 : memref<10112x128xf32, #tpu.memory_space<vmem_shared>>)
      tpu.yield
    }) : () -> ()
    %dma_wait3A_266 = arith.constant 37 : i32
    %dma_wait3A_267 = arith.constant 0 : i32
    %dma_wait3A_268 = tpu.memref_slice %arg6[%dma_wait3A_266, %dma_wait3A_267] : memref<40x64xi32, #tpu.memory_space<vmem>> -> memref<1x64xi32, #tpu.memory_space<vmem>>
    %dma_wait3A_269 = tpu.memref_squeeze %dma_wait3A_268 : memref<1x64xi32, #tpu.memory_space<vmem>> -> memref<64xi32, #tpu.memory_space<vmem>>
    %dma_wait3A_270 = arith.constant 0 : i32
    %dma_wait3A_271 = arith.constant 0 : i32
    %dma_wait3A_272 = tpu.memref_slice %arg4[%dma_wait3A_270, %dma_wait3A_271] : memref<10000x128xf32, #tpu.memory_space<hbm>> -> memref<10000x128xf32, #tpu.memory_space<hbm>>
    tpu.wait_indirect_dma semaphore(%arg14 : memref<!tpu.dma_semaphore, #tpu.memory_space<semaphore_mem>>) src(%dma_wait3A_272 : memref<10000x128xf32, #tpu.memory_space<hbm>>) dst(%arg9 : memref<64x128xf32, #tpu.memory_space<vmem>>)
    %run_scoped3A_273 = arith.constant 37 : i32
    "tpu.region"() ({
      %run_scoped3A_291 = tpu.sem_alloc : memref<!tpu.dma_semaphore, #tpu.memory_space<semaphore_mem>>
      %dma_start3A_292 = arith.constant 0 : i32
      %dma_start3A_293 = tpu.memref_slice %arg7[%run_scoped3A_273, %dma_start3A_292] : memref<40x64xi32, #tpu.memory_space<vmem>> -> memref<1x64xi32, #tpu.memory_space<vmem>>
      %dma_start3A_294 = tpu.memref_squeeze %dma_start3A_293 : memref<1x64xi32, #tpu.memory_space<vmem>> -> memref<64xi32, #tpu.memory_space<vmem>>
      %dma_start3A_295 = arith.constant 0 : i32
      %dma_start3A_296 = arith.constant 0 : i32
      %dma_start3A_297 = tpu.memref_slice %arg12[%dma_start3A_295, %dma_start3A_296] : memref<10112x128xf32, #tpu.memory_space<vmem_shared>> -> memref<10112x128xf32, #tpu.memory_space<vmem_shared>>
      tpu.enqueue_indirect_dma source(%arg9 : memref<64x128xf32, #tpu.memory_space<vmem>>) target(%dma_start3A_297 : memref<10112x128xf32, #tpu.memory_space<vmem_shared>>) offsets(%dma_start3A_294 : memref<64xi32, #tpu.memory_space<vmem>>) semaphore(%run_scoped3A_291 : memref<!tpu.dma_semaphore, #tpu.memory_space<semaphore_mem>>) {add = true}
      %dma_wait3A_298 = arith.constant 0 : i32
      %dma_wait3A_299 = tpu.memref_slice %arg7[%run_scoped3A_273, %dma_wait3A_298] : memref<40x64xi32, #tpu.memory_space<vmem>> -> memref<1x64xi32, #tpu.memory_space<vmem>>
      %dma_wait3A_300 = tpu.memref_squeeze %dma_wait3A_299 : memref<1x64xi32, #tpu.memory_space<vmem>> -> memref<64xi32, #tpu.memory_space<vmem>>
      %dma_wait3A_301 = arith.constant 0 : i32
      %dma_wait3A_302 = arith.constant 0 : i32
      %dma_wait3A_303 = tpu.memref_slice %arg12[%dma_wait3A_301, %dma_wait3A_302] : memref<10112x128xf32, #tpu.memory_space<vmem_shared>> -> memref<10112x128xf32, #tpu.memory_space<vmem_shared>>
      tpu.wait_indirect_dma semaphore(%run_scoped3A_291 : memref<!tpu.dma_semaphore, #tpu.memory_space<semaphore_mem>>) src(%arg9 : memref<64x128xf32, #tpu.memory_space<vmem>>) dst(%dma_wait3A_303 : memref<10112x128xf32, #tpu.memory_space<vmem_shared>>)
      tpu.yield
    }) : () -> ()
    %dma_wait3A_274 = arith.constant 38 : i32
    %dma_wait3A_275 = arith.constant 0 : i32
    %dma_wait3A_276 = tpu.memref_slice %arg6[%dma_wait3A_274, %dma_wait3A_275] : memref<40x64xi32, #tpu.memory_space<vmem>> -> memref<1x64xi32, #tpu.memory_space<vmem>>
    %dma_wait3A_277 = tpu.memref_squeeze %dma_wait3A_276 : memref<1x64xi32, #tpu.memory_space<vmem>> -> memref<64xi32, #tpu.memory_space<vmem>>
    %dma_wait3A_278 = arith.constant 0 : i32
    %dma_wait3A_279 = arith.constant 0 : i32
    %dma_wait3A_280 = tpu.memref_slice %arg4[%dma_wait3A_278, %dma_wait3A_279] : memref<10000x128xf32, #tpu.memory_space<hbm>> -> memref<10000x128xf32, #tpu.memory_space<hbm>>
    tpu.wait_indirect_dma semaphore(%arg15 : memref<!tpu.dma_semaphore, #tpu.memory_space<semaphore_mem>>) src(%dma_wait3A_280 : memref<10000x128xf32, #tpu.memory_space<hbm>>) dst(%arg10 : memref<64x128xf32, #tpu.memory_space<vmem>>)
    %run_scoped3A_281 = arith.constant 38 : i32
    "tpu.region"() ({
      %run_scoped3A_291 = tpu.sem_alloc : memref<!tpu.dma_semaphore, #tpu.memory_space<semaphore_mem>>
      %dma_start3A_292 = arith.constant 0 : i32
      %dma_start3A_293 = tpu.memref_slice %arg7[%run_scoped3A_281, %dma_start3A_292] : memref<40x64xi32, #tpu.memory_space<vmem>> -> memref<1x64xi32, #tpu.memory_space<vmem>>
      %dma_start3A_294 = tpu.memref_squeeze %dma_start3A_293 : memref<1x64xi32, #tpu.memory_space<vmem>> -> memref<64xi32, #tpu.memory_space<vmem>>
      %dma_start3A_295 = arith.constant 0 : i32
      %dma_start3A_296 = arith.constant 0 : i32
      %dma_start3A_297 = tpu.memref_slice %arg12[%dma_start3A_295, %dma_start3A_296] : memref<10112x128xf32, #tpu.memory_space<vmem_shared>> -> memref<10112x128xf32, #tpu.memory_space<vmem_shared>>
      tpu.enqueue_indirect_dma source(%arg10 : memref<64x128xf32, #tpu.memory_space<vmem>>) target(%dma_start3A_297 : memref<10112x128xf32, #tpu.memory_space<vmem_shared>>) offsets(%dma_start3A_294 : memref<64xi32, #tpu.memory_space<vmem>>) semaphore(%run_scoped3A_291 : memref<!tpu.dma_semaphore, #tpu.memory_space<semaphore_mem>>) {add = true}
      %dma_wait3A_298 = arith.constant 0 : i32
      %dma_wait3A_299 = tpu.memref_slice %arg7[%run_scoped3A_281, %dma_wait3A_298] : memref<40x64xi32, #tpu.memory_space<vmem>> -> memref<1x64xi32, #tpu.memory_space<vmem>>
      %dma_wait3A_300 = tpu.memref_squeeze %dma_wait3A_299 : memref<1x64xi32, #tpu.memory_space<vmem>> -> memref<64xi32, #tpu.memory_space<vmem>>
      %dma_wait3A_301 = arith.constant 0 : i32
      %dma_wait3A_302 = arith.constant 0 : i32
      %dma_wait3A_303 = tpu.memref_slice %arg12[%dma_wait3A_301, %dma_wait3A_302] : memref<10112x128xf32, #tpu.memory_space<vmem_shared>> -> memref<10112x128xf32, #tpu.memory_space<vmem_shared>>
      tpu.wait_indirect_dma semaphore(%run_scoped3A_291 : memref<!tpu.dma_semaphore, #tpu.memory_space<semaphore_mem>>) src(%arg10 : memref<64x128xf32, #tpu.memory_space<vmem>>) dst(%dma_wait3A_303 : memref<10112x128xf32, #tpu.memory_space<vmem_shared>>)
      tpu.yield
    }) : () -> ()
    %dma_wait3A_282 = arith.constant 39 : i32
    %dma_wait3A_283 = arith.constant 0 : i32
    %dma_wait3A_284 = tpu.memref_slice %arg6[%dma_wait3A_282, %dma_wait3A_283] : memref<40x64xi32, #tpu.memory_space<vmem>> -> memref<1x64xi32, #tpu.memory_space<vmem>>
    %dma_wait3A_285 = tpu.memref_squeeze %dma_wait3A_284 : memref<1x64xi32, #tpu.memory_space<vmem>> -> memref<64xi32, #tpu.memory_space<vmem>>
    %dma_wait3A_286 = arith.constant 0 : i32
    %dma_wait3A_287 = arith.constant 0 : i32
    %dma_wait3A_288 = tpu.memref_slice %arg4[%dma_wait3A_286, %dma_wait3A_287] : memref<10000x128xf32, #tpu.memory_space<hbm>> -> memref<10000x128xf32, #tpu.memory_space<hbm>>
    tpu.wait_indirect_dma semaphore(%arg16 : memref<!tpu.dma_semaphore, #tpu.memory_space<semaphore_mem>>) src(%dma_wait3A_288 : memref<10000x128xf32, #tpu.memory_space<hbm>>) dst(%arg11 : memref<64x128xf32, #tpu.memory_space<vmem>>)
    %run_scoped3A_289 = arith.constant 39 : i32
    "tpu.region"() ({
      %run_scoped3A_291 = tpu.sem_alloc : memref<!tpu.dma_semaphore, #tpu.memory_space<semaphore_mem>>
      %dma_start3A_292 = arith.constant 0 : i32
      %dma_start3A_293 = tpu.memref_slice %arg7[%run_scoped3A_289, %dma_start3A_292] : memref<40x64xi32, #tpu.memory_space<vmem>> -> memref<1x64xi32, #tpu.memory_space<vmem>>
      %dma_start3A_294 = tpu.memref_squeeze %dma_start3A_293 : memref<1x64xi32, #tpu.memory_space<vmem>> -> memref<64xi32, #tpu.memory_space<vmem>>
      %dma_start3A_295 = arith.constant 0 : i32
      %dma_start3A_296 = arith.constant 0 : i32
      %dma_start3A_297 = tpu.memref_slice %arg12[%dma_start3A_295, %dma_start3A_296] : memref<10112x128xf32, #tpu.memory_space<vmem_shared>> -> memref<10112x128xf32, #tpu.memory_space<vmem_shared>>
      tpu.enqueue_indirect_dma source(%arg11 : memref<64x128xf32, #tpu.memory_space<vmem>>) target(%dma_start3A_297 : memref<10112x128xf32, #tpu.memory_space<vmem_shared>>) offsets(%dma_start3A_294 : memref<64xi32, #tpu.memory_space<vmem>>) semaphore(%run_scoped3A_291 : memref<!tpu.dma_semaphore, #tpu.memory_space<semaphore_mem>>) {add = true}
      %dma_wait3A_298 = arith.constant 0 : i32
      %dma_wait3A_299 = tpu.memref_slice %arg7[%run_scoped3A_289, %dma_wait3A_298] : memref<40x64xi32, #tpu.memory_space<vmem>> -> memref<1x64xi32, #tpu.memory_space<vmem>>
      %dma_wait3A_300 = tpu.memref_squeeze %dma_wait3A_299 : memref<1x64xi32, #tpu.memory_space<vmem>> -> memref<64xi32, #tpu.memory_space<vmem>>
      %dma_wait3A_301 = arith.constant 0 : i32
      %dma_wait3A_302 = arith.constant 0 : i32
      %dma_wait3A_303 = tpu.memref_slice %arg12[%dma_wait3A_301, %dma_wait3A_302] : memref<10112x128xf32, #tpu.memory_space<vmem_shared>> -> memref<10112x128xf32, #tpu.memory_space<vmem_shared>>
      tpu.wait_indirect_dma semaphore(%run_scoped3A_291 : memref<!tpu.dma_semaphore, #tpu.memory_space<semaphore_mem>>) src(%arg11 : memref<64x128xf32, #tpu.memory_space<vmem>>) dst(%dma_wait3A_303 : memref<10112x128xf32, #tpu.memory_space<vmem_shared>>)
      tpu.yield
    }) : () -> ()
    %barrier3A_290 = arith.constant 0 : index
    tpu.barrier barrier_id(%barrier3A_290)
    "tpu.region"() ({
      %run_scoped3A_291 = tpu.sem_alloc : memref<!tpu.dma_semaphore, #tpu.memory_space<semaphore_mem>>
      %dma_start3A_292 = arith.constant 0 : i32
      %dma_start3A_293 = tpu.memref_slice %arg5[%arg0, %mul3A_2, %dma_start3A_292] : memref<2x10112x128xf32, #tpu.memory_space<hbm>> -> memref<1x632x128xf32, #tpu.memory_space<hbm>>
      %dma_start3A_294 = tpu.memref_squeeze %dma_start3A_293 : memref<1x632x128xf32, #tpu.memory_space<hbm>> -> memref<632x128xf32, #tpu.memory_space<hbm>>
      %dma_start3A_295 = arith.constant 0 : i32
      %dma_start3A_296 = tpu.memref_slice %arg12[%mul3A_2, %dma_start3A_295] : memref<10112x128xf32, #tpu.memory_space<vmem_shared>> -> memref<632x128xf32, #tpu.memory_space<vmem_shared>>
      tpu.enqueue_dma source(%dma_start3A_296 : memref<632x128xf32, #tpu.memory_space<vmem_shared>>) target(%dma_start3A_294 : memref<632x128xf32, #tpu.memory_space<hbm>>) target_semaphore(%run_scoped3A_291 : memref<!tpu.dma_semaphore, #tpu.memory_space<semaphore_mem>>)
      %dma_wait3A_297 = arith.constant 0 : i32
      %dma_wait3A_298 = tpu.memref_slice %arg5[%arg0, %mul3A_2, %dma_wait3A_297] : memref<2x10112x128xf32, #tpu.memory_space<hbm>> -> memref<1x632x128xf32, #tpu.memory_space<hbm>>
      %dma_wait3A_299 = tpu.memref_squeeze %dma_wait3A_298 : memref<1x632x128xf32, #tpu.memory_space<hbm>> -> memref<632x128xf32, #tpu.memory_space<hbm>>
      %dma_wait3A_300 = arith.constant 0 : i32
      %dma_wait3A_301 = tpu.memref_slice %arg12[%mul3A_2, %dma_wait3A_300] : memref<10112x128xf32, #tpu.memory_space<vmem_shared>> -> memref<632x128xf32, #tpu.memory_space<vmem_shared>>
      tpu.wait_dma2 semaphore(%run_scoped3A_291 : memref<!tpu.dma_semaphore, #tpu.memory_space<semaphore_mem>>) src(%dma_wait3A_301 : memref<632x128xf32, #tpu.memory_space<vmem_shared>>) dst(%dma_wait3A_299 : memref<632x128xf32, #tpu.memory_space<hbm>>)
      tpu.yield
    }) : () -> ()
    return
  }
}

#map = affine_map<(d0, d1) -> (0, 0, 0)>
#map1 = affine_map<(d0, d1) -> (0, 0)>
module attributes {stable_mosaic.version = 14 : i64} {
  func.func @seg_sum(%arg0: i32, %arg1: i32, %arg2: memref<32x160x64xi32, #tpu.memory_space<hbm>>, %arg3: memref<32x160x64xi32, #tpu.memory_space<hbm>>, %arg4: memref<10000x128xf32, #tpu.memory_space<hbm>>, %arg5: memref<2x10112x128xf32, #tpu.memory_space<hbm>>, %arg6: memref<40x64xi32, #tpu.memory_space<vmem>>, %arg7: memref<40x64xi32, #tpu.memory_space<vmem>>, %arg8: memref<64x128xf32, #tpu.memory_space<vmem>>, %arg9: memref<64x128xf32, #tpu.memory_space<vmem>>, %arg10: memref<64x128xf32, #tpu.memory_space<vmem>>, %arg11: memref<64x128xf32, #tpu.memory_space<vmem>>, %arg12: memref<10112x128xf32, #tpu.memory_space<vmem_shared>>, %arg13: memref<!tpu.dma_semaphore, #tpu.memory_space<semaphore_mem>>, %arg14: memref<!tpu.dma_semaphore, #tpu.memory_space<semaphore_mem>>, %arg15: memref<!tpu.dma_semaphore, #tpu.memory_space<semaphore_mem>>, %arg16: memref<!tpu.dma_semaphore, #tpu.memory_space<semaphore_mem>>) attributes {dimension_semantics = [#tpu.dimension_semantics<core_parallel>, #tpu.dimension_semantics<subcore_parallel>], iteration_bounds = array<i64: 2, 16>, scalar_prefetch = 0 : i64, scratch_operands = 11 : i64, tpu.core_type = #tpu.core_type<sc_vector_subcore>, window_params = [{transform_indices = #map}, {transform_indices = #map}, {transform_indices = #map1}, {transform_indices = #map}]} {
    %mul3A = arith.constant 2 : i32
    %mul3A_0 = arith.muli %arg1, %mul3A : i32
    %add3A = arith.addi %mul3A_0, %arg0 : i32
    %mul3A_1 = arith.constant 632 : i32
    %mul3A_2 = arith.muli %arg1, %mul3A_1 : i32
    %broadcast_in_dim3A = arith.constant 0.000000e+00 : f32
    %broadcast_in_dim3A_3 = vector.broadcast %broadcast_in_dim3A : f32 to vector<16xf32>
    %scan3A = arith.constant 0 : i32
    %scan3A_4 = arith.constant 0 : i32
    %scan3A_5 = arith.constant 64 : i32
    %scan3A_6 = arith.addi %scan3A_4, %scan3A_5 : i32
    %scan3A_7 = arith.constant 1 : i32
    scf.for %scan3A_291 = %scan3A_4 to %scan3A_6 step %scan3A_7  : i32 {
      %swap3A = arith.index_cast %scan3A_291 : i32 to index
      %swap3A_292 = arith.constant 0 : index
      %swap3A_293 = tpu.vector_load %arg8[%swap3A, %swap3A_292] {strides = array<i32>} : memref<64x128xf32, #tpu.memory_space<vmem>>, vector<1x16xf32>,
      %swap3A_294 = vector.shape_cast %swap3A_293 : vector<1x16xf32> to vector<16xf32>
      %swap3A_295 = vector.shape_cast %broadcast_in_dim3A_3 : vector<16xf32> to vector<1x16xf32>
      tpu.vector_store %arg8[%swap3A, %swap3A_292], %swap3A_295 {strides = array<i32>} : memref<64x128xf32, #tpu.memory_space<vmem>>, vector<1x16xf32>,
      %swap3A_296 = arith.index_cast %scan3A_291 : i32 to index
      %swap3A_297 = arith.constant 16 : index
      %swap3A_298 = tpu.vector_load %arg8[%swap3A_296, %swap3A_297] {strides = array<i32>} : memref<64x128xf32, #tpu.memory_space<vmem>>, vector<1x16xf32>,
      %swap3A_299 = vector.shape_cast %swap3A_298 : vector<1x16xf32> to vector<16xf32>
      %swap3A_300 = vector.shape_cast %broadcast_in_dim3A_3 : vector<16xf32> to vector<1x16xf32>
      tpu.vector_store %arg8[%swap3A_296, %swap3A_297], %swap3A_300 {strides = array<i32>} : memref<64x128xf32, #tpu.memory_space<vmem>>, vector<1x16xf32>,
      %swap3A_301 = arith.index_cast %scan3A_291 : i32 to index
      %swap3A_302 = arith.constant 32 : index
      %swap3A_303 = tpu.vector_load %arg8[%swap3A_301, %swap3A_302] {strides = array<i32>} : memref<64x128xf32, #tpu.memory_space<vmem>>, vector<1x16xf32>,
      %swap3A_304 = vector.shape_cast %swap3A_303 : vector<1x16xf32> to vector<16xf32>
      %swap3A_305 = vector.shape_cast %broadcast_in_dim3A_3 : vector<16xf32> to vector<1x16xf32>
      tpu.vector_store %arg8[%swap3A_301, %swap3A_302], %swap3A_305 {strides = array<i32>} : memref<64x128xf32, #tpu.memory_space<vmem>>, vector<1x16xf32>,
      %swap3A_306 = arith.index_cast %scan3A_291 : i32 to index
      %swap3A_307 = arith.constant 48 : index
      %swap3A_308 = tpu.vector_load %arg8[%swap3A_306, %swap3A_307] {strides = array<i32>} : memref<64x128xf32, #tpu.memory_space<vmem>>, vector<1x16xf32>,
      %swap3A_309 = vector.shape_cast %swap3A_308 : vector<1x16xf32> to vector<16xf32>
      %swap3A_310 = vector.shape_cast %broadcast_in_dim3A_3 : vector<16xf32> to vector<1x16xf32>
      tpu.vector_store %arg8[%swap3A_306, %swap3A_307], %swap3A_310 {strides = array<i32>} : memref<64x128xf32, #tpu.memory_space<vmem>>, vector<1x16xf32>,
      %swap3A_311 = arith.index_cast %scan3A_291 : i32 to index
      %swap3A_312 = arith.constant 64 : index
      %swap3A_313 = tpu.vector_load %arg8[%swap3A_311, %swap3A_312] {strides = array<i32>} : memref<64x128xf32, #tpu.memory_space<vmem>>, vector<1x16xf32>,
      %swap3A_314 = vector.shape_cast %swap3A_313 : vector<1x16xf32> to vector<16xf32>
      %swap3A_315 = vector.shape_cast %broadcast_in_dim3A_3 : vector<16xf32> to vector<1x16xf32>
      tpu.vector_store %arg8[%swap3A_311, %swap3A_312], %swap3A_315 {strides = array<i32>} : memref<64x128xf32, #tpu.memory_space<vmem>>, vector<1x16xf32>,
      %swap3A_316 = arith.index_cast %scan3A_291 : i32 to index
      %swap3A_317 = arith.constant 80 : index
      %swap3A_318 = tpu.vector_load %arg8[%swap3A_316, %swap3A_317] {strides = array<i32>} : memref<64x128xf32, #tpu.memory_space<vmem>>, vector<1x16xf32>,
      %swap3A_319 = vector.shape_cast %swap3A_318 : vector<1x16xf32> to vector<16xf32>
      %swap3A_320 = vector.shape_cast %broadcast_in_dim3A_3 : vector<16xf32> to vector<1x16xf32>
      tpu.vector_store %arg8[%swap3A_316, %swap3A_317], %swap3A_320 {strides = array<i32>} : memref<64x128xf32, #tpu.memory_space<vmem>>, vector<1x16xf32>,
      %swap3A_321 = arith.index_cast %scan3A_291 : i32 to index
      %swap3A_322 = arith.constant 96 : index
      %swap3A_323 = tpu.vector_load %arg8[%swap3A_321, %swap3A_322] {strides = array<i32>} : memref<64x128xf32, #tpu.memory_space<vmem>>, vector<1x16xf32>,
      %swap3A_324 = vector.shape_cast %swap3A_323 : vector<1x16xf32> to vector<16xf32>
      %swap3A_325 = vector.shape_cast %broadcast_in_dim3A_3 : vector<16xf32> to vector<1x16xf32>
      tpu.vector_store %arg8[%swap3A_321, %swap3A_322], %swap3A_325 {strides = array<i32>} : memref<64x128xf32, #tpu.memory_space<vmem>>, vector<1x16xf32>,
      %swap3A_326 = arith.index_cast %scan3A_291 : i32 to index
      %swap3A_327 = arith.constant 112 : index
      %swap3A_328 = tpu.vector_load %arg8[%swap3A_326, %swap3A_327] {strides = array<i32>} : memref<64x128xf32, #tpu.memory_space<vmem>>, vector<1x16xf32>,
      %swap3A_329 = vector.shape_cast %swap3A_328 : vector<1x16xf32> to vector<16xf32>
      %swap3A_330 = vector.shape_cast %broadcast_in_dim3A_3 : vector<16xf32> to vector<1x16xf32>
      tpu.vector_store %arg8[%swap3A_326, %swap3A_327], %swap3A_330 {strides = array<i32>} : memref<64x128xf32, #tpu.memory_space<vmem>>, vector<1x16xf32>,
    }
    %scan3A_8 = arith.constant 64 : i32
    %add3A_9 = arith.constant 0 : i32
    %add3A_10 = arith.addi %mul3A_2, %add3A_9 : i32
    "tpu.region"() ({
      %run_scoped3A_291 = tpu.sem_alloc : memref<!tpu.dma_semaphore, #tpu.memory_space<semaphore_mem>>
      %dma_start3A_292 = arith.constant 0 : i32
      %dma_start3A_293 = tpu.memref_slice %arg12[%add3A_10, %dma_start3A_292] : memref<10112x128xf32, #tpu.memory_space<vmem_shared>> -> memref<64x128xf32, #tpu.memory_space<vmem_shared>>
      %dma_start3A_294 = arith.constant 0 : i32
      %dma_start3A_295 = tpu.memref_slice %arg12[%add3A_10, %dma_start3A_294] : memref<10112x128xf32, #tpu.memory_space<vmem_shared>> -> memref<64x128xf32, #tpu.memory_space<vmem_shared>>
      tpu.enqueue_dma source(%arg8 : memref<64x128xf32, #tpu.memory_space<vmem>>) target(%dma_start3A_295 : memref<64x128xf32, #tpu.memory_space<vmem_shared>>) target_semaphore(%run_scoped3A_291 : memref<!tpu.dma_semaphore, #tpu.memory_space<semaphore_mem>>)
      %dma_wait3A_296 = arith.constant 0 : i32
      %dma_wait3A_297 = tpu.memref_slice %arg12[%add3A_10, %dma_wait3A_296] : memref<10112x128xf32, #tpu.memory_space<vmem_shared>> -> memref<64x128xf32, #tpu.memory_space<vmem_shared>>
      %dma_wait3A_298 = arith.constant 0 : i32
      %dma_wait3A_299 = tpu.memref_slice %arg12[%add3A_10, %dma_wait3A_298] : memref<10112x128xf32, #tpu.memory_space<vmem_shared>> -> memref<64x128xf32, #tpu.memory_space<vmem_shared>>
      tpu.wait_dma2 semaphore(%run_scoped3A_291 : memref<!tpu.dma_semaphore, #tpu.memory_space<semaphore_mem>>) src(%arg8 : memref<64x128xf32, #tpu.memory_space<vmem>>) dst(%dma_wait3A_299 : memref<64x128xf32, #tpu.memory_space<vmem_shared>>)
      tpu.yield
    }) : () -> ()
    %add3A_11 = arith.constant 64 : i32
    %add3A_12 = arith.addi %mul3A_2, %add3A_11 : i32
    "tpu.region"() ({
      %run_scoped3A_291 = tpu.sem_alloc : memref<!tpu.dma_semaphore, #tpu.memory_space<semaphore_mem>>
      %dma_start3A_292 = arith.constant 0 : i32
      %dma_start3A_293 = tpu.memref_slice %arg12[%add3A_12, %dma_start3A_292] : memref<10112x128xf32, #tpu.memory_space<vmem_shared>> -> memref<64x128xf32, #tpu.memory_space<vmem_shared>>
      %dma_start3A_294 = arith.constant 0 : i32
      %dma_start3A_295 = tpu.memref_slice %arg12[%add3A_12, %dma_start3A_294] : memref<10112x128xf32, #tpu.memory_space<vmem_shared>> -> memref<64x128xf32, #tpu.memory_space<vmem_shared>>
      tpu.enqueue_dma source(%arg8 : memref<64x128xf32, #tpu.memory_space<vmem>>) target(%dma_start3A_295 : memref<64x128xf32, #tpu.memory_space<vmem_shared>>) target_semaphore(%run_scoped3A_291 : memref<!tpu.dma_semaphore, #tpu.memory_space<semaphore_mem>>)
      %dma_wait3A_296 = arith.constant 0 : i32
      %dma_wait3A_297 = tpu.memref_slice %arg12[%add3A_12, %dma_wait3A_296] : memref<10112x128xf32, #tpu.memory_space<vmem_shared>> -> memref<64x128xf32, #tpu.memory_space<vmem_shared>>
      %dma_wait3A_298 = arith.constant 0 : i32
      %dma_wait3A_299 = tpu.memref_slice %arg12[%add3A_12, %dma_wait3A_298] : memref<10112x128xf32, #tpu.memory_space<vmem_shared>> -> memref<64x128xf32, #tpu.memory_space<vmem_shared>>
      tpu.wait_dma2 semaphore(%run_scoped3A_291 : memref<!tpu.dma_semaphore, #tpu.memory_space<semaphore_mem>>) src(%arg8 : memref<64x128xf32, #tpu.memory_space<vmem>>) dst(%dma_wait3A_299 : memref<64x128xf32, #tpu.memory_space<vmem_shared>>)
      tpu.yield
    }) : () -> ()
    %add3A_13 = arith.constant 128 : i32
    %add3A_14 = arith.addi %mul3A_2, %add3A_13 : i32
    "tpu.region"() ({
      %run_scoped3A_291 = tpu.sem_alloc : memref<!tpu.dma_semaphore, #tpu.memory_space<semaphore_mem>>
      %dma_start3A_292 = arith.constant 0 : i32
      %dma_start3A_293 = tpu.memref_slice %arg12[%add3A_14, %dma_start3A_292] : memref<10112x128xf32, #tpu.memory_space<vmem_shared>> -> memref<64x128xf32, #tpu.memory_space<vmem_shared>>
      %dma_start3A_294 = arith.constant 0 : i32
      %dma_start3A_295 = tpu.memref_slice %arg12[%add3A_14, %dma_start3A_294] : memref<10112x128xf32, #tpu.memory_space<vmem_shared>> -> memref<64x128xf32, #tpu.memory_space<vmem_shared>>
      tpu.enqueue_dma source(%arg8 : memref<64x128xf32, #tpu.memory_space<vmem>>) target(%dma_start3A_295 : memref<64x128xf32, #tpu.memory_space<vmem_shared>>) target_semaphore(%run_scoped3A_291 : memref<!tpu.dma_semaphore, #tpu.memory_space<semaphore_mem>>)
      %dma_wait3A_296 = arith.constant 0 : i32
      %dma_wait3A_297 = tpu.memref_slice %arg12[%add3A_14, %dma_wait3A_296] : memref<10112x128xf32, #tpu.memory_space<vmem_shared>> -> memref<64x128xf32, #tpu.memory_space<vmem_shared>>
      %dma_wait3A_298 = arith.constant 0 : i32
      %dma_wait3A_299 = tpu.memref_slice %arg12[%add3A_14, %dma_wait3A_298] : memref<10112x128xf32, #tpu.memory_space<vmem_shared>> -> memref<64x128xf32, #tpu.memory_space<vmem_shared>>
      tpu.wait_dma2 semaphore(%run_scoped3A_291 : memref<!tpu.dma_semaphore, #tpu.memory_space<semaphore_mem>>) src(%arg8 : memref<64x128xf32, #tpu.memory_space<vmem>>) dst(%dma_wait3A_299 : memref<64x128xf32, #tpu.memory_space<vmem_shared>>)
      tpu.yield
    }) : () -> ()
    %add3A_15 = arith.constant 192 : i32
    %add3A_16 = arith.addi %mul3A_2, %add3A_15 : i32
    "tpu.region"() ({
      %run_scoped3A_291 = tpu.sem_alloc : memref<!tpu.dma_semaphore, #tpu.memory_space<semaphore_mem>>
      %dma_start3A_292 = arith.constant 0 : i32
      %dma_start3A_293 = tpu.memref_slice %arg12[%add3A_16, %dma_start3A_292] : memref<10112x128xf32, #tpu.memory_space<vmem_shared>> -> memref<64x128xf32, #tpu.memory_space<vmem_shared>>
      %dma_start3A_294 = arith.constant 0 : i32
      %dma_start3A_295 = tpu.memref_slice %arg12[%add3A_16, %dma_start3A_294] : memref<10112x128xf32, #tpu.memory_space<vmem_shared>> -> memref<64x128xf32, #tpu.memory_space<vmem_shared>>
      tpu.enqueue_dma source(%arg8 : memref<64x128xf32, #tpu.memory_space<vmem>>) target(%dma_start3A_295 : memref<64x128xf32, #tpu.memory_space<vmem_shared>>) target_semaphore(%run_scoped3A_291 : memref<!tpu.dma_semaphore, #tpu.memory_space<semaphore_mem>>)
      %dma_wait3A_296 = arith.constant 0 : i32
      %dma_wait3A_297 = tpu.memref_slice %arg12[%add3A_16, %dma_wait3A_296] : memref<10112x128xf32, #tpu.memory_space<vmem_shared>> -> memref<64x128xf32, #tpu.memory_space<vmem_shared>>
      %dma_wait3A_298 = arith.constant 0 : i32
      %dma_wait3A_299 = tpu.memref_slice %arg12[%add3A_16, %dma_wait3A_298] : memref<10112x128xf32, #tpu.memory_space<vmem_shared>> -> memref<64x128xf32, #tpu.memory_space<vmem_shared>>
      tpu.wait_dma2 semaphore(%run_scoped3A_291 : memref<!tpu.dma_semaphore, #tpu.memory_space<semaphore_mem>>) src(%arg8 : memref<64x128xf32, #tpu.memory_space<vmem>>) dst(%dma_wait3A_299 : memref<64x128xf32, #tpu.memory_space<vmem_shared>>)
      tpu.yield
    }) : () -> ()
    %add3A_17 = arith.constant 256 : i32
    %add3A_18 = arith.addi %mul3A_2, %add3A_17 : i32
    "tpu.region"() ({
      %run_scoped3A_291 = tpu.sem_alloc : memref<!tpu.dma_semaphore, #tpu.memory_space<semaphore_mem>>
      %dma_start3A_292 = arith.constant 0 : i32
      %dma_start3A_293 = tpu.memref_slice %arg12[%add3A_18, %dma_start3A_292] : memref<10112x128xf32, #tpu.memory_space<vmem_shared>> -> memref<64x128xf32, #tpu.memory_space<vmem_shared>>
      %dma_start3A_294 = arith.constant 0 : i32
      %dma_start3A_295 = tpu.memref_slice %arg12[%add3A_18, %dma_start3A_294] : memref<10112x128xf32, #tpu.memory_space<vmem_shared>> -> memref<64x128xf32, #tpu.memory_space<vmem_shared>>
      tpu.enqueue_dma source(%arg8 : memref<64x128xf32, #tpu.memory_space<vmem>>) target(%dma_start3A_295 : memref<64x128xf32, #tpu.memory_space<vmem_shared>>) target_semaphore(%run_scoped3A_291 : memref<!tpu.dma_semaphore, #tpu.memory_space<semaphore_mem>>)
      %dma_wait3A_296 = arith.constant 0 : i32
      %dma_wait3A_297 = tpu.memref_slice %arg12[%add3A_18, %dma_wait3A_296] : memref<10112x128xf32, #tpu.memory_space<vmem_shared>> -> memref<64x128xf32, #tpu.memory_space<vmem_shared>>
      %dma_wait3A_298 = arith.constant 0 : i32
      %dma_wait3A_299 = tpu.memref_slice %arg12[%add3A_18, %dma_wait3A_298] : memref<10112x128xf32, #tpu.memory_space<vmem_shared>> -> memref<64x128xf32, #tpu.memory_space<vmem_shared>>
      tpu.wait_dma2 semaphore(%run_scoped3A_291 : memref<!tpu.dma_semaphore, #tpu.memory_space<semaphore_mem>>) src(%arg8 : memref<64x128xf32, #tpu.memory_space<vmem>>) dst(%dma_wait3A_299 : memref<64x128xf32, #tpu.memory_space<vmem_shared>>)
      tpu.yield
    }) : () -> ()
    %add3A_19 = arith.constant 320 : i32
    %add3A_20 = arith.addi %mul3A_2, %add3A_19 : i32
    "tpu.region"() ({
      %run_scoped3A_291 = tpu.sem_alloc : memref<!tpu.dma_semaphore, #tpu.memory_space<semaphore_mem>>
      %dma_start3A_292 = arith.constant 0 : i32
      %dma_start3A_293 = tpu.memref_slice %arg12[%add3A_20, %dma_start3A_292] : memref<10112x128xf32, #tpu.memory_space<vmem_shared>> -> memref<64x128xf32, #tpu.memory_space<vmem_shared>>
      %dma_start3A_294 = arith.constant 0 : i32
      %dma_start3A_295 = tpu.memref_slice %arg12[%add3A_20, %dma_start3A_294] : memref<10112x128xf32, #tpu.memory_space<vmem_shared>> -> memref<64x128xf32, #tpu.memory_space<vmem_shared>>
      tpu.enqueue_dma source(%arg8 : memref<64x128xf32, #tpu.memory_space<vmem>>) target(%dma_start3A_295 : memref<64x128xf32, #tpu.memory_space<vmem_shared>>) target_semaphore(%run_scoped3A_291 : memref<!tpu.dma_semaphore, #tpu.memory_space<semaphore_mem>>)
      %dma_wait3A_296 = arith.constant 0 : i32
      %dma_wait3A_297 = tpu.memref_slice %arg12[%add3A_20, %dma_wait3A_296] : memref<10112x128xf32, #tpu.memory_space<vmem_shared>> -> memref<64x128xf32, #tpu.memory_space<vmem_shared>>
      %dma_wait3A_298 = arith.constant 0 : i32
      %dma_wait3A_299 = tpu.memref_slice %arg12[%add3A_20, %dma_wait3A_298] : memref<10112x128xf32, #tpu.memory_space<vmem_shared>> -> memref<64x128xf32, #tpu.memory_space<vmem_shared>>
      tpu.wait_dma2 semaphore(%run_scoped3A_291 : memref<!tpu.dma_semaphore, #tpu.memory_space<semaphore_mem>>) src(%arg8 : memref<64x128xf32, #tpu.memory_space<vmem>>) dst(%dma_wait3A_299 : memref<64x128xf32, #tpu.memory_space<vmem_shared>>)
      tpu.yield
    }) : () -> ()
    %add3A_21 = arith.constant 384 : i32
    %add3A_22 = arith.addi %mul3A_2, %add3A_21 : i32
    "tpu.region"() ({
      %run_scoped3A_291 = tpu.sem_alloc : memref<!tpu.dma_semaphore, #tpu.memory_space<semaphore_mem>>
      %dma_start3A_292 = arith.constant 0 : i32
      %dma_start3A_293 = tpu.memref_slice %arg12[%add3A_22, %dma_start3A_292] : memref<10112x128xf32, #tpu.memory_space<vmem_shared>> -> memref<64x128xf32, #tpu.memory_space<vmem_shared>>
      %dma_start3A_294 = arith.constant 0 : i32
      %dma_start3A_295 = tpu.memref_slice %arg12[%add3A_22, %dma_start3A_294] : memref<10112x128xf32, #tpu.memory_space<vmem_shared>> -> memref<64x128xf32, #tpu.memory_space<vmem_shared>>
      tpu.enqueue_dma source(%arg8 : memref<64x128xf32, #tpu.memory_space<vmem>>) target(%dma_start3A_295 : memref<64x128xf32, #tpu.memory_space<vmem_shared>>) target_semaphore(%run_scoped3A_291 : memref<!tpu.dma_semaphore, #tpu.memory_space<semaphore_mem>>)
      %dma_wait3A_296 = arith.constant 0 : i32
      %dma_wait3A_297 = tpu.memref_slice %arg12[%add3A_22, %dma_wait3A_296] : memref<10112x128xf32, #tpu.memory_space<vmem_shared>> -> memref<64x128xf32, #tpu.memory_space<vmem_shared>>
      %dma_wait3A_298 = arith.constant 0 : i32
      %dma_wait3A_299 = tpu.memref_slice %arg12[%add3A_22, %dma_wait3A_298] : memref<10112x128xf32, #tpu.memory_space<vmem_shared>> -> memref<64x128xf32, #tpu.memory_space<vmem_shared>>
      tpu.wait_dma2 semaphore(%run_scoped3A_291 : memref<!tpu.dma_semaphore, #tpu.memory_space<semaphore_mem>>) src(%arg8 : memref<64x128xf32, #tpu.memory_space<vmem>>) dst(%dma_wait3A_299 : memref<64x128xf32, #tpu.memory_space<vmem_shared>>)
      tpu.yield
    }) : () -> ()
    %add3A_23 = arith.constant 448 : i32
    %add3A_24 = arith.addi %mul3A_2, %add3A_23 : i32
    "tpu.region"() ({
      %run_scoped3A_291 = tpu.sem_alloc : memref<!tpu.dma_semaphore, #tpu.memory_space<semaphore_mem>>
      %dma_start3A_292 = arith.constant 0 : i32
      %dma_start3A_293 = tpu.memref_slice %arg12[%add3A_24, %dma_start3A_292] : memref<10112x128xf32, #tpu.memory_space<vmem_shared>> -> memref<64x128xf32, #tpu.memory_space<vmem_shared>>
      %dma_start3A_294 = arith.constant 0 : i32
      %dma_start3A_295 = tpu.memref_slice %arg12[%add3A_24, %dma_start3A_294] : memref<10112x128xf32, #tpu.memory_space<vmem_shared>> -> memref<64x128xf32, #tpu.memory_space<vmem_shared>>
      tpu.enqueue_dma source(%arg8 : memref<64x128xf32, #tpu.memory_space<vmem>>) target(%dma_start3A_295 : memref<64x128xf32, #tpu.memory_space<vmem_shared>>) target_semaphore(%run_scoped3A_291 : memref<!tpu.dma_semaphore, #tpu.memory_space<semaphore_mem>>)
      %dma_wait3A_296 = arith.constant 0 : i32
      %dma_wait3A_297 = tpu.memref_slice %arg12[%add3A_24, %dma_wait3A_296] : memref<10112x128xf32, #tpu.memory_space<vmem_shared>> -> memref<64x128xf32, #tpu.memory_space<vmem_shared>>
      %dma_wait3A_298 = arith.constant 0 : i32
      %dma_wait3A_299 = tpu.memref_slice %arg12[%add3A_24, %dma_wait3A_298] : memref<10112x128xf32, #tpu.memory_space<vmem_shared>> -> memref<64x128xf32, #tpu.memory_space<vmem_shared>>
      tpu.wait_dma2 semaphore(%run_scoped3A_291 : memref<!tpu.dma_semaphore, #tpu.memory_space<semaphore_mem>>) src(%arg8 : memref<64x128xf32, #tpu.memory_space<vmem>>) dst(%dma_wait3A_299 : memref<64x128xf32, #tpu.memory_space<vmem_shared>>)
      tpu.yield
    }) : () -> ()
    %add3A_25 = arith.constant 512 : i32
    %add3A_26 = arith.addi %mul3A_2, %add3A_25 : i32
    "tpu.region"() ({
      %run_scoped3A_291 = tpu.sem_alloc : memref<!tpu.dma_semaphore, #tpu.memory_space<semaphore_mem>>
      %dma_start3A_292 = arith.constant 0 : i32
      %dma_start3A_293 = tpu.memref_slice %arg12[%add3A_26, %dma_start3A_292] : memref<10112x128xf32, #tpu.memory_space<vmem_shared>> -> memref<64x128xf32, #tpu.memory_space<vmem_shared>>
      %dma_start3A_294 = arith.constant 0 : i32
      %dma_start3A_295 = tpu.memref_slice %arg12[%add3A_26, %dma_start3A_294] : memref<10112x128xf32, #tpu.memory_space<vmem_shared>> -> memref<64x128xf32, #tpu.memory_space<vmem_shared>>
      tpu.enqueue_dma source(%arg8 : memref<64x128xf32, #tpu.memory_space<vmem>>) target(%dma_start3A_295 : memref<64x128xf32, #tpu.memory_space<vmem_shared>>) target_semaphore(%run_scoped3A_291 : memref<!tpu.dma_semaphore, #tpu.memory_space<semaphore_mem>>)
      %dma_wait3A_296 = arith.constant 0 : i32
      %dma_wait3A_297 = tpu.memref_slice %arg12[%add3A_26, %dma_wait3A_296] : memref<10112x128xf32, #tpu.memory_space<vmem_shared>> -> memref<64x128xf32, #tpu.memory_space<vmem_shared>>
      %dma_wait3A_298 = arith.constant 0 : i32
      %dma_wait3A_299 = tpu.memref_slice %arg12[%add3A_26, %dma_wait3A_298] : memref<10112x128xf32, #tpu.memory_space<vmem_shared>> -> memref<64x128xf32, #tpu.memory_space<vmem_shared>>
      tpu.wait_dma2 semaphore(%run_scoped3A_291 : memref<!tpu.dma_semaphore, #tpu.memory_space<semaphore_mem>>) src(%arg8 : memref<64x128xf32, #tpu.memory_space<vmem>>) dst(%dma_wait3A_299 : memref<64x128xf32, #tpu.memory_space<vmem_shared>>)
      tpu.yield
    }) : () -> ()
    %add3A_27 = arith.constant 576 : i32
    %add3A_28 = arith.addi %mul3A_2, %add3A_27 : i32
    "tpu.region"() ({
      %run_scoped3A_291 = tpu.sem_alloc : memref<!tpu.dma_semaphore, #tpu.memory_space<semaphore_mem>>
      %dma_start3A_292 = arith.constant 0 : i32
      %dma_start3A_293 = arith.constant 0 : i32
      %dma_start3A_294 = tpu.memref_slice %arg8[%dma_start3A_292, %dma_start3A_293] : memref<64x128xf32, #tpu.memory_space<vmem>> -> memref<56x128xf32, #tpu.memory_space<vmem>>
      %dma_start3A_295 = arith.constant 0 : i32
      %dma_start3A_296 = tpu.memref_slice %arg12[%add3A_28, %dma_start3A_295] : memref<10112x128xf32, #tpu.memory_space<vmem_shared>> -> memref<56x128xf32, #tpu.memory_space<vmem_shared>>
      %dma_start3A_297 = arith.constant 0 : i32
      %dma_start3A_298 = tpu.memref_slice %arg12[%add3A_28, %dma_start3A_297] : memref<10112x128xf32, #tpu.memory_space<vmem_shared>> -> memref<56x128xf32, #tpu.memory_space<vmem_shared>>
      %dma_start3A_299 = arith.constant 0 : i32
      %dma_start3A_300 = arith.constant 0 : i32
      %dma_start3A_301 = tpu.memref_slice %arg8[%dma_start3A_299, %dma_start3A_300] : memref<64x128xf32, #tpu.memory_space<vmem>> -> memref<56x128xf32, #tpu.memory_space<vmem>>
      tpu.enqueue_dma source(%dma_start3A_301 : memref<56x128xf32, #tpu.memory_space<vmem>>) target(%dma_start3A_298 : memref<56x128xf32, #tpu.memory_space<vmem_shared>>) target_semaphore(%run_scoped3A_291 : memref<!tpu.dma_semaphore, #tpu.memory_space<semaphore_mem>>)
      %dma_wait3A_302 = arith.constant 0 : i32
      %dma_wait3A_303 = arith.constant 0 : i32
      %dma_wait3A_304 = tpu.memref_slice %arg8[%dma_wait3A_302, %dma_wait3A_303] : memref<64x128xf32, #tpu.memory_space<vmem>> -> memref<56x128xf32, #tpu.memory_space<vmem>>
      %dma_wait3A_305 = arith.constant 0 : i32
      %dma_wait3A_306 = tpu.memref_slice %arg12[%add3A_28, %dma_wait3A_305] : memref<10112x128xf32, #tpu.memory_space<vmem_shared>> -> memref<56x128xf32, #tpu.memory_space<vmem_shared>>
      %dma_wait3A_307 = arith.constant 0 : i32
      %dma_wait3A_308 = tpu.memref_slice %arg12[%add3A_28, %dma_wait3A_307] : memref<10112x128xf32, #tpu.memory_space<vmem_shared>> -> memref<56x128xf32, #tpu.memory_space<vmem_shared>>
      %dma_wait3A_309 = arith.constant 0 : i32
      %dma_wait3A_310 = arith.constant 0 : i32
      %dma_wait3A_311 = tpu.memref_slice %arg8[%dma_wait3A_309, %dma_wait3A_310] : memref<64x128xf32, #tpu.memory_space<vmem>> -> memref<56x128xf32, #tpu.memory_space<vmem>>
      tpu.wait_dma2 semaphore(%run_scoped3A_291 : memref<!tpu.dma_semaphore, #tpu.memory_space<semaphore_mem>>) src(%dma_wait3A_311 : memref<56x128xf32, #tpu.memory_space<vmem>>) dst(%dma_wait3A_308 : memref<56x128xf32, #tpu.memory_space<vmem_shared>>)
      tpu.yield
    }) : () -> ()
    %barrier3A = arith.constant 0 : index
    tpu.barrier barrier_id(%barrier3A)
    "tpu.region"() ({
      %run_scoped3A_291 = tpu.sem_alloc : memref<!tpu.dma_semaphore, #tpu.memory_space<semaphore_mem>>
      %dma_start3A_292 = arith.constant 0 : i32
      %dma_start3A_293 = arith.constant 0 : i32
      %dma_start3A_294 = tpu.memref_slice %arg2[%add3A, %dma_start3A_292, %dma_start3A_293] : memref<32x160x64xi32, #tpu.memory_space<hbm>> -> memref<1x40x64xi32, #tpu.memory_space<hbm>>
      %dma_start3A_295 = tpu.memref_squeeze %dma_start3A_294 : memref<1x40x64xi32, #tpu.memory_space<hbm>> -> memref<40x64xi32, #tpu.memory_space<hbm>>
      %dma_start3A_296 = arith.constant 0 : i32
      %dma_start3A_297 = arith.constant 0 : i32
      %dma_start3A_298 = tpu.memref_slice %arg2[%add3A, %dma_start3A_296, %dma_start3A_297] : memref<32x160x64xi32, #tpu.memory_space<hbm>> -> memref<1x40x64xi32, #tpu.memory_space<hbm>>
      %dma_start3A_299 = tpu.memref_squeeze %dma_start3A_298 : memref<1x40x64xi32, #tpu.memory_space<hbm>> -> memref<40x64xi32, #tpu.memory_space<hbm>>
      tpu.enqueue_dma source(%dma_start3A_299 : memref<40x64xi32, #tpu.memory_space<hbm>>) target(%arg6 : memref<40x64xi32, #tpu.memory_space<vmem>>) target_semaphore(%run_scoped3A_291 : memref<!tpu.dma_semaphore, #tpu.memory_space<semaphore_mem>>)
      %dma_wait3A_300 = arith.constant 0 : i32
      %dma_wait3A_301 = arith.constant 0 : i32
      %dma_wait3A_302 = tpu.memref_slice %arg2[%add3A, %dma_wait3A_300, %dma_wait3A_301] : memref<32x160x64xi32, #tpu.memory_space<hbm>> -> memref<1x40x64xi32, #tpu.memory_space<hbm>>
      %dma_wait3A_303 = tpu.memref_squeeze %dma_wait3A_302 : memref<1x40x64xi32, #tpu.memory_space<hbm>> -> memref<40x64xi32, #tpu.memory_space<hbm>>
      %dma_wait3A_304 = arith.constant 0 : i32
      %dma_wait3A_305 = arith.constant 0 : i32
      %dma_wait3A_306 = tpu.memref_slice %arg2[%add3A, %dma_wait3A_304, %dma_wait3A_305] : memref<32x160x64xi32, #tpu.memory_space<hbm>> -> memref<1x40x64xi32, #tpu.memory_space<hbm>>
      %dma_wait3A_307 = tpu.memref_squeeze %dma_wait3A_306 : memref<1x40x64xi32, #tpu.memory_space<hbm>> -> memref<40x64xi32, #tpu.memory_space<hbm>>
      tpu.wait_dma2 semaphore(%run_scoped3A_291 : memref<!tpu.dma_semaphore, #tpu.memory_space<semaphore_mem>>) src(%dma_wait3A_307 : memref<40x64xi32, #tpu.memory_space<hbm>>) dst(%arg6 : memref<40x64xi32, #tpu.memory_space<vmem>>)
      tpu.yield
    }) : () -> ()
    "tpu.region"() ({
      %run_scoped3A_291 = tpu.sem_alloc : memref<!tpu.dma_semaphore, #tpu.memory_space<semaphore_mem>>
      %dma_start3A_292 = arith.constant 0 : i32
      %dma_start3A_293 = arith.constant 0 : i32
      %dma_start3A_294 = tpu.memref_slice %arg3[%add3A, %dma_start3A_292, %dma_start3A_293] : memref<32x160x64xi32, #tpu.memory_space<hbm>> -> memref<1x40x64xi32, #tpu.memory_space<hbm>>
      %dma_start3A_295 = tpu.memref_squeeze %dma_start3A_294 : memref<1x40x64xi32, #tpu.memory_space<hbm>> -> memref<40x64xi32, #tpu.memory_space<hbm>>
      %dma_start3A_296 = arith.constant 0 : i32
      %dma_start3A_297 = arith.constant 0 : i32
      %dma_start3A_298 = tpu.memref_slice %arg3[%add3A, %dma_start3A_296, %dma_start3A_297] : memref<32x160x64xi32, #tpu.memory_space<hbm>> -> memref<1x40x64xi32, #tpu.memory_space<hbm>>
      %dma_start3A_299 = tpu.memref_squeeze %dma_start3A_298 : memref<1x40x64xi32, #tpu.memory_space<hbm>> -> memref<40x64xi32, #tpu.memory_space<hbm>>
      tpu.enqueue_dma source(%dma_start3A_299 : memref<40x64xi32, #tpu.memory_space<hbm>>) target(%arg7 : memref<40x64xi32, #tpu.memory_space<vmem>>) target_semaphore(%run_scoped3A_291 : memref<!tpu.dma_semaphore, #tpu.memory_space<semaphore_mem>>)
      %dma_wait3A_300 = arith.constant 0 : i32
      %dma_wait3A_301 = arith.constant 0 : i32
      %dma_wait3A_302 = tpu.memref_slice %arg3[%add3A, %dma_wait3A_300, %dma_wait3A_301] : memref<32x160x64xi32, #tpu.memory_space<hbm>> -> memref<1x40x64xi32, #tpu.memory_space<hbm>>
      %dma_wait3A_303 = tpu.memref_squeeze %dma_wait3A_302 : memref<1x40x64xi32, #tpu.memory_space<hbm>> -> memref<40x64xi32, #tpu.memory_space<hbm>>
      %dma_wait3A_304 = arith.constant 0 : i32
      %dma_wait3A_305 = arith.constant 0 : i32
      %dma_wait3A_306 = tpu.memref_slice %arg3[%add3A, %dma_wait3A_304, %dma_wait3A_305] : memref<32x160x64xi32, #tpu.memory_space<hbm>> -> memref<1x40x64xi32, #tpu.memory_space<hbm>>
      %dma_wait3A_307 = tpu.memref_squeeze %dma_wait3A_306 : memref<1x40x64xi32, #tpu.memory_space<hbm>> -> memref<40x64xi32, #tpu.memory_space<hbm>>
      tpu.wait_dma2 semaphore(%run_scoped3A_291 : memref<!tpu.dma_semaphore, #tpu.memory_space<semaphore_mem>>) src(%dma_wait3A_307 : memref<40x64xi32, #tpu.memory_space<hbm>>) dst(%arg7 : memref<40x64xi32, #tpu.memory_space<vmem>>)
      tpu.yield
    }) : () -> ()
    %dma_start3A = arith.constant 0 : i32
    %dma_start3A_29 = arith.constant 0 : i32
    %dma_start3A_30 = tpu.memref_slice %arg6[%dma_start3A, %dma_start3A_29] : memref<40x64xi32, #tpu.memory_space<vmem>> -> memref<1x64xi32, #tpu.memory_space<vmem>>
    %dma_start3A_31 = tpu.memref_squeeze %dma_start3A_30 : memref<1x64xi32, #tpu.memory_space<vmem>> -> memref<64xi32, #tpu.memory_space<vmem>>
    %dma_start3A_32 = arith.constant 0 : i32
    %dma_start3A_33 = arith.constant 0 : i32
    %dma_start3A_34 = tpu.memref_slice %arg4[%dma_start3A_32, %dma_start3A_33] : memref<10000x128xf32, #tpu.memory_space<hbm>> -> memref<10000x128xf32, #tpu.memory_space<hbm>>
    tpu.enqueue_indirect_dma source(%dma_start3A_34 : memref<10000x128xf32, #tpu.memory_space<hbm>>) target(%arg8 : memref<64x128xf32, #tpu.memory_space<vmem>>) offsets(%dma_start3A_31 : memref<64xi32, #tpu.memory_space<vmem>>) semaphore(%arg13 : memref<!tpu.dma_semaphore, #tpu.memory_space<semaphore_mem>>)
    %dma_start3A_35 = arith.constant 1 : i32
    %dma_start3A_36 = arith.constant 0 : i32
    %dma_start3A_37 = tpu.memref_slice %arg6[%dma_start3A_35, %dma_start3A_36] : memref<40x64xi32, #tpu.memory_space<vmem>> -> memref<1x64xi32, #tpu.memory_space<vmem>>
    %dma_start3A_38 = tpu.memref_squeeze %dma_start3A_37 : memref<1x64xi32, #tpu.memory_space<vmem>> -> memref<64xi32, #tpu.memory_space<vmem>>
    %dma_start3A_39 = arith.constant 0 : i32
    %dma_start3A_40 = arith.constant 0 : i32
    %dma_start3A_41 = tpu.memref_slice %arg4[%dma_start3A_39, %dma_start3A_40] : memref<10000x128xf32, #tpu.memory_space<hbm>> -> memref<10000x128xf32, #tpu.memory_space<hbm>>
    tpu.enqueue_indirect_dma source(%dma_start3A_41 : memref<10000x128xf32, #tpu.memory_space<hbm>>) target(%arg9 : memref<64x128xf32, #tpu.memory_space<vmem>>) offsets(%dma_start3A_38 : memref<64xi32, #tpu.memory_space<vmem>>) semaphore(%arg14 : memref<!tpu.dma_semaphore, #tpu.memory_space<semaphore_mem>>)
    %dma_start3A_42 = arith.constant 2 : i32
    %dma_start3A_43 = arith.constant 0 : i32
    %dma_start3A_44 = tpu.memref_slice %arg6[%dma_start3A_42, %dma_start3A_43] : memref<40x64xi32, #tpu.memory_space<vmem>> -> memref<1x64xi32, #tpu.memory_space<vmem>>
    %dma_start3A_45 = tpu.memref_squeeze %dma_start3A_44 : memref<1x64xi32, #tpu.memory_space<vmem>> -> memref<64xi32, #tpu.memory_space<vmem>>
    %dma_start3A_46 = arith.constant 0 : i32
    %dma_start3A_47 = arith.constant 0 : i32
    %dma_start3A_48 = tpu.memref_slice %arg4[%dma_start3A_46, %dma_start3A_47] : memref<10000x128xf32, #tpu.memory_space<hbm>> -> memref<10000x128xf32, #tpu.memory_space<hbm>>
    tpu.enqueue_indirect_dma source(%dma_start3A_48 : memref<10000x128xf32, #tpu.memory_space<hbm>>) target(%arg10 : memref<64x128xf32, #tpu.memory_space<vmem>>) offsets(%dma_start3A_45 : memref<64xi32, #tpu.memory_space<vmem>>) semaphore(%arg15 : memref<!tpu.dma_semaphore, #tpu.memory_space<semaphore_mem>>)
    %scan3A_49 = arith.constant 0 : i32
    %scan3A_50 = arith.constant 0 : i32
    %scan3A_51 = arith.constant 9 : i32
    %scan3A_52 = arith.addi %scan3A_50, %scan3A_51 : i32
    %scan3A_53 = arith.constant 1 : i32
    scf.for %scan3A_291 = %scan3A_50 to %scan3A_52 step %scan3A_53  : i32 {
      %mul3A_292 = arith.constant 4 : i32
      %mul3A_293 = arith.muli %mul3A_292, %scan3A_291 : i32
      %add3A_294 = arith.constant 0 : i32
      %add3A_295 = arith.addi %mul3A_293, %add3A_294 : i32
      %dma_wait3A_296 = arith.constant 0 : i32
      %dma_wait3A_297 = tpu.memref_slice %arg6[%add3A_295, %dma_wait3A_296] : memref<40x64xi32, #tpu.memory_space<vmem>> -> memref<1x64xi32, #tpu.memory_space<vmem>>
      %dma_wait3A_298 = tpu.memref_squeeze %dma_wait3A_297 : memref<1x64xi32, #tpu.memory_space<vmem>> -> memref<64xi32, #tpu.memory_space<vmem>>
      %dma_wait3A_299 = arith.constant 0 : i32
      %dma_wait3A_300 = arith.constant 0 : i32
      %dma_wait3A_301 = tpu.memref_slice %arg4[%dma_wait3A_299, %dma_wait3A_300] : memref<10000x128xf32, #tpu.memory_space<hbm>> -> memref<10000x128xf32, #tpu.memory_space<hbm>>
      tpu.wait_indirect_dma semaphore(%arg13 : memref<!tpu.dma_semaphore, #tpu.memory_space<semaphore_mem>>) src(%dma_wait3A_301 : memref<10000x128xf32, #tpu.memory_space<hbm>>) dst(%arg8 : memref<64x128xf32, #tpu.memory_space<vmem>>)
      %add3A_302 = arith.constant 4 : i32
      %add3A_303 = arith.addi %add3A_295, %add3A_302 : i32
      %sub3A = arith.constant 1 : i32
      %sub3A_304 = arith.subi %add3A_303, %sub3A : i32
      %dma_start3A_305 = arith.constant 0 : i32
      %dma_start3A_306 = tpu.memref_slice %arg6[%sub3A_304, %dma_start3A_305] : memref<40x64xi32, #tpu.memory_space<vmem>> -> memref<1x64xi32, #tpu.memory_space<vmem>>
      %dma_start3A_307 = tpu.memref_squeeze %dma_start3A_306 : memref<1x64xi32, #tpu.memory_space<vmem>> -> memref<64xi32, #tpu.memory_space<vmem>>
      %dma_start3A_308 = arith.constant 0 : i32
      %dma_start3A_309 = arith.constant 0 : i32
      %dma_start3A_310 = tpu.memref_slice %arg4[%dma_start3A_308, %dma_start3A_309] : memref<10000x128xf32, #tpu.memory_space<hbm>> -> memref<10000x128xf32, #tpu.memory_space<hbm>>
      tpu.enqueue_indirect_dma source(%dma_start3A_310 : memref<10000x128xf32, #tpu.memory_space<hbm>>) target(%arg11 : memref<64x128xf32, #tpu.memory_space<vmem>>) offsets(%dma_start3A_307 : memref<64xi32, #tpu.memory_space<vmem>>) semaphore(%arg16 : memref<!tpu.dma_semaphore, #tpu.memory_space<semaphore_mem>>)
      "tpu.region"() ({
        %run_scoped3A_371 = tpu.sem_alloc : memref<!tpu.dma_semaphore, #tpu.memory_space<semaphore_mem>>
        %dma_start3A_372 = arith.constant 0 : i32
        %dma_start3A_373 = tpu.memref_slice %arg7[%add3A_295, %dma_start3A_372] : memref<40x64xi32, #tpu.memory_space<vmem>> -> memref<1x64xi32, #tpu.memory_space<vmem>>
        %dma_start3A_374 = tpu.memref_squeeze %dma_start3A_373 : memref<1x64xi32, #tpu.memory_space<vmem>> -> memref<64xi32, #tpu.memory_space<vmem>>
        %dma_start3A_375 = arith.constant 0 : i32
        %dma_start3A_376 = arith.constant 0 : i32
        %dma_start3A_377 = tpu.memref_slice %arg12[%dma_start3A_375, %dma_start3A_376] : memref<10112x128xf32, #tpu.memory_space<vmem_shared>> -> memref<10112x128xf32, #tpu.memory_space<vmem_shared>>
        tpu.enqueue_indirect_dma source(%arg8 : memref<64x128xf32, #tpu.memory_space<vmem>>) target(%dma_start3A_377 : memref<10112x128xf32, #tpu.memory_space<vmem_shared>>) offsets(%dma_start3A_374 : memref<64xi32, #tpu.memory_space<vmem>>) semaphore(%run_scoped3A_371 : memref<!tpu.dma_semaphore, #tpu.memory_space<semaphore_mem>>) {add = true}
        %dma_wait3A_378 = arith.constant 0 : i32
        %dma_wait3A_379 = tpu.memref_slice %arg7[%add3A_295, %dma_wait3A_378] : memref<40x64xi32, #tpu.memory_space<vmem>> -> memref<1x64xi32, #tpu.memory_space<vmem>>
        %dma_wait3A_380 = tpu.memref_squeeze %dma_wait3A_379 : memref<1x64xi32, #tpu.memory_space<vmem>> -> memref<64xi32, #tpu.memory_space<vmem>>
        %dma_wait3A_381 = arith.constant 0 : i32
        %dma_wait3A_382 = arith.constant 0 : i32
        %dma_wait3A_383 = tpu.memref_slice %arg12[%dma_wait3A_381, %dma_wait3A_382] : memref<10112x128xf32, #tpu.memory_space<vmem_shared>> -> memref<10112x128xf32, #tpu.memory_space<vmem_shared>>
        tpu.wait_indirect_dma semaphore(%run_scoped3A_371 : memref<!tpu.dma_semaphore, #tpu.memory_space<semaphore_mem>>) src(%arg8 : memref<64x128xf32, #tpu.memory_space<vmem>>) dst(%dma_wait3A_383 : memref<10112x128xf32, #tpu.memory_space<vmem_shared>>)
        tpu.yield
      }) : () -> ()
      %mul3A_311 = arith.constant 4 : i32
      %mul3A_312 = arith.muli %mul3A_311, %scan3A_291 : i32
      %add3A_313 = arith.constant 1 : i32
      %add3A_314 = arith.addi %mul3A_312, %add3A_313 : i32
      %dma_wait3A_315 = arith.constant 0 : i32
      %dma_wait3A_316 = tpu.memref_slice %arg6[%add3A_314, %dma_wait3A_315] : memref<40x64xi32, #tpu.memory_space<vmem>> -> memref<1x64xi32, #tpu.memory_space<vmem>>
      %dma_wait3A_317 = tpu.memref_squeeze %dma_wait3A_316 : memref<1x64xi32, #tpu.memory_space<vmem>> -> memref<64xi32, #tpu.memory_space<vmem>>
      %dma_wait3A_318 = arith.constant 0 : i32
      %dma_wait3A_319 = arith.constant 0 : i32
      %dma_wait3A_320 = tpu.memref_slice %arg4[%dma_wait3A_318, %dma_wait3A_319] : memref<10000x128xf32, #tpu.memory_space<hbm>> -> memref<10000x128xf32, #tpu.memory_space<hbm>>
      tpu.wait_indirect_dma semaphore(%arg14 : memref<!tpu.dma_semaphore, #tpu.memory_space<semaphore_mem>>) src(%dma_wait3A_320 : memref<10000x128xf32, #tpu.memory_space<hbm>>) dst(%arg9 : memref<64x128xf32, #tpu.memory_space<vmem>>)
      %add3A_321 = arith.constant 4 : i32
      %add3A_322 = arith.addi %add3A_314, %add3A_321 : i32
      %sub3A_323 = arith.constant 1 : i32
      %sub3A_324 = arith.subi %add3A_322, %sub3A_323 : i32
      %dma_start3A_325 = arith.constant 0 : i32
      %dma_start3A_326 = tpu.memref_slice %arg6[%sub3A_324, %dma_start3A_325] : memref<40x64xi32, #tpu.memory_space<vmem>> -> memref<1x64xi32, #tpu.memory_space<vmem>>
      %dma_start3A_327 = tpu.memref_squeeze %dma_start3A_326 : memref<1x64xi32, #tpu.memory_space<vmem>> -> memref<64xi32, #tpu.memory_space<vmem>>
      %dma_start3A_328 = arith.constant 0 : i32
      %dma_start3A_329 = arith.constant 0 : i32
      %dma_start3A_330 = tpu.memref_slice %arg4[%dma_start3A_328, %dma_start3A_329] : memref<10000x128xf32, #tpu.memory_space<hbm>> -> memref<10000x128xf32, #tpu.memory_space<hbm>>
      tpu.enqueue_indirect_dma source(%dma_start3A_330 : memref<10000x128xf32, #tpu.memory_space<hbm>>) target(%arg8 : memref<64x128xf32, #tpu.memory_space<vmem>>) offsets(%dma_start3A_327 : memref<64xi32, #tpu.memory_space<vmem>>) semaphore(%arg13 : memref<!tpu.dma_semaphore, #tpu.memory_space<semaphore_mem>>)
      "tpu.region"() ({
        %run_scoped3A_371 = tpu.sem_alloc : memref<!tpu.dma_semaphore, #tpu.memory_space<semaphore_mem>>
        %dma_start3A_372 = arith.constant 0 : i32
        %dma_start3A_373 = tpu.memref_slice %arg7[%add3A_314, %dma_start3A_372] : memref<40x64xi32, #tpu.memory_space<vmem>> -> memref<1x64xi32, #tpu.memory_space<vmem>>
        %dma_start3A_374 = tpu.memref_squeeze %dma_start3A_373 : memref<1x64xi32, #tpu.memory_space<vmem>> -> memref<64xi32, #tpu.memory_space<vmem>>
        %dma_start3A_375 = arith.constant 0 : i32
        %dma_start3A_376 = arith.constant 0 : i32
        %dma_start3A_377 = tpu.memref_slice %arg12[%dma_start3A_375, %dma_start3A_376] : memref<10112x128xf32, #tpu.memory_space<vmem_shared>> -> memref<10112x128xf32, #tpu.memory_space<vmem_shared>>
        tpu.enqueue_indirect_dma source(%arg9 : memref<64x128xf32, #tpu.memory_space<vmem>>) target(%dma_start3A_377 : memref<10112x128xf32, #tpu.memory_space<vmem_shared>>) offsets(%dma_start3A_374 : memref<64xi32, #tpu.memory_space<vmem>>) semaphore(%run_scoped3A_371 : memref<!tpu.dma_semaphore, #tpu.memory_space<semaphore_mem>>) {add = true}
        %dma_wait3A_378 = arith.constant 0 : i32
        %dma_wait3A_379 = tpu.memref_slice %arg7[%add3A_314, %dma_wait3A_378] : memref<40x64xi32, #tpu.memory_space<vmem>> -> memref<1x64xi32, #tpu.memory_space<vmem>>
        %dma_wait3A_380 = tpu.memref_squeeze %dma_wait3A_379 : memref<1x64xi32, #tpu.memory_space<vmem>> -> memref<64xi32, #tpu.memory_space<vmem>>
        %dma_wait3A_381 = arith.constant 0 : i32
        %dma_wait3A_382 = arith.constant 0 : i32
        %dma_wait3A_383 = tpu.memref_slice %arg12[%dma_wait3A_381, %dma_wait3A_382] : memref<10112x128xf32, #tpu.memory_space<vmem_shared>> -> memref<10112x128xf32, #tpu.memory_space<vmem_shared>>
        tpu.wait_indirect_dma semaphore(%run_scoped3A_371 : memref<!tpu.dma_semaphore, #tpu.memory_space<semaphore_mem>>) src(%arg9 : memref<64x128xf32, #tpu.memory_space<vmem>>) dst(%dma_wait3A_383 : memref<10112x128xf32, #tpu.memory_space<vmem_shared>>)
        tpu.yield
      }) : () -> ()
      %mul3A_331 = arith.constant 4 : i32
      %mul3A_332 = arith.muli %mul3A_331, %scan3A_291 : i32
      %add3A_333 = arith.constant 2 : i32
      %add3A_334 = arith.addi %mul3A_332, %add3A_333 : i32
      %dma_wait3A_335 = arith.constant 0 : i32
      %dma_wait3A_336 = tpu.memref_slice %arg6[%add3A_334, %dma_wait3A_335] : memref<40x64xi32, #tpu.memory_space<vmem>> -> memref<1x64xi32, #tpu.memory_space<vmem>>
      %dma_wait3A_337 = tpu.memref_squeeze %dma_wait3A_336 : memref<1x64xi32, #tpu.memory_space<vmem>> -> memref<64xi32, #tpu.memory_space<vmem>>
      %dma_wait3A_338 = arith.constant 0 : i32
      %dma_wait3A_339 = arith.constant 0 : i32
      %dma_wait3A_340 = tpu.memref_slice %arg4[%dma_wait3A_338, %dma_wait3A_339] : memref<10000x128xf32, #tpu.memory_space<hbm>> -> memref<10000x128xf32, #tpu.memory_space<hbm>>
      tpu.wait_indirect_dma semaphore(%arg15 : memref<!tpu.dma_semaphore, #tpu.memory_space<semaphore_mem>>) src(%dma_wait3A_340 : memref<10000x128xf32, #tpu.memory_space<hbm>>) dst(%arg10 : memref<64x128xf32, #tpu.memory_space<vmem>>)
      %add3A_341 = arith.constant 4 : i32
      %add3A_342 = arith.addi %add3A_334, %add3A_341 : i32
      %sub3A_343 = arith.constant 1 : i32
      %sub3A_344 = arith.subi %add3A_342, %sub3A_343 : i32
      %dma_start3A_345 = arith.constant 0 : i32
      %dma_start3A_346 = tpu.memref_slice %arg6[%sub3A_344, %dma_start3A_345] : memref<40x64xi32, #tpu.memory_space<vmem>> -> memref<1x64xi32, #tpu.memory_space<vmem>>
      %dma_start3A_347 = tpu.memref_squeeze %dma_start3A_346 : memref<1x64xi32, #tpu.memory_space<vmem>> -> memref<64xi32, #tpu.memory_space<vmem>>
      %dma_start3A_348 = arith.constant 0 : i32
      %dma_start3A_349 = arith.constant 0 : i32
      %dma_start3A_350 = tpu.memref_slice %arg4[%dma_start3A_348, %dma_start3A_349] : memref<10000x128xf32, #tpu.memory_space<hbm>> -> memref<10000x128xf32, #tpu.memory_space<hbm>>
      tpu.enqueue_indirect_dma source(%dma_start3A_350 : memref<10000x128xf32, #tpu.memory_space<hbm>>) target(%arg9 : memref<64x128xf32, #tpu.memory_space<vmem>>) offsets(%dma_start3A_347 : memref<64xi32, #tpu.memory_space<vmem>>) semaphore(%arg14 : memref<!tpu.dma_semaphore, #tpu.memory_space<semaphore_mem>>)
      "tpu.region"() ({
        %run_scoped3A_371 = tpu.sem_alloc : memref<!tpu.dma_semaphore, #tpu.memory_space<semaphore_mem>>
        %dma_start3A_372 = arith.constant 0 : i32
        %dma_start3A_373 = tpu.memref_slice %arg7[%add3A_334, %dma_start3A_372] : memref<40x64xi32, #tpu.memory_space<vmem>> -> memref<1x64xi32, #tpu.memory_space<vmem>>
        %dma_start3A_374 = tpu.memref_squeeze %dma_start3A_373 : memref<1x64xi32, #tpu.memory_space<vmem>> -> memref<64xi32, #tpu.memory_space<vmem>>
        %dma_start3A_375 = arith.constant 0 : i32
        %dma_start3A_376 = arith.constant 0 : i32
        %dma_start3A_377 = tpu.memref_slice %arg12[%dma_start3A_375, %dma_start3A_376] : memref<10112x128xf32, #tpu.memory_space<vmem_shared>> -> memref<10112x128xf32, #tpu.memory_space<vmem_shared>>
        tpu.enqueue_indirect_dma source(%arg10 : memref<64x128xf32, #tpu.memory_space<vmem>>) target(%dma_start3A_377 : memref<10112x128xf32, #tpu.memory_space<vmem_shared>>) offsets(%dma_start3A_374 : memref<64xi32, #tpu.memory_space<vmem>>) semaphore(%run_scoped3A_371 : memref<!tpu.dma_semaphore, #tpu.memory_space<semaphore_mem>>) {add = true}
        %dma_wait3A_378 = arith.constant 0 : i32
        %dma_wait3A_379 = tpu.memref_slice %arg7[%add3A_334, %dma_wait3A_378] : memref<40x64xi32, #tpu.memory_space<vmem>> -> memref<1x64xi32, #tpu.memory_space<vmem>>
        %dma_wait3A_380 = tpu.memref_squeeze %dma_wait3A_379 : memref<1x64xi32, #tpu.memory_space<vmem>> -> memref<64xi32, #tpu.memory_space<vmem>>
        %dma_wait3A_381 = arith.constant 0 : i32
        %dma_wait3A_382 = arith.constant 0 : i32
        %dma_wait3A_383 = tpu.memref_slice %arg12[%dma_wait3A_381, %dma_wait3A_382] : memref<10112x128xf32, #tpu.memory_space<vmem_shared>> -> memref<10112x128xf32, #tpu.memory_space<vmem_shared>>
        tpu.wait_indirect_dma semaphore(%run_scoped3A_371 : memref<!tpu.dma_semaphore, #tpu.memory_space<semaphore_mem>>) src(%arg10 : memref<64x128xf32, #tpu.memory_space<vmem>>) dst(%dma_wait3A_383 : memref<10112x128xf32, #tpu.memory_space<vmem_shared>>)
        tpu.yield
      }) : () -> ()
      %mul3A_351 = arith.constant 4 : i32
      %mul3A_352 = arith.muli %mul3A_351, %scan3A_291 : i32
      %add3A_353 = arith.constant 3 : i32
      %add3A_354 = arith.addi %mul3A_352, %add3A_353 : i32
      %dma_wait3A_355 = arith.constant 0 : i32
      %dma_wait3A_356 = tpu.memref_slice %arg6[%add3A_354, %dma_wait3A_355] : memref<40x64xi32, #tpu.memory_space<vmem>> -> memref<1x64xi32, #tpu.memory_space<vmem>>
      %dma_wait3A_357 = tpu.memref_squeeze %dma_wait3A_356 : memref<1x64xi32, #tpu.memory_space<vmem>> -> memref<64xi32, #tpu.memory_space<vmem>>
      %dma_wait3A_358 = arith.constant 0 : i32
      %dma_wait3A_359 = arith.constant 0 : i32
      %dma_wait3A_360 = tpu.memref_slice %arg4[%dma_wait3A_358, %dma_wait3A_359] : memref<10000x128xf32, #tpu.memory_space<hbm>> -> memref<10000x128xf32, #tpu.memory_space<hbm>>
      tpu.wait_indirect_dma semaphore(%arg16 : memref<!tpu.dma_semaphore, #tpu.memory_space<semaphore_mem>>) src(%dma_wait3A_360 : memref<10000x128xf32, #tpu.memory_space<hbm>>) dst(%arg11 : memref<64x128xf32, #tpu.memory_space<vmem>>)
      %add3A_361 = arith.constant 4 : i32
      %add3A_362 = arith.addi %add3A_354, %add3A_361 : i32
      %sub3A_363 = arith.constant 1 : i32
      %sub3A_364 = arith.subi %add3A_362, %sub3A_363 : i32
      %dma_start3A_365 = arith.constant 0 : i32
      %dma_start3A_366 = tpu.memref_slice %arg6[%sub3A_364, %dma_start3A_365] : memref<40x64xi32, #tpu.memory_space<vmem>> -> memref<1x64xi32, #tpu.memory_space<vmem>>
      %dma_start3A_367 = tpu.memref_squeeze %dma_start3A_366 : memref<1x64xi32, #tpu.memory_space<vmem>> -> memref<64xi32, #tpu.memory_space<vmem>>
      %dma_start3A_368 = arith.constant 0 : i32
      %dma_start3A_369 = arith.constant 0 : i32
      %dma_start3A_370 = tpu.memref_slice %arg4[%dma_start3A_368, %dma_start3A_369] : memref<10000x128xf32, #tpu.memory_space<hbm>> -> memref<10000x128xf32, #tpu.memory_space<hbm>>
      tpu.enqueue_indirect_dma source(%dma_start3A_370 : memref<10000x128xf32, #tpu.memory_space<hbm>>) target(%arg10 : memref<64x128xf32, #tpu.memory_space<vmem>>) offsets(%dma_start3A_367 : memref<64xi32, #tpu.memory_space<vmem>>) semaphore(%arg15 : memref<!tpu.dma_semaphore, #tpu.memory_space<semaphore_mem>>)
      "tpu.region"() ({
        %run_scoped3A_371 = tpu.sem_alloc : memref<!tpu.dma_semaphore, #tpu.memory_space<semaphore_mem>>
        %dma_start3A_372 = arith.constant 0 : i32
        %dma_start3A_373 = tpu.memref_slice %arg7[%add3A_354, %dma_start3A_372] : memref<40x64xi32, #tpu.memory_space<vmem>> -> memref<1x64xi32, #tpu.memory_space<vmem>>
        %dma_start3A_374 = tpu.memref_squeeze %dma_start3A_373 : memref<1x64xi32, #tpu.memory_space<vmem>> -> memref<64xi32, #tpu.memory_space<vmem>>
        %dma_start3A_375 = arith.constant 0 : i32
        %dma_start3A_376 = arith.constant 0 : i32
        %dma_start3A_377 = tpu.memref_slice %arg12[%dma_start3A_375, %dma_start3A_376] : memref<10112x128xf32, #tpu.memory_space<vmem_shared>> -> memref<10112x128xf32, #tpu.memory_space<vmem_shared>>
        tpu.enqueue_indirect_dma source(%arg11 : memref<64x128xf32, #tpu.memory_space<vmem>>) target(%dma_start3A_377 : memref<10112x128xf32, #tpu.memory_space<vmem_shared>>) offsets(%dma_start3A_374 : memref<64xi32, #tpu.memory_space<vmem>>) semaphore(%run_scoped3A_371 : memref<!tpu.dma_semaphore, #tpu.memory_space<semaphore_mem>>) {add = true}
        %dma_wait3A_378 = arith.constant 0 : i32
        %dma_wait3A_379 = tpu.memref_slice %arg7[%add3A_354, %dma_wait3A_378] : memref<40x64xi32, #tpu.memory_space<vmem>> -> memref<1x64xi32, #tpu.memory_space<vmem>>
        %dma_wait3A_380 = tpu.memref_squeeze %dma_wait3A_379 : memref<1x64xi32, #tpu.memory_space<vmem>> -> memref<64xi32, #tpu.memory_space<vmem>>
        %dma_wait3A_381 = arith.constant 0 : i32
        %dma_wait3A_382 = arith.constant 0 : i32
        %dma_wait3A_383 = tpu.memref_slice %arg12[%dma_wait3A_381, %dma_wait3A_382] : memref<10112x128xf32, #tpu.memory_space<vmem_shared>> -> memref<10112x128xf32, #tpu.memory_space<vmem_shared>>
        tpu.wait_indirect_dma semaphore(%run_scoped3A_371 : memref<!tpu.dma_semaphore, #tpu.memory_space<semaphore_mem>>) src(%arg11 : memref<64x128xf32, #tpu.memory_space<vmem>>) dst(%dma_wait3A_383 : memref<10112x128xf32, #tpu.memory_space<vmem_shared>>)
        tpu.yield
      }) : () -> ()
    }
    %scan3A_54 = arith.constant 9 : i32
    %dma_wait3A = arith.constant 36 : i32
    %dma_wait3A_55 = arith.constant 0 : i32
    %dma_wait3A_56 = tpu.memref_slice %arg6[%dma_wait3A, %dma_wait3A_55] : memref<40x64xi32, #tpu.memory_space<vmem>> -> memref<1x64xi32, #tpu.memory_space<vmem>>
    %dma_wait3A_57 = tpu.memref_squeeze %dma_wait3A_56 : memref<1x64xi32, #tpu.memory_space<vmem>> -> memref<64xi32, #tpu.memory_space<vmem>>
    %dma_wait3A_58 = arith.constant 0 : i32
    %dma_wait3A_59 = arith.constant 0 : i32
    %dma_wait3A_60 = tpu.memref_slice %arg4[%dma_wait3A_58, %dma_wait3A_59] : memref<10000x128xf32, #tpu.memory_space<hbm>> -> memref<10000x128xf32, #tpu.memory_space<hbm>>
    tpu.wait_indirect_dma semaphore(%arg13 : memref<!tpu.dma_semaphore, #tpu.memory_space<semaphore_mem>>) src(%dma_wait3A_60 : memref<10000x128xf32, #tpu.memory_space<hbm>>) dst(%arg8 : memref<64x128xf32, #tpu.memory_space<vmem>>)
    %dma_start3A_61 = arith.constant 39 : i32
    %dma_start3A_62 = arith.constant 0 : i32
    %dma_start3A_63 = tpu.memref_slice %arg6[%dma_start3A_61, %dma_start3A_62] : memref<40x64xi32, #tpu.memory_space<vmem>> -> memref<1x64xi32, #tpu.memory_space<vmem>>
    %dma_start3A_64 = tpu.memref_squeeze %dma_start3A_63 : memref<1x64xi32, #tpu.memory_space<vmem>> -> memref<64xi32, #tpu.memory_space<vmem>>
    %dma_start3A_65 = arith.constant 0 : i32
    %dma_start3A_66 = arith.constant 0 : i32
    %dma_start3A_67 = tpu.memref_slice %arg4[%dma_start3A_65, %dma_start3A_66] : memref<10000x128xf32, #tpu.memory_space<hbm>> -> memref<10000x128xf32, #tpu.memory_space<hbm>>
    tpu.enqueue_indirect_dma source(%dma_start3A_67 : memref<10000x128xf32, #tpu.memory_space<hbm>>) target(%arg11 : memref<64x128xf32, #tpu.memory_space<vmem>>) offsets(%dma_start3A_64 : memref<64xi32, #tpu.memory_space<vmem>>) semaphore(%arg16 : memref<!tpu.dma_semaphore, #tpu.memory_space<semaphore_mem>>)
    %run_scoped3A = arith.constant 36 : i32
    "tpu.region"() ({
      %run_scoped3A_291 = tpu.sem_alloc : memref<!tpu.dma_semaphore, #tpu.memory_space<semaphore_mem>>
      %dma_start3A_292 = arith.constant 0 : i32
      %dma_start3A_293 = tpu.memref_slice %arg7[%run_scoped3A, %dma_start3A_292] : memref<40x64xi32, #tpu.memory_space<vmem>> -> memref<1x64xi32, #tpu.memory_space<vmem>>
      %dma_start3A_294 = tpu.memref_squeeze %dma_start3A_293 : memref<1x64xi32, #tpu.memory_space<vmem>> -> memref<64xi32, #tpu.memory_space<vmem>>
      %dma_start3A_295 = arith.constant 0 : i32
      %dma_start3A_296 = arith.constant 0 : i32
      %dma_start3A_297 = tpu.memref_slice %arg12[%dma_start3A_295, %dma_start3A_296] : memref<10112x128xf32, #tpu.memory_space<vmem_shared>> -> memref<10112x128xf32, #tpu.memory_space<vmem_shared>>
      tpu.enqueue_indirect_dma source(%arg8 : memref<64x128xf32, #tpu.memory_space<vmem>>) target(%dma_start3A_297 : memref<10112x128xf32, #tpu.memory_space<vmem_shared>>) offsets(%dma_start3A_294 : memref<64xi32, #tpu.memory_space<vmem>>) semaphore(%run_scoped3A_291 : memref<!tpu.dma_semaphore, #tpu.memory_space<semaphore_mem>>) {add = true}
      %dma_wait3A_298 = arith.constant 0 : i32
      %dma_wait3A_299 = tpu.memref_slice %arg7[%run_scoped3A, %dma_wait3A_298] : memref<40x64xi32, #tpu.memory_space<vmem>> -> memref<1x64xi32, #tpu.memory_space<vmem>>
      %dma_wait3A_300 = tpu.memref_squeeze %dma_wait3A_299 : memref<1x64xi32, #tpu.memory_space<vmem>> -> memref<64xi32, #tpu.memory_space<vmem>>
      %dma_wait3A_301 = arith.constant 0 : i32
      %dma_wait3A_302 = arith.constant 0 : i32
      %dma_wait3A_303 = tpu.memref_slice %arg12[%dma_wait3A_301, %dma_wait3A_302] : memref<10112x128xf32, #tpu.memory_space<vmem_shared>> -> memref<10112x128xf32, #tpu.memory_space<vmem_shared>>
      tpu.wait_indirect_dma semaphore(%run_scoped3A_291 : memref<!tpu.dma_semaphore, #tpu.memory_space<semaphore_mem>>) src(%arg8 : memref<64x128xf32, #tpu.memory_space<vmem>>) dst(%dma_wait3A_303 : memref<10112x128xf32, #tpu.memory_space<vmem_shared>>)
      tpu.yield
    }) : () -> ()
    %dma_wait3A_68 = arith.constant 37 : i32
    %dma_wait3A_69 = arith.constant 0 : i32
    %dma_wait3A_70 = tpu.memref_slice %arg6[%dma_wait3A_68, %dma_wait3A_69] : memref<40x64xi32, #tpu.memory_space<vmem>> -> memref<1x64xi32, #tpu.memory_space<vmem>>
    %dma_wait3A_71 = tpu.memref_squeeze %dma_wait3A_70 : memref<1x64xi32, #tpu.memory_space<vmem>> -> memref<64xi32, #tpu.memory_space<vmem>>
    %dma_wait3A_72 = arith.constant 0 : i32
    %dma_wait3A_73 = arith.constant 0 : i32
    %dma_wait3A_74 = tpu.memref_slice %arg4[%dma_wait3A_72, %dma_wait3A_73] : memref<10000x128xf32, #tpu.memory_space<hbm>> -> memref<10000x128xf32, #tpu.memory_space<hbm>>
    tpu.wait_indirect_dma semaphore(%arg14 : memref<!tpu.dma_semaphore, #tpu.memory_space<semaphore_mem>>) src(%dma_wait3A_74 : memref<10000x128xf32, #tpu.memory_space<hbm>>) dst(%arg9 : memref<64x128xf32, #tpu.memory_space<vmem>>)
    %run_scoped3A_75 = arith.constant 37 : i32
    "tpu.region"() ({
      %run_scoped3A_291 = tpu.sem_alloc : memref<!tpu.dma_semaphore, #tpu.memory_space<semaphore_mem>>
      %dma_start3A_292 = arith.constant 0 : i32
      %dma_start3A_293 = tpu.memref_slice %arg7[%run_scoped3A_75, %dma_start3A_292] : memref<40x64xi32, #tpu.memory_space<vmem>> -> memref<1x64xi32, #tpu.memory_space<vmem>>
      %dma_start3A_294 = tpu.memref_squeeze %dma_start3A_293 : memref<1x64xi32, #tpu.memory_space<vmem>> -> memref<64xi32, #tpu.memory_space<vmem>>
      %dma_start3A_295 = arith.constant 0 : i32
      %dma_start3A_296 = arith.constant 0 : i32
      %dma_start3A_297 = tpu.memref_slice %arg12[%dma_start3A_295, %dma_start3A_296] : memref<10112x128xf32, #tpu.memory_space<vmem_shared>> -> memref<10112x128xf32, #tpu.memory_space<vmem_shared>>
      tpu.enqueue_indirect_dma source(%arg9 : memref<64x128xf32, #tpu.memory_space<vmem>>) target(%dma_start3A_297 : memref<10112x128xf32, #tpu.memory_space<vmem_shared>>) offsets(%dma_start3A_294 : memref<64xi32, #tpu.memory_space<vmem>>) semaphore(%run_scoped3A_291 : memref<!tpu.dma_semaphore, #tpu.memory_space<semaphore_mem>>) {add = true}
      %dma_wait3A_298 = arith.constant 0 : i32
      %dma_wait3A_299 = tpu.memref_slice %arg7[%run_scoped3A_75, %dma_wait3A_298] : memref<40x64xi32, #tpu.memory_space<vmem>> -> memref<1x64xi32, #tpu.memory_space<vmem>>
      %dma_wait3A_300 = tpu.memref_squeeze %dma_wait3A_299 : memref<1x64xi32, #tpu.memory_space<vmem>> -> memref<64xi32, #tpu.memory_space<vmem>>
      %dma_wait3A_301 = arith.constant 0 : i32
      %dma_wait3A_302 = arith.constant 0 : i32
      %dma_wait3A_303 = tpu.memref_slice %arg12[%dma_wait3A_301, %dma_wait3A_302] : memref<10112x128xf32, #tpu.memory_space<vmem_shared>> -> memref<10112x128xf32, #tpu.memory_space<vmem_shared>>
      tpu.wait_indirect_dma semaphore(%run_scoped3A_291 : memref<!tpu.dma_semaphore, #tpu.memory_space<semaphore_mem>>) src(%arg9 : memref<64x128xf32, #tpu.memory_space<vmem>>) dst(%dma_wait3A_303 : memref<10112x128xf32, #tpu.memory_space<vmem_shared>>)
      tpu.yield
    }) : () -> ()
    %dma_wait3A_76 = arith.constant 38 : i32
    %dma_wait3A_77 = arith.constant 0 : i32
    %dma_wait3A_78 = tpu.memref_slice %arg6[%dma_wait3A_76, %dma_wait3A_77] : memref<40x64xi32, #tpu.memory_space<vmem>> -> memref<1x64xi32, #tpu.memory_space<vmem>>
    %dma_wait3A_79 = tpu.memref_squeeze %dma_wait3A_78 : memref<1x64xi32, #tpu.memory_space<vmem>> -> memref<64xi32, #tpu.memory_space<vmem>>
    %dma_wait3A_80 = arith.constant 0 : i32
    %dma_wait3A_81 = arith.constant 0 : i32
    %dma_wait3A_82 = tpu.memref_slice %arg4[%dma_wait3A_80, %dma_wait3A_81] : memref<10000x128xf32, #tpu.memory_space<hbm>> -> memref<10000x128xf32, #tpu.memory_space<hbm>>
    tpu.wait_indirect_dma semaphore(%arg15 : memref<!tpu.dma_semaphore, #tpu.memory_space<semaphore_mem>>) src(%dma_wait3A_82 : memref<10000x128xf32, #tpu.memory_space<hbm>>) dst(%arg10 : memref<64x128xf32, #tpu.memory_space<vmem>>)
    %run_scoped3A_83 = arith.constant 38 : i32
    "tpu.region"() ({
      %run_scoped3A_291 = tpu.sem_alloc : memref<!tpu.dma_semaphore, #tpu.memory_space<semaphore_mem>>
      %dma_start3A_292 = arith.constant 0 : i32
      %dma_start3A_293 = tpu.memref_slice %arg7[%run_scoped3A_83, %dma_start3A_292] : memref<40x64xi32, #tpu.memory_space<vmem>> -> memref<1x64xi32, #tpu.memory_space<vmem>>
      %dma_start3A_294 = tpu.memref_squeeze %dma_start3A_293 : memref<1x64xi32, #tpu.memory_space<vmem>> -> memref<64xi32, #tpu.memory_space<vmem>>
      %dma_start3A_295 = arith.constant 0 : i32
      %dma_start3A_296 = arith.constant 0 : i32
      %dma_start3A_297 = tpu.memref_slice %arg12[%dma_start3A_295, %dma_start3A_296] : memref<10112x128xf32, #tpu.memory_space<vmem_shared>> -> memref<10112x128xf32, #tpu.memory_space<vmem_shared>>
      tpu.enqueue_indirect_dma source(%arg10 : memref<64x128xf32, #tpu.memory_space<vmem>>) target(%dma_start3A_297 : memref<10112x128xf32, #tpu.memory_space<vmem_shared>>) offsets(%dma_start3A_294 : memref<64xi32, #tpu.memory_space<vmem>>) semaphore(%run_scoped3A_291 : memref<!tpu.dma_semaphore, #tpu.memory_space<semaphore_mem>>) {add = true}
      %dma_wait3A_298 = arith.constant 0 : i32
      %dma_wait3A_299 = tpu.memref_slice %arg7[%run_scoped3A_83, %dma_wait3A_298] : memref<40x64xi32, #tpu.memory_space<vmem>> -> memref<1x64xi32, #tpu.memory_space<vmem>>
      %dma_wait3A_300 = tpu.memref_squeeze %dma_wait3A_299 : memref<1x64xi32, #tpu.memory_space<vmem>> -> memref<64xi32, #tpu.memory_space<vmem>>
      %dma_wait3A_301 = arith.constant 0 : i32
      %dma_wait3A_302 = arith.constant 0 : i32
      %dma_wait3A_303 = tpu.memref_slice %arg12[%dma_wait3A_301, %dma_wait3A_302] : memref<10112x128xf32, #tpu.memory_space<vmem_shared>> -> memref<10112x128xf32, #tpu.memory_space<vmem_shared>>
      tpu.wait_indirect_dma semaphore(%run_scoped3A_291 : memref<!tpu.dma_semaphore, #tpu.memory_space<semaphore_mem>>) src(%arg10 : memref<64x128xf32, #tpu.memory_space<vmem>>) dst(%dma_wait3A_303 : memref<10112x128xf32, #tpu.memory_space<vmem_shared>>)
      tpu.yield
    }) : () -> ()
    %dma_wait3A_84 = arith.constant 39 : i32
    %dma_wait3A_85 = arith.constant 0 : i32
    %dma_wait3A_86 = tpu.memref_slice %arg6[%dma_wait3A_84, %dma_wait3A_85] : memref<40x64xi32, #tpu.memory_space<vmem>> -> memref<1x64xi32, #tpu.memory_space<vmem>>
    %dma_wait3A_87 = tpu.memref_squeeze %dma_wait3A_86 : memref<1x64xi32, #tpu.memory_space<vmem>> -> memref<64xi32, #tpu.memory_space<vmem>>
    %dma_wait3A_88 = arith.constant 0 : i32
    %dma_wait3A_89 = arith.constant 0 : i32
    %dma_wait3A_90 = tpu.memref_slice %arg4[%dma_wait3A_88, %dma_wait3A_89] : memref<10000x128xf32, #tpu.memory_space<hbm>> -> memref<10000x128xf32, #tpu.memory_space<hbm>>
    tpu.wait_indirect_dma semaphore(%arg16 : memref<!tpu.dma_semaphore, #tpu.memory_space<semaphore_mem>>) src(%dma_wait3A_90 : memref<10000x128xf32, #tpu.memory_space<hbm>>) dst(%arg11 : memref<64x128xf32, #tpu.memory_space<vmem>>)
    %run_scoped3A_91 = arith.constant 39 : i32
    "tpu.region"() ({
      %run_scoped3A_291 = tpu.sem_alloc : memref<!tpu.dma_semaphore, #tpu.memory_space<semaphore_mem>>
      %dma_start3A_292 = arith.constant 0 : i32
      %dma_start3A_293 = tpu.memref_slice %arg7[%run_scoped3A_91, %dma_start3A_292] : memref<40x64xi32, #tpu.memory_space<vmem>> -> memref<1x64xi32, #tpu.memory_space<vmem>>
      %dma_start3A_294 = tpu.memref_squeeze %dma_start3A_293 : memref<1x64xi32, #tpu.memory_space<vmem>> -> memref<64xi32, #tpu.memory_space<vmem>>
      %dma_start3A_295 = arith.constant 0 : i32
      %dma_start3A_296 = arith.constant 0 : i32
      %dma_start3A_297 = tpu.memref_slice %arg12[%dma_start3A_295, %dma_start3A_296] : memref<10112x128xf32, #tpu.memory_space<vmem_shared>> -> memref<10112x128xf32, #tpu.memory_space<vmem_shared>>
      tpu.enqueue_indirect_dma source(%arg11 : memref<64x128xf32, #tpu.memory_space<vmem>>) target(%dma_start3A_297 : memref<10112x128xf32, #tpu.memory_space<vmem_shared>>) offsets(%dma_start3A_294 : memref<64xi32, #tpu.memory_space<vmem>>) semaphore(%run_scoped3A_291 : memref<!tpu.dma_semaphore, #tpu.memory_space<semaphore_mem>>) {add = true}
      %dma_wait3A_298 = arith.constant 0 : i32
      %dma_wait3A_299 = tpu.memref_slice %arg7[%run_scoped3A_91, %dma_wait3A_298] : memref<40x64xi32, #tpu.memory_space<vmem>> -> memref<1x64xi32, #tpu.memory_space<vmem>>
      %dma_wait3A_300 = tpu.memref_squeeze %dma_wait3A_299 : memref<1x64xi32, #tpu.memory_space<vmem>> -> memref<64xi32, #tpu.memory_space<vmem>>
      %dma_wait3A_301 = arith.constant 0 : i32
      %dma_wait3A_302 = arith.constant 0 : i32
      %dma_wait3A_303 = tpu.memref_slice %arg12[%dma_wait3A_301, %dma_wait3A_302] : memref<10112x128xf32, #tpu.memory_space<vmem_shared>> -> memref<10112x128xf32, #tpu.memory_space<vmem_shared>>
      tpu.wait_indirect_dma semaphore(%run_scoped3A_291 : memref<!tpu.dma_semaphore, #tpu.memory_space<semaphore_mem>>) src(%arg11 : memref<64x128xf32, #tpu.memory_space<vmem>>) dst(%dma_wait3A_303 : memref<10112x128xf32, #tpu.memory_space<vmem_shared>>)
      tpu.yield
    }) : () -> ()
    "tpu.region"() ({
      %run_scoped3A_291 = tpu.sem_alloc : memref<!tpu.dma_semaphore, #tpu.memory_space<semaphore_mem>>
      %dma_start3A_292 = arith.constant 40 : i32
      %dma_start3A_293 = arith.constant 0 : i32
      %dma_start3A_294 = tpu.memref_slice %arg2[%add3A, %dma_start3A_292, %dma_start3A_293] : memref<32x160x64xi32, #tpu.memory_space<hbm>> -> memref<1x40x64xi32, #tpu.memory_space<hbm>>
      %dma_start3A_295 = tpu.memref_squeeze %dma_start3A_294 : memref<1x40x64xi32, #tpu.memory_space<hbm>> -> memref<40x64xi32, #tpu.memory_space<hbm>>
      %dma_start3A_296 = arith.constant 40 : i32
      %dma_start3A_297 = arith.constant 0 : i32
      %dma_start3A_298 = tpu.memref_slice %arg2[%add3A, %dma_start3A_296, %dma_start3A_297] : memref<32x160x64xi32, #tpu.memory_space<hbm>> -> memref<1x40x64xi32, #tpu.memory_space<hbm>>
      %dma_start3A_299 = tpu.memref_squeeze %dma_start3A_298 : memref<1x40x64xi32, #tpu.memory_space<hbm>> -> memref<40x64xi32, #tpu.memory_space<hbm>>
      tpu.enqueue_dma source(%dma_start3A_299 : memref<40x64xi32, #tpu.memory_space<hbm>>) target(%arg6 : memref<40x64xi32, #tpu.memory_space<vmem>>) target_semaphore(%run_scoped3A_291 : memref<!tpu.dma_semaphore, #tpu.memory_space<semaphore_mem>>)
      %dma_wait3A_300 = arith.constant 40 : i32
      %dma_wait3A_301 = arith.constant 0 : i32
      %dma_wait3A_302 = tpu.memref_slice %arg2[%add3A, %dma_wait3A_300, %dma_wait3A_301] : memref<32x160x64xi32, #tpu.memory_space<hbm>> -> memref<1x40x64xi32, #tpu.memory_space<hbm>>
      %dma_wait3A_303 = tpu.memref_squeeze %dma_wait3A_302 : memref<1x40x64xi32, #tpu.memory_space<hbm>> -> memref<40x64xi32, #tpu.memory_space<hbm>>
      %dma_wait3A_304 = arith.constant 40 : i32
      %dma_wait3A_305 = arith.constant 0 : i32
      %dma_wait3A_306 = tpu.memref_slice %arg2[%add3A, %dma_wait3A_304, %dma_wait3A_305] : memref<32x160x64xi32, #tpu.memory_space<hbm>> -> memref<1x40x64xi32, #tpu.memory_space<hbm>>
      %dma_wait3A_307 = tpu.memref_squeeze %dma_wait3A_306 : memref<1x40x64xi32, #tpu.memory_space<hbm>> -> memref<40x64xi32, #tpu.memory_space<hbm>>
      tpu.wait_dma2 semaphore(%run_scoped3A_291 : memref<!tpu.dma_semaphore, #tpu.memory_space<semaphore_mem>>) src(%dma_wait3A_307 : memref<40x64xi32, #tpu.memory_space<hbm>>) dst(%arg6 : memref<40x64xi32, #tpu.memory_space<vmem>>)
      tpu.yield
    }) : () -> ()
    "tpu.region"() ({
      %run_scoped3A_291 = tpu.sem_alloc : memref<!tpu.dma_semaphore, #tpu.memory_space<semaphore_mem>>
      %dma_start3A_292 = arith.constant 40 : i32
      %dma_start3A_293 = arith.constant 0 : i32
      %dma_start3A_294 = tpu.memref_slice %arg3[%add3A, %dma_start3A_292, %dma_start3A_293] : memref<32x160x64xi32, #tpu.memory_space<hbm>> -> memref<1x40x64xi32, #tpu.memory_space<hbm>>
      %dma_start3A_295 = tpu.memref_squeeze %dma_start3A_294 : memref<1x40x64xi32, #tpu.memory_space<hbm>> -> memref<40x64xi32, #tpu.memory_space<hbm>>
      %dma_start3A_296 = arith.constant 40 : i32
      %dma_start3A_297 = arith.constant 0 : i32
      %dma_start3A_298 = tpu.memref_slice %arg3[%add3A, %dma_start3A_296, %dma_start3A_297] : memref<32x160x64xi32, #tpu.memory_space<hbm>> -> memref<1x40x64xi32, #tpu.memory_space<hbm>>
      %dma_start3A_299 = tpu.memref_squeeze %dma_start3A_298 : memref<1x40x64xi32, #tpu.memory_space<hbm>> -> memref<40x64xi32, #tpu.memory_space<hbm>>
      tpu.enqueue_dma source(%dma_start3A_299 : memref<40x64xi32, #tpu.memory_space<hbm>>) target(%arg7 : memref<40x64xi32, #tpu.memory_space<vmem>>) target_semaphore(%run_scoped3A_291 : memref<!tpu.dma_semaphore, #tpu.memory_space<semaphore_mem>>)
      %dma_wait3A_300 = arith.constant 40 : i32
      %dma_wait3A_301 = arith.constant 0 : i32
      %dma_wait3A_302 = tpu.memref_slice %arg3[%add3A, %dma_wait3A_300, %dma_wait3A_301] : memref<32x160x64xi32, #tpu.memory_space<hbm>> -> memref<1x40x64xi32, #tpu.memory_space<hbm>>
      %dma_wait3A_303 = tpu.memref_squeeze %dma_wait3A_302 : memref<1x40x64xi32, #tpu.memory_space<hbm>> -> memref<40x64xi32, #tpu.memory_space<hbm>>
      %dma_wait3A_304 = arith.constant 40 : i32
      %dma_wait3A_305 = arith.constant 0 : i32
      %dma_wait3A_306 = tpu.memref_slice %arg3[%add3A, %dma_wait3A_304, %dma_wait3A_305] : memref<32x160x64xi32, #tpu.memory_space<hbm>> -> memref<1x40x64xi32, #tpu.memory_space<hbm>>
      %dma_wait3A_307 = tpu.memref_squeeze %dma_wait3A_306 : memref<1x40x64xi32, #tpu.memory_space<hbm>> -> memref<40x64xi32, #tpu.memory_space<hbm>>
      tpu.wait_dma2 semaphore(%run_scoped3A_291 : memref<!tpu.dma_semaphore, #tpu.memory_space<semaphore_mem>>) src(%dma_wait3A_307 : memref<40x64xi32, #tpu.memory_space<hbm>>) dst(%arg7 : memref<40x64xi32, #tpu.memory_space<vmem>>)
      tpu.yield
    }) : () -> ()
    %dma_start3A_92 = arith.constant 0 : i32
    %dma_start3A_93 = arith.constant 0 : i32
    %dma_start3A_94 = tpu.memref_slice %arg6[%dma_start3A_92, %dma_start3A_93] : memref<40x64xi32, #tpu.memory_space<vmem>> -> memref<1x64xi32, #tpu.memory_space<vmem>>
    %dma_start3A_95 = tpu.memref_squeeze %dma_start3A_94 : memref<1x64xi32, #tpu.memory_space<vmem>> -> memref<64xi32, #tpu.memory_space<vmem>>
    %dma_start3A_96 = arith.constant 0 : i32
    %dma_start3A_97 = arith.constant 0 : i32
    %dma_start3A_98 = tpu.memref_slice %arg4[%dma_start3A_96, %dma_start3A_97] : memref<10000x128xf32, #tpu.memory_space<hbm>> -> memref<10000x128xf32, #tpu.memory_space<hbm>>
    tpu.enqueue_indirect_dma source(%dma_start3A_98 : memref<10000x128xf32, #tpu.memory_space<hbm>>) target(%arg8 : memref<64x128xf32, #tpu.memory_space<vmem>>) offsets(%dma_start3A_95 : memref<64xi32, #tpu.memory_space<vmem>>) semaphore(%arg13 : memref<!tpu.dma_semaphore, #tpu.memory_space<semaphore_mem>>)
    %dma_start3A_99 = arith.constant 1 : i32
    %dma_start3A_100 = arith.constant 0 : i32
    %dma_start3A_101 = tpu.memref_slice %arg6[%dma_start3A_99, %dma_start3A_100] : memref<40x64xi32, #tpu.memory_space<vmem>> -> memref<1x64xi32, #tpu.memory_space<vmem>>
    %dma_start3A_102 = tpu.memref_squeeze %dma_start3A_101 : memref<1x64xi32, #tpu.memory_space<vmem>> -> memref<64xi32, #tpu.memory_space<vmem>>
    %dma_start3A_103 = arith.constant 0 : i32
    %dma_start3A_104 = arith.constant 0 : i32
    %dma_start3A_105 = tpu.memref_slice %arg4[%dma_start3A_103, %dma_start3A_104] : memref<10000x128xf32, #tpu.memory_space<hbm>> -> memref<10000x128xf32, #tpu.memory_space<hbm>>
    tpu.enqueue_indirect_dma source(%dma_start3A_105 : memref<10000x128xf32, #tpu.memory_space<hbm>>) target(%arg9 : memref<64x128xf32, #tpu.memory_space<vmem>>) offsets(%dma_start3A_102 : memref<64xi32, #tpu.memory_space<vmem>>) semaphore(%arg14 : memref<!tpu.dma_semaphore, #tpu.memory_space<semaphore_mem>>)
    %dma_start3A_106 = arith.constant 2 : i32
    %dma_start3A_107 = arith.constant 0 : i32
    %dma_start3A_108 = tpu.memref_slice %arg6[%dma_start3A_106, %dma_start3A_107] : memref<40x64xi32, #tpu.memory_space<vmem>> -> memref<1x64xi32, #tpu.memory_space<vmem>>
    %dma_start3A_109 = tpu.memref_squeeze %dma_start3A_108 : memref<1x64xi32, #tpu.memory_space<vmem>> -> memref<64xi32, #tpu.memory_space<vmem>>
    %dma_start3A_110 = arith.constant 0 : i32
    %dma_start3A_111 = arith.constant 0 : i32
    %dma_start3A_112 = tpu.memref_slice %arg4[%dma_start3A_110, %dma_start3A_111] : memref<10000x128xf32, #tpu.memory_space<hbm>> -> memref<10000x128xf32, #tpu.memory_space<hbm>>
    tpu.enqueue_indirect_dma source(%dma_start3A_112 : memref<10000x128xf32, #tpu.memory_space<hbm>>) target(%arg10 : memref<64x128xf32, #tpu.memory_space<vmem>>) offsets(%dma_start3A_109 : memref<64xi32, #tpu.memory_space<vmem>>) semaphore(%arg15 : memref<!tpu.dma_semaphore, #tpu.memory_space<semaphore_mem>>)
    %scan3A_113 = arith.constant 0 : i32
    %scan3A_114 = arith.constant 0 : i32
    %scan3A_115 = arith.constant 9 : i32
    %scan3A_116 = arith.addi %scan3A_114, %scan3A_115 : i32
    %scan3A_117 = arith.constant 1 : i32
    scf.for %scan3A_291 = %scan3A_114 to %scan3A_116 step %scan3A_117  : i32 {
      %mul3A_292 = arith.constant 4 : i32
      %mul3A_293 = arith.muli %mul3A_292, %scan3A_291 : i32
      %add3A_294 = arith.constant 0 : i32
      %add3A_295 = arith.addi %mul3A_293, %add3A_294 : i32
      %dma_wait3A_296 = arith.constant 0 : i32
      %dma_wait3A_297 = tpu.memref_slice %arg6[%add3A_295, %dma_wait3A_296] : memref<40x64xi32, #tpu.memory_space<vmem>> -> memref<1x64xi32, #tpu.memory_space<vmem>>
      %dma_wait3A_298 = tpu.memref_squeeze %dma_wait3A_297 : memref<1x64xi32, #tpu.memory_space<vmem>> -> memref<64xi32, #tpu.memory_space<vmem>>
      %dma_wait3A_299 = arith.constant 0 : i32
      %dma_wait3A_300 = arith.constant 0 : i32
      %dma_wait3A_301 = tpu.memref_slice %arg4[%dma_wait3A_299, %dma_wait3A_300] : memref<10000x128xf32, #tpu.memory_space<hbm>> -> memref<10000x128xf32, #tpu.memory_space<hbm>>
      tpu.wait_indirect_dma semaphore(%arg13 : memref<!tpu.dma_semaphore, #tpu.memory_space<semaphore_mem>>) src(%dma_wait3A_301 : memref<10000x128xf32, #tpu.memory_space<hbm>>) dst(%arg8 : memref<64x128xf32, #tpu.memory_space<vmem>>)
      %add3A_302 = arith.constant 4 : i32
      %add3A_303 = arith.addi %add3A_295, %add3A_302 : i32
      %sub3A = arith.constant 1 : i32
      %sub3A_304 = arith.subi %add3A_303, %sub3A : i32
      %dma_start3A_305 = arith.constant 0 : i32
      %dma_start3A_306 = tpu.memref_slice %arg6[%sub3A_304, %dma_start3A_305] : memref<40x64xi32, #tpu.memory_space<vmem>> -> memref<1x64xi32, #tpu.memory_space<vmem>>
      %dma_start3A_307 = tpu.memref_squeeze %dma_start3A_306 : memref<1x64xi32, #tpu.memory_space<vmem>> -> memref<64xi32, #tpu.memory_space<vmem>>
      %dma_start3A_308 = arith.constant 0 : i32
      %dma_start3A_309 = arith.constant 0 : i32
      %dma_start3A_310 = tpu.memref_slice %arg4[%dma_start3A_308, %dma_start3A_309] : memref<10000x128xf32, #tpu.memory_space<hbm>> -> memref<10000x128xf32, #tpu.memory_space<hbm>>
      tpu.enqueue_indirect_dma source(%dma_start3A_310 : memref<10000x128xf32, #tpu.memory_space<hbm>>) target(%arg11 : memref<64x128xf32, #tpu.memory_space<vmem>>) offsets(%dma_start3A_307 : memref<64xi32, #tpu.memory_space<vmem>>) semaphore(%arg16 : memref<!tpu.dma_semaphore, #tpu.memory_space<semaphore_mem>>)
      "tpu.region"() ({
        %run_scoped3A_371 = tpu.sem_alloc : memref<!tpu.dma_semaphore, #tpu.memory_space<semaphore_mem>>
        %dma_start3A_372 = arith.constant 0 : i32
        %dma_start3A_373 = tpu.memref_slice %arg7[%add3A_295, %dma_start3A_372] : memref<40x64xi32, #tpu.memory_space<vmem>> -> memref<1x64xi32, #tpu.memory_space<vmem>>
        %dma_start3A_374 = tpu.memref_squeeze %dma_start3A_373 : memref<1x64xi32, #tpu.memory_space<vmem>> -> memref<64xi32, #tpu.memory_space<vmem>>
        %dma_start3A_375 = arith.constant 0 : i32
        %dma_start3A_376 = arith.constant 0 : i32
        %dma_start3A_377 = tpu.memref_slice %arg12[%dma_start3A_375, %dma_start3A_376] : memref<10112x128xf32, #tpu.memory_space<vmem_shared>> -> memref<10112x128xf32, #tpu.memory_space<vmem_shared>>
        tpu.enqueue_indirect_dma source(%arg8 : memref<64x128xf32, #tpu.memory_space<vmem>>) target(%dma_start3A_377 : memref<10112x128xf32, #tpu.memory_space<vmem_shared>>) offsets(%dma_start3A_374 : memref<64xi32, #tpu.memory_space<vmem>>) semaphore(%run_scoped3A_371 : memref<!tpu.dma_semaphore, #tpu.memory_space<semaphore_mem>>) {add = true}
        %dma_wait3A_378 = arith.constant 0 : i32
        %dma_wait3A_379 = tpu.memref_slice %arg7[%add3A_295, %dma_wait3A_378] : memref<40x64xi32, #tpu.memory_space<vmem>> -> memref<1x64xi32, #tpu.memory_space<vmem>>
        %dma_wait3A_380 = tpu.memref_squeeze %dma_wait3A_379 : memref<1x64xi32, #tpu.memory_space<vmem>> -> memref<64xi32, #tpu.memory_space<vmem>>
        %dma_wait3A_381 = arith.constant 0 : i32
        %dma_wait3A_382 = arith.constant 0 : i32
        %dma_wait3A_383 = tpu.memref_slice %arg12[%dma_wait3A_381, %dma_wait3A_382] : memref<10112x128xf32, #tpu.memory_space<vmem_shared>> -> memref<10112x128xf32, #tpu.memory_space<vmem_shared>>
        tpu.wait_indirect_dma semaphore(%run_scoped3A_371 : memref<!tpu.dma_semaphore, #tpu.memory_space<semaphore_mem>>) src(%arg8 : memref<64x128xf32, #tpu.memory_space<vmem>>) dst(%dma_wait3A_383 : memref<10112x128xf32, #tpu.memory_space<vmem_shared>>)
        tpu.yield
      }) : () -> ()
      %mul3A_311 = arith.constant 4 : i32
      %mul3A_312 = arith.muli %mul3A_311, %scan3A_291 : i32
      %add3A_313 = arith.constant 1 : i32
      %add3A_314 = arith.addi %mul3A_312, %add3A_313 : i32
      %dma_wait3A_315 = arith.constant 0 : i32
      %dma_wait3A_316 = tpu.memref_slice %arg6[%add3A_314, %dma_wait3A_315] : memref<40x64xi32, #tpu.memory_space<vmem>> -> memref<1x64xi32, #tpu.memory_space<vmem>>
      %dma_wait3A_317 = tpu.memref_squeeze %dma_wait3A_316 : memref<1x64xi32, #tpu.memory_space<vmem>> -> memref<64xi32, #tpu.memory_space<vmem>>
      %dma_wait3A_318 = arith.constant 0 : i32
      %dma_wait3A_319 = arith.constant 0 : i32
      %dma_wait3A_320 = tpu.memref_slice %arg4[%dma_wait3A_318, %dma_wait3A_319] : memref<10000x128xf32, #tpu.memory_space<hbm>> -> memref<10000x128xf32, #tpu.memory_space<hbm>>
      tpu.wait_indirect_dma semaphore(%arg14 : memref<!tpu.dma_semaphore, #tpu.memory_space<semaphore_mem>>) src(%dma_wait3A_320 : memref<10000x128xf32, #tpu.memory_space<hbm>>) dst(%arg9 : memref<64x128xf32, #tpu.memory_space<vmem>>)
      %add3A_321 = arith.constant 4 : i32
      %add3A_322 = arith.addi %add3A_314, %add3A_321 : i32
      %sub3A_323 = arith.constant 1 : i32
      %sub3A_324 = arith.subi %add3A_322, %sub3A_323 : i32
      %dma_start3A_325 = arith.constant 0 : i32
      %dma_start3A_326 = tpu.memref_slice %arg6[%sub3A_324, %dma_start3A_325] : memref<40x64xi32, #tpu.memory_space<vmem>> -> memref<1x64xi32, #tpu.memory_space<vmem>>
      %dma_start3A_327 = tpu.memref_squeeze %dma_start3A_326 : memref<1x64xi32, #tpu.memory_space<vmem>> -> memref<64xi32, #tpu.memory_space<vmem>>
      %dma_start3A_328 = arith.constant 0 : i32
      %dma_start3A_329 = arith.constant 0 : i32
      %dma_start3A_330 = tpu.memref_slice %arg4[%dma_start3A_328, %dma_start3A_329] : memref<10000x128xf32, #tpu.memory_space<hbm>> -> memref<10000x128xf32, #tpu.memory_space<hbm>>
      tpu.enqueue_indirect_dma source(%dma_start3A_330 : memref<10000x128xf32, #tpu.memory_space<hbm>>) target(%arg8 : memref<64x128xf32, #tpu.memory_space<vmem>>) offsets(%dma_start3A_327 : memref<64xi32, #tpu.memory_space<vmem>>) semaphore(%arg13 : memref<!tpu.dma_semaphore, #tpu.memory_space<semaphore_mem>>)
      "tpu.region"() ({
        %run_scoped3A_371 = tpu.sem_alloc : memref<!tpu.dma_semaphore, #tpu.memory_space<semaphore_mem>>
        %dma_start3A_372 = arith.constant 0 : i32
        %dma_start3A_373 = tpu.memref_slice %arg7[%add3A_314, %dma_start3A_372] : memref<40x64xi32, #tpu.memory_space<vmem>> -> memref<1x64xi32, #tpu.memory_space<vmem>>
        %dma_start3A_374 = tpu.memref_squeeze %dma_start3A_373 : memref<1x64xi32, #tpu.memory_space<vmem>> -> memref<64xi32, #tpu.memory_space<vmem>>
        %dma_start3A_375 = arith.constant 0 : i32
        %dma_start3A_376 = arith.constant 0 : i32
        %dma_start3A_377 = tpu.memref_slice %arg12[%dma_start3A_375, %dma_start3A_376] : memref<10112x128xf32, #tpu.memory_space<vmem_shared>> -> memref<10112x128xf32, #tpu.memory_space<vmem_shared>>
        tpu.enqueue_indirect_dma source(%arg9 : memref<64x128xf32, #tpu.memory_space<vmem>>) target(%dma_start3A_377 : memref<10112x128xf32, #tpu.memory_space<vmem_shared>>) offsets(%dma_start3A_374 : memref<64xi32, #tpu.memory_space<vmem>>) semaphore(%run_scoped3A_371 : memref<!tpu.dma_semaphore, #tpu.memory_space<semaphore_mem>>) {add = true}
        %dma_wait3A_378 = arith.constant 0 : i32
        %dma_wait3A_379 = tpu.memref_slice %arg7[%add3A_314, %dma_wait3A_378] : memref<40x64xi32, #tpu.memory_space<vmem>> -> memref<1x64xi32, #tpu.memory_space<vmem>>
        %dma_wait3A_380 = tpu.memref_squeeze %dma_wait3A_379 : memref<1x64xi32, #tpu.memory_space<vmem>> -> memref<64xi32, #tpu.memory_space<vmem>>
        %dma_wait3A_381 = arith.constant 0 : i32
        %dma_wait3A_382 = arith.constant 0 : i32
        %dma_wait3A_383 = tpu.memref_slice %arg12[%dma_wait3A_381, %dma_wait3A_382] : memref<10112x128xf32, #tpu.memory_space<vmem_shared>> -> memref<10112x128xf32, #tpu.memory_space<vmem_shared>>
        tpu.wait_indirect_dma semaphore(%run_scoped3A_371 : memref<!tpu.dma_semaphore, #tpu.memory_space<semaphore_mem>>) src(%arg9 : memref<64x128xf32, #tpu.memory_space<vmem>>) dst(%dma_wait3A_383 : memref<10112x128xf32, #tpu.memory_space<vmem_shared>>)
        tpu.yield
      }) : () -> ()
      %mul3A_331 = arith.constant 4 : i32
      %mul3A_332 = arith.muli %mul3A_331, %scan3A_291 : i32
      %add3A_333 = arith.constant 2 : i32
      %add3A_334 = arith.addi %mul3A_332, %add3A_333 : i32
      %dma_wait3A_335 = arith.constant 0 : i32
      %dma_wait3A_336 = tpu.memref_slice %arg6[%add3A_334, %dma_wait3A_335] : memref<40x64xi32, #tpu.memory_space<vmem>> -> memref<1x64xi32, #tpu.memory_space<vmem>>
      %dma_wait3A_337 = tpu.memref_squeeze %dma_wait3A_336 : memref<1x64xi32, #tpu.memory_space<vmem>> -> memref<64xi32, #tpu.memory_space<vmem>>
      %dma_wait3A_338 = arith.constant 0 : i32
      %dma_wait3A_339 = arith.constant 0 : i32
      %dma_wait3A_340 = tpu.memref_slice %arg4[%dma_wait3A_338, %dma_wait3A_339] : memref<10000x128xf32, #tpu.memory_space<hbm>> -> memref<10000x128xf32, #tpu.memory_space<hbm>>
      tpu.wait_indirect_dma semaphore(%arg15 : memref<!tpu.dma_semaphore, #tpu.memory_space<semaphore_mem>>) src(%dma_wait3A_340 : memref<10000x128xf32, #tpu.memory_space<hbm>>) dst(%arg10 : memref<64x128xf32, #tpu.memory_space<vmem>>)
      %add3A_341 = arith.constant 4 : i32
      %add3A_342 = arith.addi %add3A_334, %add3A_341 : i32
      %sub3A_343 = arith.constant 1 : i32
      %sub3A_344 = arith.subi %add3A_342, %sub3A_343 : i32
      %dma_start3A_345 = arith.constant 0 : i32
      %dma_start3A_346 = tpu.memref_slice %arg6[%sub3A_344, %dma_start3A_345] : memref<40x64xi32, #tpu.memory_space<vmem>> -> memref<1x64xi32, #tpu.memory_space<vmem>>
      %dma_start3A_347 = tpu.memref_squeeze %dma_start3A_346 : memref<1x64xi32, #tpu.memory_space<vmem>> -> memref<64xi32, #tpu.memory_space<vmem>>
      %dma_start3A_348 = arith.constant 0 : i32
      %dma_start3A_349 = arith.constant 0 : i32
      %dma_start3A_350 = tpu.memref_slice %arg4[%dma_start3A_348, %dma_start3A_349] : memref<10000x128xf32, #tpu.memory_space<hbm>> -> memref<10000x128xf32, #tpu.memory_space<hbm>>
      tpu.enqueue_indirect_dma source(%dma_start3A_350 : memref<10000x128xf32, #tpu.memory_space<hbm>>) target(%arg9 : memref<64x128xf32, #tpu.memory_space<vmem>>) offsets(%dma_start3A_347 : memref<64xi32, #tpu.memory_space<vmem>>) semaphore(%arg14 : memref<!tpu.dma_semaphore, #tpu.memory_space<semaphore_mem>>)
      "tpu.region"() ({
        %run_scoped3A_371 = tpu.sem_alloc : memref<!tpu.dma_semaphore, #tpu.memory_space<semaphore_mem>>
        %dma_start3A_372 = arith.constant 0 : i32
        %dma_start3A_373 = tpu.memref_slice %arg7[%add3A_334, %dma_start3A_372] : memref<40x64xi32, #tpu.memory_space<vmem>> -> memref<1x64xi32, #tpu.memory_space<vmem>>
        %dma_start3A_374 = tpu.memref_squeeze %dma_start3A_373 : memref<1x64xi32, #tpu.memory_space<vmem>> -> memref<64xi32, #tpu.memory_space<vmem>>
        %dma_start3A_375 = arith.constant 0 : i32
        %dma_start3A_376 = arith.constant 0 : i32
        %dma_start3A_377 = tpu.memref_slice %arg12[%dma_start3A_375, %dma_start3A_376] : memref<10112x128xf32, #tpu.memory_space<vmem_shared>> -> memref<10112x128xf32, #tpu.memory_space<vmem_shared>>
        tpu.enqueue_indirect_dma source(%arg10 : memref<64x128xf32, #tpu.memory_space<vmem>>) target(%dma_start3A_377 : memref<10112x128xf32, #tpu.memory_space<vmem_shared>>) offsets(%dma_start3A_374 : memref<64xi32, #tpu.memory_space<vmem>>) semaphore(%run_scoped3A_371 : memref<!tpu.dma_semaphore, #tpu.memory_space<semaphore_mem>>) {add = true}
        %dma_wait3A_378 = arith.constant 0 : i32
        %dma_wait3A_379 = tpu.memref_slice %arg7[%add3A_334, %dma_wait3A_378] : memref<40x64xi32, #tpu.memory_space<vmem>> -> memref<1x64xi32, #tpu.memory_space<vmem>>
        %dma_wait3A_380 = tpu.memref_squeeze %dma_wait3A_379 : memref<1x64xi32, #tpu.memory_space<vmem>> -> memref<64xi32, #tpu.memory_space<vmem>>
        %dma_wait3A_381 = arith.constant 0 : i32
        %dma_wait3A_382 = arith.constant 0 : i32
        %dma_wait3A_383 = tpu.memref_slice %arg12[%dma_wait3A_381, %dma_wait3A_382] : memref<10112x128xf32, #tpu.memory_space<vmem_shared>> -> memref<10112x128xf32, #tpu.memory_space<vmem_shared>>
        tpu.wait_indirect_dma semaphore(%run_scoped3A_371 : memref<!tpu.dma_semaphore, #tpu.memory_space<semaphore_mem>>) src(%arg10 : memref<64x128xf32, #tpu.memory_space<vmem>>) dst(%dma_wait3A_383 : memref<10112x128xf32, #tpu.memory_space<vmem_shared>>)
        tpu.yield
      }) : () -> ()
      %mul3A_351 = arith.constant 4 : i32
      %mul3A_352 = arith.muli %mul3A_351, %scan3A_291 : i32
      %add3A_353 = arith.constant 3 : i32
      %add3A_354 = arith.addi %mul3A_352, %add3A_353 : i32
      %dma_wait3A_355 = arith.constant 0 : i32
      %dma_wait3A_356 = tpu.memref_slice %arg6[%add3A_354, %dma_wait3A_355] : memref<40x64xi32, #tpu.memory_space<vmem>> -> memref<1x64xi32, #tpu.memory_space<vmem>>
      %dma_wait3A_357 = tpu.memref_squeeze %dma_wait3A_356 : memref<1x64xi32, #tpu.memory_space<vmem>> -> memref<64xi32, #tpu.memory_space<vmem>>
      %dma_wait3A_358 = arith.constant 0 : i32
      %dma_wait3A_359 = arith.constant 0 : i32
      %dma_wait3A_360 = tpu.memref_slice %arg4[%dma_wait3A_358, %dma_wait3A_359] : memref<10000x128xf32, #tpu.memory_space<hbm>> -> memref<10000x128xf32, #tpu.memory_space<hbm>>
      tpu.wait_indirect_dma semaphore(%arg16 : memref<!tpu.dma_semaphore, #tpu.memory_space<semaphore_mem>>) src(%dma_wait3A_360 : memref<10000x128xf32, #tpu.memory_space<hbm>>) dst(%arg11 : memref<64x128xf32, #tpu.memory_space<vmem>>)
      %add3A_361 = arith.constant 4 : i32
      %add3A_362 = arith.addi %add3A_354, %add3A_361 : i32
      %sub3A_363 = arith.constant 1 : i32
      %sub3A_364 = arith.subi %add3A_362, %sub3A_363 : i32
      %dma_start3A_365 = arith.constant 0 : i32
      %dma_start3A_366 = tpu.memref_slice %arg6[%sub3A_364, %dma_start3A_365] : memref<40x64xi32, #tpu.memory_space<vmem>> -> memref<1x64xi32, #tpu.memory_space<vmem>>
      %dma_start3A_367 = tpu.memref_squeeze %dma_start3A_366 : memref<1x64xi32, #tpu.memory_space<vmem>> -> memref<64xi32, #tpu.memory_space<vmem>>
      %dma_start3A_368 = arith.constant 0 : i32
      %dma_start3A_369 = arith.constant 0 : i32
      %dma_start3A_370 = tpu.memref_slice %arg4[%dma_start3A_368, %dma_start3A_369] : memref<10000x128xf32, #tpu.memory_space<hbm>> -> memref<10000x128xf32, #tpu.memory_space<hbm>>
      tpu.enqueue_indirect_dma source(%dma_start3A_370 : memref<10000x128xf32, #tpu.memory_space<hbm>>) target(%arg10 : memref<64x128xf32, #tpu.memory_space<vmem>>) offsets(%dma_start3A_367 : memref<64xi32, #tpu.memory_space<vmem>>) semaphore(%arg15 : memref<!tpu.dma_semaphore, #tpu.memory_space<semaphore_mem>>)
      "tpu.region"() ({
        %run_scoped3A_371 = tpu.sem_alloc : memref<!tpu.dma_semaphore, #tpu.memory_space<semaphore_mem>>
        %dma_start3A_372 = arith.constant 0 : i32
        %dma_start3A_373 = tpu.memref_slice %arg7[%add3A_354, %dma_start3A_372] : memref<40x64xi32, #tpu.memory_space<vmem>> -> memref<1x64xi32, #tpu.memory_space<vmem>>
        %dma_start3A_374 = tpu.memref_squeeze %dma_start3A_373 : memref<1x64xi32, #tpu.memory_space<vmem>> -> memref<64xi32, #tpu.memory_space<vmem>>
        %dma_start3A_375 = arith.constant 0 : i32
        %dma_start3A_376 = arith.constant 0 : i32
        %dma_start3A_377 = tpu.memref_slice %arg12[%dma_start3A_375, %dma_start3A_376] : memref<10112x128xf32, #tpu.memory_space<vmem_shared>> -> memref<10112x128xf32, #tpu.memory_space<vmem_shared>>
        tpu.enqueue_indirect_dma source(%arg11 : memref<64x128xf32, #tpu.memory_space<vmem>>) target(%dma_start3A_377 : memref<10112x128xf32, #tpu.memory_space<vmem_shared>>) offsets(%dma_start3A_374 : memref<64xi32, #tpu.memory_space<vmem>>) semaphore(%run_scoped3A_371 : memref<!tpu.dma_semaphore, #tpu.memory_space<semaphore_mem>>) {add = true}
        %dma_wait3A_378 = arith.constant 0 : i32
        %dma_wait3A_379 = tpu.memref_slice %arg7[%add3A_354, %dma_wait3A_378] : memref<40x64xi32, #tpu.memory_space<vmem>> -> memref<1x64xi32, #tpu.memory_space<vmem>>
        %dma_wait3A_380 = tpu.memref_squeeze %dma_wait3A_379 : memref<1x64xi32, #tpu.memory_space<vmem>> -> memref<64xi32, #tpu.memory_space<vmem>>
        %dma_wait3A_381 = arith.constant 0 : i32
        %dma_wait3A_382 = arith.constant 0 : i32
        %dma_wait3A_383 = tpu.memref_slice %arg12[%dma_wait3A_381, %dma_wait3A_382] : memref<10112x128xf32, #tpu.memory_space<vmem_shared>> -> memref<10112x128xf32, #tpu.memory_space<vmem_shared>>
        tpu.wait_indirect_dma semaphore(%run_scoped3A_371 : memref<!tpu.dma_semaphore, #tpu.memory_space<semaphore_mem>>) src(%arg11 : memref<64x128xf32, #tpu.memory_space<vmem>>) dst(%dma_wait3A_383 : memref<10112x128xf32, #tpu.memory_space<vmem_shared>>)
        tpu.yield
      }) : () -> ()
    }
    %scan3A_118 = arith.constant 9 : i32
    %dma_wait3A_119 = arith.constant 36 : i32
    %dma_wait3A_120 = arith.constant 0 : i32
    %dma_wait3A_121 = tpu.memref_slice %arg6[%dma_wait3A_119, %dma_wait3A_120] : memref<40x64xi32, #tpu.memory_space<vmem>> -> memref<1x64xi32, #tpu.memory_space<vmem>>
    %dma_wait3A_122 = tpu.memref_squeeze %dma_wait3A_121 : memref<1x64xi32, #tpu.memory_space<vmem>> -> memref<64xi32, #tpu.memory_space<vmem>>
    %dma_wait3A_123 = arith.constant 0 : i32
    %dma_wait3A_124 = arith.constant 0 : i32
    %dma_wait3A_125 = tpu.memref_slice %arg4[%dma_wait3A_123, %dma_wait3A_124] : memref<10000x128xf32, #tpu.memory_space<hbm>> -> memref<10000x128xf32, #tpu.memory_space<hbm>>
    tpu.wait_indirect_dma semaphore(%arg13 : memref<!tpu.dma_semaphore, #tpu.memory_space<semaphore_mem>>) src(%dma_wait3A_125 : memref<10000x128xf32, #tpu.memory_space<hbm>>) dst(%arg8 : memref<64x128xf32, #tpu.memory_space<vmem>>)
    %dma_start3A_126 = arith.constant 39 : i32
    %dma_start3A_127 = arith.constant 0 : i32
    %dma_start3A_128 = tpu.memref_slice %arg6[%dma_start3A_126, %dma_start3A_127] : memref<40x64xi32, #tpu.memory_space<vmem>> -> memref<1x64xi32, #tpu.memory_space<vmem>>
    %dma_start3A_129 = tpu.memref_squeeze %dma_start3A_128 : memref<1x64xi32, #tpu.memory_space<vmem>> -> memref<64xi32, #tpu.memory_space<vmem>>
    %dma_start3A_130 = arith.constant 0 : i32
    %dma_start3A_131 = arith.constant 0 : i32
    %dma_start3A_132 = tpu.memref_slice %arg4[%dma_start3A_130, %dma_start3A_131] : memref<10000x128xf32, #tpu.memory_space<hbm>> -> memref<10000x128xf32, #tpu.memory_space<hbm>>
    tpu.enqueue_indirect_dma source(%dma_start3A_132 : memref<10000x128xf32, #tpu.memory_space<hbm>>) target(%arg11 : memref<64x128xf32, #tpu.memory_space<vmem>>) offsets(%dma_start3A_129 : memref<64xi32, #tpu.memory_space<vmem>>) semaphore(%arg16 : memref<!tpu.dma_semaphore, #tpu.memory_space<semaphore_mem>>)
    %run_scoped3A_133 = arith.constant 36 : i32
    "tpu.region"() ({
      %run_scoped3A_291 = tpu.sem_alloc : memref<!tpu.dma_semaphore, #tpu.memory_space<semaphore_mem>>
      %dma_start3A_292 = arith.constant 0 : i32
      %dma_start3A_293 = tpu.memref_slice %arg7[%run_scoped3A_133, %dma_start3A_292] : memref<40x64xi32, #tpu.memory_space<vmem>> -> memref<1x64xi32, #tpu.memory_space<vmem>>
      %dma_start3A_294 = tpu.memref_squeeze %dma_start3A_293 : memref<1x64xi32, #tpu.memory_space<vmem>> -> memref<64xi32, #tpu.memory_space<vmem>>
      %dma_start3A_295 = arith.constant 0 : i32
      %dma_start3A_296 = arith.constant 0 : i32
      %dma_start3A_297 = tpu.memref_slice %arg12[%dma_start3A_295, %dma_start3A_296] : memref<10112x128xf32, #tpu.memory_space<vmem_shared>> -> memref<10112x128xf32, #tpu.memory_space<vmem_shared>>
      tpu.enqueue_indirect_dma source(%arg8 : memref<64x128xf32, #tpu.memory_space<vmem>>) target(%dma_start3A_297 : memref<10112x128xf32, #tpu.memory_space<vmem_shared>>) offsets(%dma_start3A_294 : memref<64xi32, #tpu.memory_space<vmem>>) semaphore(%run_scoped3A_291 : memref<!tpu.dma_semaphore, #tpu.memory_space<semaphore_mem>>) {add = true}
      %dma_wait3A_298 = arith.constant 0 : i32
      %dma_wait3A_299 = tpu.memref_slice %arg7[%run_scoped3A_133, %dma_wait3A_298] : memref<40x64xi32, #tpu.memory_space<vmem>> -> memref<1x64xi32, #tpu.memory_space<vmem>>
      %dma_wait3A_300 = tpu.memref_squeeze %dma_wait3A_299 : memref<1x64xi32, #tpu.memory_space<vmem>> -> memref<64xi32, #tpu.memory_space<vmem>>
      %dma_wait3A_301 = arith.constant 0 : i32
      %dma_wait3A_302 = arith.constant 0 : i32
      %dma_wait3A_303 = tpu.memref_slice %arg12[%dma_wait3A_301, %dma_wait3A_302] : memref<10112x128xf32, #tpu.memory_space<vmem_shared>> -> memref<10112x128xf32, #tpu.memory_space<vmem_shared>>
      tpu.wait_indirect_dma semaphore(%run_scoped3A_291 : memref<!tpu.dma_semaphore, #tpu.memory_space<semaphore_mem>>) src(%arg8 : memref<64x128xf32, #tpu.memory_space<vmem>>) dst(%dma_wait3A_303 : memref<10112x128xf32, #tpu.memory_space<vmem_shared>>)
      tpu.yield
    }) : () -> ()
    %dma_wait3A_134 = arith.constant 37 : i32
    %dma_wait3A_135 = arith.constant 0 : i32
    %dma_wait3A_136 = tpu.memref_slice %arg6[%dma_wait3A_134, %dma_wait3A_135] : memref<40x64xi32, #tpu.memory_space<vmem>> -> memref<1x64xi32, #tpu.memory_space<vmem>>
    %dma_wait3A_137 = tpu.memref_squeeze %dma_wait3A_136 : memref<1x64xi32, #tpu.memory_space<vmem>> -> memref<64xi32, #tpu.memory_space<vmem>>
    %dma_wait3A_138 = arith.constant 0 : i32
    %dma_wait3A_139 = arith.constant 0 : i32
    %dma_wait3A_140 = tpu.memref_slice %arg4[%dma_wait3A_138, %dma_wait3A_139] : memref<10000x128xf32, #tpu.memory_space<hbm>> -> memref<10000x128xf32, #tpu.memory_space<hbm>>
    tpu.wait_indirect_dma semaphore(%arg14 : memref<!tpu.dma_semaphore, #tpu.memory_space<semaphore_mem>>) src(%dma_wait3A_140 : memref<10000x128xf32, #tpu.memory_space<hbm>>) dst(%arg9 : memref<64x128xf32, #tpu.memory_space<vmem>>)
    %run_scoped3A_141 = arith.constant 37 : i32
    "tpu.region"() ({
      %run_scoped3A_291 = tpu.sem_alloc : memref<!tpu.dma_semaphore, #tpu.memory_space<semaphore_mem>>
      %dma_start3A_292 = arith.constant 0 : i32
      %dma_start3A_293 = tpu.memref_slice %arg7[%run_scoped3A_141, %dma_start3A_292] : memref<40x64xi32, #tpu.memory_space<vmem>> -> memref<1x64xi32, #tpu.memory_space<vmem>>
      %dma_start3A_294 = tpu.memref_squeeze %dma_start3A_293 : memref<1x64xi32, #tpu.memory_space<vmem>> -> memref<64xi32, #tpu.memory_space<vmem>>
      %dma_start3A_295 = arith.constant 0 : i32
      %dma_start3A_296 = arith.constant 0 : i32
      %dma_start3A_297 = tpu.memref_slice %arg12[%dma_start3A_295, %dma_start3A_296] : memref<10112x128xf32, #tpu.memory_space<vmem_shared>> -> memref<10112x128xf32, #tpu.memory_space<vmem_shared>>
      tpu.enqueue_indirect_dma source(%arg9 : memref<64x128xf32, #tpu.memory_space<vmem>>) target(%dma_start3A_297 : memref<10112x128xf32, #tpu.memory_space<vmem_shared>>) offsets(%dma_start3A_294 : memref<64xi32, #tpu.memory_space<vmem>>) semaphore(%run_scoped3A_291 : memref<!tpu.dma_semaphore, #tpu.memory_space<semaphore_mem>>) {add = true}
      %dma_wait3A_298 = arith.constant 0 : i32
      %dma_wait3A_299 = tpu.memref_slice %arg7[%run_scoped3A_141, %dma_wait3A_298] : memref<40x64xi32, #tpu.memory_space<vmem>> -> memref<1x64xi32, #tpu.memory_space<vmem>>
      %dma_wait3A_300 = tpu.memref_squeeze %dma_wait3A_299 : memref<1x64xi32, #tpu.memory_space<vmem>> -> memref<64xi32, #tpu.memory_space<vmem>>
      %dma_wait3A_301 = arith.constant 0 : i32
      %dma_wait3A_302 = arith.constant 0 : i32
      %dma_wait3A_303 = tpu.memref_slice %arg12[%dma_wait3A_301, %dma_wait3A_302] : memref<10112x128xf32, #tpu.memory_space<vmem_shared>> -> memref<10112x128xf32, #tpu.memory_space<vmem_shared>>
      tpu.wait_indirect_dma semaphore(%run_scoped3A_291 : memref<!tpu.dma_semaphore, #tpu.memory_space<semaphore_mem>>) src(%arg9 : memref<64x128xf32, #tpu.memory_space<vmem>>) dst(%dma_wait3A_303 : memref<10112x128xf32, #tpu.memory_space<vmem_shared>>)
      tpu.yield
    }) : () -> ()
    %dma_wait3A_142 = arith.constant 38 : i32
    %dma_wait3A_143 = arith.constant 0 : i32
    %dma_wait3A_144 = tpu.memref_slice %arg6[%dma_wait3A_142, %dma_wait3A_143] : memref<40x64xi32, #tpu.memory_space<vmem>> -> memref<1x64xi32, #tpu.memory_space<vmem>>
    %dma_wait3A_145 = tpu.memref_squeeze %dma_wait3A_144 : memref<1x64xi32, #tpu.memory_space<vmem>> -> memref<64xi32, #tpu.memory_space<vmem>>
    %dma_wait3A_146 = arith.constant 0 : i32
    %dma_wait3A_147 = arith.constant 0 : i32
    %dma_wait3A_148 = tpu.memref_slice %arg4[%dma_wait3A_146, %dma_wait3A_147] : memref<10000x128xf32, #tpu.memory_space<hbm>> -> memref<10000x128xf32, #tpu.memory_space<hbm>>
    tpu.wait_indirect_dma semaphore(%arg15 : memref<!tpu.dma_semaphore, #tpu.memory_space<semaphore_mem>>) src(%dma_wait3A_148 : memref<10000x128xf32, #tpu.memory_space<hbm>>) dst(%arg10 : memref<64x128xf32, #tpu.memory_space<vmem>>)
    %run_scoped3A_149 = arith.constant 38 : i32
    "tpu.region"() ({
      %run_scoped3A_291 = tpu.sem_alloc : memref<!tpu.dma_semaphore, #tpu.memory_space<semaphore_mem>>
      %dma_start3A_292 = arith.constant 0 : i32
      %dma_start3A_293 = tpu.memref_slice %arg7[%run_scoped3A_149, %dma_start3A_292] : memref<40x64xi32, #tpu.memory_space<vmem>> -> memref<1x64xi32, #tpu.memory_space<vmem>>
      %dma_start3A_294 = tpu.memref_squeeze %dma_start3A_293 : memref<1x64xi32, #tpu.memory_space<vmem>> -> memref<64xi32, #tpu.memory_space<vmem>>
      %dma_start3A_295 = arith.constant 0 : i32
      %dma_start3A_296 = arith.constant 0 : i32
      %dma_start3A_297 = tpu.memref_slice %arg12[%dma_start3A_295, %dma_start3A_296] : memref<10112x128xf32, #tpu.memory_space<vmem_shared>> -> memref<10112x128xf32, #tpu.memory_space<vmem_shared>>
      tpu.enqueue_indirect_dma source(%arg10 : memref<64x128xf32, #tpu.memory_space<vmem>>) target(%dma_start3A_297 : memref<10112x128xf32, #tpu.memory_space<vmem_shared>>) offsets(%dma_start3A_294 : memref<64xi32, #tpu.memory_space<vmem>>) semaphore(%run_scoped3A_291 : memref<!tpu.dma_semaphore, #tpu.memory_space<semaphore_mem>>) {add = true}
      %dma_wait3A_298 = arith.constant 0 : i32
      %dma_wait3A_299 = tpu.memref_slice %arg7[%run_scoped3A_149, %dma_wait3A_298] : memref<40x64xi32, #tpu.memory_space<vmem>> -> memref<1x64xi32, #tpu.memory_space<vmem>>
      %dma_wait3A_300 = tpu.memref_squeeze %dma_wait3A_299 : memref<1x64xi32, #tpu.memory_space<vmem>> -> memref<64xi32, #tpu.memory_space<vmem>>
      %dma_wait3A_301 = arith.constant 0 : i32
      %dma_wait3A_302 = arith.constant 0 : i32
      %dma_wait3A_303 = tpu.memref_slice %arg12[%dma_wait3A_301, %dma_wait3A_302] : memref<10112x128xf32, #tpu.memory_space<vmem_shared>> -> memref<10112x128xf32, #tpu.memory_space<vmem_shared>>
      tpu.wait_indirect_dma semaphore(%run_scoped3A_291 : memref<!tpu.dma_semaphore, #tpu.memory_space<semaphore_mem>>) src(%arg10 : memref<64x128xf32, #tpu.memory_space<vmem>>) dst(%dma_wait3A_303 : memref<10112x128xf32, #tpu.memory_space<vmem_shared>>)
      tpu.yield
    }) : () -> ()
    %dma_wait3A_150 = arith.constant 39 : i32
    %dma_wait3A_151 = arith.constant 0 : i32
    %dma_wait3A_152 = tpu.memref_slice %arg6[%dma_wait3A_150, %dma_wait3A_151] : memref<40x64xi32, #tpu.memory_space<vmem>> -> memref<1x64xi32, #tpu.memory_space<vmem>>
    %dma_wait3A_153 = tpu.memref_squeeze %dma_wait3A_152 : memref<1x64xi32, #tpu.memory_space<vmem>> -> memref<64xi32, #tpu.memory_space<vmem>>
    %dma_wait3A_154 = arith.constant 0 : i32
    %dma_wait3A_155 = arith.constant 0 : i32
    %dma_wait3A_156 = tpu.memref_slice %arg4[%dma_wait3A_154, %dma_wait3A_155] : memref<10000x128xf32, #tpu.memory_space<hbm>> -> memref<10000x128xf32, #tpu.memory_space<hbm>>
    tpu.wait_indirect_dma semaphore(%arg16 : memref<!tpu.dma_semaphore, #tpu.memory_space<semaphore_mem>>) src(%dma_wait3A_156 : memref<10000x128xf32, #tpu.memory_space<hbm>>) dst(%arg11 : memref<64x128xf32, #tpu.memory_space<vmem>>)
    %run_scoped3A_157 = arith.constant 39 : i32
    "tpu.region"() ({
      %run_scoped3A_291 = tpu.sem_alloc : memref<!tpu.dma_semaphore, #tpu.memory_space<semaphore_mem>>
      %dma_start3A_292 = arith.constant 0 : i32
      %dma_start3A_293 = tpu.memref_slice %arg7[%run_scoped3A_157, %dma_start3A_292] : memref<40x64xi32, #tpu.memory_space<vmem>> -> memref<1x64xi32, #tpu.memory_space<vmem>>
      %dma_start3A_294 = tpu.memref_squeeze %dma_start3A_293 : memref<1x64xi32, #tpu.memory_space<vmem>> -> memref<64xi32, #tpu.memory_space<vmem>>
      %dma_start3A_295 = arith.constant 0 : i32
      %dma_start3A_296 = arith.constant 0 : i32
      %dma_start3A_297 = tpu.memref_slice %arg12[%dma_start3A_295, %dma_start3A_296] : memref<10112x128xf32, #tpu.memory_space<vmem_shared>> -> memref<10112x128xf32, #tpu.memory_space<vmem_shared>>
      tpu.enqueue_indirect_dma source(%arg11 : memref<64x128xf32, #tpu.memory_space<vmem>>) target(%dma_start3A_297 : memref<10112x128xf32, #tpu.memory_space<vmem_shared>>) offsets(%dma_start3A_294 : memref<64xi32, #tpu.memory_space<vmem>>) semaphore(%run_scoped3A_291 : memref<!tpu.dma_semaphore, #tpu.memory_space<semaphore_mem>>) {add = true}
      %dma_wait3A_298 = arith.constant 0 : i32
      %dma_wait3A_299 = tpu.memref_slice %arg7[%run_scoped3A_157, %dma_wait3A_298] : memref<40x64xi32, #tpu.memory_space<vmem>> -> memref<1x64xi32, #tpu.memory_space<vmem>>
      %dma_wait3A_300 = tpu.memref_squeeze %dma_wait3A_299 : memref<1x64xi32, #tpu.memory_space<vmem>> -> memref<64xi32, #tpu.memory_space<vmem>>
      %dma_wait3A_301 = arith.constant 0 : i32
      %dma_wait3A_302 = arith.constant 0 : i32
      %dma_wait3A_303 = tpu.memref_slice %arg12[%dma_wait3A_301, %dma_wait3A_302] : memref<10112x128xf32, #tpu.memory_space<vmem_shared>> -> memref<10112x128xf32, #tpu.memory_space<vmem_shared>>
      tpu.wait_indirect_dma semaphore(%run_scoped3A_291 : memref<!tpu.dma_semaphore, #tpu.memory_space<semaphore_mem>>) src(%arg11 : memref<64x128xf32, #tpu.memory_space<vmem>>) dst(%dma_wait3A_303 : memref<10112x128xf32, #tpu.memory_space<vmem_shared>>)
      tpu.yield
    }) : () -> ()
    "tpu.region"() ({
      %run_scoped3A_291 = tpu.sem_alloc : memref<!tpu.dma_semaphore, #tpu.memory_space<semaphore_mem>>
      %dma_start3A_292 = arith.constant 80 : i32
      %dma_start3A_293 = arith.constant 0 : i32
      %dma_start3A_294 = tpu.memref_slice %arg2[%add3A, %dma_start3A_292, %dma_start3A_293] : memref<32x160x64xi32, #tpu.memory_space<hbm>> -> memref<1x40x64xi32, #tpu.memory_space<hbm>>
      %dma_start3A_295 = tpu.memref_squeeze %dma_start3A_294 : memref<1x40x64xi32, #tpu.memory_space<hbm>> -> memref<40x64xi32, #tpu.memory_space<hbm>>
      %dma_start3A_296 = arith.constant 80 : i32
      %dma_start3A_297 = arith.constant 0 : i32
      %dma_start3A_298 = tpu.memref_slice %arg2[%add3A, %dma_start3A_296, %dma_start3A_297] : memref<32x160x64xi32, #tpu.memory_space<hbm>> -> memref<1x40x64xi32, #tpu.memory_space<hbm>>
      %dma_start3A_299 = tpu.memref_squeeze %dma_start3A_298 : memref<1x40x64xi32, #tpu.memory_space<hbm>> -> memref<40x64xi32, #tpu.memory_space<hbm>>
      tpu.enqueue_dma source(%dma_start3A_299 : memref<40x64xi32, #tpu.memory_space<hbm>>) target(%arg6 : memref<40x64xi32, #tpu.memory_space<vmem>>) target_semaphore(%run_scoped3A_291 : memref<!tpu.dma_semaphore, #tpu.memory_space<semaphore_mem>>)
      %dma_wait3A_300 = arith.constant 80 : i32
      %dma_wait3A_301 = arith.constant 0 : i32
      %dma_wait3A_302 = tpu.memref_slice %arg2[%add3A, %dma_wait3A_300, %dma_wait3A_301] : memref<32x160x64xi32, #tpu.memory_space<hbm>> -> memref<1x40x64xi32, #tpu.memory_space<hbm>>
      %dma_wait3A_303 = tpu.memref_squeeze %dma_wait3A_302 : memref<1x40x64xi32, #tpu.memory_space<hbm>> -> memref<40x64xi32, #tpu.memory_space<hbm>>
      %dma_wait3A_304 = arith.constant 80 : i32
      %dma_wait3A_305 = arith.constant 0 : i32
      %dma_wait3A_306 = tpu.memref_slice %arg2[%add3A, %dma_wait3A_304, %dma_wait3A_305] : memref<32x160x64xi32, #tpu.memory_space<hbm>> -> memref<1x40x64xi32, #tpu.memory_space<hbm>>
      %dma_wait3A_307 = tpu.memref_squeeze %dma_wait3A_306 : memref<1x40x64xi32, #tpu.memory_space<hbm>> -> memref<40x64xi32, #tpu.memory_space<hbm>>
      tpu.wait_dma2 semaphore(%run_scoped3A_291 : memref<!tpu.dma_semaphore, #tpu.memory_space<semaphore_mem>>) src(%dma_wait3A_307 : memref<40x64xi32, #tpu.memory_space<hbm>>) dst(%arg6 : memref<40x64xi32, #tpu.memory_space<vmem>>)
      tpu.yield
    }) : () -> ()
    "tpu.region"() ({
      %run_scoped3A_291 = tpu.sem_alloc : memref<!tpu.dma_semaphore, #tpu.memory_space<semaphore_mem>>
      %dma_start3A_292 = arith.constant 80 : i32
      %dma_start3A_293 = arith.constant 0 : i32
      %dma_start3A_294 = tpu.memref_slice %arg3[%add3A, %dma_start3A_292, %dma_start3A_293] : memref<32x160x64xi32, #tpu.memory_space<hbm>> -> memref<1x40x64xi32, #tpu.memory_space<hbm>>
      %dma_start3A_295 = tpu.memref_squeeze %dma_start3A_294 : memref<1x40x64xi32, #tpu.memory_space<hbm>> -> memref<40x64xi32, #tpu.memory_space<hbm>>
      %dma_start3A_296 = arith.constant 80 : i32
      %dma_start3A_297 = arith.constant 0 : i32
      %dma_start3A_298 = tpu.memref_slice %arg3[%add3A, %dma_start3A_296, %dma_start3A_297] : memref<32x160x64xi32, #tpu.memory_space<hbm>> -> memref<1x40x64xi32, #tpu.memory_space<hbm>>
      %dma_start3A_299 = tpu.memref_squeeze %dma_start3A_298 : memref<1x40x64xi32, #tpu.memory_space<hbm>> -> memref<40x64xi32, #tpu.memory_space<hbm>>
      tpu.enqueue_dma source(%dma_start3A_299 : memref<40x64xi32, #tpu.memory_space<hbm>>) target(%arg7 : memref<40x64xi32, #tpu.memory_space<vmem>>) target_semaphore(%run_scoped3A_291 : memref<!tpu.dma_semaphore, #tpu.memory_space<semaphore_mem>>)
      %dma_wait3A_300 = arith.constant 80 : i32
      %dma_wait3A_301 = arith.constant 0 : i32
      %dma_wait3A_302 = tpu.memref_slice %arg3[%add3A, %dma_wait3A_300, %dma_wait3A_301] : memref<32x160x64xi32, #tpu.memory_space<hbm>> -> memref<1x40x64xi32, #tpu.memory_space<hbm>>
      %dma_wait3A_303 = tpu.memref_squeeze %dma_wait3A_302 : memref<1x40x64xi32, #tpu.memory_space<hbm>> -> memref<40x64xi32, #tpu.memory_space<hbm>>
      %dma_wait3A_304 = arith.constant 80 : i32
      %dma_wait3A_305 = arith.constant 0 : i32
      %dma_wait3A_306 = tpu.memref_slice %arg3[%add3A, %dma_wait3A_304, %dma_wait3A_305] : memref<32x160x64xi32, #tpu.memory_space<hbm>> -> memref<1x40x64xi32, #tpu.memory_space<hbm>>
      %dma_wait3A_307 = tpu.memref_squeeze %dma_wait3A_306 : memref<1x40x64xi32, #tpu.memory_space<hbm>> -> memref<40x64xi32, #tpu.memory_space<hbm>>
      tpu.wait_dma2 semaphore(%run_scoped3A_291 : memref<!tpu.dma_semaphore, #tpu.memory_space<semaphore_mem>>) src(%dma_wait3A_307 : memref<40x64xi32, #tpu.memory_space<hbm>>) dst(%arg7 : memref<40x64xi32, #tpu.memory_space<vmem>>)
      tpu.yield
    }) : () -> ()
    %dma_start3A_158 = arith.constant 0 : i32
    %dma_start3A_159 = arith.constant 0 : i32
    %dma_start3A_160 = tpu.memref_slice %arg6[%dma_start3A_158, %dma_start3A_159] : memref<40x64xi32, #tpu.memory_space<vmem>> -> memref<1x64xi32, #tpu.memory_space<vmem>>
    %dma_start3A_161 = tpu.memref_squeeze %dma_start3A_160 : memref<1x64xi32, #tpu.memory_space<vmem>> -> memref<64xi32, #tpu.memory_space<vmem>>
    %dma_start3A_162 = arith.constant 0 : i32
    %dma_start3A_163 = arith.constant 0 : i32
    %dma_start3A_164 = tpu.memref_slice %arg4[%dma_start3A_162, %dma_start3A_163] : memref<10000x128xf32, #tpu.memory_space<hbm>> -> memref<10000x128xf32, #tpu.memory_space<hbm>>
    tpu.enqueue_indirect_dma source(%dma_start3A_164 : memref<10000x128xf32, #tpu.memory_space<hbm>>) target(%arg8 : memref<64x128xf32, #tpu.memory_space<vmem>>) offsets(%dma_start3A_161 : memref<64xi32, #tpu.memory_space<vmem>>) semaphore(%arg13 : memref<!tpu.dma_semaphore, #tpu.memory_space<semaphore_mem>>)
    %dma_start3A_165 = arith.constant 1 : i32
    %dma_start3A_166 = arith.constant 0 : i32
    %dma_start3A_167 = tpu.memref_slice %arg6[%dma_start3A_165, %dma_start3A_166] : memref<40x64xi32, #tpu.memory_space<vmem>> -> memref<1x64xi32, #tpu.memory_space<vmem>>
    %dma_start3A_168 = tpu.memref_squeeze %dma_start3A_167 : memref<1x64xi32, #tpu.memory_space<vmem>> -> memref<64xi32, #tpu.memory_space<vmem>>
    %dma_start3A_169 = arith.constant 0 : i32
    %dma_start3A_170 = arith.constant 0 : i32
    %dma_start3A_171 = tpu.memref_slice %arg4[%dma_start3A_169, %dma_start3A_170] : memref<10000x128xf32, #tpu.memory_space<hbm>> -> memref<10000x128xf32, #tpu.memory_space<hbm>>
    tpu.enqueue_indirect_dma source(%dma_start3A_171 : memref<10000x128xf32, #tpu.memory_space<hbm>>) target(%arg9 : memref<64x128xf32, #tpu.memory_space<vmem>>) offsets(%dma_start3A_168 : memref<64xi32, #tpu.memory_space<vmem>>) semaphore(%arg14 : memref<!tpu.dma_semaphore, #tpu.memory_space<semaphore_mem>>)
    %dma_start3A_172 = arith.constant 2 : i32
    %dma_start3A_173 = arith.constant 0 : i32
    %dma_start3A_174 = tpu.memref_slice %arg6[%dma_start3A_172, %dma_start3A_173] : memref<40x64xi32, #tpu.memory_space<vmem>> -> memref<1x64xi32, #tpu.memory_space<vmem>>
    %dma_start3A_175 = tpu.memref_squeeze %dma_start3A_174 : memref<1x64xi32, #tpu.memory_space<vmem>> -> memref<64xi32, #tpu.memory_space<vmem>>
    %dma_start3A_176 = arith.constant 0 : i32
    %dma_start3A_177 = arith.constant 0 : i32
    %dma_start3A_178 = tpu.memref_slice %arg4[%dma_start3A_176, %dma_start3A_177] : memref<10000x128xf32, #tpu.memory_space<hbm>> -> memref<10000x128xf32, #tpu.memory_space<hbm>>
    tpu.enqueue_indirect_dma source(%dma_start3A_178 : memref<10000x128xf32, #tpu.memory_space<hbm>>) target(%arg10 : memref<64x128xf32, #tpu.memory_space<vmem>>) offsets(%dma_start3A_175 : memref<64xi32, #tpu.memory_space<vmem>>) semaphore(%arg15 : memref<!tpu.dma_semaphore, #tpu.memory_space<semaphore_mem>>)
    %scan3A_179 = arith.constant 0 : i32
    %scan3A_180 = arith.constant 0 : i32
    %scan3A_181 = arith.constant 9 : i32
    %scan3A_182 = arith.addi %scan3A_180, %scan3A_181 : i32
    %scan3A_183 = arith.constant 1 : i32
    scf.for %scan3A_291 = %scan3A_180 to %scan3A_182 step %scan3A_183  : i32 {
      %mul3A_292 = arith.constant 4 : i32
      %mul3A_293 = arith.muli %mul3A_292, %scan3A_291 : i32
      %add3A_294 = arith.constant 0 : i32
      %add3A_295 = arith.addi %mul3A_293, %add3A_294 : i32
      %dma_wait3A_296 = arith.constant 0 : i32
      %dma_wait3A_297 = tpu.memref_slice %arg6[%add3A_295, %dma_wait3A_296] : memref<40x64xi32, #tpu.memory_space<vmem>> -> memref<1x64xi32, #tpu.memory_space<vmem>>
      %dma_wait3A_298 = tpu.memref_squeeze %dma_wait3A_297 : memref<1x64xi32, #tpu.memory_space<vmem>> -> memref<64xi32, #tpu.memory_space<vmem>>
      %dma_wait3A_299 = arith.constant 0 : i32
      %dma_wait3A_300 = arith.constant 0 : i32
      %dma_wait3A_301 = tpu.memref_slice %arg4[%dma_wait3A_299, %dma_wait3A_300] : memref<10000x128xf32, #tpu.memory_space<hbm>> -> memref<10000x128xf32, #tpu.memory_space<hbm>>
      tpu.wait_indirect_dma semaphore(%arg13 : memref<!tpu.dma_semaphore, #tpu.memory_space<semaphore_mem>>) src(%dma_wait3A_301 : memref<10000x128xf32, #tpu.memory_space<hbm>>) dst(%arg8 : memref<64x128xf32, #tpu.memory_space<vmem>>)
      %add3A_302 = arith.constant 4 : i32
      %add3A_303 = arith.addi %add3A_295, %add3A_302 : i32
      %sub3A = arith.constant 1 : i32
      %sub3A_304 = arith.subi %add3A_303, %sub3A : i32
      %dma_start3A_305 = arith.constant 0 : i32
      %dma_start3A_306 = tpu.memref_slice %arg6[%sub3A_304, %dma_start3A_305] : memref<40x64xi32, #tpu.memory_space<vmem>> -> memref<1x64xi32, #tpu.memory_space<vmem>>
      %dma_start3A_307 = tpu.memref_squeeze %dma_start3A_306 : memref<1x64xi32, #tpu.memory_space<vmem>> -> memref<64xi32, #tpu.memory_space<vmem>>
      %dma_start3A_308 = arith.constant 0 : i32
      %dma_start3A_309 = arith.constant 0 : i32
      %dma_start3A_310 = tpu.memref_slice %arg4[%dma_start3A_308, %dma_start3A_309] : memref<10000x128xf32, #tpu.memory_space<hbm>> -> memref<10000x128xf32, #tpu.memory_space<hbm>>
      tpu.enqueue_indirect_dma source(%dma_start3A_310 : memref<10000x128xf32, #tpu.memory_space<hbm>>) target(%arg11 : memref<64x128xf32, #tpu.memory_space<vmem>>) offsets(%dma_start3A_307 : memref<64xi32, #tpu.memory_space<vmem>>) semaphore(%arg16 : memref<!tpu.dma_semaphore, #tpu.memory_space<semaphore_mem>>)
      "tpu.region"() ({
        %run_scoped3A_371 = tpu.sem_alloc : memref<!tpu.dma_semaphore, #tpu.memory_space<semaphore_mem>>
        %dma_start3A_372 = arith.constant 0 : i32
        %dma_start3A_373 = tpu.memref_slice %arg7[%add3A_295, %dma_start3A_372] : memref<40x64xi32, #tpu.memory_space<vmem>> -> memref<1x64xi32, #tpu.memory_space<vmem>>
        %dma_start3A_374 = tpu.memref_squeeze %dma_start3A_373 : memref<1x64xi32, #tpu.memory_space<vmem>> -> memref<64xi32, #tpu.memory_space<vmem>>
        %dma_start3A_375 = arith.constant 0 : i32
        %dma_start3A_376 = arith.constant 0 : i32
        %dma_start3A_377 = tpu.memref_slice %arg12[%dma_start3A_375, %dma_start3A_376] : memref<10112x128xf32, #tpu.memory_space<vmem_shared>> -> memref<10112x128xf32, #tpu.memory_space<vmem_shared>>
        tpu.enqueue_indirect_dma source(%arg8 : memref<64x128xf32, #tpu.memory_space<vmem>>) target(%dma_start3A_377 : memref<10112x128xf32, #tpu.memory_space<vmem_shared>>) offsets(%dma_start3A_374 : memref<64xi32, #tpu.memory_space<vmem>>) semaphore(%run_scoped3A_371 : memref<!tpu.dma_semaphore, #tpu.memory_space<semaphore_mem>>) {add = true}
        %dma_wait3A_378 = arith.constant 0 : i32
        %dma_wait3A_379 = tpu.memref_slice %arg7[%add3A_295, %dma_wait3A_378] : memref<40x64xi32, #tpu.memory_space<vmem>> -> memref<1x64xi32, #tpu.memory_space<vmem>>
        %dma_wait3A_380 = tpu.memref_squeeze %dma_wait3A_379 : memref<1x64xi32, #tpu.memory_space<vmem>> -> memref<64xi32, #tpu.memory_space<vmem>>
        %dma_wait3A_381 = arith.constant 0 : i32
        %dma_wait3A_382 = arith.constant 0 : i32
        %dma_wait3A_383 = tpu.memref_slice %arg12[%dma_wait3A_381, %dma_wait3A_382] : memref<10112x128xf32, #tpu.memory_space<vmem_shared>> -> memref<10112x128xf32, #tpu.memory_space<vmem_shared>>
        tpu.wait_indirect_dma semaphore(%run_scoped3A_371 : memref<!tpu.dma_semaphore, #tpu.memory_space<semaphore_mem>>) src(%arg8 : memref<64x128xf32, #tpu.memory_space<vmem>>) dst(%dma_wait3A_383 : memref<10112x128xf32, #tpu.memory_space<vmem_shared>>)
        tpu.yield
      }) : () -> ()
      %mul3A_311 = arith.constant 4 : i32
      %mul3A_312 = arith.muli %mul3A_311, %scan3A_291 : i32
      %add3A_313 = arith.constant 1 : i32
      %add3A_314 = arith.addi %mul3A_312, %add3A_313 : i32
      %dma_wait3A_315 = arith.constant 0 : i32
      %dma_wait3A_316 = tpu.memref_slice %arg6[%add3A_314, %dma_wait3A_315] : memref<40x64xi32, #tpu.memory_space<vmem>> -> memref<1x64xi32, #tpu.memory_space<vmem>>
      %dma_wait3A_317 = tpu.memref_squeeze %dma_wait3A_316 : memref<1x64xi32, #tpu.memory_space<vmem>> -> memref<64xi32, #tpu.memory_space<vmem>>
      %dma_wait3A_318 = arith.constant 0 : i32
      %dma_wait3A_319 = arith.constant 0 : i32
      %dma_wait3A_320 = tpu.memref_slice %arg4[%dma_wait3A_318, %dma_wait3A_319] : memref<10000x128xf32, #tpu.memory_space<hbm>> -> memref<10000x128xf32, #tpu.memory_space<hbm>>
      tpu.wait_indirect_dma semaphore(%arg14 : memref<!tpu.dma_semaphore, #tpu.memory_space<semaphore_mem>>) src(%dma_wait3A_320 : memref<10000x128xf32, #tpu.memory_space<hbm>>) dst(%arg9 : memref<64x128xf32, #tpu.memory_space<vmem>>)
      %add3A_321 = arith.constant 4 : i32
      %add3A_322 = arith.addi %add3A_314, %add3A_321 : i32
      %sub3A_323 = arith.constant 1 : i32
      %sub3A_324 = arith.subi %add3A_322, %sub3A_323 : i32
      %dma_start3A_325 = arith.constant 0 : i32
      %dma_start3A_326 = tpu.memref_slice %arg6[%sub3A_324, %dma_start3A_325] : memref<40x64xi32, #tpu.memory_space<vmem>> -> memref<1x64xi32, #tpu.memory_space<vmem>>
      %dma_start3A_327 = tpu.memref_squeeze %dma_start3A_326 : memref<1x64xi32, #tpu.memory_space<vmem>> -> memref<64xi32, #tpu.memory_space<vmem>>
      %dma_start3A_328 = arith.constant 0 : i32
      %dma_start3A_329 = arith.constant 0 : i32
      %dma_start3A_330 = tpu.memref_slice %arg4[%dma_start3A_328, %dma_start3A_329] : memref<10000x128xf32, #tpu.memory_space<hbm>> -> memref<10000x128xf32, #tpu.memory_space<hbm>>
      tpu.enqueue_indirect_dma source(%dma_start3A_330 : memref<10000x128xf32, #tpu.memory_space<hbm>>) target(%arg8 : memref<64x128xf32, #tpu.memory_space<vmem>>) offsets(%dma_start3A_327 : memref<64xi32, #tpu.memory_space<vmem>>) semaphore(%arg13 : memref<!tpu.dma_semaphore, #tpu.memory_space<semaphore_mem>>)
      "tpu.region"() ({
        %run_scoped3A_371 = tpu.sem_alloc : memref<!tpu.dma_semaphore, #tpu.memory_space<semaphore_mem>>
        %dma_start3A_372 = arith.constant 0 : i32
        %dma_start3A_373 = tpu.memref_slice %arg7[%add3A_314, %dma_start3A_372] : memref<40x64xi32, #tpu.memory_space<vmem>> -> memref<1x64xi32, #tpu.memory_space<vmem>>
        %dma_start3A_374 = tpu.memref_squeeze %dma_start3A_373 : memref<1x64xi32, #tpu.memory_space<vmem>> -> memref<64xi32, #tpu.memory_space<vmem>>
        %dma_start3A_375 = arith.constant 0 : i32
        %dma_start3A_376 = arith.constant 0 : i32
        %dma_start3A_377 = tpu.memref_slice %arg12[%dma_start3A_375, %dma_start3A_376] : memref<10112x128xf32, #tpu.memory_space<vmem_shared>> -> memref<10112x128xf32, #tpu.memory_space<vmem_shared>>
        tpu.enqueue_indirect_dma source(%arg9 : memref<64x128xf32, #tpu.memory_space<vmem>>) target(%dma_start3A_377 : memref<10112x128xf32, #tpu.memory_space<vmem_shared>>) offsets(%dma_start3A_374 : memref<64xi32, #tpu.memory_space<vmem>>) semaphore(%run_scoped3A_371 : memref<!tpu.dma_semaphore, #tpu.memory_space<semaphore_mem>>) {add = true}
        %dma_wait3A_378 = arith.constant 0 : i32
        %dma_wait3A_379 = tpu.memref_slice %arg7[%add3A_314, %dma_wait3A_378] : memref<40x64xi32, #tpu.memory_space<vmem>> -> memref<1x64xi32, #tpu.memory_space<vmem>>
        %dma_wait3A_380 = tpu.memref_squeeze %dma_wait3A_379 : memref<1x64xi32, #tpu.memory_space<vmem>> -> memref<64xi32, #tpu.memory_space<vmem>>
        %dma_wait3A_381 = arith.constant 0 : i32
        %dma_wait3A_382 = arith.constant 0 : i32
        %dma_wait3A_383 = tpu.memref_slice %arg12[%dma_wait3A_381, %dma_wait3A_382] : memref<10112x128xf32, #tpu.memory_space<vmem_shared>> -> memref<10112x128xf32, #tpu.memory_space<vmem_shared>>
        tpu.wait_indirect_dma semaphore(%run_scoped3A_371 : memref<!tpu.dma_semaphore, #tpu.memory_space<semaphore_mem>>) src(%arg9 : memref<64x128xf32, #tpu.memory_space<vmem>>) dst(%dma_wait3A_383 : memref<10112x128xf32, #tpu.memory_space<vmem_shared>>)
        tpu.yield
      }) : () -> ()
      %mul3A_331 = arith.constant 4 : i32
      %mul3A_332 = arith.muli %mul3A_331, %scan3A_291 : i32
      %add3A_333 = arith.constant 2 : i32
      %add3A_334 = arith.addi %mul3A_332, %add3A_333 : i32
      %dma_wait3A_335 = arith.constant 0 : i32
      %dma_wait3A_336 = tpu.memref_slice %arg6[%add3A_334, %dma_wait3A_335] : memref<40x64xi32, #tpu.memory_space<vmem>> -> memref<1x64xi32, #tpu.memory_space<vmem>>
      %dma_wait3A_337 = tpu.memref_squeeze %dma_wait3A_336 : memref<1x64xi32, #tpu.memory_space<vmem>> -> memref<64xi32, #tpu.memory_space<vmem>>
      %dma_wait3A_338 = arith.constant 0 : i32
      %dma_wait3A_339 = arith.constant 0 : i32
      %dma_wait3A_340 = tpu.memref_slice %arg4[%dma_wait3A_338, %dma_wait3A_339] : memref<10000x128xf32, #tpu.memory_space<hbm>> -> memref<10000x128xf32, #tpu.memory_space<hbm>>
      tpu.wait_indirect_dma semaphore(%arg15 : memref<!tpu.dma_semaphore, #tpu.memory_space<semaphore_mem>>) src(%dma_wait3A_340 : memref<10000x128xf32, #tpu.memory_space<hbm>>) dst(%arg10 : memref<64x128xf32, #tpu.memory_space<vmem>>)
      %add3A_341 = arith.constant 4 : i32
      %add3A_342 = arith.addi %add3A_334, %add3A_341 : i32
      %sub3A_343 = arith.constant 1 : i32
      %sub3A_344 = arith.subi %add3A_342, %sub3A_343 : i32
      %dma_start3A_345 = arith.constant 0 : i32
      %dma_start3A_346 = tpu.memref_slice %arg6[%sub3A_344, %dma_start3A_345] : memref<40x64xi32, #tpu.memory_space<vmem>> -> memref<1x64xi32, #tpu.memory_space<vmem>>
      %dma_start3A_347 = tpu.memref_squeeze %dma_start3A_346 : memref<1x64xi32, #tpu.memory_space<vmem>> -> memref<64xi32, #tpu.memory_space<vmem>>
      %dma_start3A_348 = arith.constant 0 : i32
      %dma_start3A_349 = arith.constant 0 : i32
      %dma_start3A_350 = tpu.memref_slice %arg4[%dma_start3A_348, %dma_start3A_349] : memref<10000x128xf32, #tpu.memory_space<hbm>> -> memref<10000x128xf32, #tpu.memory_space<hbm>>
      tpu.enqueue_indirect_dma source(%dma_start3A_350 : memref<10000x128xf32, #tpu.memory_space<hbm>>) target(%arg9 : memref<64x128xf32, #tpu.memory_space<vmem>>) offsets(%dma_start3A_347 : memref<64xi32, #tpu.memory_space<vmem>>) semaphore(%arg14 : memref<!tpu.dma_semaphore, #tpu.memory_space<semaphore_mem>>)
      "tpu.region"() ({
        %run_scoped3A_371 = tpu.sem_alloc : memref<!tpu.dma_semaphore, #tpu.memory_space<semaphore_mem>>
        %dma_start3A_372 = arith.constant 0 : i32
        %dma_start3A_373 = tpu.memref_slice %arg7[%add3A_334, %dma_start3A_372] : memref<40x64xi32, #tpu.memory_space<vmem>> -> memref<1x64xi32, #tpu.memory_space<vmem>>
        %dma_start3A_374 = tpu.memref_squeeze %dma_start3A_373 : memref<1x64xi32, #tpu.memory_space<vmem>> -> memref<64xi32, #tpu.memory_space<vmem>>
        %dma_start3A_375 = arith.constant 0 : i32
        %dma_start3A_376 = arith.constant 0 : i32
        %dma_start3A_377 = tpu.memref_slice %arg12[%dma_start3A_375, %dma_start3A_376] : memref<10112x128xf32, #tpu.memory_space<vmem_shared>> -> memref<10112x128xf32, #tpu.memory_space<vmem_shared>>
        tpu.enqueue_indirect_dma source(%arg10 : memref<64x128xf32, #tpu.memory_space<vmem>>) target(%dma_start3A_377 : memref<10112x128xf32, #tpu.memory_space<vmem_shared>>) offsets(%dma_start3A_374 : memref<64xi32, #tpu.memory_space<vmem>>) semaphore(%run_scoped3A_371 : memref<!tpu.dma_semaphore, #tpu.memory_space<semaphore_mem>>) {add = true}
        %dma_wait3A_378 = arith.constant 0 : i32
        %dma_wait3A_379 = tpu.memref_slice %arg7[%add3A_334, %dma_wait3A_378] : memref<40x64xi32, #tpu.memory_space<vmem>> -> memref<1x64xi32, #tpu.memory_space<vmem>>
        %dma_wait3A_380 = tpu.memref_squeeze %dma_wait3A_379 : memref<1x64xi32, #tpu.memory_space<vmem>> -> memref<64xi32, #tpu.memory_space<vmem>>
        %dma_wait3A_381 = arith.constant 0 : i32
        %dma_wait3A_382 = arith.constant 0 : i32
        %dma_wait3A_383 = tpu.memref_slice %arg12[%dma_wait3A_381, %dma_wait3A_382] : memref<10112x128xf32, #tpu.memory_space<vmem_shared>> -> memref<10112x128xf32, #tpu.memory_space<vmem_shared>>
        tpu.wait_indirect_dma semaphore(%run_scoped3A_371 : memref<!tpu.dma_semaphore, #tpu.memory_space<semaphore_mem>>) src(%arg10 : memref<64x128xf32, #tpu.memory_space<vmem>>) dst(%dma_wait3A_383 : memref<10112x128xf32, #tpu.memory_space<vmem_shared>>)
        tpu.yield
      }) : () -> ()
      %mul3A_351 = arith.constant 4 : i32
      %mul3A_352 = arith.muli %mul3A_351, %scan3A_291 : i32
      %add3A_353 = arith.constant 3 : i32
      %add3A_354 = arith.addi %mul3A_352, %add3A_353 : i32
      %dma_wait3A_355 = arith.constant 0 : i32
      %dma_wait3A_356 = tpu.memref_slice %arg6[%add3A_354, %dma_wait3A_355] : memref<40x64xi32, #tpu.memory_space<vmem>> -> memref<1x64xi32, #tpu.memory_space<vmem>>
      %dma_wait3A_357 = tpu.memref_squeeze %dma_wait3A_356 : memref<1x64xi32, #tpu.memory_space<vmem>> -> memref<64xi32, #tpu.memory_space<vmem>>
      %dma_wait3A_358 = arith.constant 0 : i32
      %dma_wait3A_359 = arith.constant 0 : i32
      %dma_wait3A_360 = tpu.memref_slice %arg4[%dma_wait3A_358, %dma_wait3A_359] : memref<10000x128xf32, #tpu.memory_space<hbm>> -> memref<10000x128xf32, #tpu.memory_space<hbm>>
      tpu.wait_indirect_dma semaphore(%arg16 : memref<!tpu.dma_semaphore, #tpu.memory_space<semaphore_mem>>) src(%dma_wait3A_360 : memref<10000x128xf32, #tpu.memory_space<hbm>>) dst(%arg11 : memref<64x128xf32, #tpu.memory_space<vmem>>)
      %add3A_361 = arith.constant 4 : i32
      %add3A_362 = arith.addi %add3A_354, %add3A_361 : i32
      %sub3A_363 = arith.constant 1 : i32
      %sub3A_364 = arith.subi %add3A_362, %sub3A_363 : i32
      %dma_start3A_365 = arith.constant 0 : i32
      %dma_start3A_366 = tpu.memref_slice %arg6[%sub3A_364, %dma_start3A_365] : memref<40x64xi32, #tpu.memory_space<vmem>> -> memref<1x64xi32, #tpu.memory_space<vmem>>
      %dma_start3A_367 = tpu.memref_squeeze %dma_start3A_366 : memref<1x64xi32, #tpu.memory_space<vmem>> -> memref<64xi32, #tpu.memory_space<vmem>>
      %dma_start3A_368 = arith.constant 0 : i32
      %dma_start3A_369 = arith.constant 0 : i32
      %dma_start3A_370 = tpu.memref_slice %arg4[%dma_start3A_368, %dma_start3A_369] : memref<10000x128xf32, #tpu.memory_space<hbm>> -> memref<10000x128xf32, #tpu.memory_space<hbm>>
      tpu.enqueue_indirect_dma source(%dma_start3A_370 : memref<10000x128xf32, #tpu.memory_space<hbm>>) target(%arg10 : memref<64x128xf32, #tpu.memory_space<vmem>>) offsets(%dma_start3A_367 : memref<64xi32, #tpu.memory_space<vmem>>) semaphore(%arg15 : memref<!tpu.dma_semaphore, #tpu.memory_space<semaphore_mem>>)
      "tpu.region"() ({
        %run_scoped3A_371 = tpu.sem_alloc : memref<!tpu.dma_semaphore, #tpu.memory_space<semaphore_mem>>
        %dma_start3A_372 = arith.constant 0 : i32
        %dma_start3A_373 = tpu.memref_slice %arg7[%add3A_354, %dma_start3A_372] : memref<40x64xi32, #tpu.memory_space<vmem>> -> memref<1x64xi32, #tpu.memory_space<vmem>>
        %dma_start3A_374 = tpu.memref_squeeze %dma_start3A_373 : memref<1x64xi32, #tpu.memory_space<vmem>> -> memref<64xi32, #tpu.memory_space<vmem>>
        %dma_start3A_375 = arith.constant 0 : i32
        %dma_start3A_376 = arith.constant 0 : i32
        %dma_start3A_377 = tpu.memref_slice %arg12[%dma_start3A_375, %dma_start3A_376] : memref<10112x128xf32, #tpu.memory_space<vmem_shared>> -> memref<10112x128xf32, #tpu.memory_space<vmem_shared>>
        tpu.enqueue_indirect_dma source(%arg11 : memref<64x128xf32, #tpu.memory_space<vmem>>) target(%dma_start3A_377 : memref<10112x128xf32, #tpu.memory_space<vmem_shared>>) offsets(%dma_start3A_374 : memref<64xi32, #tpu.memory_space<vmem>>) semaphore(%run_scoped3A_371 : memref<!tpu.dma_semaphore, #tpu.memory_space<semaphore_mem>>) {add = true}
        %dma_wait3A_378 = arith.constant 0 : i32
        %dma_wait3A_379 = tpu.memref_slice %arg7[%add3A_354, %dma_wait3A_378] : memref<40x64xi32, #tpu.memory_space<vmem>> -> memref<1x64xi32, #tpu.memory_space<vmem>>
        %dma_wait3A_380 = tpu.memref_squeeze %dma_wait3A_379 : memref<1x64xi32, #tpu.memory_space<vmem>> -> memref<64xi32, #tpu.memory_space<vmem>>
        %dma_wait3A_381 = arith.constant 0 : i32
        %dma_wait3A_382 = arith.constant 0 : i32
        %dma_wait3A_383 = tpu.memref_slice %arg12[%dma_wait3A_381, %dma_wait3A_382] : memref<10112x128xf32, #tpu.memory_space<vmem_shared>> -> memref<10112x128xf32, #tpu.memory_space<vmem_shared>>
        tpu.wait_indirect_dma semaphore(%run_scoped3A_371 : memref<!tpu.dma_semaphore, #tpu.memory_space<semaphore_mem>>) src(%arg11 : memref<64x128xf32, #tpu.memory_space<vmem>>) dst(%dma_wait3A_383 : memref<10112x128xf32, #tpu.memory_space<vmem_shared>>)
        tpu.yield
      }) : () -> ()
    }
    %scan3A_184 = arith.constant 9 : i32
    %dma_wait3A_185 = arith.constant 36 : i32
    %dma_wait3A_186 = arith.constant 0 : i32
    %dma_wait3A_187 = tpu.memref_slice %arg6[%dma_wait3A_185, %dma_wait3A_186] : memref<40x64xi32, #tpu.memory_space<vmem>> -> memref<1x64xi32, #tpu.memory_space<vmem>>
    %dma_wait3A_188 = tpu.memref_squeeze %dma_wait3A_187 : memref<1x64xi32, #tpu.memory_space<vmem>> -> memref<64xi32, #tpu.memory_space<vmem>>
    %dma_wait3A_189 = arith.constant 0 : i32
    %dma_wait3A_190 = arith.constant 0 : i32
    %dma_wait3A_191 = tpu.memref_slice %arg4[%dma_wait3A_189, %dma_wait3A_190] : memref<10000x128xf32, #tpu.memory_space<hbm>> -> memref<10000x128xf32, #tpu.memory_space<hbm>>
    tpu.wait_indirect_dma semaphore(%arg13 : memref<!tpu.dma_semaphore, #tpu.memory_space<semaphore_mem>>) src(%dma_wait3A_191 : memref<10000x128xf32, #tpu.memory_space<hbm>>) dst(%arg8 : memref<64x128xf32, #tpu.memory_space<vmem>>)
    %dma_start3A_192 = arith.constant 39 : i32
    %dma_start3A_193 = arith.constant 0 : i32
    %dma_start3A_194 = tpu.memref_slice %arg6[%dma_start3A_192, %dma_start3A_193] : memref<40x64xi32, #tpu.memory_space<vmem>> -> memref<1x64xi32, #tpu.memory_space<vmem>>
    %dma_start3A_195 = tpu.memref_squeeze %dma_start3A_194 : memref<1x64xi32, #tpu.memory_space<vmem>> -> memref<64xi32, #tpu.memory_space<vmem>>
    %dma_start3A_196 = arith.constant 0 : i32
    %dma_start3A_197 = arith.constant 0 : i32
    %dma_start3A_198 = tpu.memref_slice %arg4[%dma_start3A_196, %dma_start3A_197] : memref<10000x128xf32, #tpu.memory_space<hbm>> -> memref<10000x128xf32, #tpu.memory_space<hbm>>
    tpu.enqueue_indirect_dma source(%dma_start3A_198 : memref<10000x128xf32, #tpu.memory_space<hbm>>) target(%arg11 : memref<64x128xf32, #tpu.memory_space<vmem>>) offsets(%dma_start3A_195 : memref<64xi32, #tpu.memory_space<vmem>>) semaphore(%arg16 : memref<!tpu.dma_semaphore, #tpu.memory_space<semaphore_mem>>)
    %run_scoped3A_199 = arith.constant 36 : i32
    "tpu.region"() ({
      %run_scoped3A_291 = tpu.sem_alloc : memref<!tpu.dma_semaphore, #tpu.memory_space<semaphore_mem>>
      %dma_start3A_292 = arith.constant 0 : i32
      %dma_start3A_293 = tpu.memref_slice %arg7[%run_scoped3A_199, %dma_start3A_292] : memref<40x64xi32, #tpu.memory_space<vmem>> -> memref<1x64xi32, #tpu.memory_space<vmem>>
      %dma_start3A_294 = tpu.memref_squeeze %dma_start3A_293 : memref<1x64xi32, #tpu.memory_space<vmem>> -> memref<64xi32, #tpu.memory_space<vmem>>
      %dma_start3A_295 = arith.constant 0 : i32
      %dma_start3A_296 = arith.constant 0 : i32
      %dma_start3A_297 = tpu.memref_slice %arg12[%dma_start3A_295, %dma_start3A_296] : memref<10112x128xf32, #tpu.memory_space<vmem_shared>> -> memref<10112x128xf32, #tpu.memory_space<vmem_shared>>
      tpu.enqueue_indirect_dma source(%arg8 : memref<64x128xf32, #tpu.memory_space<vmem>>) target(%dma_start3A_297 : memref<10112x128xf32, #tpu.memory_space<vmem_shared>>) offsets(%dma_start3A_294 : memref<64xi32, #tpu.memory_space<vmem>>) semaphore(%run_scoped3A_291 : memref<!tpu.dma_semaphore, #tpu.memory_space<semaphore_mem>>) {add = true}
      %dma_wait3A_298 = arith.constant 0 : i32
      %dma_wait3A_299 = tpu.memref_slice %arg7[%run_scoped3A_199, %dma_wait3A_298] : memref<40x64xi32, #tpu.memory_space<vmem>> -> memref<1x64xi32, #tpu.memory_space<vmem>>
      %dma_wait3A_300 = tpu.memref_squeeze %dma_wait3A_299 : memref<1x64xi32, #tpu.memory_space<vmem>> -> memref<64xi32, #tpu.memory_space<vmem>>
      %dma_wait3A_301 = arith.constant 0 : i32
      %dma_wait3A_302 = arith.constant 0 : i32
      %dma_wait3A_303 = tpu.memref_slice %arg12[%dma_wait3A_301, %dma_wait3A_302] : memref<10112x128xf32, #tpu.memory_space<vmem_shared>> -> memref<10112x128xf32, #tpu.memory_space<vmem_shared>>
      tpu.wait_indirect_dma semaphore(%run_scoped3A_291 : memref<!tpu.dma_semaphore, #tpu.memory_space<semaphore_mem>>) src(%arg8 : memref<64x128xf32, #tpu.memory_space<vmem>>) dst(%dma_wait3A_303 : memref<10112x128xf32, #tpu.memory_space<vmem_shared>>)
      tpu.yield
    }) : () -> ()
    %dma_wait3A_200 = arith.constant 37 : i32
    %dma_wait3A_201 = arith.constant 0 : i32
    %dma_wait3A_202 = tpu.memref_slice %arg6[%dma_wait3A_200, %dma_wait3A_201] : memref<40x64xi32, #tpu.memory_space<vmem>> -> memref<1x64xi32, #tpu.memory_space<vmem>>
    %dma_wait3A_203 = tpu.memref_squeeze %dma_wait3A_202 : memref<1x64xi32, #tpu.memory_space<vmem>> -> memref<64xi32, #tpu.memory_space<vmem>>
    %dma_wait3A_204 = arith.constant 0 : i32
    %dma_wait3A_205 = arith.constant 0 : i32
    %dma_wait3A_206 = tpu.memref_slice %arg4[%dma_wait3A_204, %dma_wait3A_205] : memref<10000x128xf32, #tpu.memory_space<hbm>> -> memref<10000x128xf32, #tpu.memory_space<hbm>>
    tpu.wait_indirect_dma semaphore(%arg14 : memref<!tpu.dma_semaphore, #tpu.memory_space<semaphore_mem>>) src(%dma_wait3A_206 : memref<10000x128xf32, #tpu.memory_space<hbm>>) dst(%arg9 : memref<64x128xf32, #tpu.memory_space<vmem>>)
    %run_scoped3A_207 = arith.constant 37 : i32
    "tpu.region"() ({
      %run_scoped3A_291 = tpu.sem_alloc : memref<!tpu.dma_semaphore, #tpu.memory_space<semaphore_mem>>
      %dma_start3A_292 = arith.constant 0 : i32
      %dma_start3A_293 = tpu.memref_slice %arg7[%run_scoped3A_207, %dma_start3A_292] : memref<40x64xi32, #tpu.memory_space<vmem>> -> memref<1x64xi32, #tpu.memory_space<vmem>>
      %dma_start3A_294 = tpu.memref_squeeze %dma_start3A_293 : memref<1x64xi32, #tpu.memory_space<vmem>> -> memref<64xi32, #tpu.memory_space<vmem>>
      %dma_start3A_295 = arith.constant 0 : i32
      %dma_start3A_296 = arith.constant 0 : i32
      %dma_start3A_297 = tpu.memref_slice %arg12[%dma_start3A_295, %dma_start3A_296] : memref<10112x128xf32, #tpu.memory_space<vmem_shared>> -> memref<10112x128xf32, #tpu.memory_space<vmem_shared>>
      tpu.enqueue_indirect_dma source(%arg9 : memref<64x128xf32, #tpu.memory_space<vmem>>) target(%dma_start3A_297 : memref<10112x128xf32, #tpu.memory_space<vmem_shared>>) offsets(%dma_start3A_294 : memref<64xi32, #tpu.memory_space<vmem>>) semaphore(%run_scoped3A_291 : memref<!tpu.dma_semaphore, #tpu.memory_space<semaphore_mem>>) {add = true}
      %dma_wait3A_298 = arith.constant 0 : i32
      %dma_wait3A_299 = tpu.memref_slice %arg7[%run_scoped3A_207, %dma_wait3A_298] : memref<40x64xi32, #tpu.memory_space<vmem>> -> memref<1x64xi32, #tpu.memory_space<vmem>>
      %dma_wait3A_300 = tpu.memref_squeeze %dma_wait3A_299 : memref<1x64xi32, #tpu.memory_space<vmem>> -> memref<64xi32, #tpu.memory_space<vmem>>
      %dma_wait3A_301 = arith.constant 0 : i32
      %dma_wait3A_302 = arith.constant 0 : i32
      %dma_wait3A_303 = tpu.memref_slice %arg12[%dma_wait3A_301, %dma_wait3A_302] : memref<10112x128xf32, #tpu.memory_space<vmem_shared>> -> memref<10112x128xf32, #tpu.memory_space<vmem_shared>>
      tpu.wait_indirect_dma semaphore(%run_scoped3A_291 : memref<!tpu.dma_semaphore, #tpu.memory_space<semaphore_mem>>) src(%arg9 : memref<64x128xf32, #tpu.memory_space<vmem>>) dst(%dma_wait3A_303 : memref<10112x128xf32, #tpu.memory_space<vmem_shared>>)
      tpu.yield
    }) : () -> ()
    %dma_wait3A_208 = arith.constant 38 : i32
    %dma_wait3A_209 = arith.constant 0 : i32
    %dma_wait3A_210 = tpu.memref_slice %arg6[%dma_wait3A_208, %dma_wait3A_209] : memref<40x64xi32, #tpu.memory_space<vmem>> -> memref<1x64xi32, #tpu.memory_space<vmem>>
    %dma_wait3A_211 = tpu.memref_squeeze %dma_wait3A_210 : memref<1x64xi32, #tpu.memory_space<vmem>> -> memref<64xi32, #tpu.memory_space<vmem>>
    %dma_wait3A_212 = arith.constant 0 : i32
    %dma_wait3A_213 = arith.constant 0 : i32
    %dma_wait3A_214 = tpu.memref_slice %arg4[%dma_wait3A_212, %dma_wait3A_213] : memref<10000x128xf32, #tpu.memory_space<hbm>> -> memref<10000x128xf32, #tpu.memory_space<hbm>>
    tpu.wait_indirect_dma semaphore(%arg15 : memref<!tpu.dma_semaphore, #tpu.memory_space<semaphore_mem>>) src(%dma_wait3A_214 : memref<10000x128xf32, #tpu.memory_space<hbm>>) dst(%arg10 : memref<64x128xf32, #tpu.memory_space<vmem>>)
    %run_scoped3A_215 = arith.constant 38 : i32
    "tpu.region"() ({
      %run_scoped3A_291 = tpu.sem_alloc : memref<!tpu.dma_semaphore, #tpu.memory_space<semaphore_mem>>
      %dma_start3A_292 = arith.constant 0 : i32
      %dma_start3A_293 = tpu.memref_slice %arg7[%run_scoped3A_215, %dma_start3A_292] : memref<40x64xi32, #tpu.memory_space<vmem>> -> memref<1x64xi32, #tpu.memory_space<vmem>>
      %dma_start3A_294 = tpu.memref_squeeze %dma_start3A_293 : memref<1x64xi32, #tpu.memory_space<vmem>> -> memref<64xi32, #tpu.memory_space<vmem>>
      %dma_start3A_295 = arith.constant 0 : i32
      %dma_start3A_296 = arith.constant 0 : i32
      %dma_start3A_297 = tpu.memref_slice %arg12[%dma_start3A_295, %dma_start3A_296] : memref<10112x128xf32, #tpu.memory_space<vmem_shared>> -> memref<10112x128xf32, #tpu.memory_space<vmem_shared>>
      tpu.enqueue_indirect_dma source(%arg10 : memref<64x128xf32, #tpu.memory_space<vmem>>) target(%dma_start3A_297 : memref<10112x128xf32, #tpu.memory_space<vmem_shared>>) offsets(%dma_start3A_294 : memref<64xi32, #tpu.memory_space<vmem>>) semaphore(%run_scoped3A_291 : memref<!tpu.dma_semaphore, #tpu.memory_space<semaphore_mem>>) {add = true}
      %dma_wait3A_298 = arith.constant 0 : i32
      %dma_wait3A_299 = tpu.memref_slice %arg7[%run_scoped3A_215, %dma_wait3A_298] : memref<40x64xi32, #tpu.memory_space<vmem>> -> memref<1x64xi32, #tpu.memory_space<vmem>>
      %dma_wait3A_300 = tpu.memref_squeeze %dma_wait3A_299 : memref<1x64xi32, #tpu.memory_space<vmem>> -> memref<64xi32, #tpu.memory_space<vmem>>
      %dma_wait3A_301 = arith.constant 0 : i32
      %dma_wait3A_302 = arith.constant 0 : i32
      %dma_wait3A_303 = tpu.memref_slice %arg12[%dma_wait3A_301, %dma_wait3A_302] : memref<10112x128xf32, #tpu.memory_space<vmem_shared>> -> memref<10112x128xf32, #tpu.memory_space<vmem_shared>>
      tpu.wait_indirect_dma semaphore(%run_scoped3A_291 : memref<!tpu.dma_semaphore, #tpu.memory_space<semaphore_mem>>) src(%arg10 : memref<64x128xf32, #tpu.memory_space<vmem>>) dst(%dma_wait3A_303 : memref<10112x128xf32, #tpu.memory_space<vmem_shared>>)
      tpu.yield
    }) : () -> ()
    %dma_wait3A_216 = arith.constant 39 : i32
    %dma_wait3A_217 = arith.constant 0 : i32
    %dma_wait3A_218 = tpu.memref_slice %arg6[%dma_wait3A_216, %dma_wait3A_217] : memref<40x64xi32, #tpu.memory_space<vmem>> -> memref<1x64xi32, #tpu.memory_space<vmem>>
    %dma_wait3A_219 = tpu.memref_squeeze %dma_wait3A_218 : memref<1x64xi32, #tpu.memory_space<vmem>> -> memref<64xi32, #tpu.memory_space<vmem>>
    %dma_wait3A_220 = arith.constant 0 : i32
    %dma_wait3A_221 = arith.constant 0 : i32
    %dma_wait3A_222 = tpu.memref_slice %arg4[%dma_wait3A_220, %dma_wait3A_221] : memref<10000x128xf32, #tpu.memory_space<hbm>> -> memref<10000x128xf32, #tpu.memory_space<hbm>>
    tpu.wait_indirect_dma semaphore(%arg16 : memref<!tpu.dma_semaphore, #tpu.memory_space<semaphore_mem>>) src(%dma_wait3A_222 : memref<10000x128xf32, #tpu.memory_space<hbm>>) dst(%arg11 : memref<64x128xf32, #tpu.memory_space<vmem>>)
    %run_scoped3A_223 = arith.constant 39 : i32
    "tpu.region"() ({
      %run_scoped3A_291 = tpu.sem_alloc : memref<!tpu.dma_semaphore, #tpu.memory_space<semaphore_mem>>
      %dma_start3A_292 = arith.constant 0 : i32
      %dma_start3A_293 = tpu.memref_slice %arg7[%run_scoped3A_223, %dma_start3A_292] : memref<40x64xi32, #tpu.memory_space<vmem>> -> memref<1x64xi32, #tpu.memory_space<vmem>>
      %dma_start3A_294 = tpu.memref_squeeze %dma_start3A_293 : memref<1x64xi32, #tpu.memory_space<vmem>> -> memref<64xi32, #tpu.memory_space<vmem>>
      %dma_start3A_295 = arith.constant 0 : i32
      %dma_start3A_296 = arith.constant 0 : i32
      %dma_start3A_297 = tpu.memref_slice %arg12[%dma_start3A_295, %dma_start3A_296] : memref<10112x128xf32, #tpu.memory_space<vmem_shared>> -> memref<10112x128xf32, #tpu.memory_space<vmem_shared>>
      tpu.enqueue_indirect_dma source(%arg11 : memref<64x128xf32, #tpu.memory_space<vmem>>) target(%dma_start3A_297 : memref<10112x128xf32, #tpu.memory_space<vmem_shared>>) offsets(%dma_start3A_294 : memref<64xi32, #tpu.memory_space<vmem>>) semaphore(%run_scoped3A_291 : memref<!tpu.dma_semaphore, #tpu.memory_space<semaphore_mem>>) {add = true}
      %dma_wait3A_298 = arith.constant 0 : i32
      %dma_wait3A_299 = tpu.memref_slice %arg7[%run_scoped3A_223, %dma_wait3A_298] : memref<40x64xi32, #tpu.memory_space<vmem>> -> memref<1x64xi32, #tpu.memory_space<vmem>>
      %dma_wait3A_300 = tpu.memref_squeeze %dma_wait3A_299 : memref<1x64xi32, #tpu.memory_space<vmem>> -> memref<64xi32, #tpu.memory_space<vmem>>
      %dma_wait3A_301 = arith.constant 0 : i32
      %dma_wait3A_302 = arith.constant 0 : i32
      %dma_wait3A_303 = tpu.memref_slice %arg12[%dma_wait3A_301, %dma_wait3A_302] : memref<10112x128xf32, #tpu.memory_space<vmem_shared>> -> memref<10112x128xf32, #tpu.memory_space<vmem_shared>>
      tpu.wait_indirect_dma semaphore(%run_scoped3A_291 : memref<!tpu.dma_semaphore, #tpu.memory_space<semaphore_mem>>) src(%arg11 : memref<64x128xf32, #tpu.memory_space<vmem>>) dst(%dma_wait3A_303 : memref<10112x128xf32, #tpu.memory_space<vmem_shared>>)
      tpu.yield
    }) : () -> ()
    "tpu.region"() ({
      %run_scoped3A_291 = tpu.sem_alloc : memref<!tpu.dma_semaphore, #tpu.memory_space<semaphore_mem>>
      %dma_start3A_292 = arith.constant 120 : i32
      %dma_start3A_293 = arith.constant 0 : i32
      %dma_start3A_294 = tpu.memref_slice %arg2[%add3A, %dma_start3A_292, %dma_start3A_293] : memref<32x160x64xi32, #tpu.memory_space<hbm>> -> memref<1x40x64xi32, #tpu.memory_space<hbm>>
      %dma_start3A_295 = tpu.memref_squeeze %dma_start3A_294 : memref<1x40x64xi32, #tpu.memory_space<hbm>> -> memref<40x64xi32, #tpu.memory_space<hbm>>
      %dma_start3A_296 = arith.constant 120 : i32
      %dma_start3A_297 = arith.constant 0 : i32
      %dma_start3A_298 = tpu.memref_slice %arg2[%add3A, %dma_start3A_296, %dma_start3A_297] : memref<32x160x64xi32, #tpu.memory_space<hbm>> -> memref<1x40x64xi32, #tpu.memory_space<hbm>>
      %dma_start3A_299 = tpu.memref_squeeze %dma_start3A_298 : memref<1x40x64xi32, #tpu.memory_space<hbm>> -> memref<40x64xi32, #tpu.memory_space<hbm>>
      tpu.enqueue_dma source(%dma_start3A_299 : memref<40x64xi32, #tpu.memory_space<hbm>>) target(%arg6 : memref<40x64xi32, #tpu.memory_space<vmem>>) target_semaphore(%run_scoped3A_291 : memref<!tpu.dma_semaphore, #tpu.memory_space<semaphore_mem>>)
      %dma_wait3A_300 = arith.constant 120 : i32
      %dma_wait3A_301 = arith.constant 0 : i32
      %dma_wait3A_302 = tpu.memref_slice %arg2[%add3A, %dma_wait3A_300, %dma_wait3A_301] : memref<32x160x64xi32, #tpu.memory_space<hbm>> -> memref<1x40x64xi32, #tpu.memory_space<hbm>>
      %dma_wait3A_303 = tpu.memref_squeeze %dma_wait3A_302 : memref<1x40x64xi32, #tpu.memory_space<hbm>> -> memref<40x64xi32, #tpu.memory_space<hbm>>
      %dma_wait3A_304 = arith.constant 120 : i32
      %dma_wait3A_305 = arith.constant 0 : i32
      %dma_wait3A_306 = tpu.memref_slice %arg2[%add3A, %dma_wait3A_304, %dma_wait3A_305] : memref<32x160x64xi32, #tpu.memory_space<hbm>> -> memref<1x40x64xi32, #tpu.memory_space<hbm>>
      %dma_wait3A_307 = tpu.memref_squeeze %dma_wait3A_306 : memref<1x40x64xi32, #tpu.memory_space<hbm>> -> memref<40x64xi32, #tpu.memory_space<hbm>>
      tpu.wait_dma2 semaphore(%run_scoped3A_291 : memref<!tpu.dma_semaphore, #tpu.memory_space<semaphore_mem>>) src(%dma_wait3A_307 : memref<40x64xi32, #tpu.memory_space<hbm>>) dst(%arg6 : memref<40x64xi32, #tpu.memory_space<vmem>>)
      tpu.yield
    }) : () -> ()
    "tpu.region"() ({
      %run_scoped3A_291 = tpu.sem_alloc : memref<!tpu.dma_semaphore, #tpu.memory_space<semaphore_mem>>
      %dma_start3A_292 = arith.constant 120 : i32
      %dma_start3A_293 = arith.constant 0 : i32
      %dma_start3A_294 = tpu.memref_slice %arg3[%add3A, %dma_start3A_292, %dma_start3A_293] : memref<32x160x64xi32, #tpu.memory_space<hbm>> -> memref<1x40x64xi32, #tpu.memory_space<hbm>>
      %dma_start3A_295 = tpu.memref_squeeze %dma_start3A_294 : memref<1x40x64xi32, #tpu.memory_space<hbm>> -> memref<40x64xi32, #tpu.memory_space<hbm>>
      %dma_start3A_296 = arith.constant 120 : i32
      %dma_start3A_297 = arith.constant 0 : i32
      %dma_start3A_298 = tpu.memref_slice %arg3[%add3A, %dma_start3A_296, %dma_start3A_297] : memref<32x160x64xi32, #tpu.memory_space<hbm>> -> memref<1x40x64xi32, #tpu.memory_space<hbm>>
      %dma_start3A_299 = tpu.memref_squeeze %dma_start3A_298 : memref<1x40x64xi32, #tpu.memory_space<hbm>> -> memref<40x64xi32, #tpu.memory_space<hbm>>
      tpu.enqueue_dma source(%dma_start3A_299 : memref<40x64xi32, #tpu.memory_space<hbm>>) target(%arg7 : memref<40x64xi32, #tpu.memory_space<vmem>>) target_semaphore(%run_scoped3A_291 : memref<!tpu.dma_semaphore, #tpu.memory_space<semaphore_mem>>)
      %dma_wait3A_300 = arith.constant 120 : i32
      %dma_wait3A_301 = arith.constant 0 : i32
      %dma_wait3A_302 = tpu.memref_slice %arg3[%add3A, %dma_wait3A_300, %dma_wait3A_301] : memref<32x160x64xi32, #tpu.memory_space<hbm>> -> memref<1x40x64xi32, #tpu.memory_space<hbm>>
      %dma_wait3A_303 = tpu.memref_squeeze %dma_wait3A_302 : memref<1x40x64xi32, #tpu.memory_space<hbm>> -> memref<40x64xi32, #tpu.memory_space<hbm>>
      %dma_wait3A_304 = arith.constant 120 : i32
      %dma_wait3A_305 = arith.constant 0 : i32
      %dma_wait3A_306 = tpu.memref_slice %arg3[%add3A, %dma_wait3A_304, %dma_wait3A_305] : memref<32x160x64xi32, #tpu.memory_space<hbm>> -> memref<1x40x64xi32, #tpu.memory_space<hbm>>
      %dma_wait3A_307 = tpu.memref_squeeze %dma_wait3A_306 : memref<1x40x64xi32, #tpu.memory_space<hbm>> -> memref<40x64xi32, #tpu.memory_space<hbm>>
      tpu.wait_dma2 semaphore(%run_scoped3A_291 : memref<!tpu.dma_semaphore, #tpu.memory_space<semaphore_mem>>) src(%dma_wait3A_307 : memref<40x64xi32, #tpu.memory_space<hbm>>) dst(%arg7 : memref<40x64xi32, #tpu.memory_space<vmem>>)
      tpu.yield
    }) : () -> ()
    %dma_start3A_224 = arith.constant 0 : i32
    %dma_start3A_225 = arith.constant 0 : i32
    %dma_start3A_226 = tpu.memref_slice %arg6[%dma_start3A_224, %dma_start3A_225] : memref<40x64xi32, #tpu.memory_space<vmem>> -> memref<1x64xi32, #tpu.memory_space<vmem>>
    %dma_start3A_227 = tpu.memref_squeeze %dma_start3A_226 : memref<1x64xi32, #tpu.memory_space<vmem>> -> memref<64xi32, #tpu.memory_space<vmem>>
    %dma_start3A_228 = arith.constant 0 : i32
    %dma_start3A_229 = arith.constant 0 : i32
    %dma_start3A_230 = tpu.memref_slice %arg4[%dma_start3A_228, %dma_start3A_229] : memref<10000x128xf32, #tpu.memory_space<hbm>> -> memref<10000x128xf32, #tpu.memory_space<hbm>>
    tpu.enqueue_indirect_dma source(%dma_start3A_230 : memref<10000x128xf32, #tpu.memory_space<hbm>>) target(%arg8 : memref<64x128xf32, #tpu.memory_space<vmem>>) offsets(%dma_start3A_227 : memref<64xi32, #tpu.memory_space<vmem>>) semaphore(%arg13 : memref<!tpu.dma_semaphore, #tpu.memory_space<semaphore_mem>>)
    %dma_start3A_231 = arith.constant 1 : i32
    %dma_start3A_232 = arith.constant 0 : i32
    %dma_start3A_233 = tpu.memref_slice %arg6[%dma_start3A_231, %dma_start3A_232] : memref<40x64xi32, #tpu.memory_space<vmem>> -> memref<1x64xi32, #tpu.memory_space<vmem>>
    %dma_start3A_234 = tpu.memref_squeeze %dma_start3A_233 : memref<1x64xi32, #tpu.memory_space<vmem>> -> memref<64xi32, #tpu.memory_space<vmem>>
    %dma_start3A_235 = arith.constant 0 : i32
    %dma_start3A_236 = arith.constant 0 : i32
    %dma_start3A_237 = tpu.memref_slice %arg4[%dma_start3A_235, %dma_start3A_236] : memref<10000x128xf32, #tpu.memory_space<hbm>> -> memref<10000x128xf32, #tpu.memory_space<hbm>>
    tpu.enqueue_indirect_dma source(%dma_start3A_237 : memref<10000x128xf32, #tpu.memory_space<hbm>>) target(%arg9 : memref<64x128xf32, #tpu.memory_space<vmem>>) offsets(%dma_start3A_234 : memref<64xi32, #tpu.memory_space<vmem>>) semaphore(%arg14 : memref<!tpu.dma_semaphore, #tpu.memory_space<semaphore_mem>>)
    %dma_start3A_238 = arith.constant 2 : i32
    %dma_start3A_239 = arith.constant 0 : i32
    %dma_start3A_240 = tpu.memref_slice %arg6[%dma_start3A_238, %dma_start3A_239] : memref<40x64xi32, #tpu.memory_space<vmem>> -> memref<1x64xi32, #tpu.memory_space<vmem>>
    %dma_start3A_241 = tpu.memref_squeeze %dma_start3A_240 : memref<1x64xi32, #tpu.memory_space<vmem>> -> memref<64xi32, #tpu.memory_space<vmem>>
    %dma_start3A_242 = arith.constant 0 : i32
    %dma_start3A_243 = arith.constant 0 : i32
    %dma_start3A_244 = tpu.memref_slice %arg4[%dma_start3A_242, %dma_start3A_243] : memref<10000x128xf32, #tpu.memory_space<hbm>> -> memref<10000x128xf32, #tpu.memory_space<hbm>>
    tpu.enqueue_indirect_dma source(%dma_start3A_244 : memref<10000x128xf32, #tpu.memory_space<hbm>>) target(%arg10 : memref<64x128xf32, #tpu.memory_space<vmem>>) offsets(%dma_start3A_241 : memref<64xi32, #tpu.memory_space<vmem>>) semaphore(%arg15 : memref<!tpu.dma_semaphore, #tpu.memory_space<semaphore_mem>>)
    %scan3A_245 = arith.constant 0 : i32
    %scan3A_246 = arith.constant 0 : i32
    %scan3A_247 = arith.constant 9 : i32
    %scan3A_248 = arith.addi %scan3A_246, %scan3A_247 : i32
    %scan3A_249 = arith.constant 1 : i32
    scf.for %scan3A_291 = %scan3A_246 to %scan3A_248 step %scan3A_249  : i32 {
      %mul3A_292 = arith.constant 4 : i32
      %mul3A_293 = arith.muli %mul3A_292, %scan3A_291 : i32
      %add3A_294 = arith.constant 0 : i32
      %add3A_295 = arith.addi %mul3A_293, %add3A_294 : i32
      %dma_wait3A_296 = arith.constant 0 : i32
      %dma_wait3A_297 = tpu.memref_slice %arg6[%add3A_295, %dma_wait3A_296] : memref<40x64xi32, #tpu.memory_space<vmem>> -> memref<1x64xi32, #tpu.memory_space<vmem>>
      %dma_wait3A_298 = tpu.memref_squeeze %dma_wait3A_297 : memref<1x64xi32, #tpu.memory_space<vmem>> -> memref<64xi32, #tpu.memory_space<vmem>>
      %dma_wait3A_299 = arith.constant 0 : i32
      %dma_wait3A_300 = arith.constant 0 : i32
      %dma_wait3A_301 = tpu.memref_slice %arg4[%dma_wait3A_299, %dma_wait3A_300] : memref<10000x128xf32, #tpu.memory_space<hbm>> -> memref<10000x128xf32, #tpu.memory_space<hbm>>
      tpu.wait_indirect_dma semaphore(%arg13 : memref<!tpu.dma_semaphore, #tpu.memory_space<semaphore_mem>>) src(%dma_wait3A_301 : memref<10000x128xf32, #tpu.memory_space<hbm>>) dst(%arg8 : memref<64x128xf32, #tpu.memory_space<vmem>>)
      %add3A_302 = arith.constant 4 : i32
      %add3A_303 = arith.addi %add3A_295, %add3A_302 : i32
      %sub3A = arith.constant 1 : i32
      %sub3A_304 = arith.subi %add3A_303, %sub3A : i32
      %dma_start3A_305 = arith.constant 0 : i32
      %dma_start3A_306 = tpu.memref_slice %arg6[%sub3A_304, %dma_start3A_305] : memref<40x64xi32, #tpu.memory_space<vmem>> -> memref<1x64xi32, #tpu.memory_space<vmem>>
      %dma_start3A_307 = tpu.memref_squeeze %dma_start3A_306 : memref<1x64xi32, #tpu.memory_space<vmem>> -> memref<64xi32, #tpu.memory_space<vmem>>
      %dma_start3A_308 = arith.constant 0 : i32
      %dma_start3A_309 = arith.constant 0 : i32
      %dma_start3A_310 = tpu.memref_slice %arg4[%dma_start3A_308, %dma_start3A_309] : memref<10000x128xf32, #tpu.memory_space<hbm>> -> memref<10000x128xf32, #tpu.memory_space<hbm>>
      tpu.enqueue_indirect_dma source(%dma_start3A_310 : memref<10000x128xf32, #tpu.memory_space<hbm>>) target(%arg11 : memref<64x128xf32, #tpu.memory_space<vmem>>) offsets(%dma_start3A_307 : memref<64xi32, #tpu.memory_space<vmem>>) semaphore(%arg16 : memref<!tpu.dma_semaphore, #tpu.memory_space<semaphore_mem>>)
      "tpu.region"() ({
        %run_scoped3A_371 = tpu.sem_alloc : memref<!tpu.dma_semaphore, #tpu.memory_space<semaphore_mem>>
        %dma_start3A_372 = arith.constant 0 : i32
        %dma_start3A_373 = tpu.memref_slice %arg7[%add3A_295, %dma_start3A_372] : memref<40x64xi32, #tpu.memory_space<vmem>> -> memref<1x64xi32, #tpu.memory_space<vmem>>
        %dma_start3A_374 = tpu.memref_squeeze %dma_start3A_373 : memref<1x64xi32, #tpu.memory_space<vmem>> -> memref<64xi32, #tpu.memory_space<vmem>>
        %dma_start3A_375 = arith.constant 0 : i32
        %dma_start3A_376 = arith.constant 0 : i32
        %dma_start3A_377 = tpu.memref_slice %arg12[%dma_start3A_375, %dma_start3A_376] : memref<10112x128xf32, #tpu.memory_space<vmem_shared>> -> memref<10112x128xf32, #tpu.memory_space<vmem_shared>>
        tpu.enqueue_indirect_dma source(%arg8 : memref<64x128xf32, #tpu.memory_space<vmem>>) target(%dma_start3A_377 : memref<10112x128xf32, #tpu.memory_space<vmem_shared>>) offsets(%dma_start3A_374 : memref<64xi32, #tpu.memory_space<vmem>>) semaphore(%run_scoped3A_371 : memref<!tpu.dma_semaphore, #tpu.memory_space<semaphore_mem>>) {add = true}
        %dma_wait3A_378 = arith.constant 0 : i32
        %dma_wait3A_379 = tpu.memref_slice %arg7[%add3A_295, %dma_wait3A_378] : memref<40x64xi32, #tpu.memory_space<vmem>> -> memref<1x64xi32, #tpu.memory_space<vmem>>
        %dma_wait3A_380 = tpu.memref_squeeze %dma_wait3A_379 : memref<1x64xi32, #tpu.memory_space<vmem>> -> memref<64xi32, #tpu.memory_space<vmem>>
        %dma_wait3A_381 = arith.constant 0 : i32
        %dma_wait3A_382 = arith.constant 0 : i32
        %dma_wait3A_383 = tpu.memref_slice %arg12[%dma_wait3A_381, %dma_wait3A_382] : memref<10112x128xf32, #tpu.memory_space<vmem_shared>> -> memref<10112x128xf32, #tpu.memory_space<vmem_shared>>
        tpu.wait_indirect_dma semaphore(%run_scoped3A_371 : memref<!tpu.dma_semaphore, #tpu.memory_space<semaphore_mem>>) src(%arg8 : memref<64x128xf32, #tpu.memory_space<vmem>>) dst(%dma_wait3A_383 : memref<10112x128xf32, #tpu.memory_space<vmem_shared>>)
        tpu.yield
      }) : () -> ()
      %mul3A_311 = arith.constant 4 : i32
      %mul3A_312 = arith.muli %mul3A_311, %scan3A_291 : i32
      %add3A_313 = arith.constant 1 : i32
      %add3A_314 = arith.addi %mul3A_312, %add3A_313 : i32
      %dma_wait3A_315 = arith.constant 0 : i32
      %dma_wait3A_316 = tpu.memref_slice %arg6[%add3A_314, %dma_wait3A_315] : memref<40x64xi32, #tpu.memory_space<vmem>> -> memref<1x64xi32, #tpu.memory_space<vmem>>
      %dma_wait3A_317 = tpu.memref_squeeze %dma_wait3A_316 : memref<1x64xi32, #tpu.memory_space<vmem>> -> memref<64xi32, #tpu.memory_space<vmem>>
      %dma_wait3A_318 = arith.constant 0 : i32
      %dma_wait3A_319 = arith.constant 0 : i32
      %dma_wait3A_320 = tpu.memref_slice %arg4[%dma_wait3A_318, %dma_wait3A_319] : memref<10000x128xf32, #tpu.memory_space<hbm>> -> memref<10000x128xf32, #tpu.memory_space<hbm>>
      tpu.wait_indirect_dma semaphore(%arg14 : memref<!tpu.dma_semaphore, #tpu.memory_space<semaphore_mem>>) src(%dma_wait3A_320 : memref<10000x128xf32, #tpu.memory_space<hbm>>) dst(%arg9 : memref<64x128xf32, #tpu.memory_space<vmem>>)
      %add3A_321 = arith.constant 4 : i32
      %add3A_322 = arith.addi %add3A_314, %add3A_321 : i32
      %sub3A_323 = arith.constant 1 : i32
      %sub3A_324 = arith.subi %add3A_322, %sub3A_323 : i32
      %dma_start3A_325 = arith.constant 0 : i32
      %dma_start3A_326 = tpu.memref_slice %arg6[%sub3A_324, %dma_start3A_325] : memref<40x64xi32, #tpu.memory_space<vmem>> -> memref<1x64xi32, #tpu.memory_space<vmem>>
      %dma_start3A_327 = tpu.memref_squeeze %dma_start3A_326 : memref<1x64xi32, #tpu.memory_space<vmem>> -> memref<64xi32, #tpu.memory_space<vmem>>
      %dma_start3A_328 = arith.constant 0 : i32
      %dma_start3A_329 = arith.constant 0 : i32
      %dma_start3A_330 = tpu.memref_slice %arg4[%dma_start3A_328, %dma_start3A_329] : memref<10000x128xf32, #tpu.memory_space<hbm>> -> memref<10000x128xf32, #tpu.memory_space<hbm>>
      tpu.enqueue_indirect_dma source(%dma_start3A_330 : memref<10000x128xf32, #tpu.memory_space<hbm>>) target(%arg8 : memref<64x128xf32, #tpu.memory_space<vmem>>) offsets(%dma_start3A_327 : memref<64xi32, #tpu.memory_space<vmem>>) semaphore(%arg13 : memref<!tpu.dma_semaphore, #tpu.memory_space<semaphore_mem>>)
      "tpu.region"() ({
        %run_scoped3A_371 = tpu.sem_alloc : memref<!tpu.dma_semaphore, #tpu.memory_space<semaphore_mem>>
        %dma_start3A_372 = arith.constant 0 : i32
        %dma_start3A_373 = tpu.memref_slice %arg7[%add3A_314, %dma_start3A_372] : memref<40x64xi32, #tpu.memory_space<vmem>> -> memref<1x64xi32, #tpu.memory_space<vmem>>
        %dma_start3A_374 = tpu.memref_squeeze %dma_start3A_373 : memref<1x64xi32, #tpu.memory_space<vmem>> -> memref<64xi32, #tpu.memory_space<vmem>>
        %dma_start3A_375 = arith.constant 0 : i32
        %dma_start3A_376 = arith.constant 0 : i32
        %dma_start3A_377 = tpu.memref_slice %arg12[%dma_start3A_375, %dma_start3A_376] : memref<10112x128xf32, #tpu.memory_space<vmem_shared>> -> memref<10112x128xf32, #tpu.memory_space<vmem_shared>>
        tpu.enqueue_indirect_dma source(%arg9 : memref<64x128xf32, #tpu.memory_space<vmem>>) target(%dma_start3A_377 : memref<10112x128xf32, #tpu.memory_space<vmem_shared>>) offsets(%dma_start3A_374 : memref<64xi32, #tpu.memory_space<vmem>>) semaphore(%run_scoped3A_371 : memref<!tpu.dma_semaphore, #tpu.memory_space<semaphore_mem>>) {add = true}
        %dma_wait3A_378 = arith.constant 0 : i32
        %dma_wait3A_379 = tpu.memref_slice %arg7[%add3A_314, %dma_wait3A_378] : memref<40x64xi32, #tpu.memory_space<vmem>> -> memref<1x64xi32, #tpu.memory_space<vmem>>
        %dma_wait3A_380 = tpu.memref_squeeze %dma_wait3A_379 : memref<1x64xi32, #tpu.memory_space<vmem>> -> memref<64xi32, #tpu.memory_space<vmem>>
        %dma_wait3A_381 = arith.constant 0 : i32
        %dma_wait3A_382 = arith.constant 0 : i32
        %dma_wait3A_383 = tpu.memref_slice %arg12[%dma_wait3A_381, %dma_wait3A_382] : memref<10112x128xf32, #tpu.memory_space<vmem_shared>> -> memref<10112x128xf32, #tpu.memory_space<vmem_shared>>
        tpu.wait_indirect_dma semaphore(%run_scoped3A_371 : memref<!tpu.dma_semaphore, #tpu.memory_space<semaphore_mem>>) src(%arg9 : memref<64x128xf32, #tpu.memory_space<vmem>>) dst(%dma_wait3A_383 : memref<10112x128xf32, #tpu.memory_space<vmem_shared>>)
        tpu.yield
      }) : () -> ()
      %mul3A_331 = arith.constant 4 : i32
      %mul3A_332 = arith.muli %mul3A_331, %scan3A_291 : i32
      %add3A_333 = arith.constant 2 : i32
      %add3A_334 = arith.addi %mul3A_332, %add3A_333 : i32
      %dma_wait3A_335 = arith.constant 0 : i32
      %dma_wait3A_336 = tpu.memref_slice %arg6[%add3A_334, %dma_wait3A_335] : memref<40x64xi32, #tpu.memory_space<vmem>> -> memref<1x64xi32, #tpu.memory_space<vmem>>
      %dma_wait3A_337 = tpu.memref_squeeze %dma_wait3A_336 : memref<1x64xi32, #tpu.memory_space<vmem>> -> memref<64xi32, #tpu.memory_space<vmem>>
      %dma_wait3A_338 = arith.constant 0 : i32
      %dma_wait3A_339 = arith.constant 0 : i32
      %dma_wait3A_340 = tpu.memref_slice %arg4[%dma_wait3A_338, %dma_wait3A_339] : memref<10000x128xf32, #tpu.memory_space<hbm>> -> memref<10000x128xf32, #tpu.memory_space<hbm>>
      tpu.wait_indirect_dma semaphore(%arg15 : memref<!tpu.dma_semaphore, #tpu.memory_space<semaphore_mem>>) src(%dma_wait3A_340 : memref<10000x128xf32, #tpu.memory_space<hbm>>) dst(%arg10 : memref<64x128xf32, #tpu.memory_space<vmem>>)
      %add3A_341 = arith.constant 4 : i32
      %add3A_342 = arith.addi %add3A_334, %add3A_341 : i32
      %sub3A_343 = arith.constant 1 : i32
      %sub3A_344 = arith.subi %add3A_342, %sub3A_343 : i32
      %dma_start3A_345 = arith.constant 0 : i32
      %dma_start3A_346 = tpu.memref_slice %arg6[%sub3A_344, %dma_start3A_345] : memref<40x64xi32, #tpu.memory_space<vmem>> -> memref<1x64xi32, #tpu.memory_space<vmem>>
      %dma_start3A_347 = tpu.memref_squeeze %dma_start3A_346 : memref<1x64xi32, #tpu.memory_space<vmem>> -> memref<64xi32, #tpu.memory_space<vmem>>
      %dma_start3A_348 = arith.constant 0 : i32
      %dma_start3A_349 = arith.constant 0 : i32
      %dma_start3A_350 = tpu.memref_slice %arg4[%dma_start3A_348, %dma_start3A_349] : memref<10000x128xf32, #tpu.memory_space<hbm>> -> memref<10000x128xf32, #tpu.memory_space<hbm>>
      tpu.enqueue_indirect_dma source(%dma_start3A_350 : memref<10000x128xf32, #tpu.memory_space<hbm>>) target(%arg9 : memref<64x128xf32, #tpu.memory_space<vmem>>) offsets(%dma_start3A_347 : memref<64xi32, #tpu.memory_space<vmem>>) semaphore(%arg14 : memref<!tpu.dma_semaphore, #tpu.memory_space<semaphore_mem>>)
      "tpu.region"() ({
        %run_scoped3A_371 = tpu.sem_alloc : memref<!tpu.dma_semaphore, #tpu.memory_space<semaphore_mem>>
        %dma_start3A_372 = arith.constant 0 : i32
        %dma_start3A_373 = tpu.memref_slice %arg7[%add3A_334, %dma_start3A_372] : memref<40x64xi32, #tpu.memory_space<vmem>> -> memref<1x64xi32, #tpu.memory_space<vmem>>
        %dma_start3A_374 = tpu.memref_squeeze %dma_start3A_373 : memref<1x64xi32, #tpu.memory_space<vmem>> -> memref<64xi32, #tpu.memory_space<vmem>>
        %dma_start3A_375 = arith.constant 0 : i32
        %dma_start3A_376 = arith.constant 0 : i32
        %dma_start3A_377 = tpu.memref_slice %arg12[%dma_start3A_375, %dma_start3A_376] : memref<10112x128xf32, #tpu.memory_space<vmem_shared>> -> memref<10112x128xf32, #tpu.memory_space<vmem_shared>>
        tpu.enqueue_indirect_dma source(%arg10 : memref<64x128xf32, #tpu.memory_space<vmem>>) target(%dma_start3A_377 : memref<10112x128xf32, #tpu.memory_space<vmem_shared>>) offsets(%dma_start3A_374 : memref<64xi32, #tpu.memory_space<vmem>>) semaphore(%run_scoped3A_371 : memref<!tpu.dma_semaphore, #tpu.memory_space<semaphore_mem>>) {add = true}
        %dma_wait3A_378 = arith.constant 0 : i32
        %dma_wait3A_379 = tpu.memref_slice %arg7[%add3A_334, %dma_wait3A_378] : memref<40x64xi32, #tpu.memory_space<vmem>> -> memref<1x64xi32, #tpu.memory_space<vmem>>
        %dma_wait3A_380 = tpu.memref_squeeze %dma_wait3A_379 : memref<1x64xi32, #tpu.memory_space<vmem>> -> memref<64xi32, #tpu.memory_space<vmem>>
        %dma_wait3A_381 = arith.constant 0 : i32
        %dma_wait3A_382 = arith.constant 0 : i32
        %dma_wait3A_383 = tpu.memref_slice %arg12[%dma_wait3A_381, %dma_wait3A_382] : memref<10112x128xf32, #tpu.memory_space<vmem_shared>> -> memref<10112x128xf32, #tpu.memory_space<vmem_shared>>
        tpu.wait_indirect_dma semaphore(%run_scoped3A_371 : memref<!tpu.dma_semaphore, #tpu.memory_space<semaphore_mem>>) src(%arg10 : memref<64x128xf32, #tpu.memory_space<vmem>>) dst(%dma_wait3A_383 : memref<10112x128xf32, #tpu.memory_space<vmem_shared>>)
        tpu.yield
      }) : () -> ()
      %mul3A_351 = arith.constant 4 : i32
      %mul3A_352 = arith.muli %mul3A_351, %scan3A_291 : i32
      %add3A_353 = arith.constant 3 : i32
      %add3A_354 = arith.addi %mul3A_352, %add3A_353 : i32
      %dma_wait3A_355 = arith.constant 0 : i32
      %dma_wait3A_356 = tpu.memref_slice %arg6[%add3A_354, %dma_wait3A_355] : memref<40x64xi32, #tpu.memory_space<vmem>> -> memref<1x64xi32, #tpu.memory_space<vmem>>
      %dma_wait3A_357 = tpu.memref_squeeze %dma_wait3A_356 : memref<1x64xi32, #tpu.memory_space<vmem>> -> memref<64xi32, #tpu.memory_space<vmem>>
      %dma_wait3A_358 = arith.constant 0 : i32
      %dma_wait3A_359 = arith.constant 0 : i32
      %dma_wait3A_360 = tpu.memref_slice %arg4[%dma_wait3A_358, %dma_wait3A_359] : memref<10000x128xf32, #tpu.memory_space<hbm>> -> memref<10000x128xf32, #tpu.memory_space<hbm>>
      tpu.wait_indirect_dma semaphore(%arg16 : memref<!tpu.dma_semaphore, #tpu.memory_space<semaphore_mem>>) src(%dma_wait3A_360 : memref<10000x128xf32, #tpu.memory_space<hbm>>) dst(%arg11 : memref<64x128xf32, #tpu.memory_space<vmem>>)
      %add3A_361 = arith.constant 4 : i32
      %add3A_362 = arith.addi %add3A_354, %add3A_361 : i32
      %sub3A_363 = arith.constant 1 : i32
      %sub3A_364 = arith.subi %add3A_362, %sub3A_363 : i32
      %dma_start3A_365 = arith.constant 0 : i32
      %dma_start3A_366 = tpu.memref_slice %arg6[%sub3A_364, %dma_start3A_365] : memref<40x64xi32, #tpu.memory_space<vmem>> -> memref<1x64xi32, #tpu.memory_space<vmem>>
      %dma_start3A_367 = tpu.memref_squeeze %dma_start3A_366 : memref<1x64xi32, #tpu.memory_space<vmem>> -> memref<64xi32, #tpu.memory_space<vmem>>
      %dma_start3A_368 = arith.constant 0 : i32
      %dma_start3A_369 = arith.constant 0 : i32
      %dma_start3A_370 = tpu.memref_slice %arg4[%dma_start3A_368, %dma_start3A_369] : memref<10000x128xf32, #tpu.memory_space<hbm>> -> memref<10000x128xf32, #tpu.memory_space<hbm>>
      tpu.enqueue_indirect_dma source(%dma_start3A_370 : memref<10000x128xf32, #tpu.memory_space<hbm>>) target(%arg10 : memref<64x128xf32, #tpu.memory_space<vmem>>) offsets(%dma_start3A_367 : memref<64xi32, #tpu.memory_space<vmem>>) semaphore(%arg15 : memref<!tpu.dma_semaphore, #tpu.memory_space<semaphore_mem>>)
      "tpu.region"() ({
        %run_scoped3A_371 = tpu.sem_alloc : memref<!tpu.dma_semaphore, #tpu.memory_space<semaphore_mem>>
        %dma_start3A_372 = arith.constant 0 : i32
        %dma_start3A_373 = tpu.memref_slice %arg7[%add3A_354, %dma_start3A_372] : memref<40x64xi32, #tpu.memory_space<vmem>> -> memref<1x64xi32, #tpu.memory_space<vmem>>
        %dma_start3A_374 = tpu.memref_squeeze %dma_start3A_373 : memref<1x64xi32, #tpu.memory_space<vmem>> -> memref<64xi32, #tpu.memory_space<vmem>>
        %dma_start3A_375 = arith.constant 0 : i32
        %dma_start3A_376 = arith.constant 0 : i32
        %dma_start3A_377 = tpu.memref_slice %arg12[%dma_start3A_375, %dma_start3A_376] : memref<10112x128xf32, #tpu.memory_space<vmem_shared>> -> memref<10112x128xf32, #tpu.memory_space<vmem_shared>>
        tpu.enqueue_indirect_dma source(%arg11 : memref<64x128xf32, #tpu.memory_space<vmem>>) target(%dma_start3A_377 : memref<10112x128xf32, #tpu.memory_space<vmem_shared>>) offsets(%dma_start3A_374 : memref<64xi32, #tpu.memory_space<vmem>>) semaphore(%run_scoped3A_371 : memref<!tpu.dma_semaphore, #tpu.memory_space<semaphore_mem>>) {add = true}
        %dma_wait3A_378 = arith.constant 0 : i32
        %dma_wait3A_379 = tpu.memref_slice %arg7[%add3A_354, %dma_wait3A_378] : memref<40x64xi32, #tpu.memory_space<vmem>> -> memref<1x64xi32, #tpu.memory_space<vmem>>
        %dma_wait3A_380 = tpu.memref_squeeze %dma_wait3A_379 : memref<1x64xi32, #tpu.memory_space<vmem>> -> memref<64xi32, #tpu.memory_space<vmem>>
        %dma_wait3A_381 = arith.constant 0 : i32
        %dma_wait3A_382 = arith.constant 0 : i32
        %dma_wait3A_383 = tpu.memref_slice %arg12[%dma_wait3A_381, %dma_wait3A_382] : memref<10112x128xf32, #tpu.memory_space<vmem_shared>> -> memref<10112x128xf32, #tpu.memory_space<vmem_shared>>
        tpu.wait_indirect_dma semaphore(%run_scoped3A_371 : memref<!tpu.dma_semaphore, #tpu.memory_space<semaphore_mem>>) src(%arg11 : memref<64x128xf32, #tpu.memory_space<vmem>>) dst(%dma_wait3A_383 : memref<10112x128xf32, #tpu.memory_space<vmem_shared>>)
        tpu.yield
      }) : () -> ()
    }
    %scan3A_250 = arith.constant 9 : i32
    %dma_wait3A_251 = arith.constant 36 : i32
    %dma_wait3A_252 = arith.constant 0 : i32
    %dma_wait3A_253 = tpu.memref_slice %arg6[%dma_wait3A_251, %dma_wait3A_252] : memref<40x64xi32, #tpu.memory_space<vmem>> -> memref<1x64xi32, #tpu.memory_space<vmem>>
    %dma_wait3A_254 = tpu.memref_squeeze %dma_wait3A_253 : memref<1x64xi32, #tpu.memory_space<vmem>> -> memref<64xi32, #tpu.memory_space<vmem>>
    %dma_wait3A_255 = arith.constant 0 : i32
    %dma_wait3A_256 = arith.constant 0 : i32
    %dma_wait3A_257 = tpu.memref_slice %arg4[%dma_wait3A_255, %dma_wait3A_256] : memref<10000x128xf32, #tpu.memory_space<hbm>> -> memref<10000x128xf32, #tpu.memory_space<hbm>>
    tpu.wait_indirect_dma semaphore(%arg13 : memref<!tpu.dma_semaphore, #tpu.memory_space<semaphore_mem>>) src(%dma_wait3A_257 : memref<10000x128xf32, #tpu.memory_space<hbm>>) dst(%arg8 : memref<64x128xf32, #tpu.memory_space<vmem>>)
    %dma_start3A_258 = arith.constant 39 : i32
    %dma_start3A_259 = arith.constant 0 : i32
    %dma_start3A_260 = tpu.memref_slice %arg6[%dma_start3A_258, %dma_start3A_259] : memref<40x64xi32, #tpu.memory_space<vmem>> -> memref<1x64xi32, #tpu.memory_space<vmem>>
    %dma_start3A_261 = tpu.memref_squeeze %dma_start3A_260 : memref<1x64xi32, #tpu.memory_space<vmem>> -> memref<64xi32, #tpu.memory_space<vmem>>
    %dma_start3A_262 = arith.constant 0 : i32
    %dma_start3A_263 = arith.constant 0 : i32
    %dma_start3A_264 = tpu.memref_slice %arg4[%dma_start3A_262, %dma_start3A_263] : memref<10000x128xf32, #tpu.memory_space<hbm>> -> memref<10000x128xf32, #tpu.memory_space<hbm>>
    tpu.enqueue_indirect_dma source(%dma_start3A_264 : memref<10000x128xf32, #tpu.memory_space<hbm>>) target(%arg11 : memref<64x128xf32, #tpu.memory_space<vmem>>) offsets(%dma_start3A_261 : memref<64xi32, #tpu.memory_space<vmem>>) semaphore(%arg16 : memref<!tpu.dma_semaphore, #tpu.memory_space<semaphore_mem>>)
    %run_scoped3A_265 = arith.constant 36 : i32
    "tpu.region"() ({
      %run_scoped3A_291 = tpu.sem_alloc : memref<!tpu.dma_semaphore, #tpu.memory_space<semaphore_mem>>
      %dma_start3A_292 = arith.constant 0 : i32
      %dma_start3A_293 = tpu.memref_slice %arg7[%run_scoped3A_265, %dma_start3A_292] : memref<40x64xi32, #tpu.memory_space<vmem>> -> memref<1x64xi32, #tpu.memory_space<vmem>>
      %dma_start3A_294 = tpu.memref_squeeze %dma_start3A_293 : memref<1x64xi32, #tpu.memory_space<vmem>> -> memref<64xi32, #tpu.memory_space<vmem>>
      %dma_start3A_295 = arith.constant 0 : i32
      %dma_start3A_296 = arith.constant 0 : i32
      %dma_start3A_297 = tpu.memref_slice %arg12[%dma_start3A_295, %dma_start3A_296] : memref<10112x128xf32, #tpu.memory_space<vmem_shared>> -> memref<10112x128xf32, #tpu.memory_space<vmem_shared>>
      tpu.enqueue_indirect_dma source(%arg8 : memref<64x128xf32, #tpu.memory_space<vmem>>) target(%dma_start3A_297 : memref<10112x128xf32, #tpu.memory_space<vmem_shared>>) offsets(%dma_start3A_294 : memref<64xi32, #tpu.memory_space<vmem>>) semaphore(%run_scoped3A_291 : memref<!tpu.dma_semaphore, #tpu.memory_space<semaphore_mem>>) {add = true}
      %dma_wait3A_298 = arith.constant 0 : i32
      %dma_wait3A_299 = tpu.memref_slice %arg7[%run_scoped3A_265, %dma_wait3A_298] : memref<40x64xi32, #tpu.memory_space<vmem>> -> memref<1x64xi32, #tpu.memory_space<vmem>>
      %dma_wait3A_300 = tpu.memref_squeeze %dma_wait3A_299 : memref<1x64xi32, #tpu.memory_space<vmem>> -> memref<64xi32, #tpu.memory_space<vmem>>
      %dma_wait3A_301 = arith.constant 0 : i32
      %dma_wait3A_302 = arith.constant 0 : i32
      %dma_wait3A_303 = tpu.memref_slice %arg12[%dma_wait3A_301, %dma_wait3A_302] : memref<10112x128xf32, #tpu.memory_space<vmem_shared>> -> memref<10112x128xf32, #tpu.memory_space<vmem_shared>>
      tpu.wait_indirect_dma semaphore(%run_scoped3A_291 : memref<!tpu.dma_semaphore, #tpu.memory_space<semaphore_mem>>) src(%arg8 : memref<64x128xf32, #tpu.memory_space<vmem>>) dst(%dma_wait3A_303 : memref<10112x128xf32, #tpu.memory_space<vmem_shared>>)
      tpu.yield
    }) : () -> ()
    %dma_wait3A_266 = arith.constant 37 : i32
    %dma_wait3A_267 = arith.constant 0 : i32
    %dma_wait3A_268 = tpu.memref_slice %arg6[%dma_wait3A_266, %dma_wait3A_267] : memref<40x64xi32, #tpu.memory_space<vmem>> -> memref<1x64xi32, #tpu.memory_space<vmem>>
    %dma_wait3A_269 = tpu.memref_squeeze %dma_wait3A_268 : memref<1x64xi32, #tpu.memory_space<vmem>> -> memref<64xi32, #tpu.memory_space<vmem>>
    %dma_wait3A_270 = arith.constant 0 : i32
    %dma_wait3A_271 = arith.constant 0 : i32
    %dma_wait3A_272 = tpu.memref_slice %arg4[%dma_wait3A_270, %dma_wait3A_271] : memref<10000x128xf32, #tpu.memory_space<hbm>> -> memref<10000x128xf32, #tpu.memory_space<hbm>>
    tpu.wait_indirect_dma semaphore(%arg14 : memref<!tpu.dma_semaphore, #tpu.memory_space<semaphore_mem>>) src(%dma_wait3A_272 : memref<10000x128xf32, #tpu.memory_space<hbm>>) dst(%arg9 : memref<64x128xf32, #tpu.memory_space<vmem>>)
    %run_scoped3A_273 = arith.constant 37 : i32
    "tpu.region"() ({
      %run_scoped3A_291 = tpu.sem_alloc : memref<!tpu.dma_semaphore, #tpu.memory_space<semaphore_mem>>
      %dma_start3A_292 = arith.constant 0 : i32
      %dma_start3A_293 = tpu.memref_slice %arg7[%run_scoped3A_273, %dma_start3A_292] : memref<40x64xi32, #tpu.memory_space<vmem>> -> memref<1x64xi32, #tpu.memory_space<vmem>>
      %dma_start3A_294 = tpu.memref_squeeze %dma_start3A_293 : memref<1x64xi32, #tpu.memory_space<vmem>> -> memref<64xi32, #tpu.memory_space<vmem>>
      %dma_start3A_295 = arith.constant 0 : i32
      %dma_start3A_296 = arith.constant 0 : i32
      %dma_start3A_297 = tpu.memref_slice %arg12[%dma_start3A_295, %dma_start3A_296] : memref<10112x128xf32, #tpu.memory_space<vmem_shared>> -> memref<10112x128xf32, #tpu.memory_space<vmem_shared>>
      tpu.enqueue_indirect_dma source(%arg9 : memref<64x128xf32, #tpu.memory_space<vmem>>) target(%dma_start3A_297 : memref<10112x128xf32, #tpu.memory_space<vmem_shared>>) offsets(%dma_start3A_294 : memref<64xi32, #tpu.memory_space<vmem>>) semaphore(%run_scoped3A_291 : memref<!tpu.dma_semaphore, #tpu.memory_space<semaphore_mem>>) {add = true}
      %dma_wait3A_298 = arith.constant 0 : i32
      %dma_wait3A_299 = tpu.memref_slice %arg7[%run_scoped3A_273, %dma_wait3A_298] : memref<40x64xi32, #tpu.memory_space<vmem>> -> memref<1x64xi32, #tpu.memory_space<vmem>>
      %dma_wait3A_300 = tpu.memref_squeeze %dma_wait3A_299 : memref<1x64xi32, #tpu.memory_space<vmem>> -> memref<64xi32, #tpu.memory_space<vmem>>
      %dma_wait3A_301 = arith.constant 0 : i32
      %dma_wait3A_302 = arith.constant 0 : i32
      %dma_wait3A_303 = tpu.memref_slice %arg12[%dma_wait3A_301, %dma_wait3A_302] : memref<10112x128xf32, #tpu.memory_space<vmem_shared>> -> memref<10112x128xf32, #tpu.memory_space<vmem_shared>>
      tpu.wait_indirect_dma semaphore(%run_scoped3A_291 : memref<!tpu.dma_semaphore, #tpu.memory_space<semaphore_mem>>) src(%arg9 : memref<64x128xf32, #tpu.memory_space<vmem>>) dst(%dma_wait3A_303 : memref<10112x128xf32, #tpu.memory_space<vmem_shared>>)
      tpu.yield
    }) : () -> ()
    %dma_wait3A_274 = arith.constant 38 : i32
    %dma_wait3A_275 = arith.constant 0 : i32
    %dma_wait3A_276 = tpu.memref_slice %arg6[%dma_wait3A_274, %dma_wait3A_275] : memref<40x64xi32, #tpu.memory_space<vmem>> -> memref<1x64xi32, #tpu.memory_space<vmem>>
    %dma_wait3A_277 = tpu.memref_squeeze %dma_wait3A_276 : memref<1x64xi32, #tpu.memory_space<vmem>> -> memref<64xi32, #tpu.memory_space<vmem>>
    %dma_wait3A_278 = arith.constant 0 : i32
    %dma_wait3A_279 = arith.constant 0 : i32
    %dma_wait3A_280 = tpu.memref_slice %arg4[%dma_wait3A_278, %dma_wait3A_279] : memref<10000x128xf32, #tpu.memory_space<hbm>> -> memref<10000x128xf32, #tpu.memory_space<hbm>>
    tpu.wait_indirect_dma semaphore(%arg15 : memref<!tpu.dma_semaphore, #tpu.memory_space<semaphore_mem>>) src(%dma_wait3A_280 : memref<10000x128xf32, #tpu.memory_space<hbm>>) dst(%arg10 : memref<64x128xf32, #tpu.memory_space<vmem>>)
    %run_scoped3A_281 = arith.constant 38 : i32
    "tpu.region"() ({
      %run_scoped3A_291 = tpu.sem_alloc : memref<!tpu.dma_semaphore, #tpu.memory_space<semaphore_mem>>
      %dma_start3A_292 = arith.constant 0 : i32
      %dma_start3A_293 = tpu.memref_slice %arg7[%run_scoped3A_281, %dma_start3A_292] : memref<40x64xi32, #tpu.memory_space<vmem>> -> memref<1x64xi32, #tpu.memory_space<vmem>>
      %dma_start3A_294 = tpu.memref_squeeze %dma_start3A_293 : memref<1x64xi32, #tpu.memory_space<vmem>> -> memref<64xi32, #tpu.memory_space<vmem>>
      %dma_start3A_295 = arith.constant 0 : i32
      %dma_start3A_296 = arith.constant 0 : i32
      %dma_start3A_297 = tpu.memref_slice %arg12[%dma_start3A_295, %dma_start3A_296] : memref<10112x128xf32, #tpu.memory_space<vmem_shared>> -> memref<10112x128xf32, #tpu.memory_space<vmem_shared>>
      tpu.enqueue_indirect_dma source(%arg10 : memref<64x128xf32, #tpu.memory_space<vmem>>) target(%dma_start3A_297 : memref<10112x128xf32, #tpu.memory_space<vmem_shared>>) offsets(%dma_start3A_294 : memref<64xi32, #tpu.memory_space<vmem>>) semaphore(%run_scoped3A_291 : memref<!tpu.dma_semaphore, #tpu.memory_space<semaphore_mem>>) {add = true}
      %dma_wait3A_298 = arith.constant 0 : i32
      %dma_wait3A_299 = tpu.memref_slice %arg7[%run_scoped3A_281, %dma_wait3A_298] : memref<40x64xi32, #tpu.memory_space<vmem>> -> memref<1x64xi32, #tpu.memory_space<vmem>>
      %dma_wait3A_300 = tpu.memref_squeeze %dma_wait3A_299 : memref<1x64xi32, #tpu.memory_space<vmem>> -> memref<64xi32, #tpu.memory_space<vmem>>
      %dma_wait3A_301 = arith.constant 0 : i32
      %dma_wait3A_302 = arith.constant 0 : i32
      %dma_wait3A_303 = tpu.memref_slice %arg12[%dma_wait3A_301, %dma_wait3A_302] : memref<10112x128xf32, #tpu.memory_space<vmem_shared>> -> memref<10112x128xf32, #tpu.memory_space<vmem_shared>>
      tpu.wait_indirect_dma semaphore(%run_scoped3A_291 : memref<!tpu.dma_semaphore, #tpu.memory_space<semaphore_mem>>) src(%arg10 : memref<64x128xf32, #tpu.memory_space<vmem>>) dst(%dma_wait3A_303 : memref<10112x128xf32, #tpu.memory_space<vmem_shared>>)
      tpu.yield
    }) : () -> ()
    %dma_wait3A_282 = arith.constant 39 : i32
    %dma_wait3A_283 = arith.constant 0 : i32
    %dma_wait3A_284 = tpu.memref_slice %arg6[%dma_wait3A_282, %dma_wait3A_283] : memref<40x64xi32, #tpu.memory_space<vmem>> -> memref<1x64xi32, #tpu.memory_space<vmem>>
    %dma_wait3A_285 = tpu.memref_squeeze %dma_wait3A_284 : memref<1x64xi32, #tpu.memory_space<vmem>> -> memref<64xi32, #tpu.memory_space<vmem>>
    %dma_wait3A_286 = arith.constant 0 : i32
    %dma_wait3A_287 = arith.constant 0 : i32
    %dma_wait3A_288 = tpu.memref_slice %arg4[%dma_wait3A_286, %dma_wait3A_287] : memref<10000x128xf32, #tpu.memory_space<hbm>> -> memref<10000x128xf32, #tpu.memory_space<hbm>>
    tpu.wait_indirect_dma semaphore(%arg16 : memref<!tpu.dma_semaphore, #tpu.memory_space<semaphore_mem>>) src(%dma_wait3A_288 : memref<10000x128xf32, #tpu.memory_space<hbm>>) dst(%arg11 : memref<64x128xf32, #tpu.memory_space<vmem>>)
    %run_scoped3A_289 = arith.constant 39 : i32
    "tpu.region"() ({
      %run_scoped3A_291 = tpu.sem_alloc : memref<!tpu.dma_semaphore, #tpu.memory_space<semaphore_mem>>
      %dma_start3A_292 = arith.constant 0 : i32
      %dma_start3A_293 = tpu.memref_slice %arg7[%run_scoped3A_289, %dma_start3A_292] : memref<40x64xi32, #tpu.memory_space<vmem>> -> memref<1x64xi32, #tpu.memory_space<vmem>>
      %dma_start3A_294 = tpu.memref_squeeze %dma_start3A_293 : memref<1x64xi32, #tpu.memory_space<vmem>> -> memref<64xi32, #tpu.memory_space<vmem>>
      %dma_start3A_295 = arith.constant 0 : i32
      %dma_start3A_296 = arith.constant 0 : i32
      %dma_start3A_297 = tpu.memref_slice %arg12[%dma_start3A_295, %dma_start3A_296] : memref<10112x128xf32, #tpu.memory_space<vmem_shared>> -> memref<10112x128xf32, #tpu.memory_space<vmem_shared>>
      tpu.enqueue_indirect_dma source(%arg11 : memref<64x128xf32, #tpu.memory_space<vmem>>) target(%dma_start3A_297 : memref<10112x128xf32, #tpu.memory_space<vmem_shared>>) offsets(%dma_start3A_294 : memref<64xi32, #tpu.memory_space<vmem>>) semaphore(%run_scoped3A_291 : memref<!tpu.dma_semaphore, #tpu.memory_space<semaphore_mem>>) {add = true}
      %dma_wait3A_298 = arith.constant 0 : i32
      %dma_wait3A_299 = tpu.memref_slice %arg7[%run_scoped3A_289, %dma_wait3A_298] : memref<40x64xi32, #tpu.memory_space<vmem>> -> memref<1x64xi32, #tpu.memory_space<vmem>>
      %dma_wait3A_300 = tpu.memref_squeeze %dma_wait3A_299 : memref<1x64xi32, #tpu.memory_space<vmem>> -> memref<64xi32, #tpu.memory_space<vmem>>
      %dma_wait3A_301 = arith.constant 0 : i32
      %dma_wait3A_302 = arith.constant 0 : i32
      %dma_wait3A_303 = tpu.memref_slice %arg12[%dma_wait3A_301, %dma_wait3A_302] : memref<10112x128xf32, #tpu.memory_space<vmem_shared>> -> memref<10112x128xf32, #tpu.memory_space<vmem_shared>>
      tpu.wait_indirect_dma semaphore(%run_scoped3A_291 : memref<!tpu.dma_semaphore, #tpu.memory_space<semaphore_mem>>) src(%arg11 : memref<64x128xf32, #tpu.memory_space<vmem>>) dst(%dma_wait3A_303 : memref<10112x128xf32, #tpu.memory_space<vmem_shared>>)
      tpu.yield
    }) : () -> ()
    %barrier3A_290 = arith.constant 0 : index
    tpu.barrier barrier_id(%barrier3A_290)
    "tpu.region"() ({
      %run_scoped3A_291 = tpu.sem_alloc : memref<!tpu.dma_semaphore, #tpu.memory_space<semaphore_mem>>
      %dma_start3A_292 = arith.constant 0 : i32
      %dma_start3A_293 = tpu.memref_slice %arg5[%arg0, %mul3A_2, %dma_start3A_292] : memref<2x10112x128xf32, #tpu.memory_space<hbm>> -> memref<1x632x128xf32, #tpu.memory_space<hbm>>
      %dma_start3A_294 = tpu.memref_squeeze %dma_start3A_293 : memref<1x632x128xf32, #tpu.memory_space<hbm>> -> memref<632x128xf32, #tpu.memory_space<hbm>>
      %dma_start3A_295 = arith.constant 0 : i32
      %dma_start3A_296 = tpu.memref_slice %arg12[%mul3A_2, %dma_start3A_295] : memref<10112x128xf32, #tpu.memory_space<vmem_shared>> -> memref<632x128xf32, #tpu.memory_space<vmem_shared>>
      tpu.enqueue_dma source(%dma_start3A_296 : memref<632x128xf32, #tpu.memory_space<vmem_shared>>) target(%dma_start3A_294 : memref<632x128xf32, #tpu.memory_space<hbm>>) target_semaphore(%run_scoped3A_291 : memref<!tpu.dma_semaphore, #tpu.memory_space<semaphore_mem>>)
      %dma_wait3A_297 = arith.constant 0 : i32
      %dma_wait3A_298 = tpu.memref_slice %arg5[%arg0, %mul3A_2, %dma_wait3A_297] : memref<2x10112x128xf32, #tpu.memory_space<hbm>> -> memref<1x632x128xf32, #tpu.memory_space<hbm>>
      %dma_wait3A_299 = tpu.memref_squeeze %dma_wait3A_298 : memref<1x632x128xf32, #tpu.memory_space<hbm>> -> memref<632x128xf32, #tpu.memory_space<hbm>>
      %dma_wait3A_300 = arith.constant 0 : i32
      %dma_wait3A_301 = tpu.memref_slice %arg12[%mul3A_2, %dma_wait3A_300] : memref<10112x128xf32, #tpu.memory_space<vmem_shared>> -> memref<632x128xf32, #tpu.memory_space<vmem_shared>>
      tpu.wait_dma2 semaphore(%run_scoped3A_291 : memref<!tpu.dma_semaphore, #tpu.memory_space<semaphore_mem>>) src(%dma_wait3A_301 : memref<632x128xf32, #tpu.memory_space<vmem_shared>>) dst(%dma_wait3A_299 : memref<632x128xf32, #tpu.memory_space<hbm>>)
      tpu.yield
    }) : () -> ()
    return
  }
}

module attributes {stable_mosaic.version = 14 : i64} {
  func.func @_mm_body(%arg0: i32, %arg1: memref<2x1000x128xf32, #tpu.memory_space<vmem>>, %arg2: memref<1000x128xf32, #tpu.memory_space<vmem>>, %arg3: memref<128x128xf32, #tpu.memory_space<vmem>>, %arg4: memref<128x128xf32, #tpu.memory_space<vmem>>, %arg5: memref<1x128xf32, #tpu.memory_space<vmem>>, %arg6: memref<1000x128xf32, #tpu.memory_space<vmem>>) attributes {dimension_semantics = [#tpu.dimension_semantics<arbitrary>], iteration_bounds = array<i64: 10>, scalar_prefetch = 0 : i64, scratch_operands = 0 : i64, tpu.core_type = #tpu.core_type<tc>, window_params = [{transform_indices = @transform_0, window_bounds = array<i64: 2, 1000, 128>}, {transform_indices = @transform_1, window_bounds = array<i64: 1000, 128>}, {pipeline_mode = #tpu.pipeline_mode<synchronous>, transform_indices = @transform_2, window_bounds = array<i64: 128, 128>}, {pipeline_mode = #tpu.pipeline_mode<synchronous>, transform_indices = @transform_3, window_bounds = array<i64: 128, 128>}, {pipeline_mode = #tpu.pipeline_mode<synchronous>, transform_indices = @transform_4, window_bounds = array<i64: 1, 128>}, {transform_indices = @transform_5, window_bounds = array<i64: 1000, 128>}]} {
    %get3A = arith.constant 0 : index
    %get3A_0 = arith.constant 0 : index
    %get3A_1 = arith.constant 0 : index
    %get3A_2 = vector.load %arg1[%get3A, %get3A_0, %get3A_1] : memref<2x1000x128xf32, #tpu.memory_space<vmem>>, vector<1x1000x128xf32>
    %get3A_3 = vector.shape_cast %get3A_2 : vector<1x1000x128xf32> to vector<1000x128xf32>
    %get3A_4 = arith.constant 1 : index
    %get3A_5 = arith.constant 0 : index
    %get3A_6 = arith.constant 0 : index
    %get3A_7 = vector.load %arg1[%get3A_4, %get3A_5, %get3A_6] : memref<2x1000x128xf32, #tpu.memory_space<vmem>>, vector<1x1000x128xf32>
    %get3A_8 = vector.shape_cast %get3A_7 : vector<1x1000x128xf32> to vector<1000x128xf32>
    %add3A = arith.addf %get3A_3, %get3A_8 : vector<1000x128xf32>
    %get3A_9 = arith.constant 0 : index
    %get3A_10 = arith.constant 0 : index
    %get3A_11 = vector.load %arg3[%get3A_9, %get3A_10] : memref<128x128xf32, #tpu.memory_space<vmem>>, vector<128x128xf32>
    %dot_general3A = arith.constant dense<0.000000e+00> : vector<1000x128xf32>
    %dot_general3A_12 = tpu.matmul %add3A, %get3A_11, %dot_general3A {dimension_numbers = #tpu.dot_dimension_numbers<[1], [0], [0], [1], [0, 0, 1, 1], [], []>, transpose_lhs_hint = false} : vector<1000x128xf32>, vector<128x128xf32>, vector<1000x128xf32> -> vector<1000x128xf32>
    %get3A_13 = arith.constant 0 : index
    %get3A_14 = arith.constant 0 : index
    %get3A_15 = vector.load %arg2[%get3A_13, %get3A_14] : memref<1000x128xf32, #tpu.memory_space<vmem>>, vector<1000x128xf32>
    %get3A_16 = arith.constant 0 : index
    %get3A_17 = arith.constant 0 : index
    %get3A_18 = vector.load %arg4[%get3A_16, %get3A_17] : memref<128x128xf32, #tpu.memory_space<vmem>>, vector<128x128xf32>
    %dot_general3A_19 = arith.constant dense<0.000000e+00> : vector<1000x128xf32>
    %dot_general3A_20 = tpu.matmul %get3A_15, %get3A_18, %dot_general3A_19 {dimension_numbers = #tpu.dot_dimension_numbers<[1], [0], [0], [1], [0, 0, 1, 1], [], []>, transpose_lhs_hint = false} : vector<1000x128xf32>, vector<128x128xf32>, vector<1000x128xf32> -> vector<1000x128xf32>
    %add3A_21 = arith.addf %dot_general3A_12, %dot_general3A_20 : vector<1000x128xf32>
    %get3A_22 = arith.constant 0 : index
    %get3A_23 = arith.constant 0 : index
    %get3A_24 = vector.load %arg5[%get3A_22, %get3A_23] : memref<1x128xf32, #tpu.memory_space<vmem>>, vector<1x128xf32>
    %add3A_25 = vector.broadcast %get3A_24 : vector<1x128xf32> to vector<1000x128xf32>
    %add3A_26 = arith.addf %add3A_21, %add3A_25 : vector<1000x128xf32>
    %ge3A = arith.constant 0.000000e+00 : f32
    %ge3A_27 = vector.broadcast %ge3A : f32 to vector<1000x128xf32>
    %ge3A_28 = arith.cmpf oge, %add3A_26, %ge3A_27 : vector<1000x128xf32>
    %mul3A = arith.constant 1.000000e-01 : f32
    %mul3A_29 = vector.broadcast %mul3A : f32 to vector<1000x128xf32>
    %mul3A_30 = arith.mulf %mul3A_29, %add3A_26 : vector<1000x128xf32>
    %select_n3A = arith.select %ge3A_28, %add3A_26, %mul3A_30 : vector<1000x128xi1>, vector<1000x128xf32>
    %swap3A = arith.constant 0 : index
    %swap3A_31 = arith.constant 0 : index
    %swap3A_32 = vector.load %arg6[%swap3A, %swap3A_31] : memref<1000x128xf32, #tpu.memory_space<vmem>>, vector<1000x128xf32>
    tpu.vector_store %arg6[%swap3A, %swap3A_31], %select_n3A {strides = array<i32>} : memref<1000x128xf32, #tpu.memory_space<vmem>>, vector<1000x128xf32>,
    return
  }
  func.func @transform_0(%arg0: i32) -> (i32, i32, i32) {
    %c0_i32 = arith.constant 0 : i32
    %c0_i32_0 = arith.constant 0 : i32
    %c0_i32_1 = arith.constant 0 : i32
    return %c0_i32, %arg0, %c0_i32_0 : i32, i32, i32
  }
  func.func @transform_1(%arg0: i32) -> (i32, i32) {
    %c0_i32 = arith.constant 0 : i32
    %c0_i32_0 = arith.constant 0 : i32
    return %arg0, %c0_i32 : i32, i32
  }
  func.func @transform_2(%arg0: i32) -> (i32, i32) {
    %c0_i32 = arith.constant 0 : i32
    %c0_i32_0 = arith.constant 0 : i32
    %c0_i32_1 = arith.constant 0 : i32
    return %c0_i32, %c0_i32_0 : i32, i32
  }
  func.func @transform_3(%arg0: i32) -> (i32, i32) {
    %c0_i32 = arith.constant 0 : i32
    %c0_i32_0 = arith.constant 0 : i32
    %c0_i32_1 = arith.constant 0 : i32
    return %c0_i32, %c0_i32_0 : i32, i32
  }
  func.func @transform_4(%arg0: i32) -> (i32, i32) {
    %c0_i32 = arith.constant 0 : i32
    %c0_i32_0 = arith.constant 0 : i32
    %c0_i32_1 = arith.constant 0 : i32
    return %c0_i32, %c0_i32_0 : i32, i32
  }
  func.func @transform_5(%arg0: i32) -> (i32, i32) {
    %c0_i32 = arith.constant 0 : i32
    %c0_i32_0 = arith.constant 0 : i32
    return %arg0, %c0_i32 : i32, i32
  }
}

module attributes {stable_mosaic.version = 14 : i64} {
  func.func @_mm_body(%arg0: i32, %arg1: memref<2x1000x128xf32, #tpu.memory_space<vmem>>, %arg2: memref<1000x128xf32, #tpu.memory_space<vmem>>, %arg3: memref<128x128xf32, #tpu.memory_space<vmem>>, %arg4: memref<128x128xf32, #tpu.memory_space<vmem>>, %arg5: memref<1x128xf32, #tpu.memory_space<vmem>>, %arg6: memref<1000x128xf32, #tpu.memory_space<vmem>>) attributes {dimension_semantics = [#tpu.dimension_semantics<arbitrary>], iteration_bounds = array<i64: 10>, scalar_prefetch = 0 : i64, scratch_operands = 0 : i64, tpu.core_type = #tpu.core_type<tc>, window_params = [{transform_indices = @transform_0, window_bounds = array<i64: 2, 1000, 128>}, {transform_indices = @transform_1, window_bounds = array<i64: 1000, 128>}, {pipeline_mode = #tpu.pipeline_mode<synchronous>, transform_indices = @transform_2, window_bounds = array<i64: 128, 128>}, {pipeline_mode = #tpu.pipeline_mode<synchronous>, transform_indices = @transform_3, window_bounds = array<i64: 128, 128>}, {pipeline_mode = #tpu.pipeline_mode<synchronous>, transform_indices = @transform_4, window_bounds = array<i64: 1, 128>}, {transform_indices = @transform_5, window_bounds = array<i64: 1000, 128>}]} {
    %get3A = arith.constant 0 : index
    %get3A_0 = arith.constant 0 : index
    %get3A_1 = arith.constant 0 : index
    %get3A_2 = vector.load %arg1[%get3A, %get3A_0, %get3A_1] : memref<2x1000x128xf32, #tpu.memory_space<vmem>>, vector<1x1000x128xf32>
    %get3A_3 = vector.shape_cast %get3A_2 : vector<1x1000x128xf32> to vector<1000x128xf32>
    %get3A_4 = arith.constant 1 : index
    %get3A_5 = arith.constant 0 : index
    %get3A_6 = arith.constant 0 : index
    %get3A_7 = vector.load %arg1[%get3A_4, %get3A_5, %get3A_6] : memref<2x1000x128xf32, #tpu.memory_space<vmem>>, vector<1x1000x128xf32>
    %get3A_8 = vector.shape_cast %get3A_7 : vector<1x1000x128xf32> to vector<1000x128xf32>
    %add3A = arith.addf %get3A_3, %get3A_8 : vector<1000x128xf32>
    %get3A_9 = arith.constant 0 : index
    %get3A_10 = arith.constant 0 : index
    %get3A_11 = vector.load %arg3[%get3A_9, %get3A_10] : memref<128x128xf32, #tpu.memory_space<vmem>>, vector<128x128xf32>
    %dot_general3A = arith.constant dense<0.000000e+00> : vector<1000x128xf32>
    %dot_general3A_12 = tpu.matmul %add3A, %get3A_11, %dot_general3A {dimension_numbers = #tpu.dot_dimension_numbers<[1], [0], [0], [1], [0, 0, 1, 1], [], []>, transpose_lhs_hint = false} : vector<1000x128xf32>, vector<128x128xf32>, vector<1000x128xf32> -> vector<1000x128xf32>
    %get3A_13 = arith.constant 0 : index
    %get3A_14 = arith.constant 0 : index
    %get3A_15 = vector.load %arg2[%get3A_13, %get3A_14] : memref<1000x128xf32, #tpu.memory_space<vmem>>, vector<1000x128xf32>
    %get3A_16 = arith.constant 0 : index
    %get3A_17 = arith.constant 0 : index
    %get3A_18 = vector.load %arg4[%get3A_16, %get3A_17] : memref<128x128xf32, #tpu.memory_space<vmem>>, vector<128x128xf32>
    %dot_general3A_19 = arith.constant dense<0.000000e+00> : vector<1000x128xf32>
    %dot_general3A_20 = tpu.matmul %get3A_15, %get3A_18, %dot_general3A_19 {dimension_numbers = #tpu.dot_dimension_numbers<[1], [0], [0], [1], [0, 0, 1, 1], [], []>, transpose_lhs_hint = false} : vector<1000x128xf32>, vector<128x128xf32>, vector<1000x128xf32> -> vector<1000x128xf32>
    %add3A_21 = arith.addf %dot_general3A_12, %dot_general3A_20 : vector<1000x128xf32>
    %get3A_22 = arith.constant 0 : index
    %get3A_23 = arith.constant 0 : index
    %get3A_24 = vector.load %arg5[%get3A_22, %get3A_23] : memref<1x128xf32, #tpu.memory_space<vmem>>, vector<1x128xf32>
    %add3A_25 = vector.broadcast %get3A_24 : vector<1x128xf32> to vector<1000x128xf32>
    %add3A_26 = arith.addf %add3A_21, %add3A_25 : vector<1000x128xf32>
    %swap3A = arith.constant 0 : index
    %swap3A_27 = arith.constant 0 : index
    %swap3A_28 = vector.load %arg6[%swap3A, %swap3A_27] : memref<1000x128xf32, #tpu.memory_space<vmem>>, vector<1000x128xf32>
    tpu.vector_store %arg6[%swap3A, %swap3A_27], %add3A_26 {strides = array<i32>} : memref<1000x128xf32, #tpu.memory_space<vmem>>, vector<1000x128xf32>,
    return
  }
  func.func @transform_0(%arg0: i32) -> (i32, i32, i32) {
    %c0_i32 = arith.constant 0 : i32
    %c0_i32_0 = arith.constant 0 : i32
    %c0_i32_1 = arith.constant 0 : i32
    return %c0_i32, %arg0, %c0_i32_0 : i32, i32, i32
  }
  func.func @transform_1(%arg0: i32) -> (i32, i32) {
    %c0_i32 = arith.constant 0 : i32
    %c0_i32_0 = arith.constant 0 : i32
    return %arg0, %c0_i32 : i32, i32
  }
  func.func @transform_2(%arg0: i32) -> (i32, i32) {
    %c0_i32 = arith.constant 0 : i32
    %c0_i32_0 = arith.constant 0 : i32
    %c0_i32_1 = arith.constant 0 : i32
    return %c0_i32, %c0_i32_0 : i32, i32
  }
  func.func @transform_3(%arg0: i32) -> (i32, i32) {
    %c0_i32 = arith.constant 0 : i32
    %c0_i32_0 = arith.constant 0 : i32
    %c0_i32_1 = arith.constant 0 : i32
    return %c0_i32, %c0_i32_0 : i32, i32
  }
  func.func @transform_4(%arg0: i32) -> (i32, i32) {
    %c0_i32 = arith.constant 0 : i32
    %c0_i32_0 = arith.constant 0 : i32
    %c0_i32_1 = arith.constant 0 : i32
    return %c0_i32, %c0_i32_0 : i32, i32
  }
  func.func @transform_5(%arg0: i32) -> (i32, i32) {
    %c0_i32 = arith.constant 0 : i32
    %c0_i32_0 = arith.constant 0 : i32
    return %arg0, %c0_i32 : i32, i32
  }
}

</mosaic_0001>

<sc_bundles>
// kernel: kernel.6.cloned.1.call-start
scs
__scs_entry_jumppad:
0x0: {  	(pc) =	sbr.rel $0x88, $3  }
0x1: {  	(tag) =	ssettag $0x0;
	lr =	simm.s32 $0x1  }
0x2: {  	[smem:$0x3F97] =	sst lr;
	_ =	strace $0xD0000000  }
0x3: {  	_ = 	snop  }
0x4: {  	_ = 	snop  }
0x5: {  	_ = 	snop  }
0x6: {  	_ = 	snop  }
0x7: {  	_ = 	snop  }
__scs_overlays_trampoline_lowered:
0x8: {  	[smem:$0x3FA6] =	sst s0  }
0x9: {  	[smem:$0x3FA7] =	sst s1  }
0xa: {  	[smem:$0x3FA8] =	sst s2  }
0xb: {  	[smem:$0x3FA9] =	sst s3  }
0xc: {  	[smem:$0x3FAA] =	sst s4  }
0xd: {  	[smem:$0x3FAB] =	sst s5  }
0xe: {  	[smem:$0x3FAC] =	sst s6  }
0xf: {  	[smem:$0x3FAD] =	sst s7  }
0x10: {  	[smem:$0x3FAE] =	sst s8  }
0x11: {  	[smem:$0x3FAF] =	sst s9;
	s0 =	simm.s32 @!p0 $0x0  }
0x12: {  	s1 =	sld [smem:$0x3F95];
	s0 =	simm.s32 @p0 $0x1  }
0x13: {  	[smem:$0x3FB0] =	sst s0;
	s0 =	simm.s32 @!p1 $0x0  }
0x14: {  	s2 =	sld [smem:$0x3F94];
	s0 =	simm.s32 @p1 $0x1  }
0x15: {  	[smem:$0x3FB1] =	sst s0;
	s0 =	simm.s32 @!p2 $0x0  }
0x16: {  	s3 =	sld [smem:$0x3FDB];
	s0 =	simm.s32 @p2 $0x1  }
0x17: {  	s4 =	simm.s32 $0x1BF5;
	[smem:$0x3FB3] =	sst s0  }
0x18: {  	s0 =	sld [smem:$0x3F96];
	_ =	swait.ge [sflag:s4], $0x0  }
0x19: {  	s7 =	sld [smem:$0x3F97]  }
0x1a: {  	s8 =	sadd.s32 $0xFFFFE003, lr  }
0x1b: {  	s9 =	sadd.s32 $0xFFFFFEF7, lr;
	s5 =	simm.s32 $0xFFFFFFFF;
	p2 =	slt.u32 s8, $0xFFFFF086  }
0x1c: {  	p1 =	slt.u32 s9, $0xF7A;
	s5 =	simm.s32 @!p2 $0x0  }
0x1d: {  	s5 =	simm.s32 @p1 $0x1;
	p0 =	seq.s32 s7, s2  }
0x1e: {  	s7 =	smul.u32 @!p0 $0xF7A, s2;
	p2 =	seq.s32 @!p0 s5, $0x0  }
0x1f: {  	s9 =	smul.u32 $0xF7A, s1;
	s8 =	simm.s32 @!p0 $0x1BF5;
	p2 =	por !p2, p0  }
0x20: {  	[sflag:s8] =	ssyncset.s32 @!p0 $0xFFFFF086;
	s6 =	sadd.s32 @!p0 s3, s7;
	s7 =	simm.s32 @!p0 $0x108  }
0x21: {  	s3 =	sadd.s32 s3, s9;
	s6 =	sadd.s32 @!p0 $0x88, s6;
	s7 =	simm.s32 @p2 $0x1082  }
0x22: {  	[simem:s7], [sflag:s8] =	dma.local @!p0 [hbm:s6], $0xF7A  }
0x23: {  	s9 =	sor.u32 $0xD0000000, s2;
	s6 =	simm.s32 $0x108;
	_ =	swait.ge @!p0 [sflag:s8], $0x0  }
0x24: {  	s3 =	sadd.s32 $0x88, s3;
	s6 =	simm.s32 @!p1 $0x1082;
	[sflag:s4] =	ssyncset.s32 $0xFFFFF086  }
0x25: {  	[simem:s6], [sflag:s4] =	dma.local [hbm:s3], $0xF7A  }
0x26: {  	[smem:$0x3F97] =	sst s1;
	(tag) =	ssettag s2;
	_ =	strace s9  }
0x27: {  	s1 =	sld [smem:$0x3FA7]  }
0x28: {  	s2 =	sld [smem:$0x3FA8]  }
0x29: {  	s4 =	sld [smem:$0x3FAA]  }
0x2a: {  	p0 =	seq.s32 s5, $0x0;
	s5 =	sld [smem:$0x3FAB]  }
0x2b: {  	s6 =	sld [smem:$0x3FAC]  }
0x2c: {  	s7 =	sld [smem:$0x3FAD]  }
0x2d: {  	s3 =	simm.s32 $0x108;
	s8 =	sld [smem:$0x3FAE]  }
0x2e: {  	s3 =	simm.s32 @!p0 $0x1082;
	s9 =	sld [smem:$0x3FAF]  }
0x2f: {  	lr =	sadd.s32 s0, s3;
	s0 =	sld [smem:$0x3FA6]  }
0x30: {  	s3 =	sld [smem:$0x3FA9]  }
0x31: {  	[smem:$0x3FB2] =	sst s10  }
0x32: {  	s10 =	sld [smem:$0x3FB0];
	_ =	sdelay $0x3  }
0x33: {  	p0 =	seq.s32 s10, $0x1;
	s10 =	sld [smem:$0x3FB2];
	_ =	sdelay $0x3  }
0x34: {  	[smem:$0x3FB2] =	sst s10  }
0x35: {  	s10 =	sld [smem:$0x3FB1];
	_ =	sdelay $0x3  }
0x36: {  	p1 =	seq.s32 s10, $0x1;
	s10 =	sld [smem:$0x3FB2];
	_ =	sdelay $0x3  }
0x37: {  	[smem:$0x3FB2] =	sst s10  }
0x38: {  	s10 =	sld [smem:$0x3FB3]  }
0x39: {  	_ = 	snop;
	(pc) =	sbr.ind lr, $3  }
0x3a: {  	_ = 	snop  }
0x3b: {  	_ = 	snop  }
0x3c: {  	p2 =	seq.s32 s10, $0x1;
	s10 =	sld [smem:$0x3FB2]  }
0x3d: {  	_ =	shalt  }
0x3e: {  	_ =	shalt  }
0x3f: {  	_ =	shalt  }
0x40: {  	_ =	shalt  }
0x41: {  	_ =	shalt  }
0x42: {  	_ =	shalt  }
0x43: {  	_ =	shalt  }
0x44: {  	_ =	shalt  }
0x45: {  	_ =	shalt  }
0x46: {  	_ =	shalt  }
0x47: {  	_ =	shalt  }
0x48: {  	_ =	shalt  }
0x49: {  	_ =	shalt  }
0x4a: {  	_ =	shalt  }
0x4b: {  	_ =	shalt  }
0x4c: {  	_ =	shalt  }
0x4d: {  	_ =	shalt  }
0x4e: {  	_ =	shalt  }
0x4f: {  	_ =	shalt  }
0x50: {  	_ =	shalt  }
0x51: {  	_ =	shalt  }
0x52: {  	_ =	shalt  }
0x53: {  	_ =	shalt  }
0x54: {  	_ =	shalt  }
0x55: {  	_ =	shalt  }
0x56: {  	_ =	shalt  }
0x57: {  	_ =	shalt  }
0x58: {  	_ =	shalt  }
0x59: {  	_ =	shalt  }
0x5a: {  	_ =	shalt  }
0x5b: {  	_ =	shalt  }
0x5c: {  	_ =	shalt  }
0x5d: {  	_ =	shalt  }
0x5e: {  	_ =	shalt  }
0x5f: {  	_ =	shalt  }
0x60: {  	_ =	shalt  }
0x61: {  	_ =	shalt  }
0x62: {  	_ =	shalt  }
0x63: {  	_ =	shalt  }
0x64: {  	_ =	shalt  }
0x65: {  	_ =	shalt  }
0x66: {  	_ =	shalt  }
0x67: {  	_ =	shalt  }
0x68: {  	_ =	shalt  }
0x69: {  	_ =	shalt  }
0x6a: {  	_ =	shalt  }
0x6b: {  	_ =	shalt  }
0x6c: {  	_ =	shalt  }
0x6d: {  	_ =	shalt  }
0x6e: {  	_ =	shalt  }
0x6f: {  	_ =	shalt  }
0x70: {  	_ =	shalt  }
0x71: {  	_ =	shalt  }
0x72: {  	_ =	shalt  }
0x73: {  	_ =	shalt  }
0x74: {  	_ =	shalt  }
0x75: {  	_ =	shalt  }
0x76: {  	_ =	shalt  }
0x77: {  	_ =	shalt  }
0x78: {  	_ =	shalt  }
0x79: {  	_ =	shalt  }
0x7a: {  	_ =	shalt  }
0x7b: {  	_ =	shalt  }
0x7c: {  	_ =	shalt  }
0x7d: {  	_ =	shalt  }
0x7e: {  	_ =	shalt  }
0x7f: {  	_ =	shalt  }
0x80: {  	_ =	shalt  }
0x81: {  	_ =	shalt  }
0x82: {  	_ =	shalt  }
0x83: {  	_ =	shalt  }
0x84: {  	_ =	shalt  }
0x85: {  	_ =	shalt  }
0x86: {  	_ =	shalt  }
0x87: {  	_ =	shalt  }
.Lfunc_end0:
.L_simem_size_0:
called_computation_lowered:
.L_overlay_start_0:
0x88: {  	s2 =	sld [smem:$0x3FD9]  }
0x89: {  	s3 =	sld [smem:$0x3FFE];
	_ =	sdelay $0x1  }
0x8a: {  	s1 =	srdreg.scid  }
0x8b: {  	s0 =	sand.u32 $0x1, s1  }
0x8c: {  	s17 =	sshll.u32 s0, $0xA;
	s2 =	sadd.s32 s3, s2  }
0x8d: {  	s2 =	sadd.s32 s2, s17  }
0x8e: {  	[smem:$0x3FBE] =	sst s2  }
0x8f: {  	_ = 	snop  }
0x90: {  	s2 =	sld [smem:$0x3FC9];
	(tm) =	ssettm $0x1  }
0x91: {  	s18 =	sld [smem:$0x3FFB];
	_ =	sdelay $0x3  }
0x92: {  	_ =	strace s18  }
0x93: {  	s3 =	sld [smem:$0x3FFC];
	_ =	sdelay $0x3  }
0x94: {  	_ =	strace s3  }
0x95: {  	s3 =	sld [smem:$0x3FFD];
	_ =	sdelay $0x3  }
0x96: {  	_ =	strace s3  }
0x97: {  	_ =	strace $0x8FFFFFFF  }
0x98: {  	s19 =	sld [smem:$0x3FDB];
	_ =	sdelay $0x1  }
0x99: {  	s4 =	simm.s32 $_scs_section_size  }
0x9a: {  	s5 =	simm.s32 $_size__tile_overlayer_lowered;
	s6 =	simm.s32 $_tile_overlayer_lowered  }
0x9b: {  	s22 =	simm.s32 $0x1BFF;
	s21 =	sshll.u32 s6, $0x1;
	s3 =	sadd.s32 s4, s19  }
0x9c: {  	s7 =	simm.s32 $0x0;
	s20 =	sshll.u32 s5, $0x1;
	s5 =	sadd.s32 s21, s3  }
0x9d: {  	[timem:s7], [sflag:s22] =	dma.local [hbm:s5], s20  }
0x9e: {  	_ =	swait.ge [sflag:s22], s20  }
0x9f: {  	s4 =	ssub.s32 $0x0, s20;
	[sflag:s22] =	ssyncset.done $0x0  }
0xa0: {  	[sflag:s22] =	ssyncadd.s32 s4;
	_ =	sdelay $0x1  }
0xa1: {  	s23 =	simm.s32 $0x1B8B  }
0xa2: {  	_ =	swait.ge [sflag:s23], $0x1  }
0xa3: {  	[sflag:s23] =	ssyncset.done $0x0  }
0xa4: {  	s25 =	simm.s32 $0x1B8E;
	s24 =	sld [smem:$0x3FFE];
	[sflag:s23] =	ssyncadd.s32 $0xFFFFFFFF  }
0xa5: {  	s26 =	simm.s32 $execute0_lowered;
	[smem:$0x3FD2] =	sst s25  }
0xa6: {  	s5 =	sshll.u32 s26, $0x1;
	_ =	strace $0x80000046;
	[dreg:$0x1] =	wrdreg $0xFFFFFFFF  }
0xa7: {  	s28 =	simm.s32 $_size_execute0_lowered;
	s3 =	sadd.s32 s3, s5;
	[dreg:$0x0] =	wrdreg $0x0  }
0xa8: {  	s5 =	sshll.u32 s28, $0x1;
	[dreg:$0x2] =	wrdreg s3  }
0xa9: {  	[dreg:$0x3] =	wrdreg s5  }
0xaa: {  	[dreg:$0x4] =	wrdreg $0xC0  }
0xab: {  	_ =	task [dreg:s7], $0x5FFFF  }
0xac: {  	[dreg:$0x1] =	wrdreg $0xFFFFFFFF  }
0xad: {  	[dreg:$0x0] =	wrdreg $0x60  }
0xae: {  	[dreg:$0x2] =	wrdreg s24  }
0xaf: {  	[dreg:$0x3] =	wrdreg s2  }
0xb0: {  	[dreg:$0x4] =	wrdreg $0xA8000  }
0xb1: {  	[dreg:$0x5] =	wrdreg $0x9  }
0xb2: {  	_ =	task.clear_ibuf [dreg:s7], $0x6FFFF;
	_ =	strace $0x90000046  }
0xb3: {  	s29 =	simm.s32 $0x9;
	_ =	strace $0x80000048  }
0xb4: {  	_ =	swait.ge [sflag:s29], $0x1  }
0xb5: {  	[sflag:s29] =	ssyncadd.s32 $0xFFFFFFFF  }
0xb6: {  	_ =	strace $0x90000048  }
0xb7: {  	_ =	sfence  }
0xb8: {  	s30 =	sld [smem:$0x0];
	_ =	sdelay $0x2  }
0xb9: {  	s31 =	sshll.u32 s1, $0xD;
	s1 =	sshrl.u32 s1, $0x2  }
0xba: {  	s3 =	sand.u32 $0x4000, s31;
	s1 =	sadd.s32 s1, s30  }
0xbb: {  	s0 =	sor.u32 s3, s0;
	s1 =	sshll.u32 s1, $0x11  }
0xbc: {  	s0 =	sor.u32 s1, s0  }
0xbd: {  	s0 =	sadd.s32 $0x8F2B, s0  }
0xbe: {  	[sflag:s0] =	ssyncadd.remote.s32 $0x1  }
0xbf: {  	_ =	sfence.sel $0xFFFF  }
0xc0: {  	[dreg:$0x0] =	wrdreg $0xFFFFFFFF;
	(pc) =	sbr.abs _section_cstart, $3  }
0xc1: {  	[dreg:$0x1] =	wrdreg $0xFFFFFFFF  }
0xc2: {  	_ =	task.clear_ibuf [dreg:s7], $0x2FFFF;
	_ =	strace $0x9FFFFFFF  }
0xc3: {  	(tm) =	ssettm $0x7FFFFFFF  }
tec
execute0_lowered:
.L_overlay_start_1:
0x0: {  	(tag) =	ssettag $0x1  }
0x1: {  	s0 =	rddreg [dreg:$0x0]  }
0x2: {  	s2 =	rddreg [dreg:$0x1]  }
0x3: {  	s1 =	srdreg.scid;
	s3 =	rddreg [dreg:$0x2]  }
0x4: {  	s10 =	stileid.u32;
	s4 =	simm.s32 $0x0;
	s28 =	simm.s32 $0x1400  }
0x5: {  	s29 =	simm.s32 $0x40;
	s30 =	simm.s32 $0x80;
	s31 =	simm.s32 $0x4800  }
0x6: {  	s11 =	simm.s32 $0x1380;
	s1 =	sand.u32 $0x1, s1;
	s6 =	smul.u32 $0x13C00, s10  }
0x7: {  	[smem:$0x7FF] =	sst s4;
	s7 =	smul.u32 $0x4F000, s10;
	s10 =	sshll.u32 s10, $0x1  }
0x8: {  	s5 =	smul.u32 $0x13C000, s1;
	s13 =	ssub.s32 $0x2, s1;
	s1 =	sor.u32 s1, s10  }
0x9: {  	s12 =	sadd.s32 $0x15C00, s0;
	s8 =	sadd.s32 $0x1C00, s0;
	s1 =	smul.u32 $0x5000, s1  }
0xa: {  	_ =	strace $0x80000047;
	s10 =	simm.s32 $0x4;
	s5 =	sadd.s32 s6, s5  }
0xb: {  	s9 =	sshrl.u32 s13, $0x1;
	s5 =	sshrl.u32 s5, $0x3;
	s1 =	sshrl.u32 s1, $0x3  }
0xc: {  	s7 =	sshrl.u32 s7, $0x2;
	s0 =	sadd.s32 s5, s0;
	s23 =	sadd.s32 s12, s1  }
0xd: {  	s5 =	sadd.s32 s7, s3;
	s24 =	sadd.s32 s8, s1;
	[dreg:$0xd] =	wrdreg s23  }
0xe: {  	s9 =	ssub.s32 s13, s9;
	s7 =	sadd.s32 $0x2000, s5;
	[dreg:$0xe] =	wrdreg s24  }
0xf: {  	s6 =	simm.s32 $0x1;
	s14 =	sadd.s32 $0x4000, s5;
	[dreg:$0x4] =	wrdreg s7  }
0x10: {  	s13 =	simm.s32 $0x2680;
	s15 =	sadd.s32 $0x6000, s5;
	[dreg:$0x5] =	wrdreg s14  }
0x11: {  	s22 =	sadd.s32 $0x280, s1;
	s16 =	sadd.s32 $0x8000, s5;
	[dreg:$0x6] =	wrdreg s15  }
0x12: {  	s26 =	sadd.s32 $0x500, s1;
	s17 =	sadd.s32 $0xA000, s5;
	[dreg:$0x7] =	wrdreg s16  }
0x13: {  	s1 =	sadd.s32 $0x780, s1;
	s18 =	sadd.s32 $0xC000, s5;
	[dreg:$0x8] =	wrdreg s17  }
0x14: {  	s19 =	sadd.s32 $0xE000, s5;
	s20 =	sadd.s32 $0x10000, s5;
	[dreg:$0x9] =	wrdreg s18  }
0x15: {  	s21 =	sadd.s32 $0x12000, s5;
	s25 =	sadd.s32 s12, s22;
	[dreg:$0xa] =	wrdreg s19  }
0x16: {  	s23 =	sadd.s32 $0x29C00, s0;
	s24 =	smax.u32 s9, $0x1;
	[dreg:$0xb] =	wrdreg s20  }
0x17: {  	s0 =	simm.s32 $0x100;
	s9 =	simm.s32 $0x3;
	[dreg:$0xc] =	wrdreg s21  }
0x18: {  	[dreg:$0xf] =	wrdreg s25;
	s7 =	sadd.s32 s8, s22;
	s19 =	sadd.s32 s12, s26  }
0x19: {  	s20 =	sadd.s32 s8, s26;
	s21 =	sadd.s32 s12, s1;
	s22 =	sadd.s32 s8, s1  }
0x1a: {  	s25 =	simm.s32 $0x2800;
	s26 =	simm.s32 $0x5;
	s1 =	simm.s32 $0x6800  }
0x1b: {  	s8 =	simm.s32 $0x2;
	s12 =	simm.s32 $0x2600;
	s14 =	simm.s32 $0x2700  }
0x1c: {  	v0 =	vimm.f32 $0.0e+00;
	s15 =	simm.s32 $0x2780;
	[dreg:$0x10] =	wrdreg s7;
	s7 =	simm.s32 $0x8800  }
.LBB2_1:
0x1d: {  	s16 =	simm.s32 $0x0;
	s17 =	simm.s32 $0x200  }
.LBB2_2:
0x1e: {  	p0 =	sne.s32 s17, $0x7E00;
	[tilespmem:s16+$0x2870] =	vst v0  }
0x1f: {  	[tilespmem:s16+$0x2800] =	vst v0  }
0x20: {  	[tilespmem:s16+$0x2810] =	vst v0  }
.Ltmp0:
0x21: {  	[tilespmem:s16+$0x2820] =	vst v0;
	(pc) =	sbr.rel @p0 .LBB2_2-.Ltmp0, $4  }
0x22: {  	[tilespmem:s16+$0x2830] =	vst v0  }
0x23: {  	[tilespmem:s16+$0x2840] =	vst v0  }
0x24: {  	[tilespmem:s16+$0x2850] =	vst v0  }
0x25: {  	[tilespmem:s16+$0x2860] =	vst v0;
	s16 =	sshra.s32 s17, $0x2;
	s17 =	sadd.s32 $0x200, s17  }
0x26: {  	[tilespmem:s16+$0x2870] =	vst v0  }
0x27: {  	[tilespmem:s16+$0x2800] =	vst v0  }
0x28: {  	[tilespmem:s16+$0x2810] =	vst v0  }
0x29: {  	[tilespmem:s16+$0x2820] =	vst v0  }
0x2a: {  	[tilespmem:s16+$0x2830] =	vst v0  }
0x2b: {  	[tilespmem:s16+$0x2840] =	vst v0  }
0x2c: {  	[tilespmem:s16+$0x2850] =	vst v0  }
0x2d: {  	[tilespmem:s16+$0x2860] =	vst v0  }
0x2e: {  	[spmem:s5] =	stream.linear.scatter [tilespmem:s25], [sflag:$0x5], $0x2000, $0x38;
	[tilespmem:$0x1E400] =	vst v63  }
0x2f: {  	_ =	swait.ge [sflag:s26], $0x2000  }
0x30: {  	[sflag:s26] =	ssyncset.done $0x0  }
0x31: {  	s17 =	rddreg [dreg:$0x4];
	[sflag:s26] =	ssyncadd.s32 $0xFFFFE000  }
0x32: {  	[spmem:s17] =	stream.linear.scatter [tilespmem:s25], [sflag:$0x5], $0x2000, $0x38;
	[tilespmem:$0x1E400] =	vst v63  }
0x33: {  	_ =	swait.ge [sflag:s26], $0x2000  }
0x34: {  	[sflag:s26] =	ssyncset.done $0x0  }
0x35: {  	s18 =	rddreg [dreg:$0x5];
	[sflag:s26] =	ssyncadd.s32 $0xFFFFE000  }
0x36: {  	[spmem:s18] =	stream.linear.scatter [tilespmem:s25], [sflag:$0x5], $0x2000, $0x38;
	[tilespmem:$0x1E400] =	vst v63  }
0x37: {  	_ =	swait.ge [sflag:s26], $0x2000  }
0x38: {  	[sflag:s26] =	ssyncset.done $0x0  }
0x39: {  	s17 =	rddreg [dreg:$0x6];
	[sflag:s26] =	ssyncadd.s32 $0xFFFFE000  }
0x3a: {  	[spmem:s17] =	stream.linear.scatter [tilespmem:s25], [sflag:$0x5], $0x2000, $0x38;
	[tilespmem:$0x1E400] =	vst v63  }
0x3b: {  	_ =	swait.ge [sflag:s26], $0x2000  }
0x3c: {  	[sflag:s26] =	ssyncset.done $0x0  }
0x3d: {  	s18 =	rddreg [dreg:$0x7];
	[sflag:s26] =	ssyncadd.s32 $0xFFFFE000  }
0x3e: {  	[spmem:s18] =	stream.linear.scatter [tilespmem:s25], [sflag:$0x5], $0x2000, $0x38;
	[tilespmem:$0x1E400] =	vst v63  }
0x3f: {  	_ =	swait.ge [sflag:s26], $0x2000  }
0x40: {  	[sflag:s26] =	ssyncset.done $0x0  }
0x41: {  	s17 =	rddreg [dreg:$0x8];
	[sflag:s26] =	ssyncadd.s32 $0xFFFFE000  }
0x42: {  	[spmem:s17] =	stream.linear.scatter [tilespmem:s25], [sflag:$0x5], $0x2000, $0x38;
	[tilespmem:$0x1E400] =	vst v63  }
0x43: {  	_ =	swait.ge [sflag:s26], $0x2000  }
0x44: {  	[sflag:s26] =	ssyncset.done $0x0  }
0x45: {  	s18 =	rddreg [dreg:$0x9];
	[sflag:s26] =	ssyncadd.s32 $0xFFFFE000  }
0x46: {  	[spmem:s18] =	stream.linear.scatter [tilespmem:s25], [sflag:$0x5], $0x2000, $0x38;
	[tilespmem:$0x1E400] =	vst v63  }
0x47: {  	_ =	swait.ge [sflag:s26], $0x2000  }
0x48: {  	[sflag:s26] =	ssyncset.done $0x0  }
0x49: {  	s17 =	rddreg [dreg:$0xa];
	[sflag:s26] =	ssyncadd.s32 $0xFFFFE000  }
0x4a: {  	[spmem:s17] =	stream.linear.scatter [tilespmem:s25], [sflag:$0x5], $0x2000, $0x38;
	[tilespmem:$0x1E400] =	vst v63  }
0x4b: {  	_ =	swait.ge [sflag:s26], $0x2000  }
0x4c: {  	[sflag:s26] =	ssyncset.done $0x0  }
0x4d: {  	s18 =	rddreg [dreg:$0xb];
	[sflag:s26] =	ssyncadd.s32 $0xFFFFE000  }
0x4e: {  	[spmem:s18] =	stream.linear.scatter [tilespmem:s25], [sflag:$0x5], $0x2000, $0x38;
	[tilespmem:$0x1E400] =	vst v63  }
0x4f: {  	_ =	swait.ge [sflag:s26], $0x2000  }
0x50: {  	[sflag:s26] =	ssyncset.done $0x0  }
0x51: {  	s17 =	rddreg [dreg:$0xc];
	[sflag:s26] =	ssyncadd.s32 $0xFFFFE000  }
0x52: {  	[spmem:s17] =	stream.linear.scatter [tilespmem:s25], [sflag:$0x5], $0x1C00, $0x38;
	[tilespmem:$0x1E400] =	vst v63  }
0x53: {  	_ =	swait.ge [sflag:s26], $0x1C00  }
0x54: {  	[sflag:s26] =	ssyncset.done $0x0  }
0x55: {  	[sflag:s26] =	ssyncadd.s32 $0xFFFFE400  }
0x56: {  	[bflag:$0x0] =	sbarrier.arrive $0xFFFF  }
0x57: {  	s16 =	simm.s32 $0x0;
	s17 =	rddreg [dreg:$0xd]  }
0x58: {  	[tilespmem:s16], [sflag:$0x5] =	stream.linear.gather [hbm4b:s17+s16], $0x1400, $0x38;
	[tilespmem:$0x1E400] =	vst v63  }
0x59: {  	_ =	swait.ge [sflag:s26], $0x1400  }
0x5a: {  	[sflag:s26] =	ssyncset.done $0x0  }
0x5b: {  	s18 =	rddreg [dreg:$0xe];
	[sflag:s26] =	ssyncadd.s32 $0xFFFFEC00  }
0x5c: {  	[tilespmem:s28], [sflag:$0x5] =	stream.linear.gather [hbm4b:s18+s16], $0x1400, $0x38;
	[tilespmem:$0x1E400] =	vst v63  }
0x5d: {  	_ =	swait.ge [sflag:s26], $0x1400  }
0x5e: {  	[sflag:s26] =	ssyncset.done $0x0  }
0x5f: {  	[sflag:s26] =	ssyncadd.s32 $0xFFFFEC00  }
0x60: {  	[tilespmem:s25], [sflag:$0x1] =	stream.indirect.gather [hbm4b:s2+s29], $0x80, s16, s29, $0xb8;
	[tilespmem:$0x1E400] =	vst v63  }
0x61: {  	_ = 	snop  }
0x62: {  	[tilespmem:s31], [sflag:$0x2] =	stream.indirect.gather [hbm4b:s2+s29], $0x80, s30, s29, $0xb8;
	[tilespmem:$0x1E400] =	vst v63  }
0x63: {  	_ = 	snop  }
0x64: {  	[tilespmem:s1], [sflag:$0x3] =	stream.indirect.gather [hbm4b:s2+s29], $0x80, s0, s29, $0xb8;
	[tilespmem:$0x1E400] =	vst v63  }
0x65: {  	_ =	swait.ge [sflag:s6], $0x2000  }
0x66: {  	[sflag:s6] =	ssyncset.done $0x0  }
0x67: {  	s17 =	simm.s32 $0x180;
	[sflag:s6] =	ssyncadd.s32 $0xFFFFE000  }
0x68: {  	[tilespmem:s7], [sflag:$0x4] =	stream.indirect.gather [hbm4b:s2+s29], $0x80, s17, s29, $0xb8;
	[tilespmem:$0x1E400] =	vst v63  }
0x69: {  	s18 =	simm.s32 $0x1400  }
0x6a: {  	[spmem:s3] =	stream.indirect.scatter.add.f32 [tilespmem:s25], [sflag:$0x5], $0x80, s18, s29, $0xb8;
	[tilespmem:$0x1E400] =	vst v63  }
0x6b: {  	_ =	swait.ge [sflag:s26], $0x2000  }
0x6c: {  	[sflag:s26] =	ssyncset.done $0x0  }
0x6d: {  	[sflag:s26] =	ssyncadd.s32 $0xFFFFE000  }
0x6e: {  	_ =	swait.ge [sflag:s8], $0x2000  }
0x6f: {  	[sflag:s8] =	ssyncset.done $0x0  }
0x70: {  	s17 =	simm.s32 $0x200;
	[sflag:s8] =	ssyncadd.s32 $0xFFFFE000  }
0x71: {  	[tilespmem:s25], [sflag:$0x1] =	stream.indirect.gather [hbm4b:s2+s29], $0x80, s17, s29, $0xb8;
	[tilespmem:$0x1E400] =	vst v63  }
0x72: {  	s18 =	simm.s32 $0x1480  }
0x73: {  	[spmem:s3] =	stream.indirect.scatter.add.f32 [tilespmem:s31], [sflag:$0x5], $0x80, s18, s29, $0xb8;
	[tilespmem:$0x1E400] =	vst v63  }
0x74: {  	_ =	swait.ge [sflag:s26], $0x2000  }
0x75: {  	[sflag:s26] =	ssyncset.done $0x0  }
0x76: {  	[sflag:s26] =	ssyncadd.s32 $0xFFFFE000  }
0x77: {  	_ =	swait.ge [sflag:s9], $0x2000  }
0x78: {  	[sflag:s9] =	ssyncset.done $0x0  }
0x79: {  	s17 =	simm.s32 $0x280;
	[sflag:s9] =	ssyncadd.s32 $0xFFFFE000  }
0x7a: {  	[tilespmem:s31], [sflag:$0x2] =	stream.indirect.gather [hbm4b:s2+s29], $0x80, s17, s29, $0xb8;
	[tilespmem:$0x1E400] =	vst v63  }
0x7b: {  	s18 =	simm.s32 $0x1500  }
0x7c: {  	[spmem:s3] =	stream.indirect.scatter.add.f32 [tilespmem:s1], [sflag:$0x5], $0x80, s18, s29, $0xb8;
	[tilespmem:$0x1E400] =	vst v63  }
0x7d: {  	_ =	swait.ge [sflag:s26], $0x2000  }
0x7e: {  	[sflag:s26] =	ssyncset.done $0x0  }
0x7f: {  	[sflag:s26] =	ssyncadd.s32 $0xFFFFE000  }
0x80: {  	_ =	swait.ge [sflag:s10], $0x2000  }
0x81: {  	[sflag:s10] =	ssyncset.done $0x0  }
0x82: {  	s17 =	simm.s32 $0x300;
	[sflag:s10] =	ssyncadd.s32 $0xFFFFE000  }
0x83: {  	[tilespmem:s1], [sflag:$0x3] =	stream.indirect.gather [hbm4b:s2+s29], $0x80, s17, s29, $0xb8;
	[tilespmem:$0x1E400] =	vst v63  }
0x84: {  	s18 =	simm.s32 $0x1580  }
0x85: {  	[spmem:s3] =	stream.indirect.scatter.add.f32 [tilespmem:s7], [sflag:$0x5], $0x80, s18, s29, $0xb8;
	[tilespmem:$0x1E400] =	vst v63  }
0x86: {  	_ =	swait.ge [sflag:s26], $0x2000  }
0x87: {  	s16 =	simm.s32 $0x800;
	[sflag:s26] =	ssyncset.done $0x0  }
.LBB2_4:
0x88: {  	p0 =	sne.s32 s16, $0x4000  }
0x89: {  	[sflag:s26] =	ssyncadd.s32 $0xFFFFE000;
	s17 =	smov.u32 s16;
	s16 =	sadd.s32 $0x800, s16  }
0x8a: {  	_ = 	snop  }
0x8b: {  	_ =	swait.ge [sflag:s6], $0x2000  }
0x8c: {  	s17 =	sshra.s32 s17, $0x2;
	[sflag:s6] =	ssyncset.done $0x0  }
0x8d: {  	s18 =	sadd.s32 $0x180, s17;
	[sflag:s6] =	ssyncadd.s32 $0xFFFFE000  }
0x8e: {  	[tilespmem:s7], [sflag:$0x4] =	stream.indirect.gather [hbm4b:s2+s29], $0x80, s18, s29, $0xb8;
	[tilespmem:$0x1E400] =	vst v63  }
0x8f: {  	s18 =	sadd.s32 $0x1400, s17  }
0x90: {  	[spmem:s3] =	stream.indirect.scatter.add.f32 [tilespmem:s25], [sflag:$0x5], $0x80, s18, s29, $0xb8;
	[tilespmem:$0x1E400] =	vst v63  }
0x91: {  	_ =	swait.ge [sflag:s26], $0x2000  }
0x92: {  	[sflag:s26] =	ssyncset.done $0x0  }
0x93: {  	[sflag:s26] =	ssyncadd.s32 $0xFFFFE000  }
0x94: {  	_ =	swait.ge [sflag:s8], $0x2000  }
0x95: {  	[sflag:s8] =	ssyncset.done $0x0  }
0x96: {  	s18 =	sadd.s32 $0x200, s17;
	[sflag:s8] =	ssyncadd.s32 $0xFFFFE000  }
0x97: {  	[tilespmem:s25], [sflag:$0x1] =	stream.indirect.gather [hbm4b:s2+s29], $0x80, s18, s29, $0xb8;
	[tilespmem:$0x1E400] =	vst v63  }
0x98: {  	s18 =	sadd.s32 $0x1480, s17  }
0x99: {  	[spmem:s3] =	stream.indirect.scatter.add.f32 [tilespmem:s31], [sflag:$0x5], $0x80, s18, s29, $0xb8;
	[tilespmem:$0x1E400] =	vst v63  }
0x9a: {  	_ =	swait.ge [sflag:s26], $0x2000  }
0x9b: {  	[sflag:s26] =	ssyncset.done $0x0  }
0x9c: {  	[sflag:s26] =	ssyncadd.s32 $0xFFFFE000  }
0x9d: {  	_ =	swait.ge [sflag:s9], $0x2000  }
0x9e: {  	[sflag:s9] =	ssyncset.done $0x0  }
0x9f: {  	s18 =	sadd.s32 $0x280, s17;
	[sflag:s9] =	ssyncadd.s32 $0xFFFFE000  }
0xa0: {  	[tilespmem:s31], [sflag:$0x2] =	stream.indirect.gather [hbm4b:s2+s29], $0x80, s18, s29, $0xb8;
	[tilespmem:$0x1E400] =	vst v63  }
0xa1: {  	s18 =	sadd.s32 $0x1500, s17  }
0xa2: {  	[spmem:s3] =	stream.indirect.scatter.add.f32 [tilespmem:s1], [sflag:$0x5], $0x80, s18, s29, $0xb8;
	[tilespmem:$0x1E400] =	vst v63  }
0xa3: {  	_ =	swait.ge [sflag:s26], $0x2000  }
0xa4: {  	[sflag:s26] =	ssyncset.done $0x0  }
0xa5: {  	[sflag:s26] =	ssyncadd.s32 $0xFFFFE000  }
0xa6: {  	_ =	swait.ge [sflag:s10], $0x2000  }
0xa7: {  	[sflag:s10] =	ssyncset.done $0x0  }
0xa8: {  	s18 =	sadd.s32 $0x300, s17;
	[sflag:s10] =	ssyncadd.s32 $0xFFFFE000  }
0xa9: {  	[tilespmem:s1], [sflag:$0x3] =	stream.indirect.gather [hbm4b:s2+s29], $0x80, s18, s29, $0xb8;
	[tilespmem:$0x1E400] =	vst v63  }
.Ltmp1:
0xaa: {  	_ = 	snop;
	(pc) =	sbr.rel @p0 .LBB2_4-.Ltmp1, $4  }
0xab: {  	s17 =	sadd.s32 $0x1580, s17  }
0xac: {  	[spmem:s3] =	stream.indirect.scatter.add.f32 [tilespmem:s7], [sflag:$0x5], $0x80, s17, s29, $0xb8;
	[tilespmem:$0x1E400] =	vst v63  }
0xad: {  	_ =	swait.ge [sflag:s26], $0x2000  }
0xae: {  	[sflag:s26] =	ssyncset.done $0x0  }
0xaf: {  	[sflag:s26] =	ssyncadd.s32 $0xFFFFE000  }
0xb0: {  	_ =	swait.ge [sflag:s6], $0x2000  }
0xb1: {  	[sflag:s6] =	ssyncset.done $0x0  }
0xb2: {  	[sflag:s6] =	ssyncadd.s32 $0xFFFFE000  }
0xb3: {  	[tilespmem:s7], [sflag:$0x4] =	stream.indirect.gather [hbm4b:s2+s29], $0x80, s11, s29, $0xb8;
	[tilespmem:$0x1E400] =	vst v63  }
0xb4: {  	_ = 	snop  }
0xb5: {  	[spmem:s3] =	stream.indirect.scatter.add.f32 [tilespmem:s25], [sflag:$0x5], $0x80, s12, s29, $0xb8;
	[tilespmem:$0x1E400] =	vst v63  }
0xb6: {  	_ =	swait.ge [sflag:s26], $0x2000  }
0xb7: {  	[sflag:s26] =	ssyncset.done $0x0  }
0xb8: {  	[sflag:s26] =	ssyncadd.s32 $0xFFFFE000  }
0xb9: {  	_ =	swait.ge [sflag:s8], $0x2000  }
0xba: {  	[sflag:s8] =	ssyncset.done $0x0  }
0xbb: {  	[sflag:s8] =	ssyncadd.s32 $0xFFFFE000  }
0xbc: {  	[spmem:s3] =	stream.indirect.scatter.add.f32 [tilespmem:s31], [sflag:$0x5], $0x80, s13, s29, $0xb8;
	[tilespmem:$0x1E400] =	vst v63  }
0xbd: {  	_ =	swait.ge [sflag:s26], $0x2000  }
0xbe: {  	[sflag:s26] =	ssyncset.done $0x0  }
0xbf: {  	[sflag:s26] =	ssyncadd.s32 $0xFFFFE000  }
0xc0: {  	_ =	swait.ge [sflag:s9], $0x2000  }
0xc1: {  	[sflag:s9] =	ssyncset.done $0x0  }
0xc2: {  	[sflag:s9] =	ssyncadd.s32 $0xFFFFE000  }
0xc3: {  	[spmem:s3] =	stream.indirect.scatter.add.f32 [tilespmem:s1], [sflag:$0x5], $0x80, s14, s29, $0xb8;
	[tilespmem:$0x1E400] =	vst v63  }
0xc4: {  	_ =	swait.ge [sflag:s26], $0x2000  }
0xc5: {  	[sflag:s26] =	ssyncset.done $0x0  }
0xc6: {  	[sflag:s26] =	ssyncadd.s32 $0xFFFFE000  }
0xc7: {  	_ =	swait.ge [sflag:s10], $0x2000  }
0xc8: {  	[sflag:s10] =	ssyncset.done $0x0  }
0xc9: {  	[sflag:s10] =	ssyncadd.s32 $0xFFFFE000  }
0xca: {  	[spmem:s3] =	stream.indirect.scatter.add.f32 [tilespmem:s7], [sflag:$0x5], $0x80, s15, s29, $0xb8;
	[tilespmem:$0x1E400] =	vst v63  }
0xcb: {  	_ =	swait.ge [sflag:s26], $0x2000  }
0xcc: {  	[sflag:s26] =	ssyncset.done $0x0  }
0xcd: {  	s16 =	simm.s32 $0x0;
	s17 =	rddreg [dreg:$0xf];
	[sflag:s26] =	ssyncadd.s32 $0xFFFFE000  }
0xce: {  	[tilespmem:s16], [sflag:$0x5] =	stream.linear.gather [hbm4b:s17+s16], $0x1400, $0x38;
	[tilespmem:$0x1E400] =	vst v63  }
0xcf: {  	_ =	swait.ge [sflag:s26], $0x1400  }
0xd0: {  	[sflag:s26] =	ssyncset.done $0x0  }
0xd1: {  	s18 =	rddreg [dreg:$0x10];
	[sflag:s26] =	ssyncadd.s32 $0xFFFFEC00  }
0xd2: {  	[tilespmem:s28], [sflag:$0x5] =	stream.linear.gather [hbm4b:s18+s16], $0x1400, $0x38;
	[tilespmem:$0x1E400] =	vst v63  }
0xd3: {  	_ =	swait.ge [sflag:s26], $0x1400  }
0xd4: {  	[sflag:s26] =	ssyncset.done $0x0  }
0xd5: {  	[sflag:s26] =	ssyncadd.s32 $0xFFFFEC00  }
0xd6: {  	[tilespmem:s25], [sflag:$0x1] =	stream.indirect.gather [hbm4b:s2+s29], $0x80, s16, s29, $0xb8;
	[tilespmem:$0x1E400] =	vst v63  }
0xd7: {  	_ = 	snop  }
0xd8: {  	[tilespmem:s31], [sflag:$0x2] =	stream.indirect.gather [hbm4b:s2+s29], $0x80, s30, s29, $0xb8;
	[tilespmem:$0x1E400] =	vst v63  }
0xd9: {  	_ = 	snop  }
0xda: {  	[tilespmem:s1], [sflag:$0x3] =	stream.indirect.gather [hbm4b:s2+s29], $0x80, s0, s29, $0xb8;
	[tilespmem:$0x1E400] =	vst v63  }
0xdb: {  	_ =	swait.ge [sflag:s6], $0x2000  }
0xdc: {  	[sflag:s6] =	ssyncset.done $0x0  }
0xdd: {  	s17 =	simm.s32 $0x180;
	[sflag:s6] =	ssyncadd.s32 $0xFFFFE000  }
0xde: {  	[tilespmem:s7], [sflag:$0x4] =	stream.indirect.gather [hbm4b:s2+s29], $0x80, s17, s29, $0xb8;
	[tilespmem:$0x1E400] =	vst v63  }
0xdf: {  	s18 =	simm.s32 $0x1400  }
0xe0: {  	[spmem:s3] =	stream.indirect.scatter.add.f32 [tilespmem:s25], [sflag:$0x5], $0x80, s18, s29, $0xb8;
	[tilespmem:$0x1E400] =	vst v63  }
0xe1: {  	_ =	swait.ge [sflag:s26], $0x2000  }
0xe2: {  	[sflag:s26] =	ssyncset.done $0x0  }
0xe3: {  	[sflag:s26] =	ssyncadd.s32 $0xFFFFE000  }
0xe4: {  	_ =	swait.ge [sflag:s8], $0x2000  }
0xe5: {  	[sflag:s8] =	ssyncset.done $0x0  }
0xe6: {  	s17 =	simm.s32 $0x200;
	[sflag:s8] =	ssyncadd.s32 $0xFFFFE000  }
0xe7: {  	[tilespmem:s25], [sflag:$0x1] =	stream.indirect.gather [hbm4b:s2+s29], $0x80, s17, s29, $0xb8;
	[tilespmem:$0x1E400] =	vst v63  }
0xe8: {  	s18 =	simm.s32 $0x1480  }
0xe9: {  	[spmem:s3] =	stream.indirect.scatter.add.f32 [tilespmem:s31], [sflag:$0x5], $0x80, s18, s29, $0xb8;
	[tilespmem:$0x1E400] =	vst v63  }
0xea: {  	_ =	swait.ge [sflag:s26], $0x2000  }
0xeb: {  	[sflag:s26] =	ssyncset.done $0x0  }
0xec: {  	[sflag:s26] =	ssyncadd.s32 $0xFFFFE000  }
0xed: {  	_ =	swait.ge [sflag:s9], $0x2000  }
0xee: {  	[sflag:s9] =	ssyncset.done $0x0  }
0xef: {  	s17 =	simm.s32 $0x280;
	[sflag:s9] =	ssyncadd.s32 $0xFFFFE000  }
0xf0: {  	[tilespmem:s31], [sflag:$0x2] =	stream.indirect.gather [hbm4b:s2+s29], $0x80, s17, s29, $0xb8;
	[tilespmem:$0x1E400] =	vst v63  }
0xf1: {  	s18 =	simm.s32 $0x1500  }
0xf2: {  	[spmem:s3] =	stream.indirect.scatter.add.f32 [tilespmem:s1], [sflag:$0x5], $0x80, s18, s29, $0xb8;
	[tilespmem:$0x1E400] =	vst v63  }
0xf3: {  	_ =	swait.ge [sflag:s26], $0x2000  }
0xf4: {  	[sflag:s26] =	ssyncset.done $0x0  }
0xf5: {  	[sflag:s26] =	ssyncadd.s32 $0xFFFFE000  }
0xf6: {  	_ =	swait.ge [sflag:s10], $0x2000  }
0xf7: {  	[sflag:s10] =	ssyncset.done $0x0  }
0xf8: {  	s17 =	simm.s32 $0x300;
	[sflag:s10] =	ssyncadd.s32 $0xFFFFE000  }
0xf9: {  	[tilespmem:s1], [sflag:$0x3] =	stream.indirect.gather [hbm4b:s2+s29], $0x80, s17, s29, $0xb8;
	[tilespmem:$0x1E400] =	vst v63  }
0xfa: {  	s18 =	simm.s32 $0x1580  }
0xfb: {  	[spmem:s3] =	stream.indirect.scatter.add.f32 [tilespmem:s7], [sflag:$0x5], $0x80, s18, s29, $0xb8;
	[tilespmem:$0x1E400] =	vst v63  }
0xfc: {  	_ =	swait.ge [sflag:s26], $0x2000  }
0xfd: {  	s16 =	simm.s32 $0x800;
	[sflag:s26] =	ssyncset.done $0x0  }
.LBB2_6:
0xfe: {  	p0 =	sne.s32 s16, $0x4000  }
0xff: {  	[sflag:s26] =	ssyncadd.s32 $0xFFFFE000;
	s17 =	smov.u32 s16;
	s16 =	sadd.s32 $0x800, s16  }
0x100: {  	_ = 	snop  }
0x101: {  	_ =	swait.ge [sflag:s6], $0x2000  }
0x102: {  	s17 =	sshra.s32 s17, $0x2;
	[sflag:s6] =	ssyncset.done $0x0  }
0x103: {  	s18 =	sadd.s32 $0x180, s17;
	[sflag:s6] =	ssyncadd.s32 $0xFFFFE000  }
0x104: {  	[tilespmem:s7], [sflag:$0x4] =	stream.indirect.gather [hbm4b:s2+s29], $0x80, s18, s29, $0xb8;
	[tilespmem:$0x1E400] =	vst v63  }
0x105: {  	s18 =	sadd.s32 $0x1400, s17  }
0x106: {  	[spmem:s3] =	stream.indirect.scatter.add.f32 [tilespmem:s25], [sflag:$0x5], $0x80, s18, s29, $0xb8;
	[tilespmem:$0x1E400] =	vst v63  }
0x107: {  	_ =	swait.ge [sflag:s26], $0x2000  }
0x108: {  	[sflag:s26] =	ssyncset.done $0x0  }
0x109: {  	[sflag:s26] =	ssyncadd.s32 $0xFFFFE000  }
0x10a: {  	_ =	swait.ge [sflag:s8], $0x2000  }
0x10b: {  	[sflag:s8] =	ssyncset.done $0x0  }
0x10c: {  	s18 =	sadd.s32 $0x200, s17;
	[sflag:s8] =	ssyncadd.s32 $0xFFFFE000  }
0x10d: {  	[tilespmem:s25], [sflag:$0x1] =	stream.indirect.gather [hbm4b:s2+s29], $0x80, s18, s29, $0xb8;
	[tilespmem:$0x1E400] =	vst v63  }
0x10e: {  	s18 =	sadd.s32 $0x1480, s17  }
0x10f: {  	[spmem:s3] =	stream.indirect.scatter.add.f32 [tilespmem:s31], [sflag:$0x5], $0x80, s18, s29, $0xb8;
	[tilespmem:$0x1E400] =	vst v63  }
0x110: {  	_ =	swait.ge [sflag:s26], $0x2000  }
0x111: {  	[sflag:s26] =	ssyncset.done $0x0  }
0x112: {  	[sflag:s26] =	ssyncadd.s32 $0xFFFFE000  }
0x113: {  	_ =	swait.ge [sflag:s9], $0x2000  }
0x114: {  	[sflag:s9] =	ssyncset.done $0x0  }
0x115: {  	s18 =	sadd.s32 $0x280, s17;
	[sflag:s9] =	ssyncadd.s32 $0xFFFFE000  }
0x116: {  	[tilespmem:s31], [sflag:$0x2] =	stream.indirect.gather [hbm4b:s2+s29], $0x80, s18, s29, $0xb8;
	[tilespmem:$0x1E400] =	vst v63  }
0x117: {  	s18 =	sadd.s32 $0x1500, s17  }
0x118: {  	[spmem:s3] =	stream.indirect.scatter.add.f32 [tilespmem:s1], [sflag:$0x5], $0x80, s18, s29, $0xb8;
	[tilespmem:$0x1E400] =	vst v63  }
0x119: {  	_ =	swait.ge [sflag:s26], $0x2000  }
0x11a: {  	[sflag:s26] =	ssyncset.done $0x0  }
0x11b: {  	[sflag:s26] =	ssyncadd.s32 $0xFFFFE000  }
0x11c: {  	_ =	swait.ge [sflag:s10], $0x2000  }
0x11d: {  	[sflag:s10] =	ssyncset.done $0x0  }
0x11e: {  	s18 =	sadd.s32 $0x300, s17;
	[sflag:s10] =	ssyncadd.s32 $0xFFFFE000  }
0x11f: {  	[tilespmem:s1], [sflag:$0x3] =	stream.indirect.gather [hbm4b:s2+s29], $0x80, s18, s29, $0xb8;
	[tilespmem:$0x1E400] =	vst v63  }
.Ltmp2:
0x120: {  	_ = 	snop;
	(pc) =	sbr.rel @p0 .LBB2_6-.Ltmp2, $4  }
0x121: {  	s17 =	sadd.s32 $0x1580, s17  }
0x122: {  	[spmem:s3] =	stream.indirect.scatter.add.f32 [tilespmem:s7], [sflag:$0x5], $0x80, s17, s29, $0xb8;
	[tilespmem:$0x1E400] =	vst v63  }
0x123: {  	_ =	swait.ge [sflag:s26], $0x2000  }
0x124: {  	[sflag:s26] =	ssyncset.done $0x0  }
0x125: {  	[sflag:s26] =	ssyncadd.s32 $0xFFFFE000  }
0x126: {  	_ =	swait.ge [sflag:s6], $0x2000  }
0x127: {  	[sflag:s6] =	ssyncset.done $0x0  }
0x128: {  	[sflag:s6] =	ssyncadd.s32 $0xFFFFE000  }
0x129: {  	[tilespmem:s7], [sflag:$0x4] =	stream.indirect.gather [hbm4b:s2+s29], $0x80, s11, s29, $0xb8;
	[tilespmem:$0x1E400] =	vst v63  }
0x12a: {  	_ = 	snop  }
0x12b: {  	[spmem:s3] =	stream.indirect.scatter.add.f32 [tilespmem:s25], [sflag:$0x5], $0x80, s12, s29, $0xb8;
	[tilespmem:$0x1E400] =	vst v63  }
0x12c: {  	_ =	swait.ge [sflag:s26], $0x2000  }
0x12d: {  	[sflag:s26] =	ssyncset.done $0x0  }
0x12e: {  	[sflag:s26] =	ssyncadd.s32 $0xFFFFE000  }
0x12f: {  	_ =	swait.ge [sflag:s8], $0x2000  }
0x130: {  	[sflag:s8] =	ssyncset.done $0x0  }
0x131: {  	[sflag:s8] =	ssyncadd.s32 $0xFFFFE000  }
0x132: {  	[spmem:s3] =	stream.indirect.scatter.add.f32 [tilespmem:s31], [sflag:$0x5], $0x80, s13, s29, $0xb8;
	[tilespmem:$0x1E400] =	vst v63  }
0x133: {  	_ =	swait.ge [sflag:s26], $0x2000  }
0x134: {  	[sflag:s26] =	ssyncset.done $0x0  }
0x135: {  	[sflag:s26] =	ssyncadd.s32 $0xFFFFE000  }
0x136: {  	_ =	swait.ge [sflag:s9], $0x2000  }
0x137: {  	[sflag:s9] =	ssyncset.done $0x0  }
0x138: {  	[sflag:s9] =	ssyncadd.s32 $0xFFFFE000  }
0x139: {  	[spmem:s3] =	stream.indirect.scatter.add.f32 [tilespmem:s1], [sflag:$0x5], $0x80, s14, s29, $0xb8;
	[tilespmem:$0x1E400] =	vst v63  }
0x13a: {  	_ =	swait.ge [sflag:s26], $0x2000  }
0x13b: {  	[sflag:s26] =	ssyncset.done $0x0  }
0x13c: {  	[sflag:s26] =	ssyncadd.s32 $0xFFFFE000  }
0x13d: {  	_ =	swait.ge [sflag:s10], $0x2000  }
0x13e: {  	[sflag:s10] =	ssyncset.done $0x0  }
0x13f: {  	[sflag:s10] =	ssyncadd.s32 $0xFFFFE000  }
0x140: {  	[spmem:s3] =	stream.indirect.scatter.add.f32 [tilespmem:s7], [sflag:$0x5], $0x80, s15, s29, $0xb8;
	[tilespmem:$0x1E400] =	vst v63  }
0x141: {  	_ =	swait.ge [sflag:s26], $0x2000  }
0x142: {  	[sflag:s26] =	ssyncset.done $0x0  }
0x143: {  	s16 =	simm.s32 $0x0;
	[sflag:s26] =	ssyncadd.s32 $0xFFFFE000  }
0x144: {  	[tilespmem:s16], [sflag:$0x5] =	stream.linear.gather [hbm4b:s19+s16], $0x1400, $0x38;
	[tilespmem:$0x1E400] =	vst v63  }
0x145: {  	_ =	swait.ge [sflag:s26], $0x1400  }
0x146: {  	[sflag:s26] =	ssyncset.done $0x0  }
0x147: {  	[sflag:s26] =	ssyncadd.s32 $0xFFFFEC00  }
0x148: {  	[tilespmem:s28], [sflag:$0x5] =	stream.linear.gather [hbm4b:s20+s16], $0x1400, $0x38;
	[tilespmem:$0x1E400] =	vst v63  }
0x149: {  	_ =	swait.ge [sflag:s26], $0x1400  }
0x14a: {  	[sflag:s26] =	ssyncset.done $0x0  }
0x14b: {  	[sflag:s26] =	ssyncadd.s32 $0xFFFFEC00  }
0x14c: {  	[tilespmem:s25], [sflag:$0x1] =	stream.indirect.gather [hbm4b:s2+s29], $0x80, s16, s29, $0xb8;
	[tilespmem:$0x1E400] =	vst v63  }
0x14d: {  	_ = 	snop  }
0x14e: {  	[tilespmem:s31], [sflag:$0x2] =	stream.indirect.gather [hbm4b:s2+s29], $0x80, s30, s29, $0xb8;
	[tilespmem:$0x1E400] =	vst v63  }
0x14f: {  	_ = 	snop  }
0x150: {  	[tilespmem:s1], [sflag:$0x3] =	stream.indirect.gather [hbm4b:s2+s29], $0x80, s0, s29, $0xb8;
	[tilespmem:$0x1E400] =	vst v63  }
0x151: {  	_ =	swait.ge [sflag:s6], $0x2000  }
0x152: {  	[sflag:s6] =	ssyncset.done $0x0  }
0x153: {  	s17 =	simm.s32 $0x180;
	[sflag:s6] =	ssyncadd.s32 $0xFFFFE000  }
0x154: {  	[tilespmem:s7], [sflag:$0x4] =	stream.indirect.gather [hbm4b:s2+s29], $0x80, s17, s29, $0xb8;
	[tilespmem:$0x1E400] =	vst v63  }
0x155: {  	s18 =	simm.s32 $0x1400  }
0x156: {  	[spmem:s3] =	stream.indirect.scatter.add.f32 [tilespmem:s25], [sflag:$0x5], $0x80, s18, s29, $0xb8;
	[tilespmem:$0x1E400] =	vst v63  }
0x157: {  	_ =	swait.ge [sflag:s26], $0x2000  }
0x158: {  	[sflag:s26] =	ssyncset.done $0x0  }
0x159: {  	[sflag:s26] =	ssyncadd.s32 $0xFFFFE000  }
0x15a: {  	_ =	swait.ge [sflag:s8], $0x2000  }
0x15b: {  	[sflag:s8] =	ssyncset.done $0x0  }
0x15c: {  	s17 =	simm.s32 $0x200;
	[sflag:s8] =	ssyncadd.s32 $0xFFFFE000  }
0x15d: {  	[tilespmem:s25], [sflag:$0x1] =	stream.indirect.gather [hbm4b:s2+s29], $0x80, s17, s29, $0xb8;
	[tilespmem:$0x1E400] =	vst v63  }
0x15e: {  	s18 =	simm.s32 $0x1480  }
0x15f: {  	[spmem:s3] =	stream.indirect.scatter.add.f32 [tilespmem:s31], [sflag:$0x5], $0x80, s18, s29, $0xb8;
	[tilespmem:$0x1E400] =	vst v63  }
0x160: {  	_ =	swait.ge [sflag:s26], $0x2000  }
0x161: {  	[sflag:s26] =	ssyncset.done $0x0  }
0x162: {  	[sflag:s26] =	ssyncadd.s32 $0xFFFFE000  }
0x163: {  	_ =	swait.ge [sflag:s9], $0x2000  }
0x164: {  	[sflag:s9] =	ssyncset.done $0x0  }
0x165: {  	s17 =	simm.s32 $0x280;
	[sflag:s9] =	ssyncadd.s32 $0xFFFFE000  }
0x166: {  	[tilespmem:s31], [sflag:$0x2] =	stream.indirect.gather [hbm4b:s2+s29], $0x80, s17, s29, $0xb8;
	[tilespmem:$0x1E400] =	vst v63  }
0x167: {  	s18 =	simm.s32 $0x1500  }
0x168: {  	[spmem:s3] =	stream.indirect.scatter.add.f32 [tilespmem:s1], [sflag:$0x5], $0x80, s18, s29, $0xb8;
	[tilespmem:$0x1E400] =	vst v63  }
0x169: {  	_ =	swait.ge [sflag:s26], $0x2000  }
0x16a: {  	[sflag:s26] =	ssyncset.done $0x0  }
0x16b: {  	[sflag:s26] =	ssyncadd.s32 $0xFFFFE000  }
0x16c: {  	_ =	swait.ge [sflag:s10], $0x2000  }
0x16d: {  	[sflag:s10] =	ssyncset.done $0x0  }
0x16e: {  	s17 =	simm.s32 $0x300;
	[sflag:s10] =	ssyncadd.s32 $0xFFFFE000  }
0x16f: {  	[tilespmem:s1], [sflag:$0x3] =	stream.indirect.gather [hbm4b:s2+s29], $0x80, s17, s29, $0xb8;
	[tilespmem:$0x1E400] =	vst v63  }
0x170: {  	s18 =	simm.s32 $0x1580  }
0x171: {  	[spmem:s3] =	stream.indirect.scatter.add.f32 [tilespmem:s7], [sflag:$0x5], $0x80, s18, s29, $0xb8;
	[tilespmem:$0x1E400] =	vst v63  }
0x172: {  	_ =	swait.ge [sflag:s26], $0x2000  }
0x173: {  	s16 =	simm.s32 $0x800;
	[sflag:s26] =	ssyncset.done $0x0  }
.LBB2_8:
0x174: {  	p0 =	sne.s32 s16, $0x4000  }
0x175: {  	[sflag:s26] =	ssyncadd.s32 $0xFFFFE000;
	s17 =	smov.u32 s16;
	s16 =	sadd.s32 $0x800, s16  }
0x176: {  	_ = 	snop  }
0x177: {  	_ =	swait.ge [sflag:s6], $0x2000  }
0x178: {  	s17 =	sshra.s32 s17, $0x2;
	[sflag:s6] =	ssyncset.done $0x0  }
0x179: {  	s18 =	sadd.s32 $0x180, s17;
	[sflag:s6] =	ssyncadd.s32 $0xFFFFE000  }
0x17a: {  	[tilespmem:s7], [sflag:$0x4] =	stream.indirect.gather [hbm4b:s2+s29], $0x80, s18, s29, $0xb8;
	[tilespmem:$0x1E400] =	vst v63  }
0x17b: {  	s18 =	sadd.s32 $0x1400, s17  }
0x17c: {  	[spmem:s3] =	stream.indirect.scatter.add.f32 [tilespmem:s25], [sflag:$0x5], $0x80, s18, s29, $0xb8;
	[tilespmem:$0x1E400] =	vst v63  }
0x17d: {  	_ =	swait.ge [sflag:s26], $0x2000  }
0x17e: {  	[sflag:s26] =	ssyncset.done $0x0  }
0x17f: {  	[sflag:s26] =	ssyncadd.s32 $0xFFFFE000  }
0x180: {  	_ =	swait.ge [sflag:s8], $0x2000  }
0x181: {  	[sflag:s8] =	ssyncset.done $0x0  }
0x182: {  	s18 =	sadd.s32 $0x200, s17;
	[sflag:s8] =	ssyncadd.s32 $0xFFFFE000  }
0x183: {  	[tilespmem:s25], [sflag:$0x1] =	stream.indirect.gather [hbm4b:s2+s29], $0x80, s18, s29, $0xb8;
	[tilespmem:$0x1E400] =	vst v63  }
0x184: {  	s18 =	sadd.s32 $0x1480, s17  }
0x185: {  	[spmem:s3] =	stream.indirect.scatter.add.f32 [tilespmem:s31], [sflag:$0x5], $0x80, s18, s29, $0xb8;
	[tilespmem:$0x1E400] =	vst v63  }
0x186: {  	_ =	swait.ge [sflag:s26], $0x2000  }
0x187: {  	[sflag:s26] =	ssyncset.done $0x0  }
0x188: {  	[sflag:s26] =	ssyncadd.s32 $0xFFFFE000  }
0x189: {  	_ =	swait.ge [sflag:s9], $0x2000  }
0x18a: {  	[sflag:s9] =	ssyncset.done $0x0  }
0x18b: {  	s18 =	sadd.s32 $0x280, s17;
	[sflag:s9] =	ssyncadd.s32 $0xFFFFE000  }
0x18c: {  	[tilespmem:s31], [sflag:$0x2] =	stream.indirect.gather [hbm4b:s2+s29], $0x80, s18, s29, $0xb8;
	[tilespmem:$0x1E400] =	vst v63  }
0x18d: {  	s18 =	sadd.s32 $0x1500, s17  }
0x18e: {  	[spmem:s3] =	stream.indirect.scatter.add.f32 [tilespmem:s1], [sflag:$0x5], $0x80, s18, s29, $0xb8;
	[tilespmem:$0x1E400] =	vst v63  }
0x18f: {  	_ =	swait.ge [sflag:s26], $0x2000  }
0x190: {  	[sflag:s26] =	ssyncset.done $0x0  }
0x191: {  	[sflag:s26] =	ssyncadd.s32 $0xFFFFE000  }
0x192: {  	_ =	swait.ge [sflag:s10], $0x2000  }
0x193: {  	[sflag:s10] =	ssyncset.done $0x0  }
0x194: {  	s18 =	sadd.s32 $0x300, s17;
	[sflag:s10] =	ssyncadd.s32 $0xFFFFE000  }
0x195: {  	[tilespmem:s1], [sflag:$0x3] =	stream.indirect.gather [hbm4b:s2+s29], $0x80, s18, s29, $0xb8;
	[tilespmem:$0x1E400] =	vst v63  }
.Ltmp3:
0x196: {  	_ = 	snop;
	(pc) =	sbr.rel @p0 .LBB2_8-.Ltmp3, $4  }
0x197: {  	s17 =	sadd.s32 $0x1580, s17  }
0x198: {  	[spmem:s3] =	stream.indirect.scatter.add.f32 [tilespmem:s7], [sflag:$0x5], $0x80, s17, s29, $0xb8;
	[tilespmem:$0x1E400] =	vst v63  }
0x199: {  	_ =	swait.ge [sflag:s26], $0x2000  }
0x19a: {  	[sflag:s26] =	ssyncset.done $0x0  }
0x19b: {  	[sflag:s26] =	ssyncadd.s32 $0xFFFFE000  }
0x19c: {  	_ =	swait.ge [sflag:s6], $0x2000  }
0x19d: {  	[sflag:s6] =	ssyncset.done $0x0  }
0x19e: {  	[sflag:s6] =	ssyncadd.s32 $0xFFFFE000  }
0x19f: {  	[tilespmem:s7], [sflag:$0x4] =	stream.indirect.gather [hbm4b:s2+s29], $0x80, s11, s29, $0xb8;
	[tilespmem:$0x1E400] =	vst v63  }
0x1a0: {  	_ = 	snop  }
0x1a1: {  	[spmem:s3] =	stream.indirect.scatter.add.f32 [tilespmem:s25], [sflag:$0x5], $0x80, s12, s29, $0xb8;
	[tilespmem:$0x1E400] =	vst v63  }
0x1a2: {  	_ =	swait.ge [sflag:s26], $0x2000  }
0x1a3: {  	[sflag:s26] =	ssyncset.done $0x0  }
0x1a4: {  	[sflag:s26] =	ssyncadd.s32 $0xFFFFE000  }
0x1a5: {  	_ =	swait.ge [sflag:s8], $0x2000  }
0x1a6: {  	[sflag:s8] =	ssyncset.done $0x0  }
0x1a7: {  	[sflag:s8] =	ssyncadd.s32 $0xFFFFE000  }
0x1a8: {  	[spmem:s3] =	stream.indirect.scatter.add.f32 [tilespmem:s31], [sflag:$0x5], $0x80, s13, s29, $0xb8;
	[tilespmem:$0x1E400] =	vst v63  }
0x1a9: {  	_ =	swait.ge [sflag:s26], $0x2000  }
0x1aa: {  	[sflag:s26] =	ssyncset.done $0x0  }
0x1ab: {  	[sflag:s26] =	ssyncadd.s32 $0xFFFFE000  }
0x1ac: {  	_ =	swait.ge [sflag:s9], $0x2000  }
0x1ad: {  	[sflag:s9] =	ssyncset.done $0x0  }
0x1ae: {  	[sflag:s9] =	ssyncadd.s32 $0xFFFFE000  }
0x1af: {  	[spmem:s3] =	stream.indirect.scatter.add.f32 [tilespmem:s1], [sflag:$0x5], $0x80, s14, s29, $0xb8;
	[tilespmem:$0x1E400] =	vst v63  }
0x1b0: {  	_ =	swait.ge [sflag:s26], $0x2000  }
0x1b1: {  	[sflag:s26] =	ssyncset.done $0x0  }
0x1b2: {  	[sflag:s26] =	ssyncadd.s32 $0xFFFFE000  }
0x1b3: {  	_ =	swait.ge [sflag:s10], $0x2000  }
0x1b4: {  	[sflag:s10] =	ssyncset.done $0x0  }
0x1b5: {  	[sflag:s10] =	ssyncadd.s32 $0xFFFFE000  }
0x1b6: {  	[spmem:s3] =	stream.indirect.scatter.add.f32 [tilespmem:s7], [sflag:$0x5], $0x80, s15, s29, $0xb8;
	[tilespmem:$0x1E400] =	vst v63  }
0x1b7: {  	_ =	swait.ge [sflag:s26], $0x2000  }
0x1b8: {  	[sflag:s26] =	ssyncset.done $0x0  }
0x1b9: {  	s16 =	simm.s32 $0x0;
	[sflag:s26] =	ssyncadd.s32 $0xFFFFE000  }
0x1ba: {  	[tilespmem:s16], [sflag:$0x5] =	stream.linear.gather [hbm4b:s21+s16], $0x1400, $0x38;
	[tilespmem:$0x1E400] =	vst v63  }
0x1bb: {  	_ =	swait.ge [sflag:s26], $0x1400  }
0x1bc: {  	[sflag:s26] =	ssyncset.done $0x0  }
0x1bd: {  	[sflag:s26] =	ssyncadd.s32 $0xFFFFEC00  }
0x1be: {  	[tilespmem:s28], [sflag:$0x5] =	stream.linear.gather [hbm4b:s22+s16], $0x1400, $0x38;
	[tilespmem:$0x1E400] =	vst v63  }
0x1bf: {  	_ =	swait.ge [sflag:s26], $0x1400  }
0x1c0: {  	[sflag:s26] =	ssyncset.done $0x0  }
0x1c1: {  	[sflag:s26] =	ssyncadd.s32 $0xFFFFEC00  }
0x1c2: {  	[tilespmem:s25], [sflag:$0x1] =	stream.indirect.gather [hbm4b:s2+s29], $0x80, s16, s29, $0xb8;
	[tilespmem:$0x1E400] =	vst v63  }
0x1c3: {  	_ = 	snop  }
0x1c4: {  	[tilespmem:s31], [sflag:$0x2] =	stream.indirect.gather [hbm4b:s2+s29], $0x80, s30, s29, $0xb8;
	[tilespmem:$0x1E400] =	vst v63  }
0x1c5: {  	_ = 	snop  }
0x1c6: {  	[tilespmem:s1], [sflag:$0x3] =	stream.indirect.gather [hbm4b:s2+s29], $0x80, s0, s29, $0xb8;
	[tilespmem:$0x1E400] =	vst v63  }
0x1c7: {  	_ =	swait.ge [sflag:s6], $0x2000  }
0x1c8: {  	[sflag:s6] =	ssyncset.done $0x0  }
0x1c9: {  	s17 =	simm.s32 $0x180;
	[sflag:s6] =	ssyncadd.s32 $0xFFFFE000  }
0x1ca: {  	[tilespmem:s7], [sflag:$0x4] =	stream.indirect.gather [hbm4b:s2+s29], $0x80, s17, s29, $0xb8;
	[tilespmem:$0x1E400] =	vst v63  }
0x1cb: {  	s18 =	simm.s32 $0x1400  }
0x1cc: {  	[spmem:s3] =	stream.indirect.scatter.add.f32 [tilespmem:s25], [sflag:$0x5], $0x80, s18, s29, $0xb8;
	[tilespmem:$0x1E400] =	vst v63  }
0x1cd: {  	_ =	swait.ge [sflag:s26], $0x2000  }
0x1ce: {  	[sflag:s26] =	ssyncset.done $0x0  }
0x1cf: {  	[sflag:s26] =	ssyncadd.s32 $0xFFFFE000  }
0x1d0: {  	_ =	swait.ge [sflag:s8], $0x2000  }
0x1d1: {  	[sflag:s8] =	ssyncset.done $0x0  }
0x1d2: {  	s17 =	simm.s32 $0x200;
	[sflag:s8] =	ssyncadd.s32 $0xFFFFE000  }
0x1d3: {  	[tilespmem:s25], [sflag:$0x1] =	stream.indirect.gather [hbm4b:s2+s29], $0x80, s17, s29, $0xb8;
	[tilespmem:$0x1E400] =	vst v63  }
0x1d4: {  	s18 =	simm.s32 $0x1480  }
0x1d5: {  	[spmem:s3] =	stream.indirect.scatter.add.f32 [tilespmem:s31], [sflag:$0x5], $0x80, s18, s29, $0xb8;
	[tilespmem:$0x1E400] =	vst v63  }
0x1d6: {  	_ =	swait.ge [sflag:s26], $0x2000  }
0x1d7: {  	[sflag:s26] =	ssyncset.done $0x0  }
0x1d8: {  	[sflag:s26] =	ssyncadd.s32 $0xFFFFE000  }
0x1d9: {  	_ =	swait.ge [sflag:s9], $0x2000  }
0x1da: {  	[sflag:s9] =	ssyncset.done $0x0  }
0x1db: {  	s17 =	simm.s32 $0x280;
	[sflag:s9] =	ssyncadd.s32 $0xFFFFE000  }
0x1dc: {  	[tilespmem:s31], [sflag:$0x2] =	stream.indirect.gather [hbm4b:s2+s29], $0x80, s17, s29, $0xb8;
	[tilespmem:$0x1E400] =	vst v63  }
0x1dd: {  	s18 =	simm.s32 $0x1500  }
0x1de: {  	[spmem:s3] =	stream.indirect.scatter.add.f32 [tilespmem:s1], [sflag:$0x5], $0x80, s18, s29, $0xb8;
	[tilespmem:$0x1E400] =	vst v63  }
0x1df: {  	_ =	swait.ge [sflag:s26], $0x2000  }
0x1e0: {  	[sflag:s26] =	ssyncset.done $0x0  }
0x1e1: {  	[sflag:s26] =	ssyncadd.s32 $0xFFFFE000  }
0x1e2: {  	_ =	swait.ge [sflag:s10], $0x2000  }
0x1e3: {  	[sflag:s10] =	ssyncset.done $0x0  }
0x1e4: {  	s17 =	simm.s32 $0x300;
	[sflag:s10] =	ssyncadd.s32 $0xFFFFE000  }
0x1e5: {  	[tilespmem:s1], [sflag:$0x3] =	stream.indirect.gather [hbm4b:s2+s29], $0x80, s17, s29, $0xb8;
	[tilespmem:$0x1E400] =	vst v63  }
0x1e6: {  	s18 =	simm.s32 $0x1580  }
0x1e7: {  	[spmem:s3] =	stream.indirect.scatter.add.f32 [tilespmem:s7], [sflag:$0x5], $0x80, s18, s29, $0xb8;
	[tilespmem:$0x1E400] =	vst v63  }
0x1e8: {  	_ =	swait.ge [sflag:s26], $0x2000  }
0x1e9: {  	s16 =	simm.s32 $0x800;
	[sflag:s26] =	ssyncset.done $0x0  }
.LBB2_10:
0x1ea: {  	p0 =	sne.s32 s16, $0x4000  }
0x1eb: {  	[sflag:s26] =	ssyncadd.s32 $0xFFFFE000;
	s17 =	smov.u32 s16;
	s16 =	sadd.s32 $0x800, s16  }
0x1ec: {  	_ = 	snop  }
0x1ed: {  	_ =	swait.ge [sflag:s6], $0x2000  }
0x1ee: {  	s17 =	sshra.s32 s17, $0x2;
	[sflag:s6] =	ssyncset.done $0x0  }
0x1ef: {  	s18 =	sadd.s32 $0x180, s17;
	[sflag:s6] =	ssyncadd.s32 $0xFFFFE000  }
0x1f0: {  	[tilespmem:s7], [sflag:$0x4] =	stream.indirect.gather [hbm4b:s2+s29], $0x80, s18, s29, $0xb8;
	[tilespmem:$0x1E400] =	vst v63  }
0x1f1: {  	s18 =	sadd.s32 $0x1400, s17  }
0x1f2: {  	[spmem:s3] =	stream.indirect.scatter.add.f32 [tilespmem:s25], [sflag:$0x5], $0x80, s18, s29, $0xb8;
	[tilespmem:$0x1E400] =	vst v63  }
0x1f3: {  	_ =	swait.ge [sflag:s26], $0x2000  }
0x1f4: {  	[sflag:s26] =	ssyncset.done $0x0  }
0x1f5: {  	[sflag:s26] =	ssyncadd.s32 $0xFFFFE000  }
0x1f6: {  	_ =	swait.ge [sflag:s8], $0x2000  }
0x1f7: {  	[sflag:s8] =	ssyncset.done $0x0  }
0x1f8: {  	s18 =	sadd.s32 $0x200, s17;
	[sflag:s8] =	ssyncadd.s32 $0xFFFFE000  }
0x1f9: {  	[tilespmem:s25], [sflag:$0x1] =	stream.indirect.gather [hbm4b:s2+s29], $0x80, s18, s29, $0xb8;
	[tilespmem:$0x1E400] =	vst v63  }
0x1fa: {  	s18 =	sadd.s32 $0x1480, s17  }
0x1fb: {  	[spmem:s3] =	stream.indirect.scatter.add.f32 [tilespmem:s31], [sflag:$0x5], $0x80, s18, s29, $0xb8;
	[tilespmem:$0x1E400] =	vst v63  }
0x1fc: {  	_ =	swait.ge [sflag:s26], $0x2000  }
0x1fd: {  	[sflag:s26] =	ssyncset.done $0x0  }
0x1fe: {  	[sflag:s26] =	ssyncadd.s32 $0xFFFFE000  }
0x1ff: {  	_ =	swait.ge [sflag:s9], $0x2000  }
0x200: {  	[sflag:s9] =	ssyncset.done $0x0  }
0x201: {  	s18 =	sadd.s32 $0x280, s17;
	[sflag:s9] =	ssyncadd.s32 $0xFFFFE000  }
0x202: {  	[tilespmem:s31], [sflag:$0x2] =	stream.indirect.gather [hbm4b:s2+s29], $0x80, s18, s29, $0xb8;
	[tilespmem:$0x1E400] =	vst v63  }
0x203: {  	s18 =	sadd.s32 $0x1500, s17  }
0x204: {  	[spmem:s3] =	stream.indirect.scatter.add.f32 [tilespmem:s1], [sflag:$0x5], $0x80, s18, s29, $0xb8;
	[tilespmem:$0x1E400] =	vst v63  }
0x205: {  	_ =	swait.ge [sflag:s26], $0x2000  }
0x206: {  	[sflag:s26] =	ssyncset.done $0x0  }
0x207: {  	[sflag:s26] =	ssyncadd.s32 $0xFFFFE000  }
0x208: {  	_ =	swait.ge [sflag:s10], $0x2000  }
0x209: {  	[sflag:s10] =	ssyncset.done $0x0  }
0x20a: {  	s18 =	sadd.s32 $0x300, s17;
	[sflag:s10] =	ssyncadd.s32 $0xFFFFE000  }
0x20b: {  	[tilespmem:s1], [sflag:$0x3] =	stream.indirect.gather [hbm4b:s2+s29], $0x80, s18, s29, $0xb8;
	[tilespmem:$0x1E400] =	vst v63  }
.Ltmp4:
0x20c: {  	_ = 	snop;
	(pc) =	sbr.rel @p0 .LBB2_10-.Ltmp4, $4  }
0x20d: {  	s17 =	sadd.s32 $0x1580, s17  }
0x20e: {  	[spmem:s3] =	stream.indirect.scatter.add.f32 [tilespmem:s7], [sflag:$0x5], $0x80, s17, s29, $0xb8;
	[tilespmem:$0x1E400] =	vst v63  }
0x20f: {  	_ =	swait.ge [sflag:s26], $0x2000  }
0x210: {  	[sflag:s26] =	ssyncset.done $0x0  }
0x211: {  	[sflag:s26] =	ssyncadd.s32 $0xFFFFE000  }
0x212: {  	_ =	swait.ge [sflag:s6], $0x2000  }
0x213: {  	[sflag:s6] =	ssyncset.done $0x0  }
0x214: {  	[sflag:s6] =	ssyncadd.s32 $0xFFFFE000  }
0x215: {  	[tilespmem:s7], [sflag:$0x4] =	stream.indirect.gather [hbm4b:s2+s29], $0x80, s11, s29, $0xb8;
	[tilespmem:$0x1E400] =	vst v63  }
0x216: {  	_ = 	snop  }
0x217: {  	[spmem:s3] =	stream.indirect.scatter.add.f32 [tilespmem:s25], [sflag:$0x5], $0x80, s12, s29, $0xb8;
	[tilespmem:$0x1E400] =	vst v63  }
0x218: {  	_ =	swait.ge [sflag:s26], $0x2000  }
0x219: {  	[sflag:s26] =	ssyncset.done $0x0  }
0x21a: {  	[sflag:s26] =	ssyncadd.s32 $0xFFFFE000  }
0x21b: {  	_ =	swait.ge [sflag:s8], $0x2000  }
0x21c: {  	[sflag:s8] =	ssyncset.done $0x0  }
0x21d: {  	[sflag:s8] =	ssyncadd.s32 $0xFFFFE000  }
0x21e: {  	[spmem:s3] =	stream.indirect.scatter.add.f32 [tilespmem:s31], [sflag:$0x5], $0x80, s13, s29, $0xb8;
	[tilespmem:$0x1E400] =	vst v63  }
0x21f: {  	_ =	swait.ge [sflag:s26], $0x2000  }
0x220: {  	[sflag:s26] =	ssyncset.done $0x0  }
0x221: {  	[sflag:s26] =	ssyncadd.s32 $0xFFFFE000  }
0x222: {  	_ =	swait.ge [sflag:s9], $0x2000  }
0x223: {  	[sflag:s9] =	ssyncset.done $0x0  }
0x224: {  	[sflag:s9] =	ssyncadd.s32 $0xFFFFE000  }
0x225: {  	[spmem:s3] =	stream.indirect.scatter.add.f32 [tilespmem:s1], [sflag:$0x5], $0x80, s14, s29, $0xb8;
	[tilespmem:$0x1E400] =	vst v63  }
0x226: {  	_ =	swait.ge [sflag:s26], $0x2000  }
0x227: {  	[sflag:s26] =	ssyncset.done $0x0  }
0x228: {  	[sflag:s26] =	ssyncadd.s32 $0xFFFFE000  }
0x229: {  	_ =	swait.ge [sflag:s10], $0x2000  }
0x22a: {  	[sflag:s10] =	ssyncset.done $0x0  }
0x22b: {  	[sflag:s10] =	ssyncadd.s32 $0xFFFFE000  }
0x22c: {  	[spmem:s3] =	stream.indirect.scatter.add.f32 [tilespmem:s7], [sflag:$0x5], $0x80, s15, s29, $0xb8;
	[tilespmem:$0x1E400] =	vst v63  }
0x22d: {  	s16 =	stileid.u32;
	_ =	swait.ge [sflag:s26], $0x2000  }
0x22e: {  	s17 =	sshrl.u32 s5, $0x3;
	s4 =	sadd.s32 $0x1, s4;
	[sflag:s26] =	ssyncset.done $0x0  }
0x22f: {  	s16 =	sshll.u32 s16, $0x6;
	p0 =	sne.s32 s4, s24;
	[sflag:s26] =	ssyncadd.s32 $0xFFFFE000  }
.Ltmp5:
0x230: {  	s16 =	sor.u32 $0x1C05, s16;
	[bflag:$0x0] =	sbarrier.arrive $0xFFFF;
	(pc) =	sbr.rel @p0 .LBB2_1-.Ltmp5, $4  }
0x231: {  	[hbm:s23], [sflag:s16] =	dma.local [spmem:s17], $0x2780  }
0x232: {  	_ =	swait.ge [sflag:s26], $0x2780  }
0x233: {  	[sflag:s26] =	ssyncset.done $0x0  }
0x234: {  	[sflag:s26] =	ssyncadd.s32 $0xFFFFD880  }
0x235: {  	_ =	sfence.sel $0x180000  }
0x236: {  	[bflag:$0x0] =	sbarrier.arrive $0xFFFF  }
0x237: {  	_ =	strace $0x90000047  }
0x238: {  	s0 =	stileid.u32;
	[bflag:$0x2] =	sbarrier.arrive $0xFFFF  }
0x239: {  	p0 =	sne.s32 s0, $0x0;
	s0 =	rddreg [dreg:$0x3]  }
0x23a: {  	s0 =	sadd.s32 @!p0 $0x100000, s0  }
0x23b: {  	[sflag:s0] =	ssyncadd.tile.s32 @!p0 $0x1;
	_ =	shalt  }
.Lfunc_end2:
_tile_overlayer_lowered:
.L_overlay_start_2:
0x23c: {  	(tag) =	ssettag $0x2  }
0x23d: {  	s0 =	rddreg [dreg:$0x0];
	s2 =	stileid.u32  }
0x23e: {  	s1 =	rddreg [dreg:$0x1];
	p0 =	sne.s32 s2, $0x0  }
0x23f: {  	s3 =	rddreg [dreg:$0x2];
	[bflag:$0x3] =	sbarrier.arrive $0xFFFF;
	s2 =	simm.s32 @!p0 $0x1C05  }
0x240: {  	[timem:s3], [sflag:s2] =	dma.local @!p0 [hbm:s0], s1  }
0x241: {  	s0 =	simm.s32 @!p0 $0x5  }
0x242: {  	_ =	swait.ge @!p0 [sflag:s0], s1  }
0x243: {  	s1 =	ssub.s32 @!p0 $0x0, s1;
	[sflag:s0] =	ssyncset.done @!p0 $0x0  }
0x244: {  	[sflag:s0] =	ssyncadd.s32 @!p0 s1  }
0x245: {  	[bflag:$0x3] =	sbarrier.arrive $0xFFFF  }
0x246: {  	_ =	shalt  }

// kernel: kernel.9.cloned.1.call-start
scs
__scs_entry_jumppad:
0x0: {  	(pc) =	sbr.rel $0x88, $3  }
0x1: {  	(tag) =	ssettag $0x0;
	lr =	simm.s32 $0x1  }
0x2: {  	[smem:$0x3F97] =	sst lr;
	_ =	strace $0xD0000000  }
0x3: {  	_ = 	snop  }
0x4: {  	_ = 	snop  }
0x5: {  	_ = 	snop  }
0x6: {  	_ = 	snop  }
0x7: {  	_ = 	snop  }
__scs_overlays_trampoline_lowered:
0x8: {  	[smem:$0x3FA6] =	sst s0  }
0x9: {  	[smem:$0x3FA7] =	sst s1  }
0xa: {  	[smem:$0x3FA8] =	sst s2  }
0xb: {  	[smem:$0x3FA9] =	sst s3  }
0xc: {  	[smem:$0x3FAA] =	sst s4  }
0xd: {  	[smem:$0x3FAB] =	sst s5  }
0xe: {  	[smem:$0x3FAC] =	sst s6  }
0xf: {  	[smem:$0x3FAD] =	sst s7  }
0x10: {  	[smem:$0x3FAE] =	sst s8  }
0x11: {  	[smem:$0x3FAF] =	sst s9;
	s0 =	simm.s32 @!p0 $0x0  }
0x12: {  	s1 =	sld [smem:$0x3F95];
	s0 =	simm.s32 @p0 $0x1  }
0x13: {  	[smem:$0x3FB0] =	sst s0;
	s0 =	simm.s32 @!p1 $0x0  }
0x14: {  	s2 =	sld [smem:$0x3F94];
	s0 =	simm.s32 @p1 $0x1  }
0x15: {  	[smem:$0x3FB1] =	sst s0;
	s0 =	simm.s32 @!p2 $0x0  }
0x16: {  	s3 =	sld [smem:$0x3FDB];
	s0 =	simm.s32 @p2 $0x1  }
0x17: {  	s4 =	simm.s32 $0x1BF5;
	[smem:$0x3FB3] =	sst s0  }
0x18: {  	s0 =	sld [smem:$0x3F96];
	_ =	swait.ge [sflag:s4], $0x0  }
0x19: {  	s7 =	sld [smem:$0x3F97]  }
0x1a: {  	s8 =	sadd.s32 $0xFFFFE003, lr  }
0x1b: {  	s9 =	sadd.s32 $0xFFFFFEF7, lr;
	s5 =	simm.s32 $0xFFFFFFFF;
	p2 =	slt.u32 s8, $0xFFFFF086  }
0x1c: {  	p1 =	slt.u32 s9, $0xF7A;
	s5 =	simm.s32 @!p2 $0x0  }
0x1d: {  	s5 =	simm.s32 @p1 $0x1;
	p0 =	seq.s32 s7, s2  }
0x1e: {  	s7 =	smul.u32 @!p0 $0xF7A, s2;
	p2 =	seq.s32 @!p0 s5, $0x0  }
0x1f: {  	s9 =	smul.u32 $0xF7A, s1;
	s8 =	simm.s32 @!p0 $0x1BF5;
	p2 =	por !p2, p0  }
0x20: {  	[sflag:s8] =	ssyncset.s32 @!p0 $0xFFFFF086;
	s6 =	sadd.s32 @!p0 s3, s7;
	s7 =	simm.s32 @!p0 $0x108  }
0x21: {  	s3 =	sadd.s32 s3, s9;
	s6 =	sadd.s32 @!p0 $0x88, s6;
	s7 =	simm.s32 @p2 $0x1082  }
0x22: {  	[simem:s7], [sflag:s8] =	dma.local @!p0 [hbm:s6], $0xF7A  }
0x23: {  	s9 =	sor.u32 $0xD0000000, s2;
	s6 =	simm.s32 $0x108;
	_ =	swait.ge @!p0 [sflag:s8], $0x0  }
0x24: {  	s3 =	sadd.s32 $0x88, s3;
	s6 =	simm.s32 @!p1 $0x1082;
	[sflag:s4] =	ssyncset.s32 $0xFFFFF086  }
0x25: {  	[simem:s6], [sflag:s4] =	dma.local [hbm:s3], $0xF7A  }
0x26: {  	[smem:$0x3F97] =	sst s1;
	(tag) =	ssettag s2;
	_ =	strace s9  }
0x27: {  	s1 =	sld [smem:$0x3FA7]  }
0x28: {  	s2 =	sld [smem:$0x3FA8]  }
0x29: {  	s4 =	sld [smem:$0x3FAA]  }
0x2a: {  	p0 =	seq.s32 s5, $0x0;
	s5 =	sld [smem:$0x3FAB]  }
0x2b: {  	s6 =	sld [smem:$0x3FAC]  }
0x2c: {  	s7 =	sld [smem:$0x3FAD]  }
0x2d: {  	s3 =	simm.s32 $0x108;
	s8 =	sld [smem:$0x3FAE]  }
0x2e: {  	s3 =	simm.s32 @!p0 $0x1082;
	s9 =	sld [smem:$0x3FAF]  }
0x2f: {  	lr =	sadd.s32 s0, s3;
	s0 =	sld [smem:$0x3FA6]  }
0x30: {  	s3 =	sld [smem:$0x3FA9]  }
0x31: {  	[smem:$0x3FB2] =	sst s10  }
0x32: {  	s10 =	sld [smem:$0x3FB0];
	_ =	sdelay $0x3  }
0x33: {  	p0 =	seq.s32 s10, $0x1;
	s10 =	sld [smem:$0x3FB2];
	_ =	sdelay $0x3  }
0x34: {  	[smem:$0x3FB2] =	sst s10  }
0x35: {  	s10 =	sld [smem:$0x3FB1];
	_ =	sdelay $0x3  }
0x36: {  	p1 =	seq.s32 s10, $0x1;
	s10 =	sld [smem:$0x3FB2];
	_ =	sdelay $0x3  }
0x37: {  	[smem:$0x3FB2] =	sst s10  }
0x38: {  	s10 =	sld [smem:$0x3FB3]  }
0x39: {  	_ = 	snop;
	(pc) =	sbr.ind lr, $3  }
0x3a: {  	_ = 	snop  }
0x3b: {  	_ = 	snop  }
0x3c: {  	p2 =	seq.s32 s10, $0x1;
	s10 =	sld [smem:$0x3FB2]  }
0x3d: {  	_ =	shalt  }
0x3e: {  	_ =	shalt  }
0x3f: {  	_ =	shalt  }
0x40: {  	_ =	shalt  }
0x41: {  	_ =	shalt  }
0x42: {  	_ =	shalt  }
0x43: {  	_ =	shalt  }
0x44: {  	_ =	shalt  }
0x45: {  	_ =	shalt  }
0x46: {  	_ =	shalt  }
0x47: {  	_ =	shalt  }
0x48: {  	_ =	shalt  }
0x49: {  	_ =	shalt  }
0x4a: {  	_ =	shalt  }
0x4b: {  	_ =	shalt  }
0x4c: {  	_ =	shalt  }
0x4d: {  	_ =	shalt  }
0x4e: {  	_ =	shalt  }
0x4f: {  	_ =	shalt  }
0x50: {  	_ =	shalt  }
0x51: {  	_ =	shalt  }
0x52: {  	_ =	shalt  }
0x53: {  	_ =	shalt  }
0x54: {  	_ =	shalt  }
0x55: {  	_ =	shalt  }
0x56: {  	_ =	shalt  }
0x57: {  	_ =	shalt  }
0x58: {  	_ =	shalt  }
0x59: {  	_ =	shalt  }
0x5a: {  	_ =	shalt  }
0x5b: {  	_ =	shalt  }
0x5c: {  	_ =	shalt  }
0x5d: {  	_ =	shalt  }
0x5e: {  	_ =	shalt  }
0x5f: {  	_ =	shalt  }
0x60: {  	_ =	shalt  }
0x61: {  	_ =	shalt  }
0x62: {  	_ =	shalt  }
0x63: {  	_ =	shalt  }
0x64: {  	_ =	shalt  }
0x65: {  	_ =	shalt  }
0x66: {  	_ =	shalt  }
0x67: {  	_ =	shalt  }
0x68: {  	_ =	shalt  }
0x69: {  	_ =	shalt  }
0x6a: {  	_ =	shalt  }
0x6b: {  	_ =	shalt  }
0x6c: {  	_ =	shalt  }
0x6d: {  	_ =	shalt  }
0x6e: {  	_ =	shalt  }
0x6f: {  	_ =	shalt  }
0x70: {  	_ =	shalt  }
0x71: {  	_ =	shalt  }
0x72: {  	_ =	shalt  }
0x73: {  	_ =	shalt  }
0x74: {  	_ =	shalt  }
0x75: {  	_ =	shalt  }
0x76: {  	_ =	shalt  }
0x77: {  	_ =	shalt  }
0x78: {  	_ =	shalt  }
0x79: {  	_ =	shalt  }
0x7a: {  	_ =	shalt  }
0x7b: {  	_ =	shalt  }
0x7c: {  	_ =	shalt  }
0x7d: {  	_ =	shalt  }
0x7e: {  	_ =	shalt  }
0x7f: {  	_ =	shalt  }
0x80: {  	_ =	shalt  }
0x81: {  	_ =	shalt  }
0x82: {  	_ =	shalt  }
0x83: {  	_ =	shalt  }
0x84: {  	_ =	shalt  }
0x85: {  	_ =	shalt  }
0x86: {  	_ =	shalt  }
0x87: {  	_ =	shalt  }
.Lfunc_end0:
.L_simem_size_0:
called_computation.1_lowered:
.L_overlay_start_0:
0x88: {  	s2 =	sld [smem:$0x3FD9]  }
0x89: {  	s3 =	sld [smem:$0x3FFE];
	_ =	sdelay $0x1  }
0x8a: {  	s1 =	srdreg.scid  }
0x8b: {  	s0 =	sand.u32 $0x1, s1  }
0x8c: {  	s17 =	sshll.u32 s0, $0xA;
	s2 =	sadd.s32 s3, s2  }
0x8d: {  	s2 =	sadd.s32 s2, s17  }
0x8e: {  	[smem:$0x3FBE] =	sst s2  }
0x8f: {  	_ = 	snop  }
0x90: {  	s2 =	sld [smem:$0x3FD0];
	(tm) =	ssettm $0x1  }
0x91: {  	s18 =	sld [smem:$0x3FFB];
	_ =	sdelay $0x3  }
0x92: {  	_ =	strace s18  }
0x93: {  	s3 =	sld [smem:$0x3FFC];
	_ =	sdelay $0x3  }
0x94: {  	_ =	strace s3  }
0x95: {  	s3 =	sld [smem:$0x3FFD];
	_ =	sdelay $0x3  }
0x96: {  	_ =	strace s3  }
0x97: {  	_ =	strace $0x8FFFFFFF  }
0x98: {  	s19 =	sld [smem:$0x3FDB];
	_ =	sdelay $0x1  }
0x99: {  	s4 =	simm.s32 $_scs_section_size  }
0x9a: {  	s5 =	simm.s32 $_size__tile_overlayer_lowered;
	s6 =	simm.s32 $_tile_overlayer_lowered  }
0x9b: {  	s22 =	simm.s32 $0x1BFF;
	s21 =	sshll.u32 s6, $0x1;
	s3 =	sadd.s32 s4, s19  }
0x9c: {  	s7 =	simm.s32 $0x0;
	s20 =	sshll.u32 s5, $0x1;
	s5 =	sadd.s32 s21, s3  }
0x9d: {  	[timem:s7], [sflag:s22] =	dma.local [hbm:s5], s20  }
0x9e: {  	_ =	swait.ge [sflag:s22], s20  }
0x9f: {  	s4 =	ssub.s32 $0x0, s20;
	[sflag:s22] =	ssyncset.done $0x0  }
0xa0: {  	[sflag:s22] =	ssyncadd.s32 s4;
	_ =	sdelay $0x1  }
0xa1: {  	s23 =	simm.s32 $0x1B8B  }
0xa2: {  	_ =	swait.ge [sflag:s23], $0x1  }
0xa3: {  	[sflag:s23] =	ssyncset.done $0x0  }
0xa4: {  	s25 =	simm.s32 $0x1B8E;
	s24 =	sld [smem:$0x3FFE];
	[sflag:s23] =	ssyncadd.s32 $0xFFFFFFFF  }
0xa5: {  	s26 =	simm.s32 $execute0_lowered;
	[smem:$0x3FD2] =	sst s25  }
0xa6: {  	s5 =	sshll.u32 s26, $0x1;
	_ =	strace $0x80000049;
	[dreg:$0x1] =	wrdreg $0xFFFFFFFF  }
0xa7: {  	s28 =	simm.s32 $_size_execute0_lowered;
	s3 =	sadd.s32 s3, s5;
	[dreg:$0x0] =	wrdreg $0x0  }
0xa8: {  	s5 =	sshll.u32 s28, $0x1;
	[dreg:$0x2] =	wrdreg s3  }
0xa9: {  	[dreg:$0x3] =	wrdreg s5  }
0xaa: {  	[dreg:$0x4] =	wrdreg $0xC0  }
0xab: {  	_ =	task [dreg:s7], $0x5FFFF  }
0xac: {  	[dreg:$0x1] =	wrdreg $0xFFFFFFFF  }
0xad: {  	[dreg:$0x0] =	wrdreg $0x60  }
0xae: {  	[dreg:$0x2] =	wrdreg s24  }
0xaf: {  	[dreg:$0x3] =	wrdreg s2  }
0xb0: {  	[dreg:$0x4] =	wrdreg $0xA8000  }
0xb1: {  	[dreg:$0x5] =	wrdreg $0x9  }
0xb2: {  	_ =	task.clear_ibuf [dreg:s7], $0x6FFFF;
	_ =	strace $0x90000049  }
0xb3: {  	s29 =	simm.s32 $0x9;
	_ =	strace $0x8000004B  }
0xb4: {  	_ =	swait.ge [sflag:s29], $0x1  }
0xb5: {  	[sflag:s29] =	ssyncadd.s32 $0xFFFFFFFF  }
0xb6: {  	_ =	strace $0x9000004B  }
0xb7: {  	_ =	sfence  }
0xb8: {  	s30 =	sld [smem:$0x0];
	_ =	sdelay $0x2  }
0xb9: {  	s31 =	sshll.u32 s1, $0xD;
	s1 =	sshrl.u32 s1, $0x2  }
0xba: {  	s3 =	sand.u32 $0x4000, s31;
	s1 =	sadd.s32 s1, s30  }
0xbb: {  	s0 =	sor.u32 s3, s0;
	s1 =	sshll.u32 s1, $0x11  }
0xbc: {  	s0 =	sor.u32 s1, s0  }
0xbd: {  	s0 =	sadd.s32 $0x8F2B, s0  }
0xbe: {  	[sflag:s0] =	ssyncadd.remote.s32 $0x1  }
0xbf: {  	_ =	sfence.sel $0xFFFF  }
0xc0: {  	[dreg:$0x0] =	wrdreg $0xFFFFFFFF;
	(pc) =	sbr.abs _section_cstart, $3  }
0xc1: {  	[dreg:$0x1] =	wrdreg $0xFFFFFFFF  }
0xc2: {  	_ =	task.clear_ibuf [dreg:s7], $0x2FFFF;
	_ =	strace $0x9FFFFFFF  }
0xc3: {  	(tm) =	ssettm $0x7FFFFFFF  }
tec
execute0_lowered:
.L_overlay_start_1:
0x0: {  	(tag) =	ssettag $0x1  }
0x1: {  	s0 =	rddreg [dreg:$0x0]  }
0x2: {  	s2 =	rddreg [dreg:$0x1]  }
0x3: {  	s1 =	srdreg.scid;
	s3 =	rddreg [dreg:$0x2]  }
0x4: {  	s10 =	stileid.u32;
	s4 =	simm.s32 $0x0;
	s28 =	simm.s32 $0x1400  }
0x5: {  	s29 =	simm.s32 $0x40;
	s30 =	simm.s32 $0x80;
	s31 =	simm.s32 $0x4800  }
0x6: {  	s11 =	simm.s32 $0x1380;
	s1 =	sand.u32 $0x1, s1;
	s6 =	smul.u32 $0x13C00, s10  }
0x7: {  	[smem:$0x7FF] =	sst s4;
	s7 =	smul.u32 $0x4F000, s10;
	s10 =	sshll.u32 s10, $0x1  }
0x8: {  	s5 =	smul.u32 $0x13C000, s1;
	s13 =	ssub.s32 $0x2, s1;
	s1 =	sor.u32 s1, s10  }
0x9: {  	s12 =	sadd.s32 $0x15C00, s0;
	s8 =	sadd.s32 $0x1C00, s0;
	s1 =	smul.u32 $0x5000, s1  }
0xa: {  	_ =	strace $0x8000004A;
	s10 =	simm.s32 $0x4;
	s5 =	sadd.s32 s6, s5  }
0xb: {  	s9 =	sshrl.u32 s13, $0x1;
	s5 =	sshrl.u32 s5, $0x3;
	s1 =	sshrl.u32 s1, $0x3  }
0xc: {  	s7 =	sshrl.u32 s7, $0x2;
	s0 =	sadd.s32 s5, s0;
	s23 =	sadd.s32 s12, s1  }
0xd: {  	s5 =	sadd.s32 s7, s3;
	s24 =	sadd.s32 s8, s1;
	[dreg:$0xd] =	wrdreg s23  }
0xe: {  	s9 =	ssub.s32 s13, s9;
	s7 =	sadd.s32 $0x2000, s5;
	[dreg:$0xe] =	wrdreg s24  }
0xf: {  	s6 =	simm.s32 $0x1;
	s14 =	sadd.s32 $0x4000, s5;
	[dreg:$0x4] =	wrdreg s7  }
0x10: {  	s13 =	simm.s32 $0x2680;
	s15 =	sadd.s32 $0x6000, s5;
	[dreg:$0x5] =	wrdreg s14  }
0x11: {  	s22 =	sadd.s32 $0x280, s1;
	s16 =	sadd.s32 $0x8000, s5;
	[dreg:$0x6] =	wrdreg s15  }
0x12: {  	s26 =	sadd.s32 $0x500, s1;
	s17 =	sadd.s32 $0xA000, s5;
	[dreg:$0x7] =	wrdreg s16  }
0x13: {  	s1 =	sadd.s32 $0x780, s1;
	s18 =	sadd.s32 $0xC000, s5;
	[dreg:$0x8] =	wrdreg s17  }
0x14: {  	s19 =	sadd.s32 $0xE000, s5;
	s20 =	sadd.s32 $0x10000, s5;
	[dreg:$0x9] =	wrdreg s18  }
0x15: {  	s21 =	sadd.s32 $0x12000, s5;
	s25 =	sadd.s32 s12, s22;
	[dreg:$0xa] =	wrdreg s19  }
0x16: {  	s23 =	sadd.s32 $0x29C00, s0;
	s24 =	smax.u32 s9, $0x1;
	[dreg:$0xb] =	wrdreg s20  }
0x17: {  	s0 =	simm.s32 $0x100;
	s9 =	simm.s32 $0x3;
	[dreg:$0xc] =	wrdreg s21  }
0x18: {  	[dreg:$0xf] =	wrdreg s25;
	s7 =	sadd.s32 s8, s22;
	s19 =	sadd.s32 s12, s26  }
0x19: {  	s20 =	sadd.s32 s8, s26;
	s21 =	sadd.s32 s12, s1;
	s22 =	sadd.s32 s8, s1  }
0x1a: {  	s25 =	simm.s32 $0x2800;
	s26 =	simm.s32 $0x5;
	s1 =	simm.s32 $0x6800  }
0x1b: {  	s8 =	simm.s32 $0x2;
	s12 =	simm.s32 $0x2600;
	s14 =	simm.s32 $0x2700  }
0x1c: {  	v0 =	vimm.f32 $0.0e+00;
	s15 =	simm.s32 $0x2780;
	[dreg:$0x10] =	wrdreg s7;
	s7 =	simm.s32 $0x8800  }
.LBB2_1:
0x1d: {  	s16 =	simm.s32 $0x0;
	s17 =	simm.s32 $0x200  }
.LBB2_2:
0x1e: {  	p0 =	sne.s32 s17, $0x7E00;
	[tilespmem:s16+$0x2870] =	vst v0  }
0x1f: {  	[tilespmem:s16+$0x2800] =	vst v0  }
0x20: {  	[tilespmem:s16+$0x2810] =	vst v0  }
.Ltmp0:
0x21: {  	[tilespmem:s16+$0x2820] =	vst v0;
	(pc) =	sbr.rel @p0 .LBB2_2-.Ltmp0, $4  }
0x22: {  	[tilespmem:s16+$0x2830] =	vst v0  }
0x23: {  	[tilespmem:s16+$0x2840] =	vst v0  }
0x24: {  	[tilespmem:s16+$0x2850] =	vst v0  }
0x25: {  	[tilespmem:s16+$0x2860] =	vst v0;
	s16 =	sshra.s32 s17, $0x2;
	s17 =	sadd.s32 $0x200, s17  }
0x26: {  	[tilespmem:s16+$0x2870] =	vst v0  }
0x27: {  	[tilespmem:s16+$0x2800] =	vst v0  }
0x28: {  	[tilespmem:s16+$0x2810] =	vst v0  }
0x29: {  	[tilespmem:s16+$0x2820] =	vst v0  }
0x2a: {  	[tilespmem:s16+$0x2830] =	vst v0  }
0x2b: {  	[tilespmem:s16+$0x2840] =	vst v0  }
0x2c: {  	[tilespmem:s16+$0x2850] =	vst v0  }
0x2d: {  	[tilespmem:s16+$0x2860] =	vst v0  }
0x2e: {  	[spmem:s5] =	stream.linear.scatter [tilespmem:s25], [sflag:$0x5], $0x2000, $0x38;
	[tilespmem:$0x1E400] =	vst v63  }
0x2f: {  	_ =	swait.ge [sflag:s26], $0x2000  }
0x30: {  	[sflag:s26] =	ssyncset.done $0x0  }
0x31: {  	s17 =	rddreg [dreg:$0x4];
	[sflag:s26] =	ssyncadd.s32 $0xFFFFE000  }
0x32: {  	[spmem:s17] =	stream.linear.scatter [tilespmem:s25], [sflag:$0x5], $0x2000, $0x38;
	[tilespmem:$0x1E400] =	vst v63  }
0x33: {  	_ =	swait.ge [sflag:s26], $0x2000  }
0x34: {  	[sflag:s26] =	ssyncset.done $0x0  }
0x35: {  	s18 =	rddreg [dreg:$0x5];
	[sflag:s26] =	ssyncadd.s32 $0xFFFFE000  }
0x36: {  	[spmem:s18] =	stream.linear.scatter [tilespmem:s25], [sflag:$0x5], $0x2000, $0x38;
	[tilespmem:$0x1E400] =	vst v63  }
0x37: {  	_ =	swait.ge [sflag:s26], $0x2000  }
0x38: {  	[sflag:s26] =	ssyncset.done $0x0  }
0x39: {  	s17 =	rddreg [dreg:$0x6];
	[sflag:s26] =	ssyncadd.s32 $0xFFFFE000  }
0x3a: {  	[spmem:s17] =	stream.linear.scatter [tilespmem:s25], [sflag:$0x5], $0x2000, $0x38;
	[tilespmem:$0x1E400] =	vst v63  }
0x3b: {  	_ =	swait.ge [sflag:s26], $0x2000  }
0x3c: {  	[sflag:s26] =	ssyncset.done $0x0  }
0x3d: {  	s18 =	rddreg [dreg:$0x7];
	[sflag:s26] =	ssyncadd.s32 $0xFFFFE000  }
0x3e: {  	[spmem:s18] =	stream.linear.scatter [tilespmem:s25], [sflag:$0x5], $0x2000, $0x38;
	[tilespmem:$0x1E400] =	vst v63  }
0x3f: {  	_ =	swait.ge [sflag:s26], $0x2000  }
0x40: {  	[sflag:s26] =	ssyncset.done $0x0  }
0x41: {  	s17 =	rddreg [dreg:$0x8];
	[sflag:s26] =	ssyncadd.s32 $0xFFFFE000  }
0x42: {  	[spmem:s17] =	stream.linear.scatter [tilespmem:s25], [sflag:$0x5], $0x2000, $0x38;
	[tilespmem:$0x1E400] =	vst v63  }
0x43: {  	_ =	swait.ge [sflag:s26], $0x2000  }
0x44: {  	[sflag:s26] =	ssyncset.done $0x0  }
0x45: {  	s18 =	rddreg [dreg:$0x9];
	[sflag:s26] =	ssyncadd.s32 $0xFFFFE000  }
0x46: {  	[spmem:s18] =	stream.linear.scatter [tilespmem:s25], [sflag:$0x5], $0x2000, $0x38;
	[tilespmem:$0x1E400] =	vst v63  }
0x47: {  	_ =	swait.ge [sflag:s26], $0x2000  }
0x48: {  	[sflag:s26] =	ssyncset.done $0x0  }
0x49: {  	s17 =	rddreg [dreg:$0xa];
	[sflag:s26] =	ssyncadd.s32 $0xFFFFE000  }
0x4a: {  	[spmem:s17] =	stream.linear.scatter [tilespmem:s25], [sflag:$0x5], $0x2000, $0x38;
	[tilespmem:$0x1E400] =	vst v63  }
0x4b: {  	_ =	swait.ge [sflag:s26], $0x2000  }
0x4c: {  	[sflag:s26] =	ssyncset.done $0x0  }
0x4d: {  	s18 =	rddreg [dreg:$0xb];
	[sflag:s26] =	ssyncadd.s32 $0xFFFFE000  }
0x4e: {  	[spmem:s18] =	stream.linear.scatter [tilespmem:s25], [sflag:$0x5], $0x2000, $0x38;
	[tilespmem:$0x1E400] =	vst v63  }
0x4f: {  	_ =	swait.ge [sflag:s26], $0x2000  }
0x50: {  	[sflag:s26] =	ssyncset.done $0x0  }
0x51: {  	s17 =	rddreg [dreg:$0xc];
	[sflag:s26] =	ssyncadd.s32 $0xFFFFE000  }
0x52: {  	[spmem:s17] =	stream.linear.scatter [tilespmem:s25], [sflag:$0x5], $0x1C00, $0x38;
	[tilespmem:$0x1E400] =	vst v63  }
0x53: {  	_ =	swait.ge [sflag:s26], $0x1C00  }
0x54: {  	[sflag:s26] =	ssyncset.done $0x0  }
0x55: {  	[sflag:s26] =	ssyncadd.s32 $0xFFFFE400  }
0x56: {  	[bflag:$0x0] =	sbarrier.arrive $0xFFFF  }
0x57: {  	s16 =	simm.s32 $0x0;
	s17 =	rddreg [dreg:$0xd]  }
0x58: {  	[tilespmem:s16], [sflag:$0x5] =	stream.linear.gather [hbm4b:s17+s16], $0x1400, $0x38;
	[tilespmem:$0x1E400] =	vst v63  }
0x59: {  	_ =	swait.ge [sflag:s26], $0x1400  }
0x5a: {  	[sflag:s26] =	ssyncset.done $0x0  }
0x5b: {  	s18 =	rddreg [dreg:$0xe];
	[sflag:s26] =	ssyncadd.s32 $0xFFFFEC00  }
0x5c: {  	[tilespmem:s28], [sflag:$0x5] =	stream.linear.gather [hbm4b:s18+s16], $0x1400, $0x38;
	[tilespmem:$0x1E400] =	vst v63  }
0x5d: {  	_ =	swait.ge [sflag:s26], $0x1400  }
0x5e: {  	[sflag:s26] =	ssyncset.done $0x0  }
0x5f: {  	[sflag:s26] =	ssyncadd.s32 $0xFFFFEC00  }
0x60: {  	[tilespmem:s25], [sflag:$0x1] =	stream.indirect.gather [hbm4b:s2+s29], $0x80, s16, s29, $0xb8;
	[tilespmem:$0x1E400] =	vst v63  }
0x61: {  	_ = 	snop  }
0x62: {  	[tilespmem:s31], [sflag:$0x2] =	stream.indirect.gather [hbm4b:s2+s29], $0x80, s30, s29, $0xb8;
	[tilespmem:$0x1E400] =	vst v63  }
0x63: {  	_ = 	snop  }
0x64: {  	[tilespmem:s1], [sflag:$0x3] =	stream.indirect.gather [hbm4b:s2+s29], $0x80, s0, s29, $0xb8;
	[tilespmem:$0x1E400] =	vst v63  }
0x65: {  	_ =	swait.ge [sflag:s6], $0x2000  }
0x66: {  	[sflag:s6] =	ssyncset.done $0x0  }
0x67: {  	s17 =	simm.s32 $0x180;
	[sflag:s6] =	ssyncadd.s32 $0xFFFFE000  }
0x68: {  	[tilespmem:s7], [sflag:$0x4] =	stream.indirect.gather [hbm4b:s2+s29], $0x80, s17, s29, $0xb8;
	[tilespmem:$0x1E400] =	vst v63  }
0x69: {  	s18 =	simm.s32 $0x1400  }
0x6a: {  	[spmem:s3] =	stream.indirect.scatter.add.f32 [tilespmem:s25], [sflag:$0x5], $0x80, s18, s29, $0xb8;
	[tilespmem:$0x1E400] =	vst v63  }
0x6b: {  	_ =	swait.ge [sflag:s26], $0x2000  }
0x6c: {  	[sflag:s26] =	ssyncset.done $0x0  }
0x6d: {  	[sflag:s26] =	ssyncadd.s32 $0xFFFFE000  }
0x6e: {  	_ =	swait.ge [sflag:s8], $0x2000  }
0x6f: {  	[sflag:s8] =	ssyncset.done $0x0  }
0x70: {  	s17 =	simm.s32 $0x200;
	[sflag:s8] =	ssyncadd.s32 $0xFFFFE000  }
0x71: {  	[tilespmem:s25], [sflag:$0x1] =	stream.indirect.gather [hbm4b:s2+s29], $0x80, s17, s29, $0xb8;
	[tilespmem:$0x1E400] =	vst v63  }
0x72: {  	s18 =	simm.s32 $0x1480  }
0x73: {  	[spmem:s3] =	stream.indirect.scatter.add.f32 [tilespmem:s31], [sflag:$0x5], $0x80, s18, s29, $0xb8;
	[tilespmem:$0x1E400] =	vst v63  }
0x74: {  	_ =	swait.ge [sflag:s26], $0x2000  }
0x75: {  	[sflag:s26] =	ssyncset.done $0x0  }
0x76: {  	[sflag:s26] =	ssyncadd.s32 $0xFFFFE000  }
0x77: {  	_ =	swait.ge [sflag:s9], $0x2000  }
0x78: {  	[sflag:s9] =	ssyncset.done $0x0  }
0x79: {  	s17 =	simm.s32 $0x280;
	[sflag:s9] =	ssyncadd.s32 $0xFFFFE000  }
0x7a: {  	[tilespmem:s31], [sflag:$0x2] =	stream.indirect.gather [hbm4b:s2+s29], $0x80, s17, s29, $0xb8;
	[tilespmem:$0x1E400] =	vst v63  }
0x7b: {  	s18 =	simm.s32 $0x1500  }
0x7c: {  	[spmem:s3] =	stream.indirect.scatter.add.f32 [tilespmem:s1], [sflag:$0x5], $0x80, s18, s29, $0xb8;
	[tilespmem:$0x1E400] =	vst v63  }
0x7d: {  	_ =	swait.ge [sflag:s26], $0x2000  }
0x7e: {  	[sflag:s26] =	ssyncset.done $0x0  }
0x7f: {  	[sflag:s26] =	ssyncadd.s32 $0xFFFFE000  }
0x80: {  	_ =	swait.ge [sflag:s10], $0x2000  }
0x81: {  	[sflag:s10] =	ssyncset.done $0x0  }
0x82: {  	s17 =	simm.s32 $0x300;
	[sflag:s10] =	ssyncadd.s32 $0xFFFFE000  }
0x83: {  	[tilespmem:s1], [sflag:$0x3] =	stream.indirect.gather [hbm4b:s2+s29], $0x80, s17, s29, $0xb8;
	[tilespmem:$0x1E400] =	vst v63  }
0x84: {  	s18 =	simm.s32 $0x1580  }
0x85: {  	[spmem:s3] =	stream.indirect.scatter.add.f32 [tilespmem:s7], [sflag:$0x5], $0x80, s18, s29, $0xb8;
	[tilespmem:$0x1E400] =	vst v63  }
0x86: {  	_ =	swait.ge [sflag:s26], $0x2000  }
0x87: {  	s16 =	simm.s32 $0x800;
	[sflag:s26] =	ssyncset.done $0x0  }
.LBB2_4:
0x88: {  	p0 =	sne.s32 s16, $0x4000  }
0x89: {  	[sflag:s26] =	ssyncadd.s32 $0xFFFFE000;
	s17 =	smov.u32 s16;
	s16 =	sadd.s32 $0x800, s16  }
0x8a: {  	_ = 	snop  }
0x8b: {  	_ =	swait.ge [sflag:s6], $0x2000  }
0x8c: {  	s17 =	sshra.s32 s17, $0x2;
	[sflag:s6] =	ssyncset.done $0x0  }
0x8d: {  	s18 =	sadd.s32 $0x180, s17;
	[sflag:s6] =	ssyncadd.s32 $0xFFFFE000  }
0x8e: {  	[tilespmem:s7], [sflag:$0x4] =	stream.indirect.gather [hbm4b:s2+s29], $0x80, s18, s29, $0xb8;
	[tilespmem:$0x1E400] =	vst v63  }
0x8f: {  	s18 =	sadd.s32 $0x1400, s17  }
0x90: {  	[spmem:s3] =	stream.indirect.scatter.add.f32 [tilespmem:s25], [sflag:$0x5], $0x80, s18, s29, $0xb8;
	[tilespmem:$0x1E400] =	vst v63  }
0x91: {  	_ =	swait.ge [sflag:s26], $0x2000  }
0x92: {  	[sflag:s26] =	ssyncset.done $0x0  }
0x93: {  	[sflag:s26] =	ssyncadd.s32 $0xFFFFE000  }
0x94: {  	_ =	swait.ge [sflag:s8], $0x2000  }
0x95: {  	[sflag:s8] =	ssyncset.done $0x0  }
0x96: {  	s18 =	sadd.s32 $0x200, s17;
	[sflag:s8] =	ssyncadd.s32 $0xFFFFE000  }
0x97: {  	[tilespmem:s25], [sflag:$0x1] =	stream.indirect.gather [hbm4b:s2+s29], $0x80, s18, s29, $0xb8;
	[tilespmem:$0x1E400] =	vst v63  }
0x98: {  	s18 =	sadd.s32 $0x1480, s17  }
0x99: {  	[spmem:s3] =	stream.indirect.scatter.add.f32 [tilespmem:s31], [sflag:$0x5], $0x80, s18, s29, $0xb8;
	[tilespmem:$0x1E400] =	vst v63  }
0x9a: {  	_ =	swait.ge [sflag:s26], $0x2000  }
0x9b: {  	[sflag:s26] =	ssyncset.done $0x0  }
0x9c: {  	[sflag:s26] =	ssyncadd.s32 $0xFFFFE000  }
0x9d: {  	_ =	swait.ge [sflag:s9], $0x2000  }
0x9e: {  	[sflag:s9] =	ssyncset.done $0x0  }
0x9f: {  	s18 =	sadd.s32 $0x280, s17;
	[sflag:s9] =	ssyncadd.s32 $0xFFFFE000  }
0xa0: {  	[tilespmem:s31], [sflag:$0x2] =	stream.indirect.gather [hbm4b:s2+s29], $0x80, s18, s29, $0xb8;
	[tilespmem:$0x1E400] =	vst v63  }
0xa1: {  	s18 =	sadd.s32 $0x1500, s17  }
0xa2: {  	[spmem:s3] =	stream.indirect.scatter.add.f32 [tilespmem:s1], [sflag:$0x5], $0x80, s18, s29, $0xb8;
	[tilespmem:$0x1E400] =	vst v63  }
0xa3: {  	_ =	swait.ge [sflag:s26], $0x2000  }
0xa4: {  	[sflag:s26] =	ssyncset.done $0x0  }
0xa5: {  	[sflag:s26] =	ssyncadd.s32 $0xFFFFE000  }
0xa6: {  	_ =	swait.ge [sflag:s10], $0x2000  }
0xa7: {  	[sflag:s10] =	ssyncset.done $0x0  }
0xa8: {  	s18 =	sadd.s32 $0x300, s17;
	[sflag:s10] =	ssyncadd.s32 $0xFFFFE000  }
0xa9: {  	[tilespmem:s1], [sflag:$0x3] =	stream.indirect.gather [hbm4b:s2+s29], $0x80, s18, s29, $0xb8;
	[tilespmem:$0x1E400] =	vst v63  }
.Ltmp1:
0xaa: {  	_ = 	snop;
	(pc) =	sbr.rel @p0 .LBB2_4-.Ltmp1, $4  }
0xab: {  	s17 =	sadd.s32 $0x1580, s17  }
0xac: {  	[spmem:s3] =	stream.indirect.scatter.add.f32 [tilespmem:s7], [sflag:$0x5], $0x80, s17, s29, $0xb8;
	[tilespmem:$0x1E400] =	vst v63  }
0xad: {  	_ =	swait.ge [sflag:s26], $0x2000  }
0xae: {  	[sflag:s26] =	ssyncset.done $0x0  }
0xaf: {  	[sflag:s26] =	ssyncadd.s32 $0xFFFFE000  }
0xb0: {  	_ =	swait.ge [sflag:s6], $0x2000  }
0xb1: {  	[sflag:s6] =	ssyncset.done $0x0  }
0xb2: {  	[sflag:s6] =	ssyncadd.s32 $0xFFFFE000  }
0xb3: {  	[tilespmem:s7], [sflag:$0x4] =	stream.indirect.gather [hbm4b:s2+s29], $0x80, s11, s29, $0xb8;
	[tilespmem:$0x1E400] =	vst v63  }
0xb4: {  	_ = 	snop  }
0xb5: {  	[spmem:s3] =	stream.indirect.scatter.add.f32 [tilespmem:s25], [sflag:$0x5], $0x80, s12, s29, $0xb8;
	[tilespmem:$0x1E400] =	vst v63  }
0xb6: {  	_ =	swait.ge [sflag:s26], $0x2000  }
0xb7: {  	[sflag:s26] =	ssyncset.done $0x0  }
0xb8: {  	[sflag:s26] =	ssyncadd.s32 $0xFFFFE000  }
0xb9: {  	_ =	swait.ge [sflag:s8], $0x2000  }
0xba: {  	[sflag:s8] =	ssyncset.done $0x0  }
0xbb: {  	[sflag:s8] =	ssyncadd.s32 $0xFFFFE000  }
0xbc: {  	[spmem:s3] =	stream.indirect.scatter.add.f32 [tilespmem:s31], [sflag:$0x5], $0x80, s13, s29, $0xb8;
	[tilespmem:$0x1E400] =	vst v63  }
0xbd: {  	_ =	swait.ge [sflag:s26], $0x2000  }
0xbe: {  	[sflag:s26] =	ssyncset.done $0x0  }
0xbf: {  	[sflag:s26] =	ssyncadd.s32 $0xFFFFE000  }
0xc0: {  	_ =	swait.ge [sflag:s9], $0x2000  }
0xc1: {  	[sflag:s9] =	ssyncset.done $0x0  }
0xc2: {  	[sflag:s9] =	ssyncadd.s32 $0xFFFFE000  }
0xc3: {  	[spmem:s3] =	stream.indirect.scatter.add.f32 [tilespmem:s1], [sflag:$0x5], $0x80, s14, s29, $0xb8;
	[tilespmem:$0x1E400] =	vst v63  }
0xc4: {  	_ =	swait.ge [sflag:s26], $0x2000  }
0xc5: {  	[sflag:s26] =	ssyncset.done $0x0  }
0xc6: {  	[sflag:s26] =	ssyncadd.s32 $0xFFFFE000  }
0xc7: {  	_ =	swait.ge [sflag:s10], $0x2000  }
0xc8: {  	[sflag:s10] =	ssyncset.done $0x0  }
0xc9: {  	[sflag:s10] =	ssyncadd.s32 $0xFFFFE000  }
0xca: {  	[spmem:s3] =	stream.indirect.scatter.add.f32 [tilespmem:s7], [sflag:$0x5], $0x80, s15, s29, $0xb8;
	[tilespmem:$0x1E400] =	vst v63  }
0xcb: {  	_ =	swait.ge [sflag:s26], $0x2000  }
0xcc: {  	[sflag:s26] =	ssyncset.done $0x0  }
0xcd: {  	s16 =	simm.s32 $0x0;
	s17 =	rddreg [dreg:$0xf];
	[sflag:s26] =	ssyncadd.s32 $0xFFFFE000  }
0xce: {  	[tilespmem:s16], [sflag:$0x5] =	stream.linear.gather [hbm4b:s17+s16], $0x1400, $0x38;
	[tilespmem:$0x1E400] =	vst v63  }
0xcf: {  	_ =	swait.ge [sflag:s26], $0x1400  }
0xd0: {  	[sflag:s26] =	ssyncset.done $0x0  }
0xd1: {  	s18 =	rddreg [dreg:$0x10];
	[sflag:s26] =	ssyncadd.s32 $0xFFFFEC00  }
0xd2: {  	[tilespmem:s28], [sflag:$0x5] =	stream.linear.gather [hbm4b:s18+s16], $0x1400, $0x38;
	[tilespmem:$0x1E400] =	vst v63  }
0xd3: {  	_ =	swait.ge [sflag:s26], $0x1400  }
0xd4: {  	[sflag:s26] =	ssyncset.done $0x0  }
0xd5: {  	[sflag:s26] =	ssyncadd.s32 $0xFFFFEC00  }
0xd6: {  	[tilespmem:s25], [sflag:$0x1] =	stream.indirect.gather [hbm4b:s2+s29], $0x80, s16, s29, $0xb8;
	[tilespmem:$0x1E400] =	vst v63  }
0xd7: {  	_ = 	snop  }
0xd8: {  	[tilespmem:s31], [sflag:$0x2] =	stream.indirect.gather [hbm4b:s2+s29], $0x80, s30, s29, $0xb8;
	[tilespmem:$0x1E400] =	vst v63  }
0xd9: {  	_ = 	snop  }
0xda: {  	[tilespmem:s1], [sflag:$0x3] =	stream.indirect.gather [hbm4b:s2+s29], $0x80, s0, s29, $0xb8;
	[tilespmem:$0x1E400] =	vst v63  }
0xdb: {  	_ =	swait.ge [sflag:s6], $0x2000  }
0xdc: {  	[sflag:s6] =	ssyncset.done $0x0  }
0xdd: {  	s17 =	simm.s32 $0x180;
	[sflag:s6] =	ssyncadd.s32 $0xFFFFE000  }
0xde: {  	[tilespmem:s7], [sflag:$0x4] =	stream.indirect.gather [hbm4b:s2+s29], $0x80, s17, s29, $0xb8;
	[tilespmem:$0x1E400] =	vst v63  }
0xdf: {  	s18 =	simm.s32 $0x1400  }
0xe0: {  	[spmem:s3] =	stream.indirect.scatter.add.f32 [tilespmem:s25], [sflag:$0x5], $0x80, s18, s29, $0xb8;
	[tilespmem:$0x1E400] =	vst v63  }
0xe1: {  	_ =	swait.ge [sflag:s26], $0x2000  }
0xe2: {  	[sflag:s26] =	ssyncset.done $0x0  }
0xe3: {  	[sflag:s26] =	ssyncadd.s32 $0xFFFFE000  }
0xe4: {  	_ =	swait.ge [sflag:s8], $0x2000  }
0xe5: {  	[sflag:s8] =	ssyncset.done $0x0  }
0xe6: {  	s17 =	simm.s32 $0x200;
	[sflag:s8] =	ssyncadd.s32 $0xFFFFE000  }
0xe7: {  	[tilespmem:s25], [sflag:$0x1] =	stream.indirect.gather [hbm4b:s2+s29], $0x80, s17, s29, $0xb8;
	[tilespmem:$0x1E400] =	vst v63  }
0xe8: {  	s18 =	simm.s32 $0x1480  }
0xe9: {  	[spmem:s3] =	stream.indirect.scatter.add.f32 [tilespmem:s31], [sflag:$0x5], $0x80, s18, s29, $0xb8;
	[tilespmem:$0x1E400] =	vst v63  }
0xea: {  	_ =	swait.ge [sflag:s26], $0x2000  }
0xeb: {  	[sflag:s26] =	ssyncset.done $0x0  }
0xec: {  	[sflag:s26] =	ssyncadd.s32 $0xFFFFE000  }
0xed: {  	_ =	swait.ge [sflag:s9], $0x2000  }
0xee: {  	[sflag:s9] =	ssyncset.done $0x0  }
0xef: {  	s17 =	simm.s32 $0x280;
	[sflag:s9] =	ssyncadd.s32 $0xFFFFE000  }
0xf0: {  	[tilespmem:s31], [sflag:$0x2] =	stream.indirect.gather [hbm4b:s2+s29], $0x80, s17, s29, $0xb8;
	[tilespmem:$0x1E400] =	vst v63  }
0xf1: {  	s18 =	simm.s32 $0x1500  }
0xf2: {  	[spmem:s3] =	stream.indirect.scatter.add.f32 [tilespmem:s1], [sflag:$0x5], $0x80, s18, s29, $0xb8;
	[tilespmem:$0x1E400] =	vst v63  }
0xf3: {  	_ =	swait.ge [sflag:s26], $0x2000  }
0xf4: {  	[sflag:s26] =	ssyncset.done $0x0  }
0xf5: {  	[sflag:s26] =	ssyncadd.s32 $0xFFFFE000  }
0xf6: {  	_ =	swait.ge [sflag:s10], $0x2000  }
0xf7: {  	[sflag:s10] =	ssyncset.done $0x0  }
0xf8: {  	s17 =	simm.s32 $0x300;
	[sflag:s10] =	ssyncadd.s32 $0xFFFFE000  }
0xf9: {  	[tilespmem:s1], [sflag:$0x3] =	stream.indirect.gather [hbm4b:s2+s29], $0x80, s17, s29, $0xb8;
	[tilespmem:$0x1E400] =	vst v63  }
0xfa: {  	s18 =	simm.s32 $0x1580  }
0xfb: {  	[spmem:s3] =	stream.indirect.scatter.add.f32 [tilespmem:s7], [sflag:$0x5], $0x80, s18, s29, $0xb8;
	[tilespmem:$0x1E400] =	vst v63  }
0xfc: {  	_ =	swait.ge [sflag:s26], $0x2000  }
0xfd: {  	s16 =	simm.s32 $0x800;
	[sflag:s26] =	ssyncset.done $0x0  }
.LBB2_6:
0xfe: {  	p0 =	sne.s32 s16, $0x4000  }
0xff: {  	[sflag:s26] =	ssyncadd.s32 $0xFFFFE000;
	s17 =	smov.u32 s16;
	s16 =	sadd.s32 $0x800, s16  }
0x100: {  	_ = 	snop  }
0x101: {  	_ =	swait.ge [sflag:s6], $0x2000  }
0x102: {  	s17 =	sshra.s32 s17, $0x2;
	[sflag:s6] =	ssyncset.done $0x0  }
0x103: {  	s18 =	sadd.s32 $0x180, s17;
	[sflag:s6] =	ssyncadd.s32 $0xFFFFE000  }
0x104: {  	[tilespmem:s7], [sflag:$0x4] =	stream.indirect.gather [hbm4b:s2+s29], $0x80, s18, s29, $0xb8;
	[tilespmem:$0x1E400] =	vst v63  }
0x105: {  	s18 =	sadd.s32 $0x1400, s17  }
0x106: {  	[spmem:s3] =	stream.indirect.scatter.add.f32 [tilespmem:s25], [sflag:$0x5], $0x80, s18, s29, $0xb8;
	[tilespmem:$0x1E400] =	vst v63  }
0x107: {  	_ =	swait.ge [sflag:s26], $0x2000  }
0x108: {  	[sflag:s26] =	ssyncset.done $0x0  }
0x109: {  	[sflag:s26] =	ssyncadd.s32 $0xFFFFE000  }
0x10a: {  	_ =	swait.ge [sflag:s8], $0x2000  }
0x10b: {  	[sflag:s8] =	ssyncset.done $0x0  }
0x10c: {  	s18 =	sadd.s32 $0x200, s17;
	[sflag:s8] =	ssyncadd.s32 $0xFFFFE000  }
0x10d: {  	[tilespmem:s25], [sflag:$0x1] =	stream.indirect.gather [hbm4b:s2+s29], $0x80, s18, s29, $0xb8;
	[tilespmem:$0x1E400] =	vst v63  }
0x10e: {  	s18 =	sadd.s32 $0x1480, s17  }
0x10f: {  	[spmem:s3] =	stream.indirect.scatter.add.f32 [tilespmem:s31], [sflag:$0x5], $0x80, s18, s29, $0xb8;
	[tilespmem:$0x1E400] =	vst v63  }
0x110: {  	_ =	swait.ge [sflag:s26], $0x2000  }
0x111: {  	[sflag:s26] =	ssyncset.done $0x0  }
0x112: {  	[sflag:s26] =	ssyncadd.s32 $0xFFFFE000  }
0x113: {  	_ =	swait.ge [sflag:s9], $0x2000  }
0x114: {  	[sflag:s9] =	ssyncset.done $0x0  }
0x115: {  	s18 =	sadd.s32 $0x280, s17;
	[sflag:s9] =	ssyncadd.s32 $0xFFFFE000  }
0x116: {  	[tilespmem:s31], [sflag:$0x2] =	stream.indirect.gather [hbm4b:s2+s29], $0x80, s18, s29, $0xb8;
	[tilespmem:$0x1E400] =	vst v63  }
0x117: {  	s18 =	sadd.s32 $0x1500, s17  }
0x118: {  	[spmem:s3] =	stream.indirect.scatter.add.f32 [tilespmem:s1], [sflag:$0x5], $0x80, s18, s29, $0xb8;
	[tilespmem:$0x1E400] =	vst v63  }
0x119: {  	_ =	swait.ge [sflag:s26], $0x2000  }
0x11a: {  	[sflag:s26] =	ssyncset.done $0x0  }
0x11b: {  	[sflag:s26] =	ssyncadd.s32 $0xFFFFE000  }
0x11c: {  	_ =	swait.ge [sflag:s10], $0x2000  }
0x11d: {  	[sflag:s10] =	ssyncset.done $0x0  }
0x11e: {  	s18 =	sadd.s32 $0x300, s17;
	[sflag:s10] =	ssyncadd.s32 $0xFFFFE000  }
0x11f: {  	[tilespmem:s1], [sflag:$0x3] =	stream.indirect.gather [hbm4b:s2+s29], $0x80, s18, s29, $0xb8;
	[tilespmem:$0x1E400] =	vst v63  }
.Ltmp2:
0x120: {  	_ = 	snop;
	(pc) =	sbr.rel @p0 .LBB2_6-.Ltmp2, $4  }
0x121: {  	s17 =	sadd.s32 $0x1580, s17  }
0x122: {  	[spmem:s3] =	stream.indirect.scatter.add.f32 [tilespmem:s7], [sflag:$0x5], $0x80, s17, s29, $0xb8;
	[tilespmem:$0x1E400] =	vst v63  }
0x123: {  	_ =	swait.ge [sflag:s26], $0x2000  }
0x124: {  	[sflag:s26] =	ssyncset.done $0x0  }
0x125: {  	[sflag:s26] =	ssyncadd.s32 $0xFFFFE000  }
0x126: {  	_ =	swait.ge [sflag:s6], $0x2000  }
0x127: {  	[sflag:s6] =	ssyncset.done $0x0  }
0x128: {  	[sflag:s6] =	ssyncadd.s32 $0xFFFFE000  }
0x129: {  	[tilespmem:s7], [sflag:$0x4] =	stream.indirect.gather [hbm4b:s2+s29], $0x80, s11, s29, $0xb8;
	[tilespmem:$0x1E400] =	vst v63  }
0x12a: {  	_ = 	snop  }
0x12b: {  	[spmem:s3] =	stream.indirect.scatter.add.f32 [tilespmem:s25], [sflag:$0x5], $0x80, s12, s29, $0xb8;
	[tilespmem:$0x1E400] =	vst v63  }
0x12c: {  	_ =	swait.ge [sflag:s26], $0x2000  }
0x12d: {  	[sflag:s26] =	ssyncset.done $0x0  }
0x12e: {  	[sflag:s26] =	ssyncadd.s32 $0xFFFFE000  }
0x12f: {  	_ =	swait.ge [sflag:s8], $0x2000  }
0x130: {  	[sflag:s8] =	ssyncset.done $0x0  }
0x131: {  	[sflag:s8] =	ssyncadd.s32 $0xFFFFE000  }
0x132: {  	[spmem:s3] =	stream.indirect.scatter.add.f32 [tilespmem:s31], [sflag:$0x5], $0x80, s13, s29, $0xb8;
	[tilespmem:$0x1E400] =	vst v63  }
0x133: {  	_ =	swait.ge [sflag:s26], $0x2000  }
0x134: {  	[sflag:s26] =	ssyncset.done $0x0  }
0x135: {  	[sflag:s26] =	ssyncadd.s32 $0xFFFFE000  }
0x136: {  	_ =	swait.ge [sflag:s9], $0x2000  }
0x137: {  	[sflag:s9] =	ssyncset.done $0x0  }
0x138: {  	[sflag:s9] =	ssyncadd.s32 $0xFFFFE000  }
0x139: {  	[spmem:s3] =	stream.indirect.scatter.add.f32 [tilespmem:s1], [sflag:$0x5], $0x80, s14, s29, $0xb8;
	[tilespmem:$0x1E400] =	vst v63  }
0x13a: {  	_ =	swait.ge [sflag:s26], $0x2000  }
0x13b: {  	[sflag:s26] =	ssyncset.done $0x0  }
0x13c: {  	[sflag:s26] =	ssyncadd.s32 $0xFFFFE000  }
0x13d: {  	_ =	swait.ge [sflag:s10], $0x2000  }
0x13e: {  	[sflag:s10] =	ssyncset.done $0x0  }
0x13f: {  	[sflag:s10] =	ssyncadd.s32 $0xFFFFE000  }
0x140: {  	[spmem:s3] =	stream.indirect.scatter.add.f32 [tilespmem:s7], [sflag:$0x5], $0x80, s15, s29, $0xb8;
	[tilespmem:$0x1E400] =	vst v63  }
0x141: {  	_ =	swait.ge [sflag:s26], $0x2000  }
0x142: {  	[sflag:s26] =	ssyncset.done $0x0  }
0x143: {  	s16 =	simm.s32 $0x0;
	[sflag:s26] =	ssyncadd.s32 $0xFFFFE000  }
0x144: {  	[tilespmem:s16], [sflag:$0x5] =	stream.linear.gather [hbm4b:s19+s16], $0x1400, $0x38;
	[tilespmem:$0x1E400] =	vst v63  }
0x145: {  	_ =	swait.ge [sflag:s26], $0x1400  }
0x146: {  	[sflag:s26] =	ssyncset.done $0x0  }
0x147: {  	[sflag:s26] =	ssyncadd.s32 $0xFFFFEC00  }
0x148: {  	[tilespmem:s28], [sflag:$0x5] =	stream.linear.gather [hbm4b:s20+s16], $0x1400, $0x38;
	[tilespmem:$0x1E400] =	vst v63  }
0x149: {  	_ =	swait.ge [sflag:s26], $0x1400  }
0x14a: {  	[sflag:s26] =	ssyncset.done $0x0  }
0x14b: {  	[sflag:s26] =	ssyncadd.s32 $0xFFFFEC00  }
0x14c: {  	[tilespmem:s25], [sflag:$0x1] =	stream.indirect.gather [hbm4b:s2+s29], $0x80, s16, s29, $0xb8;
	[tilespmem:$0x1E400] =	vst v63  }
0x14d: {  	_ = 	snop  }
0x14e: {  	[tilespmem:s31], [sflag:$0x2] =	stream.indirect.gather [hbm4b:s2+s29], $0x80, s30, s29, $0xb8;
	[tilespmem:$0x1E400] =	vst v63  }
0x14f: {  	_ = 	snop  }
0x150: {  	[tilespmem:s1], [sflag:$0x3] =	stream.indirect.gather [hbm4b:s2+s29], $0x80, s0, s29, $0xb8;
	[tilespmem:$0x1E400] =	vst v63  }
0x151: {  	_ =	swait.ge [sflag:s6], $0x2000  }
0x152: {  	[sflag:s6] =	ssyncset.done $0x0  }
0x153: {  	s17 =	simm.s32 $0x180;
	[sflag:s6] =	ssyncadd.s32 $0xFFFFE000  }
0x154: {  	[tilespmem:s7], [sflag:$0x4] =	stream.indirect.gather [hbm4b:s2+s29], $0x80, s17, s29, $0xb8;
	[tilespmem:$0x1E400] =	vst v63  }
0x155: {  	s18 =	simm.s32 $0x1400  }
0x156: {  	[spmem:s3] =	stream.indirect.scatter.add.f32 [tilespmem:s25], [sflag:$0x5], $0x80, s18, s29, $0xb8;
	[tilespmem:$0x1E400] =	vst v63  }
0x157: {  	_ =	swait.ge [sflag:s26], $0x2000  }
0x158: {  	[sflag:s26] =	ssyncset.done $0x0  }
0x159: {  	[sflag:s26] =	ssyncadd.s32 $0xFFFFE000  }
0x15a: {  	_ =	swait.ge [sflag:s8], $0x2000  }
0x15b: {  	[sflag:s8] =	ssyncset.done $0x0  }
0x15c: {  	s17 =	simm.s32 $0x200;
	[sflag:s8] =	ssyncadd.s32 $0xFFFFE000  }
0x15d: {  	[tilespmem:s25], [sflag:$0x1] =	stream.indirect.gather [hbm4b:s2+s29], $0x80, s17, s29, $0xb8;
	[tilespmem:$0x1E400] =	vst v63  }
0x15e: {  	s18 =	simm.s32 $0x1480  }
0x15f: {  	[spmem:s3] =	stream.indirect.scatter.add.f32 [tilespmem:s31], [sflag:$0x5], $0x80, s18, s29, $0xb8;
	[tilespmem:$0x1E400] =	vst v63  }
0x160: {  	_ =	swait.ge [sflag:s26], $0x2000  }
0x161: {  	[sflag:s26] =	ssyncset.done $0x0  }
0x162: {  	[sflag:s26] =	ssyncadd.s32 $0xFFFFE000  }
0x163: {  	_ =	swait.ge [sflag:s9], $0x2000  }
0x164: {  	[sflag:s9] =	ssyncset.done $0x0  }
0x165: {  	s17 =	simm.s32 $0x280;
	[sflag:s9] =	ssyncadd.s32 $0xFFFFE000  }
0x166: {  	[tilespmem:s31], [sflag:$0x2] =	stream.indirect.gather [hbm4b:s2+s29], $0x80, s17, s29, $0xb8;
	[tilespmem:$0x1E400] =	vst v63  }
0x167: {  	s18 =	simm.s32 $0x1500  }
0x168: {  	[spmem:s3] =	stream.indirect.scatter.add.f32 [tilespmem:s1], [sflag:$0x5], $0x80, s18, s29, $0xb8;
	[tilespmem:$0x1E400] =	vst v63  }
0x169: {  	_ =	swait.ge [sflag:s26], $0x2000  }
0x16a: {  	[sflag:s26] =	ssyncset.done $0x0  }
0x16b: {  	[sflag:s26] =	ssyncadd.s32 $0xFFFFE000  }
0x16c: {  	_ =	swait.ge [sflag:s10], $0x2000  }
0x16d: {  	[sflag:s10] =	ssyncset.done $0x0  }
0x16e: {  	s17 =	simm.s32 $0x300;
	[sflag:s10] =	ssyncadd.s32 $0xFFFFE000  }
0x16f: {  	[tilespmem:s1], [sflag:$0x3] =	stream.indirect.gather [hbm4b:s2+s29], $0x80, s17, s29, $0xb8;
	[tilespmem:$0x1E400] =	vst v63  }
0x170: {  	s18 =	simm.s32 $0x1580  }
0x171: {  	[spmem:s3] =	stream.indirect.scatter.add.f32 [tilespmem:s7], [sflag:$0x5], $0x80, s18, s29, $0xb8;
	[tilespmem:$0x1E400] =	vst v63  }
0x172: {  	_ =	swait.ge [sflag:s26], $0x2000  }
0x173: {  	s16 =	simm.s32 $0x800;
	[sflag:s26] =	ssyncset.done $0x0  }
.LBB2_8:
0x174: {  	p0 =	sne.s32 s16, $0x4000  }
0x175: {  	[sflag:s26] =	ssyncadd.s32 $0xFFFFE000;
	s17 =	smov.u32 s16;
	s16 =	sadd.s32 $0x800, s16  }
0x176: {  	_ = 	snop  }
0x177: {  	_ =	swait.ge [sflag:s6], $0x2000  }
0x178: {  	s17 =	sshra.s32 s17, $0x2;
	[sflag:s6] =	ssyncset.done $0x0  }
0x179: {  	s18 =	sadd.s32 $0x180, s17;
	[sflag:s6] =	ssyncadd.s32 $0xFFFFE000  }
0x17a: {  	[tilespmem:s7], [sflag:$0x4] =	stream.indirect.gather [hbm4b:s2+s29], $0x80, s18, s29, $0xb8;
	[tilespmem:$0x1E400] =	vst v63  }
0x17b: {  	s18 =	sadd.s32 $0x1400, s17  }
0x17c: {  	[spmem:s3] =	stream.indirect.scatter.add.f32 [tilespmem:s25], [sflag:$0x5], $0x80, s18, s29, $0xb8;
	[tilespmem:$0x1E400] =	vst v63  }
0x17d: {  	_ =	swait.ge [sflag:s26], $0x2000  }
0x17e: {  	[sflag:s26] =	ssyncset.done $0x0  }
0x17f: {  	[sflag:s26] =	ssyncadd.s32 $0xFFFFE000  }
0x180: {  	_ =	swait.ge [sflag:s8], $0x2000  }
0x181: {  	[sflag:s8] =	ssyncset.done $0x0  }
0x182: {  	s18 =	sadd.s32 $0x200, s17;
	[sflag:s8] =	ssyncadd.s32 $0xFFFFE000  }
0x183: {  	[tilespmem:s25], [sflag:$0x1] =	stream.indirect.gather [hbm4b:s2+s29], $0x80, s18, s29, $0xb8;
	[tilespmem:$0x1E400] =	vst v63  }
0x184: {  	s18 =	sadd.s32 $0x1480, s17  }
0x185: {  	[spmem:s3] =	stream.indirect.scatter.add.f32 [tilespmem:s31], [sflag:$0x5], $0x80, s18, s29, $0xb8;
	[tilespmem:$0x1E400] =	vst v63  }
0x186: {  	_ =	swait.ge [sflag:s26], $0x2000  }
0x187: {  	[sflag:s26] =	ssyncset.done $0x0  }
0x188: {  	[sflag:s26] =	ssyncadd.s32 $0xFFFFE000  }
0x189: {  	_ =	swait.ge [sflag:s9], $0x2000  }
0x18a: {  	[sflag:s9] =	ssyncset.done $0x0  }
0x18b: {  	s18 =	sadd.s32 $0x280, s17;
	[sflag:s9] =	ssyncadd.s32 $0xFFFFE000  }
0x18c: {  	[tilespmem:s31], [sflag:$0x2] =	stream.indirect.gather [hbm4b:s2+s29], $0x80, s18, s29, $0xb8;
	[tilespmem:$0x1E400] =	vst v63  }
0x18d: {  	s18 =	sadd.s32 $0x1500, s17  }
0x18e: {  	[spmem:s3] =	stream.indirect.scatter.add.f32 [tilespmem:s1], [sflag:$0x5], $0x80, s18, s29, $0xb8;
	[tilespmem:$0x1E400] =	vst v63  }
0x18f: {  	_ =	swait.ge [sflag:s26], $0x2000  }
0x190: {  	[sflag:s26] =	ssyncset.done $0x0  }
0x191: {  	[sflag:s26] =	ssyncadd.s32 $0xFFFFE000  }
0x192: {  	_ =	swait.ge [sflag:s10], $0x2000  }
0x193: {  	[sflag:s10] =	ssyncset.done $0x0  }
0x194: {  	s18 =	sadd.s32 $0x300, s17;
	[sflag:s10] =	ssyncadd.s32 $0xFFFFE000  }
0x195: {  	[tilespmem:s1], [sflag:$0x3] =	stream.indirect.gather [hbm4b:s2+s29], $0x80, s18, s29, $0xb8;
	[tilespmem:$0x1E400] =	vst v63  }
.Ltmp3:
0x196: {  	_ = 	snop;
	(pc) =	sbr.rel @p0 .LBB2_8-.Ltmp3, $4  }
0x197: {  	s17 =	sadd.s32 $0x1580, s17  }
0x198: {  	[spmem:s3] =	stream.indirect.scatter.add.f32 [tilespmem:s7], [sflag:$0x5], $0x80, s17, s29, $0xb8;
	[tilespmem:$0x1E400] =	vst v63  }
0x199: {  	_ =	swait.ge [sflag:s26], $0x2000  }
0x19a: {  	[sflag:s26] =	ssyncset.done $0x0  }
0x19b: {  	[sflag:s26] =	ssyncadd.s32 $0xFFFFE000  }
0x19c: {  	_ =	swait.ge [sflag:s6], $0x2000  }
0x19d: {  	[sflag:s6] =	ssyncset.done $0x0  }
0x19e: {  	[sflag:s6] =	ssyncadd.s32 $0xFFFFE000  }
0x19f: {  	[tilespmem:s7], [sflag:$0x4] =	stream.indirect.gather [hbm4b:s2+s29], $0x80, s11, s29, $0xb8;
	[tilespmem:$0x1E400] =	vst v63  }
0x1a0: {  	_ = 	snop  }
0x1a1: {  	[spmem:s3] =	stream.indirect.scatter.add.f32 [tilespmem:s25], [sflag:$0x5], $0x80, s12, s29, $0xb8;
	[tilespmem:$0x1E400] =	vst v63  }
0x1a2: {  	_ =	swait.ge [sflag:s26], $0x2000  }
0x1a3: {  	[sflag:s26] =	ssyncset.done $0x0  }
0x1a4: {  	[sflag:s26] =	ssyncadd.s32 $0xFFFFE000  }
0x1a5: {  	_ =	swait.ge [sflag:s8], $0x2000  }
0x1a6: {  	[sflag:s8] =	ssyncset.done $0x0  }
0x1a7: {  	[sflag:s8] =	ssyncadd.s32 $0xFFFFE000  }
0x1a8: {  	[spmem:s3] =	stream.indirect.scatter.add.f32 [tilespmem:s31], [sflag:$0x5], $0x80, s13, s29, $0xb8;
	[tilespmem:$0x1E400] =	vst v63  }
0x1a9: {  	_ =	swait.ge [sflag:s26], $0x2000  }
0x1aa: {  	[sflag:s26] =	ssyncset.done $0x0  }
0x1ab: {  	[sflag:s26] =	ssyncadd.s32 $0xFFFFE000  }
0x1ac: {  	_ =	swait.ge [sflag:s9], $0x2000  }
0x1ad: {  	[sflag:s9] =	ssyncset.done $0x0  }
0x1ae: {  	[sflag:s9] =	ssyncadd.s32 $0xFFFFE000  }
0x1af: {  	[spmem:s3] =	stream.indirect.scatter.add.f32 [tilespmem:s1], [sflag:$0x5], $0x80, s14, s29, $0xb8;
	[tilespmem:$0x1E400] =	vst v63  }
0x1b0: {  	_ =	swait.ge [sflag:s26], $0x2000  }
0x1b1: {  	[sflag:s26] =	ssyncset.done $0x0  }
0x1b2: {  	[sflag:s26] =	ssyncadd.s32 $0xFFFFE000  }
0x1b3: {  	_ =	swait.ge [sflag:s10], $0x2000  }
0x1b4: {  	[sflag:s10] =	ssyncset.done $0x0  }
0x1b5: {  	[sflag:s10] =	ssyncadd.s32 $0xFFFFE000  }
0x1b6: {  	[spmem:s3] =	stream.indirect.scatter.add.f32 [tilespmem:s7], [sflag:$0x5], $0x80, s15, s29, $0xb8;
	[tilespmem:$0x1E400] =	vst v63  }
0x1b7: {  	_ =	swait.ge [sflag:s26], $0x2000  }
0x1b8: {  	[sflag:s26] =	ssyncset.done $0x0  }
0x1b9: {  	s16 =	simm.s32 $0x0;
	[sflag:s26] =	ssyncadd.s32 $0xFFFFE000  }
0x1ba: {  	[tilespmem:s16], [sflag:$0x5] =	stream.linear.gather [hbm4b:s21+s16], $0x1400, $0x38;
	[tilespmem:$0x1E400] =	vst v63  }
0x1bb: {  	_ =	swait.ge [sflag:s26], $0x1400  }
0x1bc: {  	[sflag:s26] =	ssyncset.done $0x0  }
0x1bd: {  	[sflag:s26] =	ssyncadd.s32 $0xFFFFEC00  }
0x1be: {  	[tilespmem:s28], [sflag:$0x5] =	stream.linear.gather [hbm4b:s22+s16], $0x1400, $0x38;
	[tilespmem:$0x1E400] =	vst v63  }
0x1bf: {  	_ =	swait.ge [sflag:s26], $0x1400  }
0x1c0: {  	[sflag:s26] =	ssyncset.done $0x0  }
0x1c1: {  	[sflag:s26] =	ssyncadd.s32 $0xFFFFEC00  }
0x1c2: {  	[tilespmem:s25], [sflag:$0x1] =	stream.indirect.gather [hbm4b:s2+s29], $0x80, s16, s29, $0xb8;
	[tilespmem:$0x1E400] =	vst v63  }
0x1c3: {  	_ = 	snop  }
0x1c4: {  	[tilespmem:s31], [sflag:$0x2] =	stream.indirect.gather [hbm4b:s2+s29], $0x80, s30, s29, $0xb8;
	[tilespmem:$0x1E400] =	vst v63  }
0x1c5: {  	_ = 	snop  }
0x1c6: {  	[tilespmem:s1], [sflag:$0x3] =	stream.indirect.gather [hbm4b:s2+s29], $0x80, s0, s29, $0xb8;
	[tilespmem:$0x1E400] =	vst v63  }
0x1c7: {  	_ =	swait.ge [sflag:s6], $0x2000  }
0x1c8: {  	[sflag:s6] =	ssyncset.done $0x0  }
0x1c9: {  	s17 =	simm.s32 $0x180;
	[sflag:s6] =	ssyncadd.s32 $0xFFFFE000  }
0x1ca: {  	[tilespmem:s7], [sflag:$0x4] =	stream.indirect.gather [hbm4b:s2+s29], $0x80, s17, s29, $0xb8;
	[tilespmem:$0x1E400] =	vst v63  }
0x1cb: {  	s18 =	simm.s32 $0x1400  }
0x1cc: {  	[spmem:s3] =	stream.indirect.scatter.add.f32 [tilespmem:s25], [sflag:$0x5], $0x80, s18, s29, $0xb8;
	[tilespmem:$0x1E400] =	vst v63  }
0x1cd: {  	_ =	swait.ge [sflag:s26], $0x2000  }
0x1ce: {  	[sflag:s26] =	ssyncset.done $0x0  }
0x1cf: {  	[sflag:s26] =	ssyncadd.s32 $0xFFFFE000  }
0x1d0: {  	_ =	swait.ge [sflag:s8], $0x2000  }
0x1d1: {  	[sflag:s8] =	ssyncset.done $0x0  }
0x1d2: {  	s17 =	simm.s32 $0x200;
	[sflag:s8] =	ssyncadd.s32 $0xFFFFE000  }
0x1d3: {  	[tilespmem:s25], [sflag:$0x1] =	stream.indirect.gather [hbm4b:s2+s29], $0x80, s17, s29, $0xb8;
	[tilespmem:$0x1E400] =	vst v63  }
0x1d4: {  	s18 =	simm.s32 $0x1480  }
0x1d5: {  	[spmem:s3] =	stream.indirect.scatter.add.f32 [tilespmem:s31], [sflag:$0x5], $0x80, s18, s29, $0xb8;
	[tilespmem:$0x1E400] =	vst v63  }
0x1d6: {  	_ =	swait.ge [sflag:s26], $0x2000  }
0x1d7: {  	[sflag:s26] =	ssyncset.done $0x0  }
0x1d8: {  	[sflag:s26] =	ssyncadd.s32 $0xFFFFE000  }
0x1d9: {  	_ =	swait.ge [sflag:s9], $0x2000  }
0x1da: {  	[sflag:s9] =	ssyncset.done $0x0  }
0x1db: {  	s17 =	simm.s32 $0x280;
	[sflag:s9] =	ssyncadd.s32 $0xFFFFE000  }
0x1dc: {  	[tilespmem:s31], [sflag:$0x2] =	stream.indirect.gather [hbm4b:s2+s29], $0x80, s17, s29, $0xb8;
	[tilespmem:$0x1E400] =	vst v63  }
0x1dd: {  	s18 =	simm.s32 $0x1500  }
0x1de: {  	[spmem:s3] =	stream.indirect.scatter.add.f32 [tilespmem:s1], [sflag:$0x5], $0x80, s18, s29, $0xb8;
	[tilespmem:$0x1E400] =	vst v63  }
0x1df: {  	_ =	swait.ge [sflag:s26], $0x2000  }
0x1e0: {  	[sflag:s26] =	ssyncset.done $0x0  }
0x1e1: {  	[sflag:s26] =	ssyncadd.s32 $0xFFFFE000  }
0x1e2: {  	_ =	swait.ge [sflag:s10], $0x2000  }
0x1e3: {  	[sflag:s10] =	ssyncset.done $0x0  }
0x1e4: {  	s17 =	simm.s32 $0x300;
	[sflag:s10] =	ssyncadd.s32 $0xFFFFE000  }
0x1e5: {  	[tilespmem:s1], [sflag:$0x3] =	stream.indirect.gather [hbm4b:s2+s29], $0x80, s17, s29, $0xb8;
	[tilespmem:$0x1E400] =	vst v63  }
0x1e6: {  	s18 =	simm.s32 $0x1580  }
0x1e7: {  	[spmem:s3] =	stream.indirect.scatter.add.f32 [tilespmem:s7], [sflag:$0x5], $0x80, s18, s29, $0xb8;
	[tilespmem:$0x1E400] =	vst v63  }
0x1e8: {  	_ =	swait.ge [sflag:s26], $0x2000  }
0x1e9: {  	s16 =	simm.s32 $0x800;
	[sflag:s26] =	ssyncset.done $0x0  }
.LBB2_10:
0x1ea: {  	p0 =	sne.s32 s16, $0x4000  }
0x1eb: {  	[sflag:s26] =	ssyncadd.s32 $0xFFFFE000;
	s17 =	smov.u32 s16;
	s16 =	sadd.s32 $0x800, s16  }
0x1ec: {  	_ = 	snop  }
0x1ed: {  	_ =	swait.ge [sflag:s6], $0x2000  }
0x1ee: {  	s17 =	sshra.s32 s17, $0x2;
	[sflag:s6] =	ssyncset.done $0x0  }
0x1ef: {  	s18 =	sadd.s32 $0x180, s17;
	[sflag:s6] =	ssyncadd.s32 $0xFFFFE000  }
0x1f0: {  	[tilespmem:s7], [sflag:$0x4] =	stream.indirect.gather [hbm4b:s2+s29], $0x80, s18, s29, $0xb8;
	[tilespmem:$0x1E400] =	vst v63  }
0x1f1: {  	s18 =	sadd.s32 $0x1400, s17  }
0x1f2: {  	[spmem:s3] =	stream.indirect.scatter.add.f32 [tilespmem:s25], [sflag:$0x5], $0x80, s18, s29, $0xb8;
	[tilespmem:$0x1E400] =	vst v63  }
0x1f3: {  	_ =	swait.ge [sflag:s26], $0x2000  }
0x1f4: {  	[sflag:s26] =	ssyncset.done $0x0  }
0x1f5: {  	[sflag:s26] =	ssyncadd.s32 $0xFFFFE000  }
0x1f6: {  	_ =	swait.ge [sflag:s8], $0x2000  }
0x1f7: {  	[sflag:s8] =	ssyncset.done $0x0  }
0x1f8: {  	s18 =	sadd.s32 $0x200, s17;
	[sflag:s8] =	ssyncadd.s32 $0xFFFFE000  }
0x1f9: {  	[tilespmem:s25], [sflag:$0x1] =	stream.indirect.gather [hbm4b:s2+s29], $0x80, s18, s29, $0xb8;
	[tilespmem:$0x1E400] =	vst v63  }
0x1fa: {  	s18 =	sadd.s32 $0x1480, s17  }
0x1fb: {  	[spmem:s3] =	stream.indirect.scatter.add.f32 [tilespmem:s31], [sflag:$0x5], $0x80, s18, s29, $0xb8;
	[tilespmem:$0x1E400] =	vst v63  }
0x1fc: {  	_ =	swait.ge [sflag:s26], $0x2000  }
0x1fd: {  	[sflag:s26] =	ssyncset.done $0x0  }
0x1fe: {  	[sflag:s26] =	ssyncadd.s32 $0xFFFFE000  }
0x1ff: {  	_ =	swait.ge [sflag:s9], $0x2000  }
0x200: {  	[sflag:s9] =	ssyncset.done $0x0  }
0x201: {  	s18 =	sadd.s32 $0x280, s17;
	[sflag:s9] =	ssyncadd.s32 $0xFFFFE000  }
0x202: {  	[tilespmem:s31], [sflag:$0x2] =	stream.indirect.gather [hbm4b:s2+s29], $0x80, s18, s29, $0xb8;
	[tilespmem:$0x1E400] =	vst v63  }
0x203: {  	s18 =	sadd.s32 $0x1500, s17  }
0x204: {  	[spmem:s3] =	stream.indirect.scatter.add.f32 [tilespmem:s1], [sflag:$0x5], $0x80, s18, s29, $0xb8;
	[tilespmem:$0x1E400] =	vst v63  }
0x205: {  	_ =	swait.ge [sflag:s26], $0x2000  }
0x206: {  	[sflag:s26] =	ssyncset.done $0x0  }
0x207: {  	[sflag:s26] =	ssyncadd.s32 $0xFFFFE000  }
0x208: {  	_ =	swait.ge [sflag:s10], $0x2000  }
0x209: {  	[sflag:s10] =	ssyncset.done $0x0  }
0x20a: {  	s18 =	sadd.s32 $0x300, s17;
	[sflag:s10] =	ssyncadd.s32 $0xFFFFE000  }
0x20b: {  	[tilespmem:s1], [sflag:$0x3] =	stream.indirect.gather [hbm4b:s2+s29], $0x80, s18, s29, $0xb8;
	[tilespmem:$0x1E400] =	vst v63  }
.Ltmp4:
0x20c: {  	_ = 	snop;
	(pc) =	sbr.rel @p0 .LBB2_10-.Ltmp4, $4  }
0x20d: {  	s17 =	sadd.s32 $0x1580, s17  }
0x20e: {  	[spmem:s3] =	stream.indirect.scatter.add.f32 [tilespmem:s7], [sflag:$0x5], $0x80, s17, s29, $0xb8;
	[tilespmem:$0x1E400] =	vst v63  }
0x20f: {  	_ =	swait.ge [sflag:s26], $0x2000  }
0x210: {  	[sflag:s26] =	ssyncset.done $0x0  }
0x211: {  	[sflag:s26] =	ssyncadd.s32 $0xFFFFE000  }
0x212: {  	_ =	swait.ge [sflag:s6], $0x2000  }
0x213: {  	[sflag:s6] =	ssyncset.done $0x0  }
0x214: {  	[sflag:s6] =	ssyncadd.s32 $0xFFFFE000  }
0x215: {  	[tilespmem:s7], [sflag:$0x4] =	stream.indirect.gather [hbm4b:s2+s29], $0x80, s11, s29, $0xb8;
	[tilespmem:$0x1E400] =	vst v63  }
0x216: {  	_ = 	snop  }
0x217: {  	[spmem:s3] =	stream.indirect.scatter.add.f32 [tilespmem:s25], [sflag:$0x5], $0x80, s12, s29, $0xb8;
	[tilespmem:$0x1E400] =	vst v63  }
0x218: {  	_ =	swait.ge [sflag:s26], $0x2000  }
0x219: {  	[sflag:s26] =	ssyncset.done $0x0  }
0x21a: {  	[sflag:s26] =	ssyncadd.s32 $0xFFFFE000  }
0x21b: {  	_ =	swait.ge [sflag:s8], $0x2000  }
0x21c: {  	[sflag:s8] =	ssyncset.done $0x0  }
0x21d: {  	[sflag:s8] =	ssyncadd.s32 $0xFFFFE000  }
0x21e: {  	[spmem:s3] =	stream.indirect.scatter.add.f32 [tilespmem:s31], [sflag:$0x5], $0x80, s13, s29, $0xb8;
	[tilespmem:$0x1E400] =	vst v63  }
0x21f: {  	_ =	swait.ge [sflag:s26], $0x2000  }
0x220: {  	[sflag:s26] =	ssyncset.done $0x0  }
0x221: {  	[sflag:s26] =	ssyncadd.s32 $0xFFFFE000  }
0x222: {  	_ =	swait.ge [sflag:s9], $0x2000  }
0x223: {  	[sflag:s9] =	ssyncset.done $0x0  }
0x224: {  	[sflag:s9] =	ssyncadd.s32 $0xFFFFE000  }
0x225: {  	[spmem:s3] =	stream.indirect.scatter.add.f32 [tilespmem:s1], [sflag:$0x5], $0x80, s14, s29, $0xb8;
	[tilespmem:$0x1E400] =	vst v63  }
0x226: {  	_ =	swait.ge [sflag:s26], $0x2000  }
0x227: {  	[sflag:s26] =	ssyncset.done $0x0  }
0x228: {  	[sflag:s26] =	ssyncadd.s32 $0xFFFFE000  }
0x229: {  	_ =	swait.ge [sflag:s10], $0x2000  }
0x22a: {  	[sflag:s10] =	ssyncset.done $0x0  }
0x22b: {  	[sflag:s10] =	ssyncadd.s32 $0xFFFFE000  }
0x22c: {  	[spmem:s3] =	stream.indirect.scatter.add.f32 [tilespmem:s7], [sflag:$0x5], $0x80, s15, s29, $0xb8;
	[tilespmem:$0x1E400] =	vst v63  }
0x22d: {  	s16 =	stileid.u32;
	_ =	swait.ge [sflag:s26], $0x2000  }
0x22e: {  	s17 =	sshrl.u32 s5, $0x3;
	s4 =	sadd.s32 $0x1, s4;
	[sflag:s26] =	ssyncset.done $0x0  }
0x22f: {  	s16 =	sshll.u32 s16, $0x6;
	p0 =	sne.s32 s4, s24;
	[sflag:s26] =	ssyncadd.s32 $0xFFFFE000  }
.Ltmp5:
0x230: {  	s16 =	sor.u32 $0x1C05, s16;
	[bflag:$0x0] =	sbarrier.arrive $0xFFFF;
	(pc) =	sbr.rel @p0 .LBB2_1-.Ltmp5, $4  }
0x231: {  	[hbm:s23], [sflag:s16] =	dma.local [spmem:s17], $0x2780  }
0x232: {  	_ =	swait.ge [sflag:s26], $0x2780  }
0x233: {  	[sflag:s26] =	ssyncset.done $0x0  }
0x234: {  	[sflag:s26] =	ssyncadd.s32 $0xFFFFD880  }
0x235: {  	_ =	sfence.sel $0x180000  }
0x236: {  	[bflag:$0x0] =	sbarrier.arrive $0xFFFF  }
0x237: {  	_ =	strace $0x9000004A  }
0x238: {  	s0 =	stileid.u32;
	[bflag:$0x2] =	sbarrier.arrive $0xFFFF  }
0x239: {  	p0 =	sne.s32 s0, $0x0;
	s0 =	rddreg [dreg:$0x3]  }
0x23a: {  	s0 =	sadd.s32 @!p0 $0x100000, s0  }
0x23b: {  	[sflag:s0] =	ssyncadd.tile.s32 @!p0 $0x1;
	_ =	shalt  }
.Lfunc_end2:
_tile_overlayer_lowered:
.L_overlay_start_2:
0x23c: {  	(tag) =	ssettag $0x2  }
0x23d: {  	s0 =	rddreg [dreg:$0x0];
	s2 =	stileid.u32  }
0x23e: {  	s1 =	rddreg [dreg:$0x1];
	p0 =	sne.s32 s2, $0x0  }
0x23f: {  	s3 =	rddreg [dreg:$0x2];
	[bflag:$0x3] =	sbarrier.arrive $0xFFFF;
	s2 =	simm.s32 @!p0 $0x1C05  }
0x240: {  	[timem:s3], [sflag:s2] =	dma.local @!p0 [hbm:s0], s1  }
0x241: {  	s0 =	simm.s32 @!p0 $0x5  }
0x242: {  	_ =	swait.ge @!p0 [sflag:s0], s1  }
0x243: {  	s1 =	ssub.s32 @!p0 $0x0, s1;
	[sflag:s0] =	ssyncset.done @!p0 $0x0  }
0x244: {  	[sflag:s0] =	ssyncadd.s32 @!p0 s1  }
0x245: {  	[bflag:$0x3] =	sbarrier.arrive $0xFFFF  }
0x246: {  	_ =	shalt  }

</sc_bundles>
